<compile_context>
chip_gen: v7x
topology: tpu7x:2x2x1
jax: 0.10.2.dev20260603
libtpu: 0.0.44.dev20260713+nightly
codegen_flags: <defaults>
</compile_context>

<pallas_src>
import dataclasses
import functools

import jax
import jax.numpy as jnp
from jax import lax
from jax.experimental import pallas as pl
from jax.experimental.pallas import tpu as pltpu
from jax.experimental.pallas import tpu_sc as plsc

N = 10000
E = 320000
D = 128
EPS = 1e-5

NC = 2
NS = 16
NL = 16
NW = NC * NS
EPW = E // NW
K = 80
NCHUNK = EPW // K
RB = 80
NRB = N // RB
ZB = K
NZB = N // ZB


def _vector_mesh():
    return plsc.VectorSubcoreMesh(core_axis_name="c", subcore_axis_name="s")


def _no_layout_params():
    cp = pltpu.CompilerParams()
    if "needs_layout_passes" in pltpu.CompilerParams.__dataclass_fields__:
        cp = dataclasses.replace(cp, needs_layout_passes=False)
    return cp


def _sc_degree(ei):

    @functools.partial(
        pl.kernel,
        out_type=jax.ShapeDtypeStruct((NW, N), jnp.float32),
        mesh=_vector_mesh(),
        compiler_params=_no_layout_params(),
        scratch_types=[
            pltpu.VMEM((EPW,), jnp.int32),
            pltpu.VMEM((N,), jnp.float32),
        ],
    )
    def deg_kernel(ei_hbm, out_hbm, dst_v, hist_v):
        c = lax.axis_index("c")
        s = lax.axis_index("s")
        w = c * NS + s

        @pl.loop(0, N, step=NL)
        def _(i):
            hist_v[pl.ds(i, NL)] = jnp.zeros((NL,), jnp.float32)

        pltpu.sync_copy(ei_hbm.at[pl.ds(E + w * EPW, EPW)], dst_v)
        ones = jnp.ones((NL,), jnp.float32)

        @pl.loop(0, EPW, step=NL)
        def _(i):
            idx = dst_v[pl.ds(i, NL)]
            plsc.addupdate_scatter(hist_v, [idx], ones)

        pltpu.sync_copy(hist_v, out_hbm.at[w])

    return deg_kernel(ei)


def _sc_scatter(y, ei):

    K2 = 40
    NCH = EPW // K2
    NSL = 9
    GD = 7
    SD = NSL - GD

    @functools.partial(
        pl.kernel,
        out_type=jax.ShapeDtypeStruct((NC, N, D), jnp.float32),
        mesh=_vector_mesh(),
        scratch_types=(
            [pltpu.VMEM((K2,), jnp.int32) for _ in range(NSL)]
            + [pltpu.VMEM((K2,), jnp.int32) for _ in range(NSL)]
            + [pltpu.VMEM((K2, D), jnp.float32) for _ in range(NSL)]
            + [pltpu.VMEM_SHARED((N, D), jnp.float32)]
            + [pltpu.SemaphoreType.DMA for _ in range(2 * NSL + 2)]
        ),
    )
    def mp_kernel(ei_hbm, y_hbm, out_hbm, *scr):
        sidx = scr[0:NSL]
        didx = scr[NSL:2 * NSL]
        rows = scr[2 * NSL:3 * NSL]
        acc_sh = scr[3 * NSL]
        sg = scr[3 * NSL + 1:3 * NSL + 1 + NSL]
        ss = scr[3 * NSL + 1 + NSL:3 * NSL + 1 + 2 * NSL]
        ssrc = scr[3 * NSL + 1 + 2 * NSL]
        sdst = scr[3 * NSL + 2 + 2 * NSL]

        c = lax.axis_index("c")
        s = lax.axis_index("s")
        w = c * NS + s
        base = w * EPW

        def sidx_copy(ch, u):
            return pltpu.make_async_copy(
                ei_hbm.at[pl.ds(base + ch * K2, K2)], sidx[u], ssrc)

        def didx_copy(ch, u):
            return pltpu.make_async_copy(
                ei_hbm.at[pl.ds(E + base + ch * K2, K2)], didx[u], sdst)

        def g_copy(u):
            return pltpu.make_async_copy(y_hbm.at[sidx[u]], rows[u], sg[u])

        def s_wait(u):
            pltpu.make_async_copy(rows[u], acc_sh.at[didx[u]], ss[u]).wait()

        def s_start(u):
            pltpu.async_copy(rows[u], acc_sh.at[didx[u]], ss[u], add=True)

        for u in range(NSL):
            sidx_copy(u, u).start()
            didx_copy(u, u).start()

        @pl.loop(0, K2)
        def _(r):
            @pl.loop(0, D, step=NL)
            def _(j):
                rows[0][r, pl.ds(j, NL)] = jnp.zeros((NL,), jnp.float32)

        nz = (NCH - s + NS - 1) // NS

        @pl.loop(s, NCH, step=NS)
        def _(b):
            pltpu.make_async_copy(
                rows[0], acc_sh.at[pl.ds(b * K2, K2)], ss[0]).start()

        @pl.loop(0, nz)
        def _(b):
            pltpu.make_async_copy(
                rows[0], acc_sh.at[pl.ds(0, K2)], ss[0]).wait()

        plsc.subcore_barrier()

        for u in range(GD):
            sidx_copy(u, u).wait()
            g_copy(u).start()

        @pl.loop(0, 261, step=NSL)
        def _(i):
            for u in range(NSL):
                ch = i + u
                ug = (u + GD) % NSL

                @pl.when(ch < NCH)
                def _():
                    g_copy(u).wait()
                    didx_copy(ch, u).wait()
                    s_start(u)

                @pl.when(ch + NSL < NCH)
                def _():
                    sidx_copy(ch + NSL, u).start()

                @pl.when(jnp.logical_and(SD <= ch, ch - SD < NCH))
                def _():
                    s_wait(ug)

                @pl.when(jnp.logical_and(NSL <= ch + GD, ch + GD < NCH))
                def _():
                    didx_copy(ch + GD, ug).start()

                @pl.when(ch + GD < NCH)
                def _():
                    sidx_copy(ch + GD, ug).wait()
                    g_copy(ug).start()

        plsc.subcore_barrier()

        nd = (NRB - s + NS - 1) // NS

        @pl.loop(s, NRB, step=NS)
        def _(b):
            pltpu.make_async_copy(
                acc_sh.at[pl.ds(b * RB, RB)],
                out_hbm.at[c, pl.ds(b * RB, RB)], ss[0]).start()

        @pl.loop(0, nd)
        def _(b):
            pltpu.make_async_copy(
                acc_sh.at[pl.ds(0, RB)],
                out_hbm.at[c, pl.ds(0, RB)], ss[0]).wait()

    return mp_kernel(ei, y)


def _tc_matmul_scale(x, w, degp):

    def body(x_ref, w_ref, degp_ref, y_ref, dinv_ref):
        xw = jnp.dot(x_ref[...], w_ref[...],
                     preferred_element_type=jnp.float32)
        deg = jnp.sum(degp_ref[...], axis=0) + 1.0
        dinv = lax.rsqrt(jnp.maximum(deg, 1.0))[:, None]
        dinv_ref[...] = dinv
        y_ref[...] = dinv * xw

    return pl.pallas_call(
        body,
        out_shape=(jax.ShapeDtypeStruct((N, D), jnp.float32),
                   jax.ShapeDtypeStruct((N, 1), jnp.float32)))(x, w, degp)


def _tc_mid(s1, y1, dinv1, b1, gamma, beta, w2):

    def body(s_ref, y1_ref, dinv_ref, b1_ref, g_ref, bt_ref, w2_ref, y2_ref):
        dinv = dinv_ref[...]
        h = dinv * (s_ref[0] + s_ref[1] + y1_ref[...]) + b1_ref[...]
        mean = jnp.mean(h, axis=0, keepdims=True)
        cent = h - mean
        var = jnp.mean(cent * cent, axis=0, keepdims=True)
        hn = cent * lax.rsqrt(var + EPS) * g_ref[...] + bt_ref[...]
        hn = jnp.maximum(hn, 0.0)
        y2_ref[...] = dinv * jnp.dot(hn, w2_ref[...],
                                     preferred_element_type=jnp.float32)

    return pl.pallas_call(
        body, out_shape=jax.ShapeDtypeStruct((N, D), jnp.float32))(
            s1, y1, dinv1, b1, gamma, beta, w2)


def _tc_final(s2, y2, dinv1, b2):
    def body(s_ref, y2_ref, dinv_ref, b2_ref, o_ref):
        h = dinv_ref[...] * (s_ref[0] + s_ref[1] + y2_ref[...]) + b2_ref[...]
        o_ref[...] = jnp.maximum(h, 0.0)

    return pl.pallas_call(
        body, out_shape=jax.ShapeDtypeStruct((N, D), jnp.float32))(
            s2, y2, dinv1, b2)


def kernel(x, edge_index, W1, b1, bn_gamma, bn_beta, W2, b2):
    ei = edge_index.astype(jnp.int32).reshape(2 * E)

    degp = _sc_degree(ei)
    y1, dinv1 = _tc_matmul_scale(x, W1, degp)
    s1 = _sc_scatter(y1, ei)
    y2 = _tc_mid(s1, y1, dinv1, b1, bn_gamma, bn_beta, W2)
    s2 = _sc_scatter(y2, ei)
    return _tc_final(s2, y2, dinv1, b2)

# --- scband reference (transcript-rebuilt; emitter-appended) ---
"""Pipeline reference for scband-cgcn-28166395527614 (READ-ONLY COPY).

The authoritative reference and input builder live on the scoring server;
editing this copy changes nothing except your own understanding.
"""

import jax, jax.numpy as jnp
import numpy as np

N = 10000
E = 320000
D = 128
EPS = 1e-5


def setup_inputs(seed: int = 0) -> dict:
    key = jax.random.key(seed)
    ks = jax.random.split(key, 8)
    x = jax.random.normal(ks[0], (N, D), dtype=jnp.float32)
    edge_index = jax.random.randint(ks[1], (2, E), 0, N)
    scale = 1.0 / np.sqrt(D)
    W1 = jax.random.normal(ks[2], (D, D), dtype=jnp.float32) * scale
    b1 = jnp.zeros((D,), dtype=jnp.float32)
    bn_gamma = jnp.ones((D,), dtype=jnp.float32)
    bn_beta = jnp.zeros((D,), dtype=jnp.float32)
    W2 = jax.random.normal(ks[3], (D, D), dtype=jnp.float32) * scale
    b2 = jnp.zeros((D,), dtype=jnp.float32)
    return {"x": x, "edge_index": edge_index, "W1": W1, "b1": b1,
            "bn_gamma": bn_gamma, "bn_beta": bn_beta, "W2": W2, "b2": b2}


def _gcn_conv(x, src, dst, W, b):
    # x' = D^{-1/2} (A + I) D^{-1/2} X W + b  (PyG GCNConv with self-loops)
    xw = x @ W
    nodes = jnp.arange(N, dtype=src.dtype)
    s = jnp.concatenate([src, nodes])
    d = jnp.concatenate([dst, nodes])
    deg = jnp.zeros((N,), dtype=xw.dtype).at[d].add(1.0)
    deg_inv_sqrt = jax.lax.rsqrt(jnp.maximum(deg, 1.0))
    norm = deg_inv_sqrt[s] * deg_inv_sqrt[d]
    msg = xw[s] * norm[:, None]
    out = jnp.zeros_like(xw).at[d].add(msg)
    return out + b


def _batchnorm_train(h, gamma, beta):
    mean = jnp.mean(h, axis=0)
    var = jnp.mean((h - mean) ** 2, axis=0)  # biased variance, as in torch BN
    return (h - mean) * jax.lax.rsqrt(var + EPS) * gamma + beta


def reference(x, edge_index, W1, b1, bn_gamma, bn_beta, W2, b2):
    src = edge_index[0]
    dst = edge_index[1]
    h = _gcn_conv(x, src, dst, W1, b1)
    h = jax.nn.relu(_batchnorm_train(h, bn_gamma, bn_beta))
    h = _gcn_conv(h, src, dst, W2, b2)
    return jax.nn.relu(h)

if __name__ == "__main__":
    import jax
    _d = setup_inputs()
    print(jax.jit(kernel)(*tuple(_d.values())))

</pallas_src>

<mosaic_0001>
#map = affine_map<(d0, d1) -> (0)>
#map1 = affine_map<(d0, d1) -> (0, 0)>
module attributes {stable_mosaic.version = 14 : i64} {
  func.func @deg_kernel(%arg0: i32, %arg1: i32, %arg2: memref<640000xi32, #tpu.memory_space<hbm>>, %arg3: memref<32x10000xf32, #tpu.memory_space<hbm>>, %arg4: memref<10000xi32, #tpu.memory_space<vmem>>, %arg5: memref<10000xf32, #tpu.memory_space<vmem>>) attributes {dimension_semantics = [#tpu.dimension_semantics<core_parallel>, #tpu.dimension_semantics<subcore_parallel>], iteration_bounds = array<i64: 2, 16>, scalar_prefetch = 0 : i64, scratch_operands = 2 : i64, tpu.core_type = #tpu.core_type<sc_vector_subcore>, window_params = [{transform_indices = #map}, {transform_indices = #map1}]} {
    %mul3A = arith.constant 16 : i32
    %mul3A_0 = arith.muli %arg0, %mul3A : i32
    %add3A = arith.addi %mul3A_0, %arg1 : i32
    %scan3A = arith.constant 0 : i32
    %scan3A_1 = arith.constant 625 : i32
    %scan3A_2 = arith.addi %scan3A, %scan3A_1 : i32
    %scan3A_3 = arith.constant 1 : i32
    scf.for %scan3A_15 = %scan3A to %scan3A_2 step %scan3A_3  : i32 {
      %mul3A_16 = arith.constant 16 : i32
      %mul3A_17 = arith.muli %scan3A_15, %mul3A_16 : i32
      %add3A_18 = arith.constant 0 : i32
      %add3A_19 = arith.addi %add3A_18, %mul3A_17 : i32
      %broadcast_in_dim3A_20 = arith.constant 0.000000e+00 : f32
      %broadcast_in_dim3A_21 = vector.broadcast %broadcast_in_dim3A_20 : f32 to vector<16xf32>
      %swap3A = arith.index_cast %add3A_19 : i32 to index
      %swap3A_22 = tpu.vector_load %arg5[%swap3A] {strides = array<i32>} : memref<10000xf32, #tpu.memory_space<vmem>>, vector<16xf32>,
      tpu.vector_store %arg5[%swap3A], %broadcast_in_dim3A_21 {strides = array<i32>} : memref<10000xf32, #tpu.memory_space<vmem>>, vector<16xf32>,
    }
    %scan3A_4 = arith.constant 625 : i32
    %mul3A_5 = arith.constant 10000 : i32
    %mul3A_6 = arith.muli %add3A, %mul3A_5 : i32
    %add3A_7 = arith.constant 320000 : i32
    %add3A_8 = arith.addi %add3A_7, %mul3A_6 : i32
    "tpu.region"() ({
      %run_scoped3A = tpu.sem_alloc : memref<!tpu.dma_semaphore, #tpu.memory_space<semaphore_mem>>
      %dma_start3A = tpu.memref_slice %arg2[%add3A_8] : memref<640000xi32, #tpu.memory_space<hbm>> -> memref<10000xi32, #tpu.memory_space<hbm>>
      %dma_start3A_15 = tpu.memref_slice %arg2[%add3A_8] : memref<640000xi32, #tpu.memory_space<hbm>> -> memref<10000xi32, #tpu.memory_space<hbm>>
      tpu.enqueue_dma source(%dma_start3A_15 : memref<10000xi32, #tpu.memory_space<hbm>>) target(%arg4 : memref<10000xi32, #tpu.memory_space<vmem>>) target_semaphore(%run_scoped3A : memref<!tpu.dma_semaphore, #tpu.memory_space<semaphore_mem>>)
      %dma_wait3A = tpu.memref_slice %arg2[%add3A_8] : memref<640000xi32, #tpu.memory_space<hbm>> -> memref<10000xi32, #tpu.memory_space<hbm>>
      %dma_wait3A_16 = tpu.memref_slice %arg2[%add3A_8] : memref<640000xi32, #tpu.memory_space<hbm>> -> memref<10000xi32, #tpu.memory_space<hbm>>
      tpu.wait_dma2 semaphore(%run_scoped3A : memref<!tpu.dma_semaphore, #tpu.memory_space<semaphore_mem>>) src(%dma_wait3A_16 : memref<10000xi32, #tpu.memory_space<hbm>>) dst(%arg4 : memref<10000xi32, #tpu.memory_space<vmem>>)
      tpu.yield
    }) : () -> ()
    %broadcast_in_dim3A = arith.constant 1.000000e+00 : f32
    %broadcast_in_dim3A_9 = vector.broadcast %broadcast_in_dim3A : f32 to vector<16xf32>
    %scan3A_10 = arith.constant 0 : i32
    %scan3A_11 = arith.constant 625 : i32
    %scan3A_12 = arith.addi %scan3A_10, %scan3A_11 : i32
    %scan3A_13 = arith.constant 1 : i32
    scf.for %scan3A_15 = %scan3A_10 to %scan3A_12 step %scan3A_13  : i32 {
      %mul3A_16 = arith.constant 16 : i32
      %mul3A_17 = arith.muli %scan3A_15, %mul3A_16 : i32
      %add3A_18 = arith.constant 0 : i32
      %add3A_19 = arith.addi %add3A_18, %mul3A_17 : i32
      %get3A = arith.index_cast %add3A_19 : i32 to index
      %get3A_20 = tpu.vector_load %arg4[%get3A] {strides = array<i32>} : memref<10000xi32, #tpu.memory_space<vmem>>, vector<16xi32>,
      tpu.vector_store_idx %arg5[%get3A_20], %broadcast_in_dim3A_9 {add = true} : memref<10000xf32, #tpu.memory_space<vmem>>[vector<16xi32>], vector<16xf32>,
    }
    %scan3A_14 = arith.constant 625 : i32
    "tpu.region"() ({
      %run_scoped3A = tpu.sem_alloc : memref<!tpu.dma_semaphore, #tpu.memory_space<semaphore_mem>>
      %dma_start3A = arith.constant 0 : i32
      %dma_start3A_15 = tpu.memref_slice %arg3[%add3A, %dma_start3A] : memref<32x10000xf32, #tpu.memory_space<hbm>> -> memref<1x10000xf32, #tpu.memory_space<hbm>>
      %dma_start3A_16 = tpu.memref_squeeze %dma_start3A_15 : memref<1x10000xf32, #tpu.memory_space<hbm>> -> memref<10000xf32, #tpu.memory_space<hbm>>
      %dma_start3A_17 = arith.constant 0 : i32
      %dma_start3A_18 = tpu.memref_slice %arg3[%add3A, %dma_start3A_17] : memref<32x10000xf32, #tpu.memory_space<hbm>> -> memref<1x10000xf32, #tpu.memory_space<hbm>>
      %dma_start3A_19 = tpu.memref_squeeze %dma_start3A_18 : memref<1x10000xf32, #tpu.memory_space<hbm>> -> memref<10000xf32, #tpu.memory_space<hbm>>
      tpu.enqueue_dma source(%arg5 : memref<10000xf32, #tpu.memory_space<vmem>>) target(%dma_start3A_19 : memref<10000xf32, #tpu.memory_space<hbm>>) target_semaphore(%run_scoped3A : memref<!tpu.dma_semaphore, #tpu.memory_space<semaphore_mem>>)
      %dma_wait3A = arith.constant 0 : i32
      %dma_wait3A_20 = tpu.memref_slice %arg3[%add3A, %dma_wait3A] : memref<32x10000xf32, #tpu.memory_space<hbm>> -> memref<1x10000xf32, #tpu.memory_space<hbm>>
      %dma_wait3A_21 = tpu.memref_squeeze %dma_wait3A_20 : memref<1x10000xf32, #tpu.memory_space<hbm>> -> memref<10000xf32, #tpu.memory_space<hbm>>
      %dma_wait3A_22 = arith.constant 0 : i32
      %dma_wait3A_23 = tpu.memref_slice %arg3[%add3A, %dma_wait3A_22] : memref<32x10000xf32, #tpu.memory_space<hbm>> -> memref<1x10000xf32, #tpu.memory_space<hbm>>
      %dma_wait3A_24 = tpu.memref_squeeze %dma_wait3A_23 : memref<1x10000xf32, #tpu.memory_space<hbm>> -> memref<10000xf32, #tpu.memory_space<hbm>>
      tpu.wait_dma2 semaphore(%run_scoped3A : memref<!tpu.dma_semaphore, #tpu.memory_space<semaphore_mem>>) src(%arg5 : memref<10000xf32, #tpu.memory_space<vmem>>) dst(%dma_wait3A_24 : memref<10000xf32, #tpu.memory_space<hbm>>)
      tpu.yield
    }) : () -> ()
    return
  }
}

#map = affine_map<(d0, d1) -> (0)>
#map1 = affine_map<(d0, d1) -> (0, 0)>
#map2 = affine_map<(d0, d1) -> (0, 0, 0)>
module attributes {stable_mosaic.version = 14 : i64} {
  func.func @mp_kernel(%arg0: i32, %arg1: i32, %arg2: memref<640000xi32, #tpu.memory_space<hbm>>, %arg3: memref<10000x128xf32, #tpu.memory_space<hbm>>, %arg4: memref<2x10000x128xf32, #tpu.memory_space<hbm>>, %arg5: memref<40xi32, #tpu.memory_space<vmem>>, %arg6: memref<40xi32, #tpu.memory_space<vmem>>, %arg7: memref<40xi32, #tpu.memory_space<vmem>>, %arg8: memref<40xi32, #tpu.memory_space<vmem>>, %arg9: memref<40xi32, #tpu.memory_space<vmem>>, %arg10: memref<40xi32, #tpu.memory_space<vmem>>, %arg11: memref<40xi32, #tpu.memory_space<vmem>>, %arg12: memref<40xi32, #tpu.memory_space<vmem>>, %arg13: memref<40xi32, #tpu.memory_space<vmem>>, %arg14: memref<40xi32, #tpu.memory_space<vmem>>, %arg15: memref<40xi32, #tpu.memory_space<vmem>>, %arg16: memref<40xi32, #tpu.memory_space<vmem>>, %arg17: memref<40xi32, #tpu.memory_space<vmem>>, %arg18: memref<40xi32, #tpu.memory_space<vmem>>, %arg19: memref<40xi32, #tpu.memory_space<vmem>>, %arg20: memref<40xi32, #tpu.memory_space<vmem>>, %arg21: memref<40xi32, #tpu.memory_space<vmem>>, %arg22: memref<40xi32, #tpu.memory_space<vmem>>, %arg23: memref<40x128xf32, #tpu.memory_space<vmem>>, %arg24: memref<40x128xf32, #tpu.memory_space<vmem>>, %arg25: memref<40x128xf32, #tpu.memory_space<vmem>>, %arg26: memref<40x128xf32, #tpu.memory_space<vmem>>, %arg27: memref<40x128xf32, #tpu.memory_space<vmem>>, %arg28: memref<40x128xf32, #tpu.memory_space<vmem>>, %arg29: memref<40x128xf32, #tpu.memory_space<vmem>>, %arg30: memref<40x128xf32, #tpu.memory_space<vmem>>, %arg31: memref<40x128xf32, #tpu.memory_space<vmem>>, %arg32: memref<10000x128xf32, #tpu.memory_space<vmem_shared>>, %arg33: memref<!tpu.dma_semaphore, #tpu.memory_space<semaphore_mem>>, %arg34: memref<!tpu.dma_semaphore, #tpu.memory_space<semaphore_mem>>, %arg35: memref<!tpu.dma_semaphore, #tpu.memory_space<semaphore_mem>>, %arg36: memref<!tpu.dma_semaphore, #tpu.memory_space<semaphore_mem>>, %arg37: memref<!tpu.dma_semaphore, #tpu.memory_space<semaphore_mem>>, %arg38: memref<!tpu.dma_semaphore, #tpu.memory_space<semaphore_mem>>, %arg39: memref<!tpu.dma_semaphore, #tpu.memory_space<semaphore_mem>>, %arg40: memref<!tpu.dma_semaphore, #tpu.memory_space<semaphore_mem>>, %arg41: memref<!tpu.dma_semaphore, #tpu.memory_space<semaphore_mem>>, %arg42: memref<!tpu.dma_semaphore, #tpu.memory_space<semaphore_mem>>, %arg43: memref<!tpu.dma_semaphore, #tpu.memory_space<semaphore_mem>>, %arg44: memref<!tpu.dma_semaphore, #tpu.memory_space<semaphore_mem>>, %arg45: memref<!tpu.dma_semaphore, #tpu.memory_space<semaphore_mem>>, %arg46: memref<!tpu.dma_semaphore, #tpu.memory_space<semaphore_mem>>, %arg47: memref<!tpu.dma_semaphore, #tpu.memory_space<semaphore_mem>>, %arg48: memref<!tpu.dma_semaphore, #tpu.memory_space<semaphore_mem>>, %arg49: memref<!tpu.dma_semaphore, #tpu.memory_space<semaphore_mem>>, %arg50: memref<!tpu.dma_semaphore, #tpu.memory_space<semaphore_mem>>, %arg51: memref<!tpu.dma_semaphore, #tpu.memory_space<semaphore_mem>>, %arg52: memref<!tpu.dma_semaphore, #tpu.memory_space<semaphore_mem>>) attributes {dimension_semantics = [#tpu.dimension_semantics<core_parallel>, #tpu.dimension_semantics<subcore_parallel>], iteration_bounds = array<i64: 2, 16>, scalar_prefetch = 0 : i64, scratch_operands = 48 : i64, tpu.core_type = #tpu.core_type<sc_vector_subcore>, window_params = [{transform_indices = #map}, {transform_indices = #map1}, {transform_indices = #map2}]} {
    %mul3A = arith.constant 16 : i32
    %mul3A_0 = arith.muli %arg0, %mul3A : i32
    %add3A = arith.addi %mul3A_0, %arg1 : i32
    %mul3A_1 = arith.constant 10000 : i32
    %mul3A_2 = arith.muli %add3A, %mul3A_1 : i32
    %add3A_3 = arith.constant 0 : i32
    %add3A_4 = arith.addi %mul3A_2, %add3A_3 : i32
    %dma_start3A = tpu.memref_slice %arg2[%add3A_4] : memref<640000xi32, #tpu.memory_space<hbm>> -> memref<40xi32, #tpu.memory_space<hbm>>
    %dma_start3A_5 = tpu.memref_slice %arg2[%add3A_4] : memref<640000xi32, #tpu.memory_space<hbm>> -> memref<40xi32, #tpu.memory_space<hbm>>
    tpu.enqueue_dma source(%dma_start3A_5 : memref<40xi32, #tpu.memory_space<hbm>>) target(%arg5 : memref<40xi32, #tpu.memory_space<vmem>>) target_semaphore(%arg51 : memref<!tpu.dma_semaphore, #tpu.memory_space<semaphore_mem>>)
    %add3A_6 = arith.constant 320000 : i32
    %add3A_7 = arith.addi %add3A_6, %mul3A_2 : i32
    %add3A_8 = arith.constant 0 : i32
    %add3A_9 = arith.addi %add3A_7, %add3A_8 : i32
    %dma_start3A_10 = tpu.memref_slice %arg2[%add3A_9] : memref<640000xi32, #tpu.memory_space<hbm>> -> memref<40xi32, #tpu.memory_space<hbm>>
    %dma_start3A_11 = tpu.memref_slice %arg2[%add3A_9] : memref<640000xi32, #tpu.memory_space<hbm>> -> memref<40xi32, #tpu.memory_space<hbm>>
    tpu.enqueue_dma source(%dma_start3A_11 : memref<40xi32, #tpu.memory_space<hbm>>) target(%arg14 : memref<40xi32, #tpu.memory_space<vmem>>) target_semaphore(%arg52 : memref<!tpu.dma_semaphore, #tpu.memory_space<semaphore_mem>>)
    %add3A_12 = arith.constant 40 : i32
    %add3A_13 = arith.addi %mul3A_2, %add3A_12 : i32
    %dma_start3A_14 = tpu.memref_slice %arg2[%add3A_13] : memref<640000xi32, #tpu.memory_space<hbm>> -> memref<40xi32, #tpu.memory_space<hbm>>
    %dma_start3A_15 = tpu.memref_slice %arg2[%add3A_13] : memref<640000xi32, #tpu.memory_space<hbm>> -> memref<40xi32, #tpu.memory_space<hbm>>
    tpu.enqueue_dma source(%dma_start3A_15 : memref<40xi32, #tpu.memory_space<hbm>>) target(%arg6 : memref<40xi32, #tpu.memory_space<vmem>>) target_semaphore(%arg51 : memref<!tpu.dma_semaphore, #tpu.memory_space<semaphore_mem>>)
    %add3A_16 = arith.constant 320000 : i32
    %add3A_17 = arith.addi %add3A_16, %mul3A_2 : i32
    %add3A_18 = arith.constant 40 : i32
    %add3A_19 = arith.addi %add3A_17, %add3A_18 : i32
    %dma_start3A_20 = tpu.memref_slice %arg2[%add3A_19] : memref<640000xi32, #tpu.memory_space<hbm>> -> memref<40xi32, #tpu.memory_space<hbm>>
    %dma_start3A_21 = tpu.memref_slice %arg2[%add3A_19] : memref<640000xi32, #tpu.memory_space<hbm>> -> memref<40xi32, #tpu.memory_space<hbm>>
    tpu.enqueue_dma source(%dma_start3A_21 : memref<40xi32, #tpu.memory_space<hbm>>) target(%arg15 : memref<40xi32, #tpu.memory_space<vmem>>) target_semaphore(%arg52 : memref<!tpu.dma_semaphore, #tpu.memory_space<semaphore_mem>>)
    %add3A_22 = arith.constant 80 : i32
    %add3A_23 = arith.addi %mul3A_2, %add3A_22 : i32
    %dma_start3A_24 = tpu.memref_slice %arg2[%add3A_23] : memref<640000xi32, #tpu.memory_space<hbm>> -> memref<40xi32, #tpu.memory_space<hbm>>
    %dma_start3A_25 = tpu.memref_slice %arg2[%add3A_23] : memref<640000xi32, #tpu.memory_space<hbm>> -> memref<40xi32, #tpu.memory_space<hbm>>
    tpu.enqueue_dma source(%dma_start3A_25 : memref<40xi32, #tpu.memory_space<hbm>>) target(%arg7 : memref<40xi32, #tpu.memory_space<vmem>>) target_semaphore(%arg51 : memref<!tpu.dma_semaphore, #tpu.memory_space<semaphore_mem>>)
    %add3A_26 = arith.constant 320000 : i32
    %add3A_27 = arith.addi %add3A_26, %mul3A_2 : i32
    %add3A_28 = arith.constant 80 : i32
    %add3A_29 = arith.addi %add3A_27, %add3A_28 : i32
    %dma_start3A_30 = tpu.memref_slice %arg2[%add3A_29] : memref<640000xi32, #tpu.memory_space<hbm>> -> memref<40xi32, #tpu.memory_space<hbm>>
    %dma_start3A_31 = tpu.memref_slice %arg2[%add3A_29] : memref<640000xi32, #tpu.memory_space<hbm>> -> memref<40xi32, #tpu.memory_space<hbm>>
    tpu.enqueue_dma source(%dma_start3A_31 : memref<40xi32, #tpu.memory_space<hbm>>) target(%arg16 : memref<40xi32, #tpu.memory_space<vmem>>) target_semaphore(%arg52 : memref<!tpu.dma_semaphore, #tpu.memory_space<semaphore_mem>>)
    %add3A_32 = arith.constant 120 : i32
    %add3A_33 = arith.addi %mul3A_2, %add3A_32 : i32
    %dma_start3A_34 = tpu.memref_slice %arg2[%add3A_33] : memref<640000xi32, #tpu.memory_space<hbm>> -> memref<40xi32, #tpu.memory_space<hbm>>
    %dma_start3A_35 = tpu.memref_slice %arg2[%add3A_33] : memref<640000xi32, #tpu.memory_space<hbm>> -> memref<40xi32, #tpu.memory_space<hbm>>
    tpu.enqueue_dma source(%dma_start3A_35 : memref<40xi32, #tpu.memory_space<hbm>>) target(%arg8 : memref<40xi32, #tpu.memory_space<vmem>>) target_semaphore(%arg51 : memref<!tpu.dma_semaphore, #tpu.memory_space<semaphore_mem>>)
    %add3A_36 = arith.constant 320000 : i32
    %add3A_37 = arith.addi %add3A_36, %mul3A_2 : i32
    %add3A_38 = arith.constant 120 : i32
    %add3A_39 = arith.addi %add3A_37, %add3A_38 : i32
    %dma_start3A_40 = tpu.memref_slice %arg2[%add3A_39] : memref<640000xi32, #tpu.memory_space<hbm>> -> memref<40xi32, #tpu.memory_space<hbm>>
    %dma_start3A_41 = tpu.memref_slice %arg2[%add3A_39] : memref<640000xi32, #tpu.memory_space<hbm>> -> memref<40xi32, #tpu.memory_space<hbm>>
    tpu.enqueue_dma source(%dma_start3A_41 : memref<40xi32, #tpu.memory_space<hbm>>) target(%arg17 : memref<40xi32, #tpu.memory_space<vmem>>) target_semaphore(%arg52 : memref<!tpu.dma_semaphore, #tpu.memory_space<semaphore_mem>>)
    %add3A_42 = arith.constant 160 : i32
    %add3A_43 = arith.addi %mul3A_2, %add3A_42 : i32
    %dma_start3A_44 = tpu.memref_slice %arg2[%add3A_43] : memref<640000xi32, #tpu.memory_space<hbm>> -> memref<40xi32, #tpu.memory_space<hbm>>
    %dma_start3A_45 = tpu.memref_slice %arg2[%add3A_43] : memref<640000xi32, #tpu.memory_space<hbm>> -> memref<40xi32, #tpu.memory_space<hbm>>
    tpu.enqueue_dma source(%dma_start3A_45 : memref<40xi32, #tpu.memory_space<hbm>>) target(%arg9 : memref<40xi32, #tpu.memory_space<vmem>>) target_semaphore(%arg51 : memref<!tpu.dma_semaphore, #tpu.memory_space<semaphore_mem>>)
    %add3A_46 = arith.constant 320000 : i32
    %add3A_47 = arith.addi %add3A_46, %mul3A_2 : i32
    %add3A_48 = arith.constant 160 : i32
    %add3A_49 = arith.addi %add3A_47, %add3A_48 : i32
    %dma_start3A_50 = tpu.memref_slice %arg2[%add3A_49] : memref<640000xi32, #tpu.memory_space<hbm>> -> memref<40xi32, #tpu.memory_space<hbm>>
    %dma_start3A_51 = tpu.memref_slice %arg2[%add3A_49] : memref<640000xi32, #tpu.memory_space<hbm>> -> memref<40xi32, #tpu.memory_space<hbm>>
    tpu.enqueue_dma source(%dma_start3A_51 : memref<40xi32, #tpu.memory_space<hbm>>) target(%arg18 : memref<40xi32, #tpu.memory_space<vmem>>) target_semaphore(%arg52 : memref<!tpu.dma_semaphore, #tpu.memory_space<semaphore_mem>>)
    %add3A_52 = arith.constant 200 : i32
    %add3A_53 = arith.addi %mul3A_2, %add3A_52 : i32
    %dma_start3A_54 = tpu.memref_slice %arg2[%add3A_53] : memref<640000xi32, #tpu.memory_space<hbm>> -> memref<40xi32, #tpu.memory_space<hbm>>
    %dma_start3A_55 = tpu.memref_slice %arg2[%add3A_53] : memref<640000xi32, #tpu.memory_space<hbm>> -> memref<40xi32, #tpu.memory_space<hbm>>
    tpu.enqueue_dma source(%dma_start3A_55 : memref<40xi32, #tpu.memory_space<hbm>>) target(%arg10 : memref<40xi32, #tpu.memory_space<vmem>>) target_semaphore(%arg51 : memref<!tpu.dma_semaphore, #tpu.memory_space<semaphore_mem>>)
    %add3A_56 = arith.constant 320000 : i32
    %add3A_57 = arith.addi %add3A_56, %mul3A_2 : i32
    %add3A_58 = arith.constant 200 : i32
    %add3A_59 = arith.addi %add3A_57, %add3A_58 : i32
    %dma_start3A_60 = tpu.memref_slice %arg2[%add3A_59] : memref<640000xi32, #tpu.memory_space<hbm>> -> memref<40xi32, #tpu.memory_space<hbm>>
    %dma_start3A_61 = tpu.memref_slice %arg2[%add3A_59] : memref<640000xi32, #tpu.memory_space<hbm>> -> memref<40xi32, #tpu.memory_space<hbm>>
    tpu.enqueue_dma source(%dma_start3A_61 : memref<40xi32, #tpu.memory_space<hbm>>) target(%arg19 : memref<40xi32, #tpu.memory_space<vmem>>) target_semaphore(%arg52 : memref<!tpu.dma_semaphore, #tpu.memory_space<semaphore_mem>>)
    %add3A_62 = arith.constant 240 : i32
    %add3A_63 = arith.addi %mul3A_2, %add3A_62 : i32
    %dma_start3A_64 = tpu.memref_slice %arg2[%add3A_63] : memref<640000xi32, #tpu.memory_space<hbm>> -> memref<40xi32, #tpu.memory_space<hbm>>
    %dma_start3A_65 = tpu.memref_slice %arg2[%add3A_63] : memref<640000xi32, #tpu.memory_space<hbm>> -> memref<40xi32, #tpu.memory_space<hbm>>
    tpu.enqueue_dma source(%dma_start3A_65 : memref<40xi32, #tpu.memory_space<hbm>>) target(%arg11 : memref<40xi32, #tpu.memory_space<vmem>>) target_semaphore(%arg51 : memref<!tpu.dma_semaphore, #tpu.memory_space<semaphore_mem>>)
    %add3A_66 = arith.constant 320000 : i32
    %add3A_67 = arith.addi %add3A_66, %mul3A_2 : i32
    %add3A_68 = arith.constant 240 : i32
    %add3A_69 = arith.addi %add3A_67, %add3A_68 : i32
    %dma_start3A_70 = tpu.memref_slice %arg2[%add3A_69] : memref<640000xi32, #tpu.memory_space<hbm>> -> memref<40xi32, #tpu.memory_space<hbm>>
    %dma_start3A_71 = tpu.memref_slice %arg2[%add3A_69] : memref<640000xi32, #tpu.memory_space<hbm>> -> memref<40xi32, #tpu.memory_space<hbm>>
    tpu.enqueue_dma source(%dma_start3A_71 : memref<40xi32, #tpu.memory_space<hbm>>) target(%arg20 : memref<40xi32, #tpu.memory_space<vmem>>) target_semaphore(%arg52 : memref<!tpu.dma_semaphore, #tpu.memory_space<semaphore_mem>>)
    %add3A_72 = arith.constant 280 : i32
    %add3A_73 = arith.addi %mul3A_2, %add3A_72 : i32
    %dma_start3A_74 = tpu.memref_slice %arg2[%add3A_73] : memref<640000xi32, #tpu.memory_space<hbm>> -> memref<40xi32, #tpu.memory_space<hbm>>
    %dma_start3A_75 = tpu.memref_slice %arg2[%add3A_73] : memref<640000xi32, #tpu.memory_space<hbm>> -> memref<40xi32, #tpu.memory_space<hbm>>
    tpu.enqueue_dma source(%dma_start3A_75 : memref<40xi32, #tpu.memory_space<hbm>>) target(%arg12 : memref<40xi32, #tpu.memory_space<vmem>>) target_semaphore(%arg51 : memref<!tpu.dma_semaphore, #tpu.memory_space<semaphore_mem>>)
    %add3A_76 = arith.constant 320000 : i32
    %add3A_77 = arith.addi %add3A_76, %mul3A_2 : i32
    %add3A_78 = arith.constant 280 : i32
    %add3A_79 = arith.addi %add3A_77, %add3A_78 : i32
    %dma_start3A_80 = tpu.memref_slice %arg2[%add3A_79] : memref<640000xi32, #tpu.memory_space<hbm>> -> memref<40xi32, #tpu.memory_space<hbm>>
    %dma_start3A_81 = tpu.memref_slice %arg2[%add3A_79] : memref<640000xi32, #tpu.memory_space<hbm>> -> memref<40xi32, #tpu.memory_space<hbm>>
    tpu.enqueue_dma source(%dma_start3A_81 : memref<40xi32, #tpu.memory_space<hbm>>) target(%arg21 : memref<40xi32, #tpu.memory_space<vmem>>) target_semaphore(%arg52 : memref<!tpu.dma_semaphore, #tpu.memory_space<semaphore_mem>>)
    %add3A_82 = arith.constant 320 : i32
    %add3A_83 = arith.addi %mul3A_2, %add3A_82 : i32
    %dma_start3A_84 = tpu.memref_slice %arg2[%add3A_83] : memref<640000xi32, #tpu.memory_space<hbm>> -> memref<40xi32, #tpu.memory_space<hbm>>
    %dma_start3A_85 = tpu.memref_slice %arg2[%add3A_83] : memref<640000xi32, #tpu.memory_space<hbm>> -> memref<40xi32, #tpu.memory_space<hbm>>
    tpu.enqueue_dma source(%dma_start3A_85 : memref<40xi32, #tpu.memory_space<hbm>>) target(%arg13 : memref<40xi32, #tpu.memory_space<vmem>>) target_semaphore(%arg51 : memref<!tpu.dma_semaphore, #tpu.memory_space<semaphore_mem>>)
    %add3A_86 = arith.constant 320000 : i32
    %add3A_87 = arith.addi %add3A_86, %mul3A_2 : i32
    %add3A_88 = arith.constant 320 : i32
    %add3A_89 = arith.addi %add3A_87, %add3A_88 : i32
    %dma_start3A_90 = tpu.memref_slice %arg2[%add3A_89] : memref<640000xi32, #tpu.memory_space<hbm>> -> memref<40xi32, #tpu.memory_space<hbm>>
    %dma_start3A_91 = tpu.memref_slice %arg2[%add3A_89] : memref<640000xi32, #tpu.memory_space<hbm>> -> memref<40xi32, #tpu.memory_space<hbm>>
    tpu.enqueue_dma source(%dma_start3A_91 : memref<40xi32, #tpu.memory_space<hbm>>) target(%arg22 : memref<40xi32, #tpu.memory_space<vmem>>) target_semaphore(%arg52 : memref<!tpu.dma_semaphore, #tpu.memory_space<semaphore_mem>>)
    %scan3A = arith.constant 0 : i32
    %scan3A_92 = arith.constant 40 : i32
    %scan3A_93 = arith.addi %scan3A, %scan3A_92 : i32
    %scan3A_94 = arith.constant 1 : i32
    scf.for %scan3A_275 = %scan3A to %scan3A_93 step %scan3A_94  : i32 {
      %mul3A_276 = arith.constant 1 : i32
      %mul3A_277 = arith.muli %scan3A_275, %mul3A_276 : i32
      %add3A_278 = arith.constant 0 : i32
      %add3A_279 = arith.addi %add3A_278, %mul3A_277 : i32
      %scan3A_280 = arith.constant 0 : i32
      %scan3A_281 = arith.constant 8 : i32
      %scan3A_282 = arith.addi %scan3A_280, %scan3A_281 : i32
      %scan3A_283 = arith.constant 1 : i32
      scf.for %scan3A_285 = %scan3A_280 to %scan3A_282 step %scan3A_283  : i32 {
        %mul3A_286 = arith.constant 16 : i32
        %mul3A_287 = arith.muli %scan3A_285, %mul3A_286 : i32
        %add3A_288 = arith.constant 0 : i32
        %add3A_289 = arith.addi %add3A_288, %mul3A_287 : i32
        %broadcast_in_dim3A = arith.constant 0.000000e+00 : f32
        %broadcast_in_dim3A_290 = vector.broadcast %broadcast_in_dim3A : f32 to vector<16xf32>
        %swap3A = arith.index_cast %add3A_279 : i32 to index
        %swap3A_291 = arith.index_cast %add3A_289 : i32 to index
        %swap3A_292 = tpu.vector_load %arg23[%swap3A, %swap3A_291] {strides = array<i32>} : memref<40x128xf32, #tpu.memory_space<vmem>>, vector<1x16xf32>,
        %swap3A_293 = vector.shape_cast %swap3A_292 : vector<1x16xf32> to vector<16xf32>
        %swap3A_294 = vector.shape_cast %broadcast_in_dim3A_290 : vector<16xf32> to vector<1x16xf32>
        tpu.vector_store %arg23[%swap3A, %swap3A_291], %swap3A_294 {strides = array<i32>} : memref<40x128xf32, #tpu.memory_space<vmem>>, vector<1x16xf32>,
      }
      %scan3A_284 = arith.constant 8 : i32
    }
    %scan3A_95 = arith.constant 40 : i32
    %sub3A = arith.constant 250 : i32
    %sub3A_96 = arith.subi %sub3A, %arg1 : i32
    %add3A_97 = arith.constant 16 : i32
    %add3A_98 = arith.addi %sub3A_96, %add3A_97 : i32
    %sub3A_99 = arith.constant 1 : i32
    %sub3A_100 = arith.subi %add3A_98, %sub3A_99 : i32
    %jit3A = arith.constant 16 : i32
    %div3A = arith.divsi %sub3A_100, %jit3A : i32
    %sign3A = arith.constant 0 : i32
    %sign3A_101 = arith.cmpi sgt, %sub3A_100, %sign3A : i32
    %sign3A_102 = arith.extui %sign3A_101 : i1 to i32
    %sign3A_103 = arith.constant 0 : i32
    %sign3A_104 = arith.cmpi slt, %sub3A_100, %sign3A_103 : i32
    %sign3A_105 = arith.extui %sign3A_104 : i1 to i32
    %sign3A_106 = arith.subi %sign3A_102, %sign3A_105 : i32
    %sign3A_107 = arith.constant 0 : i32
    %sign3A_108 = arith.cmpi sgt, %jit3A, %sign3A_107 : i32
    %sign3A_109 = arith.extui %sign3A_108 : i1 to i32
    %sign3A_110 = arith.constant 0 : i32
    %sign3A_111 = arith.cmpi slt, %jit3A, %sign3A_110 : i32
    %sign3A_112 = arith.extui %sign3A_111 : i1 to i32
    %sign3A_113 = arith.subi %sign3A_109, %sign3A_112 : i32
    %ne3A = arith.cmpi ne, %sign3A_106, %sign3A_113 : i32
    %rem3A = arith.remsi %sub3A_100, %jit3A : i32
    %ne3A_114 = arith.constant 0 : i32
    %ne3A_115 = arith.cmpi ne, %rem3A, %ne3A_114 : i32
    %and3A = arith.andi %ne3A, %ne3A_115 : i1
    %sub3A_116 = arith.constant 1 : i32
    %sub3A_117 = arith.subi %div3A, %sub3A_116 : i32
    %select_n3A = arith.select %and3A, %sub3A_117, %div3A : i32
    %sub3A_118 = arith.constant 250 : i32
    %sub3A_119 = arith.subi %sub3A_118, %arg1 : i32
    %sub3A_120 = arith.constant 16 : i32
    %sub3A_121 = arith.constant 1 : i32
    %sub3A_122 = arith.subi %sub3A_120, %sub3A_121 : i32
    %add3A_123 = arith.addi %sub3A_119, %sub3A_122 : i32
    %div3A_124 = arith.constant 16 : i32
    %div3A_125 = arith.divsi %add3A_123, %div3A_124 : i32
    %while3A = arith.constant 16 : i32
    %while3A_126 = arith.constant 0 : i32
    %while3A_127 = arith.subi %div3A_125, %while3A_126 : i32
    %while3A_128 = arith.addi %while3A_126, %while3A_127 : i32
    %while3A_129 = arith.constant 1 : i32
    %while3A_130 = arith.divsi %while3A_127, %while3A_129 : i32
    %while3A_131 = arith.muli %while3A_130, %while3A_129 : i32
    %while3A_132 = arith.addi %while3A_126, %while3A_131 : i32
    %while3A_133 = arith.constant 1 : i32
    scf.for %while3A_275 = %while3A_126 to %while3A_132 step %while3A_133  : i32 {
      %mul3A_276 = arith.muli %while3A_275, %while3A : i32
      %add3A_277 = arith.addi %arg1, %mul3A_276 : i32
      %mul3A_278 = arith.constant 40 : i32
      %mul3A_279 = arith.muli %add3A_277, %mul3A_278 : i32
      %dma_start3A_280 = arith.constant 0 : i32
      %dma_start3A_281 = tpu.memref_slice %arg32[%mul3A_279, %dma_start3A_280] : memref<10000x128xf32, #tpu.memory_space<vmem_shared>> -> memref<40x128xf32, #tpu.memory_space<vmem_shared>>
      %dma_start3A_282 = arith.constant 0 : i32
      %dma_start3A_283 = tpu.memref_slice %arg32[%mul3A_279, %dma_start3A_282] : memref<10000x128xf32, #tpu.memory_space<vmem_shared>> -> memref<40x128xf32, #tpu.memory_space<vmem_shared>>
      tpu.enqueue_dma source(%arg23 : memref<40x128xf32, #tpu.memory_space<vmem>>) target(%dma_start3A_283 : memref<40x128xf32, #tpu.memory_space<vmem_shared>>) target_semaphore(%arg42 : memref<!tpu.dma_semaphore, #tpu.memory_space<semaphore_mem>>)
    }
    %while3A_134 = arith.constant 1 : i32
    scf.for %while3A_275 = %while3A_132 to %while3A_128 step %while3A_134  : i32 {
      %mul3A_276 = arith.muli %while3A_275, %while3A : i32
      %add3A_277 = arith.addi %arg1, %mul3A_276 : i32
      %mul3A_278 = arith.constant 40 : i32
      %mul3A_279 = arith.muli %add3A_277, %mul3A_278 : i32
      %dma_start3A_280 = arith.constant 0 : i32
      %dma_start3A_281 = tpu.memref_slice %arg32[%mul3A_279, %dma_start3A_280] : memref<10000x128xf32, #tpu.memory_space<vmem_shared>> -> memref<40x128xf32, #tpu.memory_space<vmem_shared>>
      %dma_start3A_282 = arith.constant 0 : i32
      %dma_start3A_283 = tpu.memref_slice %arg32[%mul3A_279, %dma_start3A_282] : memref<10000x128xf32, #tpu.memory_space<vmem_shared>> -> memref<40x128xf32, #tpu.memory_space<vmem_shared>>
      tpu.enqueue_dma source(%arg23 : memref<40x128xf32, #tpu.memory_space<vmem>>) target(%dma_start3A_283 : memref<40x128xf32, #tpu.memory_space<vmem_shared>>) target_semaphore(%arg42 : memref<!tpu.dma_semaphore, #tpu.memory_space<semaphore_mem>>)
    }
    %sub3A_135 = arith.constant 0 : i32
    %sub3A_136 = arith.subi %select_n3A, %sub3A_135 : i32
    %sub3A_137 = arith.constant 1 : i32
    %sub3A_138 = arith.constant 1 : i32
    %sub3A_139 = arith.subi %sub3A_137, %sub3A_138 : i32
    %add3A_140 = arith.addi %sub3A_136, %sub3A_139 : i32
    %div3A_141 = arith.constant 1 : i32
    %div3A_142 = arith.divsi %add3A_140, %div3A_141 : i32
    %while3A_143 = arith.constant 1 : i32
    %while3A_144 = arith.constant 0 : i32
    %while3A_145 = arith.constant 0 : i32
    %while3A_146 = arith.subi %div3A_142, %while3A_145 : i32
    %while3A_147 = arith.addi %while3A_145, %while3A_146 : i32
    %while3A_148 = arith.constant 1 : i32
    %while3A_149 = arith.divsi %while3A_146, %while3A_148 : i32
    %while3A_150 = arith.muli %while3A_149, %while3A_148 : i32
    %while3A_151 = arith.addi %while3A_145, %while3A_150 : i32
    %while3A_152 = arith.constant 1 : i32
    scf.for %while3A_275 = %while3A_145 to %while3A_151 step %while3A_152  : i32 {
      %mul3A_276 = arith.muli %while3A_275, %while3A_143 : i32
      %add3A_277 = arith.addi %while3A_144, %mul3A_276 : i32
      %dma_wait3A_278 = arith.constant 0 : i32
      %dma_wait3A_279 = arith.constant 0 : i32
      %dma_wait3A_280 = tpu.memref_slice %arg32[%dma_wait3A_278, %dma_wait3A_279] : memref<10000x128xf32, #tpu.memory_space<vmem_shared>> -> memref<40x128xf32, #tpu.memory_space<vmem_shared>>
      %dma_wait3A_281 = arith.constant 0 : i32
      %dma_wait3A_282 = arith.constant 0 : i32
      %dma_wait3A_283 = tpu.memref_slice %arg32[%dma_wait3A_281, %dma_wait3A_282] : memref<10000x128xf32, #tpu.memory_space<vmem_shared>> -> memref<40x128xf32, #tpu.memory_space<vmem_shared>>
      tpu.wait_dma2 semaphore(%arg42 : memref<!tpu.dma_semaphore, #tpu.memory_space<semaphore_mem>>) src(%arg23 : memref<40x128xf32, #tpu.memory_space<vmem>>) dst(%dma_wait3A_283 : memref<40x128xf32, #tpu.memory_space<vmem_shared>>)
    }
    %while3A_153 = arith.constant 1 : i32
    scf.for %while3A_275 = %while3A_151 to %while3A_147 step %while3A_153  : i32 {
      %mul3A_276 = arith.muli %while3A_275, %while3A_143 : i32
      %add3A_277 = arith.addi %while3A_144, %mul3A_276 : i32
      %dma_wait3A_278 = arith.constant 0 : i32
      %dma_wait3A_279 = arith.constant 0 : i32
      %dma_wait3A_280 = tpu.memref_slice %arg32[%dma_wait3A_278, %dma_wait3A_279] : memref<10000x128xf32, #tpu.memory_space<vmem_shared>> -> memref<40x128xf32, #tpu.memory_space<vmem_shared>>
      %dma_wait3A_281 = arith.constant 0 : i32
      %dma_wait3A_282 = arith.constant 0 : i32
      %dma_wait3A_283 = tpu.memref_slice %arg32[%dma_wait3A_281, %dma_wait3A_282] : memref<10000x128xf32, #tpu.memory_space<vmem_shared>> -> memref<40x128xf32, #tpu.memory_space<vmem_shared>>
      tpu.wait_dma2 semaphore(%arg42 : memref<!tpu.dma_semaphore, #tpu.memory_space<semaphore_mem>>) src(%arg23 : memref<40x128xf32, #tpu.memory_space<vmem>>) dst(%dma_wait3A_283 : memref<40x128xf32, #tpu.memory_space<vmem_shared>>)
    }
    %barrier3A = arith.constant 0 : index
    tpu.barrier barrier_id(%barrier3A)
    %add3A_154 = arith.constant 0 : i32
    %add3A_155 = arith.addi %mul3A_2, %add3A_154 : i32
    %dma_wait3A = tpu.memref_slice %arg2[%add3A_155] : memref<640000xi32, #tpu.memory_space<hbm>> -> memref<40xi32, #tpu.memory_space<hbm>>
    %dma_wait3A_156 = tpu.memref_slice %arg2[%add3A_155] : memref<640000xi32, #tpu.memory_space<hbm>> -> memref<40xi32, #tpu.memory_space<hbm>>
    tpu.wait_dma2 semaphore(%arg51 : memref<!tpu.dma_semaphore, #tpu.memory_space<semaphore_mem>>) src(%dma_wait3A_156 : memref<40xi32, #tpu.memory_space<hbm>>) dst(%arg5 : memref<40xi32, #tpu.memory_space<vmem>>)
    %dma_start3A_157 = arith.constant 0 : i32
    %dma_start3A_158 = arith.constant 0 : i32
    %dma_start3A_159 = tpu.memref_slice %arg3[%dma_start3A_157, %dma_start3A_158] : memref<10000x128xf32, #tpu.memory_space<hbm>> -> memref<10000x128xf32, #tpu.memory_space<hbm>>
    tpu.enqueue_indirect_dma source(%dma_start3A_159 : memref<10000x128xf32, #tpu.memory_space<hbm>>) target(%arg23 : memref<40x128xf32, #tpu.memory_space<vmem>>) offsets(%arg5 : memref<40xi32, #tpu.memory_space<vmem>>) semaphore(%arg33 : memref<!tpu.dma_semaphore, #tpu.memory_space<semaphore_mem>>)
    %add3A_160 = arith.constant 40 : i32
    %add3A_161 = arith.addi %mul3A_2, %add3A_160 : i32
    %dma_wait3A_162 = tpu.memref_slice %arg2[%add3A_161] : memref<640000xi32, #tpu.memory_space<hbm>> -> memref<40xi32, #tpu.memory_space<hbm>>
    %dma_wait3A_163 = tpu.memref_slice %arg2[%add3A_161] : memref<640000xi32, #tpu.memory_space<hbm>> -> memref<40xi32, #tpu.memory_space<hbm>>
    tpu.wait_dma2 semaphore(%arg51 : memref<!tpu.dma_semaphore, #tpu.memory_space<semaphore_mem>>) src(%dma_wait3A_163 : memref<40xi32, #tpu.memory_space<hbm>>) dst(%arg6 : memref<40xi32, #tpu.memory_space<vmem>>)
    %dma_start3A_164 = arith.constant 0 : i32
    %dma_start3A_165 = arith.constant 0 : i32
    %dma_start3A_166 = tpu.memref_slice %arg3[%dma_start3A_164, %dma_start3A_165] : memref<10000x128xf32, #tpu.memory_space<hbm>> -> memref<10000x128xf32, #tpu.memory_space<hbm>>
    tpu.enqueue_indirect_dma source(%dma_start3A_166 : memref<10000x128xf32, #tpu.memory_space<hbm>>) target(%arg24 : memref<40x128xf32, #tpu.memory_space<vmem>>) offsets(%arg6 : memref<40xi32, #tpu.memory_space<vmem>>) semaphore(%arg34 : memref<!tpu.dma_semaphore, #tpu.memory_space<semaphore_mem>>)
    %add3A_167 = arith.constant 80 : i32
    %add3A_168 = arith.addi %mul3A_2, %add3A_167 : i32
    %dma_wait3A_169 = tpu.memref_slice %arg2[%add3A_168] : memref<640000xi32, #tpu.memory_space<hbm>> -> memref<40xi32, #tpu.memory_space<hbm>>
    %dma_wait3A_170 = tpu.memref_slice %arg2[%add3A_168] : memref<640000xi32, #tpu.memory_space<hbm>> -> memref<40xi32, #tpu.memory_space<hbm>>
    tpu.wait_dma2 semaphore(%arg51 : memref<!tpu.dma_semaphore, #tpu.memory_space<semaphore_mem>>) src(%dma_wait3A_170 : memref<40xi32, #tpu.memory_space<hbm>>) dst(%arg7 : memref<40xi32, #tpu.memory_space<vmem>>)
    %dma_start3A_171 = arith.constant 0 : i32
    %dma_start3A_172 = arith.constant 0 : i32
    %dma_start3A_173 = tpu.memref_slice %arg3[%dma_start3A_171, %dma_start3A_172] : memref<10000x128xf32, #tpu.memory_space<hbm>> -> memref<10000x128xf32, #tpu.memory_space<hbm>>
    tpu.enqueue_indirect_dma source(%dma_start3A_173 : memref<10000x128xf32, #tpu.memory_space<hbm>>) target(%arg25 : memref<40x128xf32, #tpu.memory_space<vmem>>) offsets(%arg7 : memref<40xi32, #tpu.memory_space<vmem>>) semaphore(%arg35 : memref<!tpu.dma_semaphore, #tpu.memory_space<semaphore_mem>>)
    %add3A_174 = arith.constant 120 : i32
    %add3A_175 = arith.addi %mul3A_2, %add3A_174 : i32
    %dma_wait3A_176 = tpu.memref_slice %arg2[%add3A_175] : memref<640000xi32, #tpu.memory_space<hbm>> -> memref<40xi32, #tpu.memory_space<hbm>>
    %dma_wait3A_177 = tpu.memref_slice %arg2[%add3A_175] : memref<640000xi32, #tpu.memory_space<hbm>> -> memref<40xi32, #tpu.memory_space<hbm>>
    tpu.wait_dma2 semaphore(%arg51 : memref<!tpu.dma_semaphore, #tpu.memory_space<semaphore_mem>>) src(%dma_wait3A_177 : memref<40xi32, #tpu.memory_space<hbm>>) dst(%arg8 : memref<40xi32, #tpu.memory_space<vmem>>)
    %dma_start3A_178 = arith.constant 0 : i32
    %dma_start3A_179 = arith.constant 0 : i32
    %dma_start3A_180 = tpu.memref_slice %arg3[%dma_start3A_178, %dma_start3A_179] : memref<10000x128xf32, #tpu.memory_space<hbm>> -> memref<10000x128xf32, #tpu.memory_space<hbm>>
    tpu.enqueue_indirect_dma source(%dma_start3A_180 : memref<10000x128xf32, #tpu.memory_space<hbm>>) target(%arg26 : memref<40x128xf32, #tpu.memory_space<vmem>>) offsets(%arg8 : memref<40xi32, #tpu.memory_space<vmem>>) semaphore(%arg36 : memref<!tpu.dma_semaphore, #tpu.memory_space<semaphore_mem>>)
    %add3A_181 = arith.constant 160 : i32
    %add3A_182 = arith.addi %mul3A_2, %add3A_181 : i32
    %dma_wait3A_183 = tpu.memref_slice %arg2[%add3A_182] : memref<640000xi32, #tpu.memory_space<hbm>> -> memref<40xi32, #tpu.memory_space<hbm>>
    %dma_wait3A_184 = tpu.memref_slice %arg2[%add3A_182] : memref<640000xi32, #tpu.memory_space<hbm>> -> memref<40xi32, #tpu.memory_space<hbm>>
    tpu.wait_dma2 semaphore(%arg51 : memref<!tpu.dma_semaphore, #tpu.memory_space<semaphore_mem>>) src(%dma_wait3A_184 : memref<40xi32, #tpu.memory_space<hbm>>) dst(%arg9 : memref<40xi32, #tpu.memory_space<vmem>>)
    %dma_start3A_185 = arith.constant 0 : i32
    %dma_start3A_186 = arith.constant 0 : i32
    %dma_start3A_187 = tpu.memref_slice %arg3[%dma_start3A_185, %dma_start3A_186] : memref<10000x128xf32, #tpu.memory_space<hbm>> -> memref<10000x128xf32, #tpu.memory_space<hbm>>
    tpu.enqueue_indirect_dma source(%dma_start3A_187 : memref<10000x128xf32, #tpu.memory_space<hbm>>) target(%arg27 : memref<40x128xf32, #tpu.memory_space<vmem>>) offsets(%arg9 : memref<40xi32, #tpu.memory_space<vmem>>) semaphore(%arg37 : memref<!tpu.dma_semaphore, #tpu.memory_space<semaphore_mem>>)
    %add3A_188 = arith.constant 200 : i32
    %add3A_189 = arith.addi %mul3A_2, %add3A_188 : i32
    %dma_wait3A_190 = tpu.memref_slice %arg2[%add3A_189] : memref<640000xi32, #tpu.memory_space<hbm>> -> memref<40xi32, #tpu.memory_space<hbm>>
    %dma_wait3A_191 = tpu.memref_slice %arg2[%add3A_189] : memref<640000xi32, #tpu.memory_space<hbm>> -> memref<40xi32, #tpu.memory_space<hbm>>
    tpu.wait_dma2 semaphore(%arg51 : memref<!tpu.dma_semaphore, #tpu.memory_space<semaphore_mem>>) src(%dma_wait3A_191 : memref<40xi32, #tpu.memory_space<hbm>>) dst(%arg10 : memref<40xi32, #tpu.memory_space<vmem>>)
    %dma_start3A_192 = arith.constant 0 : i32
    %dma_start3A_193 = arith.constant 0 : i32
    %dma_start3A_194 = tpu.memref_slice %arg3[%dma_start3A_192, %dma_start3A_193] : memref<10000x128xf32, #tpu.memory_space<hbm>> -> memref<10000x128xf32, #tpu.memory_space<hbm>>
    tpu.enqueue_indirect_dma source(%dma_start3A_194 : memref<10000x128xf32, #tpu.memory_space<hbm>>) target(%arg28 : memref<40x128xf32, #tpu.memory_space<vmem>>) offsets(%arg10 : memref<40xi32, #tpu.memory_space<vmem>>) semaphore(%arg38 : memref<!tpu.dma_semaphore, #tpu.memory_space<semaphore_mem>>)
    %add3A_195 = arith.constant 240 : i32
    %add3A_196 = arith.addi %mul3A_2, %add3A_195 : i32
    %dma_wait3A_197 = tpu.memref_slice %arg2[%add3A_196] : memref<640000xi32, #tpu.memory_space<hbm>> -> memref<40xi32, #tpu.memory_space<hbm>>
    %dma_wait3A_198 = tpu.memref_slice %arg2[%add3A_196] : memref<640000xi32, #tpu.memory_space<hbm>> -> memref<40xi32, #tpu.memory_space<hbm>>
    tpu.wait_dma2 semaphore(%arg51 : memref<!tpu.dma_semaphore, #tpu.memory_space<semaphore_mem>>) src(%dma_wait3A_198 : memref<40xi32, #tpu.memory_space<hbm>>) dst(%arg11 : memref<40xi32, #tpu.memory_space<vmem>>)
    %dma_start3A_199 = arith.constant 0 : i32
    %dma_start3A_200 = arith.constant 0 : i32
    %dma_start3A_201 = tpu.memref_slice %arg3[%dma_start3A_199, %dma_start3A_200] : memref<10000x128xf32, #tpu.memory_space<hbm>> -> memref<10000x128xf32, #tpu.memory_space<hbm>>
    tpu.enqueue_indirect_dma source(%dma_start3A_201 : memref<10000x128xf32, #tpu.memory_space<hbm>>) target(%arg29 : memref<40x128xf32, #tpu.memory_space<vmem>>) offsets(%arg11 : memref<40xi32, #tpu.memory_space<vmem>>) semaphore(%arg39 : memref<!tpu.dma_semaphore, #tpu.memory_space<semaphore_mem>>)
    %scan3A_202 = arith.constant 0 : i32
    %scan3A_203 = arith.constant 29 : i32
    %scan3A_204 = arith.addi %scan3A_202, %scan3A_203 : i32
    %scan3A_205 = arith.constant 1 : i32
    scf.for %scan3A_275 = %scan3A_202 to %scan3A_204 step %scan3A_205  : i32 {
      %mul3A_276 = arith.constant 9 : i32
      %mul3A_277 = arith.muli %scan3A_275, %mul3A_276 : i32
      %add3A_278 = arith.constant 0 : i32
      %add3A_279 = arith.addi %add3A_278, %mul3A_277 : i32
      %add3A_280 = arith.constant 0 : i32
      %add3A_281 = arith.addi %add3A_279, %add3A_280 : i32
      %lt3A = arith.constant 250 : i32
      %lt3A_282 = arith.cmpi slt, %add3A_281, %lt3A : i32
      %convert_element_type3A = arith.extui %lt3A_282 : i1 to i32
      %cond3A = arith.constant 0 : i32
      %cond3A_283 = arith.cmpi ne, %convert_element_type3A, %cond3A : i32
      scf.if %cond3A_283 {
        %dma_wait3A_663 = arith.constant 0 : i32
        %dma_wait3A_664 = arith.constant 0 : i32
        %dma_wait3A_665 = tpu.memref_slice %arg3[%dma_wait3A_663, %dma_wait3A_664] : memref<10000x128xf32, #tpu.memory_space<hbm>> -> memref<10000x128xf32, #tpu.memory_space<hbm>>
        tpu.wait_indirect_dma semaphore(%arg33 : memref<!tpu.dma_semaphore, #tpu.memory_space<semaphore_mem>>) src(%dma_wait3A_665 : memref<10000x128xf32, #tpu.memory_space<hbm>>) dst(%arg23 : memref<40x128xf32, #tpu.memory_space<vmem>>)
        %add3A_666 = arith.constant 320000 : i32
        %add3A_667 = arith.addi %add3A_666, %mul3A_2 : i32
        %mul3A_668 = arith.constant 40 : i32
        %mul3A_669 = arith.muli %add3A_281, %mul3A_668 : i32
        %add3A_670 = arith.addi %add3A_667, %mul3A_669 : i32
        %dma_wait3A_671 = tpu.memref_slice %arg2[%add3A_670] : memref<640000xi32, #tpu.memory_space<hbm>> -> memref<40xi32, #tpu.memory_space<hbm>>
        %dma_wait3A_672 = tpu.memref_slice %arg2[%add3A_670] : memref<640000xi32, #tpu.memory_space<hbm>> -> memref<40xi32, #tpu.memory_space<hbm>>
        tpu.wait_dma2 semaphore(%arg52 : memref<!tpu.dma_semaphore, #tpu.memory_space<semaphore_mem>>) src(%dma_wait3A_672 : memref<40xi32, #tpu.memory_space<hbm>>) dst(%arg14 : memref<40xi32, #tpu.memory_space<vmem>>)
        %dma_start3A_673 = arith.constant 0 : i32
        %dma_start3A_674 = arith.constant 0 : i32
        %dma_start3A_675 = tpu.memref_slice %arg32[%dma_start3A_673, %dma_start3A_674] : memref<10000x128xf32, #tpu.memory_space<vmem_shared>> -> memref<10000x128xf32, #tpu.memory_space<vmem_shared>>
        tpu.enqueue_indirect_dma source(%arg23 : memref<40x128xf32, #tpu.memory_space<vmem>>) target(%dma_start3A_675 : memref<10000x128xf32, #tpu.memory_space<vmem_shared>>) offsets(%arg14 : memref<40xi32, #tpu.memory_space<vmem>>) semaphore(%arg42 : memref<!tpu.dma_semaphore, #tpu.memory_space<semaphore_mem>>) {add = true}
      } else {
      }
      %add3A_284 = arith.constant 9 : i32
      %add3A_285 = arith.addi %add3A_281, %add3A_284 : i32
      %lt3A_286 = arith.constant 250 : i32
      %lt3A_287 = arith.cmpi slt, %add3A_285, %lt3A_286 : i32
      %convert_element_type3A_288 = arith.extui %lt3A_287 : i1 to i32
      %cond3A_289 = arith.constant 0 : i32
      %cond3A_290 = arith.cmpi ne, %convert_element_type3A_288, %cond3A_289 : i32
      scf.if %cond3A_290 {
        %add3A_663 = arith.constant 9 : i32
        %add3A_664 = arith.addi %add3A_281, %add3A_663 : i32
        %mul3A_665 = arith.constant 40 : i32
        %mul3A_666 = arith.muli %add3A_664, %mul3A_665 : i32
        %add3A_667 = arith.addi %mul3A_2, %mul3A_666 : i32
        %dma_start3A_668 = tpu.memref_slice %arg2[%add3A_667] : memref<640000xi32, #tpu.memory_space<hbm>> -> memref<40xi32, #tpu.memory_space<hbm>>
        %dma_start3A_669 = tpu.memref_slice %arg2[%add3A_667] : memref<640000xi32, #tpu.memory_space<hbm>> -> memref<40xi32, #tpu.memory_space<hbm>>
        tpu.enqueue_dma source(%dma_start3A_669 : memref<40xi32, #tpu.memory_space<hbm>>) target(%arg5 : memref<40xi32, #tpu.memory_space<vmem>>) target_semaphore(%arg51 : memref<!tpu.dma_semaphore, #tpu.memory_space<semaphore_mem>>)
      } else {
      }
      %ge3A = arith.constant 2 : i32
      %ge3A_291 = arith.cmpi sge, %add3A_281, %ge3A : i32
      %sub3A_292 = arith.constant 2 : i32
      %sub3A_293 = arith.subi %add3A_281, %sub3A_292 : i32
      %lt3A_294 = arith.constant 250 : i32
      %lt3A_295 = arith.cmpi slt, %sub3A_293, %lt3A_294 : i32
      %and3A_296 = arith.andi %ge3A_291, %lt3A_295 : i1
      %convert_element_type3A_297 = arith.extui %and3A_296 : i1 to i32
      %cond3A_298 = arith.constant 0 : i32
      %cond3A_299 = arith.cmpi ne, %convert_element_type3A_297, %cond3A_298 : i32
      scf.if %cond3A_299 {
        %dma_wait3A_663 = arith.constant 0 : i32
        %dma_wait3A_664 = arith.constant 0 : i32
        %dma_wait3A_665 = tpu.memref_slice %arg32[%dma_wait3A_663, %dma_wait3A_664] : memref<10000x128xf32, #tpu.memory_space<vmem_shared>> -> memref<10000x128xf32, #tpu.memory_space<vmem_shared>>
        tpu.wait_indirect_dma semaphore(%arg49 : memref<!tpu.dma_semaphore, #tpu.memory_space<semaphore_mem>>) src(%arg30 : memref<40x128xf32, #tpu.memory_space<vmem>>) dst(%dma_wait3A_665 : memref<10000x128xf32, #tpu.memory_space<vmem_shared>>)
      } else {
      }
      %add3A_300 = arith.constant 7 : i32
      %add3A_301 = arith.addi %add3A_281, %add3A_300 : i32
      %ge3A_302 = arith.constant 9 : i32
      %ge3A_303 = arith.cmpi sge, %add3A_301, %ge3A_302 : i32
      %add3A_304 = arith.constant 7 : i32
      %add3A_305 = arith.addi %add3A_281, %add3A_304 : i32
      %lt3A_306 = arith.constant 250 : i32
      %lt3A_307 = arith.cmpi slt, %add3A_305, %lt3A_306 : i32
      %and3A_308 = arith.andi %ge3A_303, %lt3A_307 : i1
      %convert_element_type3A_309 = arith.extui %and3A_308 : i1 to i32
      %cond3A_310 = arith.constant 0 : i32
      %cond3A_311 = arith.cmpi ne, %convert_element_type3A_309, %cond3A_310 : i32
      scf.if %cond3A_311 {
        %add3A_663 = arith.constant 7 : i32
        %add3A_664 = arith.addi %add3A_281, %add3A_663 : i32
        %add3A_665 = arith.constant 320000 : i32
        %add3A_666 = arith.addi %add3A_665, %mul3A_2 : i32
        %mul3A_667 = arith.constant 40 : i32
        %mul3A_668 = arith.muli %add3A_664, %mul3A_667 : i32
        %add3A_669 = arith.addi %add3A_666, %mul3A_668 : i32
        %dma_start3A_670 = tpu.memref_slice %arg2[%add3A_669] : memref<640000xi32, #tpu.memory_space<hbm>> -> memref<40xi32, #tpu.memory_space<hbm>>
        %dma_start3A_671 = tpu.memref_slice %arg2[%add3A_669] : memref<640000xi32, #tpu.memory_space<hbm>> -> memref<40xi32, #tpu.memory_space<hbm>>
        tpu.enqueue_dma source(%dma_start3A_671 : memref<40xi32, #tpu.memory_space<hbm>>) target(%arg21 : memref<40xi32, #tpu.memory_space<vmem>>) target_semaphore(%arg52 : memref<!tpu.dma_semaphore, #tpu.memory_space<semaphore_mem>>)
      } else {
      }
      %add3A_312 = arith.constant 7 : i32
      %add3A_313 = arith.addi %add3A_281, %add3A_312 : i32
      %lt3A_314 = arith.constant 250 : i32
      %lt3A_315 = arith.cmpi slt, %add3A_313, %lt3A_314 : i32
      %convert_element_type3A_316 = arith.extui %lt3A_315 : i1 to i32
      %cond3A_317 = arith.constant 0 : i32
      %cond3A_318 = arith.cmpi ne, %convert_element_type3A_316, %cond3A_317 : i32
      scf.if %cond3A_318 {
        %add3A_663 = arith.constant 7 : i32
        %add3A_664 = arith.addi %add3A_281, %add3A_663 : i32
        %mul3A_665 = arith.constant 40 : i32
        %mul3A_666 = arith.muli %add3A_664, %mul3A_665 : i32
        %add3A_667 = arith.addi %mul3A_2, %mul3A_666 : i32
        %dma_wait3A_668 = tpu.memref_slice %arg2[%add3A_667] : memref<640000xi32, #tpu.memory_space<hbm>> -> memref<40xi32, #tpu.memory_space<hbm>>
        %dma_wait3A_669 = tpu.memref_slice %arg2[%add3A_667] : memref<640000xi32, #tpu.memory_space<hbm>> -> memref<40xi32, #tpu.memory_space<hbm>>
        tpu.wait_dma2 semaphore(%arg51 : memref<!tpu.dma_semaphore, #tpu.memory_space<semaphore_mem>>) src(%dma_wait3A_669 : memref<40xi32, #tpu.memory_space<hbm>>) dst(%arg12 : memref<40xi32, #tpu.memory_space<vmem>>)
        %dma_start3A_670 = arith.constant 0 : i32
        %dma_start3A_671 = arith.constant 0 : i32
        %dma_start3A_672 = tpu.memref_slice %arg3[%dma_start3A_670, %dma_start3A_671] : memref<10000x128xf32, #tpu.memory_space<hbm>> -> memref<10000x128xf32, #tpu.memory_space<hbm>>
        tpu.enqueue_indirect_dma source(%dma_start3A_672 : memref<10000x128xf32, #tpu.memory_space<hbm>>) target(%arg30 : memref<40x128xf32, #tpu.memory_space<vmem>>) offsets(%arg12 : memref<40xi32, #tpu.memory_space<vmem>>) semaphore(%arg40 : memref<!tpu.dma_semaphore, #tpu.memory_space<semaphore_mem>>)
      } else {
      }
      %add3A_319 = arith.constant 1 : i32
      %add3A_320 = arith.addi %add3A_279, %add3A_319 : i32
      %lt3A_321 = arith.constant 250 : i32
      %lt3A_322 = arith.cmpi slt, %add3A_320, %lt3A_321 : i32
      %convert_element_type3A_323 = arith.extui %lt3A_322 : i1 to i32
      %cond3A_324 = arith.constant 0 : i32
      %cond3A_325 = arith.cmpi ne, %convert_element_type3A_323, %cond3A_324 : i32
      scf.if %cond3A_325 {
        %dma_wait3A_663 = arith.constant 0 : i32
        %dma_wait3A_664 = arith.constant 0 : i32
        %dma_wait3A_665 = tpu.memref_slice %arg3[%dma_wait3A_663, %dma_wait3A_664] : memref<10000x128xf32, #tpu.memory_space<hbm>> -> memref<10000x128xf32, #tpu.memory_space<hbm>>
        tpu.wait_indirect_dma semaphore(%arg34 : memref<!tpu.dma_semaphore, #tpu.memory_space<semaphore_mem>>) src(%dma_wait3A_665 : memref<10000x128xf32, #tpu.memory_space<hbm>>) dst(%arg24 : memref<40x128xf32, #tpu.memory_space<vmem>>)
        %add3A_666 = arith.constant 320000 : i32
        %add3A_667 = arith.addi %add3A_666, %mul3A_2 : i32
        %mul3A_668 = arith.constant 40 : i32
        %mul3A_669 = arith.muli %add3A_320, %mul3A_668 : i32
        %add3A_670 = arith.addi %add3A_667, %mul3A_669 : i32
        %dma_wait3A_671 = tpu.memref_slice %arg2[%add3A_670] : memref<640000xi32, #tpu.memory_space<hbm>> -> memref<40xi32, #tpu.memory_space<hbm>>
        %dma_wait3A_672 = tpu.memref_slice %arg2[%add3A_670] : memref<640000xi32, #tpu.memory_space<hbm>> -> memref<40xi32, #tpu.memory_space<hbm>>
        tpu.wait_dma2 semaphore(%arg52 : memref<!tpu.dma_semaphore, #tpu.memory_space<semaphore_mem>>) src(%dma_wait3A_672 : memref<40xi32, #tpu.memory_space<hbm>>) dst(%arg15 : memref<40xi32, #tpu.memory_space<vmem>>)
        %dma_start3A_673 = arith.constant 0 : i32
        %dma_start3A_674 = arith.constant 0 : i32
        %dma_start3A_675 = tpu.memref_slice %arg32[%dma_start3A_673, %dma_start3A_674] : memref<10000x128xf32, #tpu.memory_space<vmem_shared>> -> memref<10000x128xf32, #tpu.memory_space<vmem_shared>>
        tpu.enqueue_indirect_dma source(%arg24 : memref<40x128xf32, #tpu.memory_space<vmem>>) target(%dma_start3A_675 : memref<10000x128xf32, #tpu.memory_space<vmem_shared>>) offsets(%arg15 : memref<40xi32, #tpu.memory_space<vmem>>) semaphore(%arg43 : memref<!tpu.dma_semaphore, #tpu.memory_space<semaphore_mem>>) {add = true}
      } else {
      }
      %add3A_326 = arith.constant 9 : i32
      %add3A_327 = arith.addi %add3A_320, %add3A_326 : i32
      %lt3A_328 = arith.constant 250 : i32
      %lt3A_329 = arith.cmpi slt, %add3A_327, %lt3A_328 : i32
      %convert_element_type3A_330 = arith.extui %lt3A_329 : i1 to i32
      %cond3A_331 = arith.constant 0 : i32
      %cond3A_332 = arith.cmpi ne, %convert_element_type3A_330, %cond3A_331 : i32
      scf.if %cond3A_332 {
        %add3A_663 = arith.constant 9 : i32
        %add3A_664 = arith.addi %add3A_320, %add3A_663 : i32
        %mul3A_665 = arith.constant 40 : i32
        %mul3A_666 = arith.muli %add3A_664, %mul3A_665 : i32
        %add3A_667 = arith.addi %mul3A_2, %mul3A_666 : i32
        %dma_start3A_668 = tpu.memref_slice %arg2[%add3A_667] : memref<640000xi32, #tpu.memory_space<hbm>> -> memref<40xi32, #tpu.memory_space<hbm>>
        %dma_start3A_669 = tpu.memref_slice %arg2[%add3A_667] : memref<640000xi32, #tpu.memory_space<hbm>> -> memref<40xi32, #tpu.memory_space<hbm>>
        tpu.enqueue_dma source(%dma_start3A_669 : memref<40xi32, #tpu.memory_space<hbm>>) target(%arg6 : memref<40xi32, #tpu.memory_space<vmem>>) target_semaphore(%arg51 : memref<!tpu.dma_semaphore, #tpu.memory_space<semaphore_mem>>)
      } else {
      }
      %ge3A_333 = arith.constant 2 : i32
      %ge3A_334 = arith.cmpi sge, %add3A_320, %ge3A_333 : i32
      %sub3A_335 = arith.constant 2 : i32
      %sub3A_336 = arith.subi %add3A_320, %sub3A_335 : i32
      %lt3A_337 = arith.constant 250 : i32
      %lt3A_338 = arith.cmpi slt, %sub3A_336, %lt3A_337 : i32
      %and3A_339 = arith.andi %ge3A_334, %lt3A_338 : i1
      %convert_element_type3A_340 = arith.extui %and3A_339 : i1 to i32
      %cond3A_341 = arith.constant 0 : i32
      %cond3A_342 = arith.cmpi ne, %convert_element_type3A_340, %cond3A_341 : i32
      scf.if %cond3A_342 {
        %dma_wait3A_663 = arith.constant 0 : i32
        %dma_wait3A_664 = arith.constant 0 : i32
        %dma_wait3A_665 = tpu.memref_slice %arg32[%dma_wait3A_663, %dma_wait3A_664] : memref<10000x128xf32, #tpu.memory_space<vmem_shared>> -> memref<10000x128xf32, #tpu.memory_space<vmem_shared>>
        tpu.wait_indirect_dma semaphore(%arg50 : memref<!tpu.dma_semaphore, #tpu.memory_space<semaphore_mem>>) src(%arg31 : memref<40x128xf32, #tpu.memory_space<vmem>>) dst(%dma_wait3A_665 : memref<10000x128xf32, #tpu.memory_space<vmem_shared>>)
      } else {
      }
      %add3A_343 = arith.constant 7 : i32
      %add3A_344 = arith.addi %add3A_320, %add3A_343 : i32
      %ge3A_345 = arith.constant 9 : i32
      %ge3A_346 = arith.cmpi sge, %add3A_344, %ge3A_345 : i32
      %add3A_347 = arith.constant 7 : i32
      %add3A_348 = arith.addi %add3A_320, %add3A_347 : i32
      %lt3A_349 = arith.constant 250 : i32
      %lt3A_350 = arith.cmpi slt, %add3A_348, %lt3A_349 : i32
      %and3A_351 = arith.andi %ge3A_346, %lt3A_350 : i1
      %convert_element_type3A_352 = arith.extui %and3A_351 : i1 to i32
      %cond3A_353 = arith.constant 0 : i32
      %cond3A_354 = arith.cmpi ne, %convert_element_type3A_352, %cond3A_353 : i32
      scf.if %cond3A_354 {
        %add3A_663 = arith.constant 7 : i32
        %add3A_664 = arith.addi %add3A_320, %add3A_663 : i32
        %add3A_665 = arith.constant 320000 : i32
        %add3A_666 = arith.addi %add3A_665, %mul3A_2 : i32
        %mul3A_667 = arith.constant 40 : i32
        %mul3A_668 = arith.muli %add3A_664, %mul3A_667 : i32
        %add3A_669 = arith.addi %add3A_666, %mul3A_668 : i32
        %dma_start3A_670 = tpu.memref_slice %arg2[%add3A_669] : memref<640000xi32, #tpu.memory_space<hbm>> -> memref<40xi32, #tpu.memory_space<hbm>>
        %dma_start3A_671 = tpu.memref_slice %arg2[%add3A_669] : memref<640000xi32, #tpu.memory_space<hbm>> -> memref<40xi32, #tpu.memory_space<hbm>>
        tpu.enqueue_dma source(%dma_start3A_671 : memref<40xi32, #tpu.memory_space<hbm>>) target(%arg22 : memref<40xi32, #tpu.memory_space<vmem>>) target_semaphore(%arg52 : memref<!tpu.dma_semaphore, #tpu.memory_space<semaphore_mem>>)
      } else {
      }
      %add3A_355 = arith.constant 7 : i32
      %add3A_356 = arith.addi %add3A_320, %add3A_355 : i32
      %lt3A_357 = arith.constant 250 : i32
      %lt3A_358 = arith.cmpi slt, %add3A_356, %lt3A_357 : i32
      %convert_element_type3A_359 = arith.extui %lt3A_358 : i1 to i32
      %cond3A_360 = arith.constant 0 : i32
      %cond3A_361 = arith.cmpi ne, %convert_element_type3A_359, %cond3A_360 : i32
      scf.if %cond3A_361 {
        %add3A_663 = arith.constant 7 : i32
        %add3A_664 = arith.addi %add3A_320, %add3A_663 : i32
        %mul3A_665 = arith.constant 40 : i32
        %mul3A_666 = arith.muli %add3A_664, %mul3A_665 : i32
        %add3A_667 = arith.addi %mul3A_2, %mul3A_666 : i32
        %dma_wait3A_668 = tpu.memref_slice %arg2[%add3A_667] : memref<640000xi32, #tpu.memory_space<hbm>> -> memref<40xi32, #tpu.memory_space<hbm>>
        %dma_wait3A_669 = tpu.memref_slice %arg2[%add3A_667] : memref<640000xi32, #tpu.memory_space<hbm>> -> memref<40xi32, #tpu.memory_space<hbm>>
        tpu.wait_dma2 semaphore(%arg51 : memref<!tpu.dma_semaphore, #tpu.memory_space<semaphore_mem>>) src(%dma_wait3A_669 : memref<40xi32, #tpu.memory_space<hbm>>) dst(%arg13 : memref<40xi32, #tpu.memory_space<vmem>>)
        %dma_start3A_670 = arith.constant 0 : i32
        %dma_start3A_671 = arith.constant 0 : i32
        %dma_start3A_672 = tpu.memref_slice %arg3[%dma_start3A_670, %dma_start3A_671] : memref<10000x128xf32, #tpu.memory_space<hbm>> -> memref<10000x128xf32, #tpu.memory_space<hbm>>
        tpu.enqueue_indirect_dma source(%dma_start3A_672 : memref<10000x128xf32, #tpu.memory_space<hbm>>) target(%arg31 : memref<40x128xf32, #tpu.memory_space<vmem>>) offsets(%arg13 : memref<40xi32, #tpu.memory_space<vmem>>) semaphore(%arg41 : memref<!tpu.dma_semaphore, #tpu.memory_space<semaphore_mem>>)
      } else {
      }
      %add3A_362 = arith.constant 2 : i32
      %add3A_363 = arith.addi %add3A_279, %add3A_362 : i32
      %lt3A_364 = arith.constant 250 : i32
      %lt3A_365 = arith.cmpi slt, %add3A_363, %lt3A_364 : i32
      %convert_element_type3A_366 = arith.extui %lt3A_365 : i1 to i32
      %cond3A_367 = arith.constant 0 : i32
      %cond3A_368 = arith.cmpi ne, %convert_element_type3A_366, %cond3A_367 : i32
      scf.if %cond3A_368 {
        %dma_wait3A_663 = arith.constant 0 : i32
        %dma_wait3A_664 = arith.constant 0 : i32
        %dma_wait3A_665 = tpu.memref_slice %arg3[%dma_wait3A_663, %dma_wait3A_664] : memref<10000x128xf32, #tpu.memory_space<hbm>> -> memref<10000x128xf32, #tpu.memory_space<hbm>>
        tpu.wait_indirect_dma semaphore(%arg35 : memref<!tpu.dma_semaphore, #tpu.memory_space<semaphore_mem>>) src(%dma_wait3A_665 : memref<10000x128xf32, #tpu.memory_space<hbm>>) dst(%arg25 : memref<40x128xf32, #tpu.memory_space<vmem>>)
        %add3A_666 = arith.constant 320000 : i32
        %add3A_667 = arith.addi %add3A_666, %mul3A_2 : i32
        %mul3A_668 = arith.constant 40 : i32
        %mul3A_669 = arith.muli %add3A_363, %mul3A_668 : i32
        %add3A_670 = arith.addi %add3A_667, %mul3A_669 : i32
        %dma_wait3A_671 = tpu.memref_slice %arg2[%add3A_670] : memref<640000xi32, #tpu.memory_space<hbm>> -> memref<40xi32, #tpu.memory_space<hbm>>
        %dma_wait3A_672 = tpu.memref_slice %arg2[%add3A_670] : memref<640000xi32, #tpu.memory_space<hbm>> -> memref<40xi32, #tpu.memory_space<hbm>>
        tpu.wait_dma2 semaphore(%arg52 : memref<!tpu.dma_semaphore, #tpu.memory_space<semaphore_mem>>) src(%dma_wait3A_672 : memref<40xi32, #tpu.memory_space<hbm>>) dst(%arg16 : memref<40xi32, #tpu.memory_space<vmem>>)
        %dma_start3A_673 = arith.constant 0 : i32
        %dma_start3A_674 = arith.constant 0 : i32
        %dma_start3A_675 = tpu.memref_slice %arg32[%dma_start3A_673, %dma_start3A_674] : memref<10000x128xf32, #tpu.memory_space<vmem_shared>> -> memref<10000x128xf32, #tpu.memory_space<vmem_shared>>
        tpu.enqueue_indirect_dma source(%arg25 : memref<40x128xf32, #tpu.memory_space<vmem>>) target(%dma_start3A_675 : memref<10000x128xf32, #tpu.memory_space<vmem_shared>>) offsets(%arg16 : memref<40xi32, #tpu.memory_space<vmem>>) semaphore(%arg44 : memref<!tpu.dma_semaphore, #tpu.memory_space<semaphore_mem>>) {add = true}
      } else {
      }
      %add3A_369 = arith.constant 9 : i32
      %add3A_370 = arith.addi %add3A_363, %add3A_369 : i32
      %lt3A_371 = arith.constant 250 : i32
      %lt3A_372 = arith.cmpi slt, %add3A_370, %lt3A_371 : i32
      %convert_element_type3A_373 = arith.extui %lt3A_372 : i1 to i32
      %cond3A_374 = arith.constant 0 : i32
      %cond3A_375 = arith.cmpi ne, %convert_element_type3A_373, %cond3A_374 : i32
      scf.if %cond3A_375 {
        %add3A_663 = arith.constant 9 : i32
        %add3A_664 = arith.addi %add3A_363, %add3A_663 : i32
        %mul3A_665 = arith.constant 40 : i32
        %mul3A_666 = arith.muli %add3A_664, %mul3A_665 : i32
        %add3A_667 = arith.addi %mul3A_2, %mul3A_666 : i32
        %dma_start3A_668 = tpu.memref_slice %arg2[%add3A_667] : memref<640000xi32, #tpu.memory_space<hbm>> -> memref<40xi32, #tpu.memory_space<hbm>>
        %dma_start3A_669 = tpu.memref_slice %arg2[%add3A_667] : memref<640000xi32, #tpu.memory_space<hbm>> -> memref<40xi32, #tpu.memory_space<hbm>>
        tpu.enqueue_dma source(%dma_start3A_669 : memref<40xi32, #tpu.memory_space<hbm>>) target(%arg7 : memref<40xi32, #tpu.memory_space<vmem>>) target_semaphore(%arg51 : memref<!tpu.dma_semaphore, #tpu.memory_space<semaphore_mem>>)
      } else {
      }
      %ge3A_376 = arith.constant 2 : i32
      %ge3A_377 = arith.cmpi sge, %add3A_363, %ge3A_376 : i32
      %sub3A_378 = arith.constant 2 : i32
      %sub3A_379 = arith.subi %add3A_363, %sub3A_378 : i32
      %lt3A_380 = arith.constant 250 : i32
      %lt3A_381 = arith.cmpi slt, %sub3A_379, %lt3A_380 : i32
      %and3A_382 = arith.andi %ge3A_377, %lt3A_381 : i1
      %convert_element_type3A_383 = arith.extui %and3A_382 : i1 to i32
      %cond3A_384 = arith.constant 0 : i32
      %cond3A_385 = arith.cmpi ne, %convert_element_type3A_383, %cond3A_384 : i32
      scf.if %cond3A_385 {
        %dma_wait3A_663 = arith.constant 0 : i32
        %dma_wait3A_664 = arith.constant 0 : i32
        %dma_wait3A_665 = tpu.memref_slice %arg32[%dma_wait3A_663, %dma_wait3A_664] : memref<10000x128xf32, #tpu.memory_space<vmem_shared>> -> memref<10000x128xf32, #tpu.memory_space<vmem_shared>>
        tpu.wait_indirect_dma semaphore(%arg42 : memref<!tpu.dma_semaphore, #tpu.memory_space<semaphore_mem>>) src(%arg23 : memref<40x128xf32, #tpu.memory_space<vmem>>) dst(%dma_wait3A_665 : memref<10000x128xf32, #tpu.memory_space<vmem_shared>>)
      } else {
      }
      %add3A_386 = arith.constant 7 : i32
      %add3A_387 = arith.addi %add3A_363, %add3A_386 : i32
      %ge3A_388 = arith.constant 9 : i32
      %ge3A_389 = arith.cmpi sge, %add3A_387, %ge3A_388 : i32
      %add3A_390 = arith.constant 7 : i32
      %add3A_391 = arith.addi %add3A_363, %add3A_390 : i32
      %lt3A_392 = arith.constant 250 : i32
      %lt3A_393 = arith.cmpi slt, %add3A_391, %lt3A_392 : i32
      %and3A_394 = arith.andi %ge3A_389, %lt3A_393 : i1
      %convert_element_type3A_395 = arith.extui %and3A_394 : i1 to i32
      %cond3A_396 = arith.constant 0 : i32
      %cond3A_397 = arith.cmpi ne, %convert_element_type3A_395, %cond3A_396 : i32
      scf.if %cond3A_397 {
        %add3A_663 = arith.constant 7 : i32
        %add3A_664 = arith.addi %add3A_363, %add3A_663 : i32
        %add3A_665 = arith.constant 320000 : i32
        %add3A_666 = arith.addi %add3A_665, %mul3A_2 : i32
        %mul3A_667 = arith.constant 40 : i32
        %mul3A_668 = arith.muli %add3A_664, %mul3A_667 : i32
        %add3A_669 = arith.addi %add3A_666, %mul3A_668 : i32
        %dma_start3A_670 = tpu.memref_slice %arg2[%add3A_669] : memref<640000xi32, #tpu.memory_space<hbm>> -> memref<40xi32, #tpu.memory_space<hbm>>
        %dma_start3A_671 = tpu.memref_slice %arg2[%add3A_669] : memref<640000xi32, #tpu.memory_space<hbm>> -> memref<40xi32, #tpu.memory_space<hbm>>
        tpu.enqueue_dma source(%dma_start3A_671 : memref<40xi32, #tpu.memory_space<hbm>>) target(%arg14 : memref<40xi32, #tpu.memory_space<vmem>>) target_semaphore(%arg52 : memref<!tpu.dma_semaphore, #tpu.memory_space<semaphore_mem>>)
      } else {
      }
      %add3A_398 = arith.constant 7 : i32
      %add3A_399 = arith.addi %add3A_363, %add3A_398 : i32
      %lt3A_400 = arith.constant 250 : i32
      %lt3A_401 = arith.cmpi slt, %add3A_399, %lt3A_400 : i32
      %convert_element_type3A_402 = arith.extui %lt3A_401 : i1 to i32
      %cond3A_403 = arith.constant 0 : i32
      %cond3A_404 = arith.cmpi ne, %convert_element_type3A_402, %cond3A_403 : i32
      scf.if %cond3A_404 {
        %add3A_663 = arith.constant 7 : i32
        %add3A_664 = arith.addi %add3A_363, %add3A_663 : i32
        %mul3A_665 = arith.constant 40 : i32
        %mul3A_666 = arith.muli %add3A_664, %mul3A_665 : i32
        %add3A_667 = arith.addi %mul3A_2, %mul3A_666 : i32
        %dma_wait3A_668 = tpu.memref_slice %arg2[%add3A_667] : memref<640000xi32, #tpu.memory_space<hbm>> -> memref<40xi32, #tpu.memory_space<hbm>>
        %dma_wait3A_669 = tpu.memref_slice %arg2[%add3A_667] : memref<640000xi32, #tpu.memory_space<hbm>> -> memref<40xi32, #tpu.memory_space<hbm>>
        tpu.wait_dma2 semaphore(%arg51 : memref<!tpu.dma_semaphore, #tpu.memory_space<semaphore_mem>>) src(%dma_wait3A_669 : memref<40xi32, #tpu.memory_space<hbm>>) dst(%arg5 : memref<40xi32, #tpu.memory_space<vmem>>)
        %dma_start3A_670 = arith.constant 0 : i32
        %dma_start3A_671 = arith.constant 0 : i32
        %dma_start3A_672 = tpu.memref_slice %arg3[%dma_start3A_670, %dma_start3A_671] : memref<10000x128xf32, #tpu.memory_space<hbm>> -> memref<10000x128xf32, #tpu.memory_space<hbm>>
        tpu.enqueue_indirect_dma source(%dma_start3A_672 : memref<10000x128xf32, #tpu.memory_space<hbm>>) target(%arg23 : memref<40x128xf32, #tpu.memory_space<vmem>>) offsets(%arg5 : memref<40xi32, #tpu.memory_space<vmem>>) semaphore(%arg33 : memref<!tpu.dma_semaphore, #tpu.memory_space<semaphore_mem>>)
      } else {
      }
      %add3A_405 = arith.constant 3 : i32
      %add3A_406 = arith.addi %add3A_279, %add3A_405 : i32
      %lt3A_407 = arith.constant 250 : i32
      %lt3A_408 = arith.cmpi slt, %add3A_406, %lt3A_407 : i32
      %convert_element_type3A_409 = arith.extui %lt3A_408 : i1 to i32
      %cond3A_410 = arith.constant 0 : i32
      %cond3A_411 = arith.cmpi ne, %convert_element_type3A_409, %cond3A_410 : i32
      scf.if %cond3A_411 {
        %dma_wait3A_663 = arith.constant 0 : i32
        %dma_wait3A_664 = arith.constant 0 : i32
        %dma_wait3A_665 = tpu.memref_slice %arg3[%dma_wait3A_663, %dma_wait3A_664] : memref<10000x128xf32, #tpu.memory_space<hbm>> -> memref<10000x128xf32, #tpu.memory_space<hbm>>
        tpu.wait_indirect_dma semaphore(%arg36 : memref<!tpu.dma_semaphore, #tpu.memory_space<semaphore_mem>>) src(%dma_wait3A_665 : memref<10000x128xf32, #tpu.memory_space<hbm>>) dst(%arg26 : memref<40x128xf32, #tpu.memory_space<vmem>>)
        %add3A_666 = arith.constant 320000 : i32
        %add3A_667 = arith.addi %add3A_666, %mul3A_2 : i32
        %mul3A_668 = arith.constant 40 : i32
        %mul3A_669 = arith.muli %add3A_406, %mul3A_668 : i32
        %add3A_670 = arith.addi %add3A_667, %mul3A_669 : i32
        %dma_wait3A_671 = tpu.memref_slice %arg2[%add3A_670] : memref<640000xi32, #tpu.memory_space<hbm>> -> memref<40xi32, #tpu.memory_space<hbm>>
        %dma_wait3A_672 = tpu.memref_slice %arg2[%add3A_670] : memref<640000xi32, #tpu.memory_space<hbm>> -> memref<40xi32, #tpu.memory_space<hbm>>
        tpu.wait_dma2 semaphore(%arg52 : memref<!tpu.dma_semaphore, #tpu.memory_space<semaphore_mem>>) src(%dma_wait3A_672 : memref<40xi32, #tpu.memory_space<hbm>>) dst(%arg17 : memref<40xi32, #tpu.memory_space<vmem>>)
        %dma_start3A_673 = arith.constant 0 : i32
        %dma_start3A_674 = arith.constant 0 : i32
        %dma_start3A_675 = tpu.memref_slice %arg32[%dma_start3A_673, %dma_start3A_674] : memref<10000x128xf32, #tpu.memory_space<vmem_shared>> -> memref<10000x128xf32, #tpu.memory_space<vmem_shared>>
        tpu.enqueue_indirect_dma source(%arg26 : memref<40x128xf32, #tpu.memory_space<vmem>>) target(%dma_start3A_675 : memref<10000x128xf32, #tpu.memory_space<vmem_shared>>) offsets(%arg17 : memref<40xi32, #tpu.memory_space<vmem>>) semaphore(%arg45 : memref<!tpu.dma_semaphore, #tpu.memory_space<semaphore_mem>>) {add = true}
      } else {
      }
      %add3A_412 = arith.constant 9 : i32
      %add3A_413 = arith.addi %add3A_406, %add3A_412 : i32
      %lt3A_414 = arith.constant 250 : i32
      %lt3A_415 = arith.cmpi slt, %add3A_413, %lt3A_414 : i32
      %convert_element_type3A_416 = arith.extui %lt3A_415 : i1 to i32
      %cond3A_417 = arith.constant 0 : i32
      %cond3A_418 = arith.cmpi ne, %convert_element_type3A_416, %cond3A_417 : i32
      scf.if %cond3A_418 {
        %add3A_663 = arith.constant 9 : i32
        %add3A_664 = arith.addi %add3A_406, %add3A_663 : i32
        %mul3A_665 = arith.constant 40 : i32
        %mul3A_666 = arith.muli %add3A_664, %mul3A_665 : i32
        %add3A_667 = arith.addi %mul3A_2, %mul3A_666 : i32
        %dma_start3A_668 = tpu.memref_slice %arg2[%add3A_667] : memref<640000xi32, #tpu.memory_space<hbm>> -> memref<40xi32, #tpu.memory_space<hbm>>
        %dma_start3A_669 = tpu.memref_slice %arg2[%add3A_667] : memref<640000xi32, #tpu.memory_space<hbm>> -> memref<40xi32, #tpu.memory_space<hbm>>
        tpu.enqueue_dma source(%dma_start3A_669 : memref<40xi32, #tpu.memory_space<hbm>>) target(%arg8 : memref<40xi32, #tpu.memory_space<vmem>>) target_semaphore(%arg51 : memref<!tpu.dma_semaphore, #tpu.memory_space<semaphore_mem>>)
      } else {
      }
      %ge3A_419 = arith.constant 2 : i32
      %ge3A_420 = arith.cmpi sge, %add3A_406, %ge3A_419 : i32
      %sub3A_421 = arith.constant 2 : i32
      %sub3A_422 = arith.subi %add3A_406, %sub3A_421 : i32
      %lt3A_423 = arith.constant 250 : i32
      %lt3A_424 = arith.cmpi slt, %sub3A_422, %lt3A_423 : i32
      %and3A_425 = arith.andi %ge3A_420, %lt3A_424 : i1
      %convert_element_type3A_426 = arith.extui %and3A_425 : i1 to i32
      %cond3A_427 = arith.constant 0 : i32
      %cond3A_428 = arith.cmpi ne, %convert_element_type3A_426, %cond3A_427 : i32
      scf.if %cond3A_428 {
        %dma_wait3A_663 = arith.constant 0 : i32
        %dma_wait3A_664 = arith.constant 0 : i32
        %dma_wait3A_665 = tpu.memref_slice %arg32[%dma_wait3A_663, %dma_wait3A_664] : memref<10000x128xf32, #tpu.memory_space<vmem_shared>> -> memref<10000x128xf32, #tpu.memory_space<vmem_shared>>
        tpu.wait_indirect_dma semaphore(%arg43 : memref<!tpu.dma_semaphore, #tpu.memory_space<semaphore_mem>>) src(%arg24 : memref<40x128xf32, #tpu.memory_space<vmem>>) dst(%dma_wait3A_665 : memref<10000x128xf32, #tpu.memory_space<vmem_shared>>)
      } else {
      }
      %add3A_429 = arith.constant 7 : i32
      %add3A_430 = arith.addi %add3A_406, %add3A_429 : i32
      %ge3A_431 = arith.constant 9 : i32
      %ge3A_432 = arith.cmpi sge, %add3A_430, %ge3A_431 : i32
      %add3A_433 = arith.constant 7 : i32
      %add3A_434 = arith.addi %add3A_406, %add3A_433 : i32
      %lt3A_435 = arith.constant 250 : i32
      %lt3A_436 = arith.cmpi slt, %add3A_434, %lt3A_435 : i32
      %and3A_437 = arith.andi %ge3A_432, %lt3A_436 : i1
      %convert_element_type3A_438 = arith.extui %and3A_437 : i1 to i32
      %cond3A_439 = arith.constant 0 : i32
      %cond3A_440 = arith.cmpi ne, %convert_element_type3A_438, %cond3A_439 : i32
      scf.if %cond3A_440 {
        %add3A_663 = arith.constant 7 : i32
        %add3A_664 = arith.addi %add3A_406, %add3A_663 : i32
        %add3A_665 = arith.constant 320000 : i32
        %add3A_666 = arith.addi %add3A_665, %mul3A_2 : i32
        %mul3A_667 = arith.constant 40 : i32
        %mul3A_668 = arith.muli %add3A_664, %mul3A_667 : i32
        %add3A_669 = arith.addi %add3A_666, %mul3A_668 : i32
        %dma_start3A_670 = tpu.memref_slice %arg2[%add3A_669] : memref<640000xi32, #tpu.memory_space<hbm>> -> memref<40xi32, #tpu.memory_space<hbm>>
        %dma_start3A_671 = tpu.memref_slice %arg2[%add3A_669] : memref<640000xi32, #tpu.memory_space<hbm>> -> memref<40xi32, #tpu.memory_space<hbm>>
        tpu.enqueue_dma source(%dma_start3A_671 : memref<40xi32, #tpu.memory_space<hbm>>) target(%arg15 : memref<40xi32, #tpu.memory_space<vmem>>) target_semaphore(%arg52 : memref<!tpu.dma_semaphore, #tpu.memory_space<semaphore_mem>>)
      } else {
      }
      %add3A_441 = arith.constant 7 : i32
      %add3A_442 = arith.addi %add3A_406, %add3A_441 : i32
      %lt3A_443 = arith.constant 250 : i32
      %lt3A_444 = arith.cmpi slt, %add3A_442, %lt3A_443 : i32
      %convert_element_type3A_445 = arith.extui %lt3A_444 : i1 to i32
      %cond3A_446 = arith.constant 0 : i32
      %cond3A_447 = arith.cmpi ne, %convert_element_type3A_445, %cond3A_446 : i32
      scf.if %cond3A_447 {
        %add3A_663 = arith.constant 7 : i32
        %add3A_664 = arith.addi %add3A_406, %add3A_663 : i32
        %mul3A_665 = arith.constant 40 : i32
        %mul3A_666 = arith.muli %add3A_664, %mul3A_665 : i32
        %add3A_667 = arith.addi %mul3A_2, %mul3A_666 : i32
        %dma_wait3A_668 = tpu.memref_slice %arg2[%add3A_667] : memref<640000xi32, #tpu.memory_space<hbm>> -> memref<40xi32, #tpu.memory_space<hbm>>
        %dma_wait3A_669 = tpu.memref_slice %arg2[%add3A_667] : memref<640000xi32, #tpu.memory_space<hbm>> -> memref<40xi32, #tpu.memory_space<hbm>>
        tpu.wait_dma2 semaphore(%arg51 : memref<!tpu.dma_semaphore, #tpu.memory_space<semaphore_mem>>) src(%dma_wait3A_669 : memref<40xi32, #tpu.memory_space<hbm>>) dst(%arg6 : memref<40xi32, #tpu.memory_space<vmem>>)
        %dma_start3A_670 = arith.constant 0 : i32
        %dma_start3A_671 = arith.constant 0 : i32
        %dma_start3A_672 = tpu.memref_slice %arg3[%dma_start3A_670, %dma_start3A_671] : memref<10000x128xf32, #tpu.memory_space<hbm>> -> memref<10000x128xf32, #tpu.memory_space<hbm>>
        tpu.enqueue_indirect_dma source(%dma_start3A_672 : memref<10000x128xf32, #tpu.memory_space<hbm>>) target(%arg24 : memref<40x128xf32, #tpu.memory_space<vmem>>) offsets(%arg6 : memref<40xi32, #tpu.memory_space<vmem>>) semaphore(%arg34 : memref<!tpu.dma_semaphore, #tpu.memory_space<semaphore_mem>>)
      } else {
      }
      %add3A_448 = arith.constant 4 : i32
      %add3A_449 = arith.addi %add3A_279, %add3A_448 : i32
      %lt3A_450 = arith.constant 250 : i32
      %lt3A_451 = arith.cmpi slt, %add3A_449, %lt3A_450 : i32
      %convert_element_type3A_452 = arith.extui %lt3A_451 : i1 to i32
      %cond3A_453 = arith.constant 0 : i32
      %cond3A_454 = arith.cmpi ne, %convert_element_type3A_452, %cond3A_453 : i32
      scf.if %cond3A_454 {
        %dma_wait3A_663 = arith.constant 0 : i32
        %dma_wait3A_664 = arith.constant 0 : i32
        %dma_wait3A_665 = tpu.memref_slice %arg3[%dma_wait3A_663, %dma_wait3A_664] : memref<10000x128xf32, #tpu.memory_space<hbm>> -> memref<10000x128xf32, #tpu.memory_space<hbm>>
        tpu.wait_indirect_dma semaphore(%arg37 : memref<!tpu.dma_semaphore, #tpu.memory_space<semaphore_mem>>) src(%dma_wait3A_665 : memref<10000x128xf32, #tpu.memory_space<hbm>>) dst(%arg27 : memref<40x128xf32, #tpu.memory_space<vmem>>)
        %add3A_666 = arith.constant 320000 : i32
        %add3A_667 = arith.addi %add3A_666, %mul3A_2 : i32
        %mul3A_668 = arith.constant 40 : i32
        %mul3A_669 = arith.muli %add3A_449, %mul3A_668 : i32
        %add3A_670 = arith.addi %add3A_667, %mul3A_669 : i32
        %dma_wait3A_671 = tpu.memref_slice %arg2[%add3A_670] : memref<640000xi32, #tpu.memory_space<hbm>> -> memref<40xi32, #tpu.memory_space<hbm>>
        %dma_wait3A_672 = tpu.memref_slice %arg2[%add3A_670] : memref<640000xi32, #tpu.memory_space<hbm>> -> memref<40xi32, #tpu.memory_space<hbm>>
        tpu.wait_dma2 semaphore(%arg52 : memref<!tpu.dma_semaphore, #tpu.memory_space<semaphore_mem>>) src(%dma_wait3A_672 : memref<40xi32, #tpu.memory_space<hbm>>) dst(%arg18 : memref<40xi32, #tpu.memory_space<vmem>>)
        %dma_start3A_673 = arith.constant 0 : i32
        %dma_start3A_674 = arith.constant 0 : i32
        %dma_start3A_675 = tpu.memref_slice %arg32[%dma_start3A_673, %dma_start3A_674] : memref<10000x128xf32, #tpu.memory_space<vmem_shared>> -> memref<10000x128xf32, #tpu.memory_space<vmem_shared>>
        tpu.enqueue_indirect_dma source(%arg27 : memref<40x128xf32, #tpu.memory_space<vmem>>) target(%dma_start3A_675 : memref<10000x128xf32, #tpu.memory_space<vmem_shared>>) offsets(%arg18 : memref<40xi32, #tpu.memory_space<vmem>>) semaphore(%arg46 : memref<!tpu.dma_semaphore, #tpu.memory_space<semaphore_mem>>) {add = true}
      } else {
      }
      %add3A_455 = arith.constant 9 : i32
      %add3A_456 = arith.addi %add3A_449, %add3A_455 : i32
      %lt3A_457 = arith.constant 250 : i32
      %lt3A_458 = arith.cmpi slt, %add3A_456, %lt3A_457 : i32
      %convert_element_type3A_459 = arith.extui %lt3A_458 : i1 to i32
      %cond3A_460 = arith.constant 0 : i32
      %cond3A_461 = arith.cmpi ne, %convert_element_type3A_459, %cond3A_460 : i32
      scf.if %cond3A_461 {
        %add3A_663 = arith.constant 9 : i32
        %add3A_664 = arith.addi %add3A_449, %add3A_663 : i32
        %mul3A_665 = arith.constant 40 : i32
        %mul3A_666 = arith.muli %add3A_664, %mul3A_665 : i32
        %add3A_667 = arith.addi %mul3A_2, %mul3A_666 : i32
        %dma_start3A_668 = tpu.memref_slice %arg2[%add3A_667] : memref<640000xi32, #tpu.memory_space<hbm>> -> memref<40xi32, #tpu.memory_space<hbm>>
        %dma_start3A_669 = tpu.memref_slice %arg2[%add3A_667] : memref<640000xi32, #tpu.memory_space<hbm>> -> memref<40xi32, #tpu.memory_space<hbm>>
        tpu.enqueue_dma source(%dma_start3A_669 : memref<40xi32, #tpu.memory_space<hbm>>) target(%arg9 : memref<40xi32, #tpu.memory_space<vmem>>) target_semaphore(%arg51 : memref<!tpu.dma_semaphore, #tpu.memory_space<semaphore_mem>>)
      } else {
      }
      %ge3A_462 = arith.constant 2 : i32
      %ge3A_463 = arith.cmpi sge, %add3A_449, %ge3A_462 : i32
      %sub3A_464 = arith.constant 2 : i32
      %sub3A_465 = arith.subi %add3A_449, %sub3A_464 : i32
      %lt3A_466 = arith.constant 250 : i32
      %lt3A_467 = arith.cmpi slt, %sub3A_465, %lt3A_466 : i32
      %and3A_468 = arith.andi %ge3A_463, %lt3A_467 : i1
      %convert_element_type3A_469 = arith.extui %and3A_468 : i1 to i32
      %cond3A_470 = arith.constant 0 : i32
      %cond3A_471 = arith.cmpi ne, %convert_element_type3A_469, %cond3A_470 : i32
      scf.if %cond3A_471 {
        %dma_wait3A_663 = arith.constant 0 : i32
        %dma_wait3A_664 = arith.constant 0 : i32
        %dma_wait3A_665 = tpu.memref_slice %arg32[%dma_wait3A_663, %dma_wait3A_664] : memref<10000x128xf32, #tpu.memory_space<vmem_shared>> -> memref<10000x128xf32, #tpu.memory_space<vmem_shared>>
        tpu.wait_indirect_dma semaphore(%arg44 : memref<!tpu.dma_semaphore, #tpu.memory_space<semaphore_mem>>) src(%arg25 : memref<40x128xf32, #tpu.memory_space<vmem>>) dst(%dma_wait3A_665 : memref<10000x128xf32, #tpu.memory_space<vmem_shared>>)
      } else {
      }
      %add3A_472 = arith.constant 7 : i32
      %add3A_473 = arith.addi %add3A_449, %add3A_472 : i32
      %ge3A_474 = arith.constant 9 : i32
      %ge3A_475 = arith.cmpi sge, %add3A_473, %ge3A_474 : i32
      %add3A_476 = arith.constant 7 : i32
      %add3A_477 = arith.addi %add3A_449, %add3A_476 : i32
      %lt3A_478 = arith.constant 250 : i32
      %lt3A_479 = arith.cmpi slt, %add3A_477, %lt3A_478 : i32
      %and3A_480 = arith.andi %ge3A_475, %lt3A_479 : i1
      %convert_element_type3A_481 = arith.extui %and3A_480 : i1 to i32
      %cond3A_482 = arith.constant 0 : i32
      %cond3A_483 = arith.cmpi ne, %convert_element_type3A_481, %cond3A_482 : i32
      scf.if %cond3A_483 {
        %add3A_663 = arith.constant 7 : i32
        %add3A_664 = arith.addi %add3A_449, %add3A_663 : i32
        %add3A_665 = arith.constant 320000 : i32
        %add3A_666 = arith.addi %add3A_665, %mul3A_2 : i32
        %mul3A_667 = arith.constant 40 : i32
        %mul3A_668 = arith.muli %add3A_664, %mul3A_667 : i32
        %add3A_669 = arith.addi %add3A_666, %mul3A_668 : i32
        %dma_start3A_670 = tpu.memref_slice %arg2[%add3A_669] : memref<640000xi32, #tpu.memory_space<hbm>> -> memref<40xi32, #tpu.memory_space<hbm>>
        %dma_start3A_671 = tpu.memref_slice %arg2[%add3A_669] : memref<640000xi32, #tpu.memory_space<hbm>> -> memref<40xi32, #tpu.memory_space<hbm>>
        tpu.enqueue_dma source(%dma_start3A_671 : memref<40xi32, #tpu.memory_space<hbm>>) target(%arg16 : memref<40xi32, #tpu.memory_space<vmem>>) target_semaphore(%arg52 : memref<!tpu.dma_semaphore, #tpu.memory_space<semaphore_mem>>)
      } else {
      }
      %add3A_484 = arith.constant 7 : i32
      %add3A_485 = arith.addi %add3A_449, %add3A_484 : i32
      %lt3A_486 = arith.constant 250 : i32
      %lt3A_487 = arith.cmpi slt, %add3A_485, %lt3A_486 : i32
      %convert_element_type3A_488 = arith.extui %lt3A_487 : i1 to i32
      %cond3A_489 = arith.constant 0 : i32
      %cond3A_490 = arith.cmpi ne, %convert_element_type3A_488, %cond3A_489 : i32
      scf.if %cond3A_490 {
        %add3A_663 = arith.constant 7 : i32
        %add3A_664 = arith.addi %add3A_449, %add3A_663 : i32
        %mul3A_665 = arith.constant 40 : i32
        %mul3A_666 = arith.muli %add3A_664, %mul3A_665 : i32
        %add3A_667 = arith.addi %mul3A_2, %mul3A_666 : i32
        %dma_wait3A_668 = tpu.memref_slice %arg2[%add3A_667] : memref<640000xi32, #tpu.memory_space<hbm>> -> memref<40xi32, #tpu.memory_space<hbm>>
        %dma_wait3A_669 = tpu.memref_slice %arg2[%add3A_667] : memref<640000xi32, #tpu.memory_space<hbm>> -> memref<40xi32, #tpu.memory_space<hbm>>
        tpu.wait_dma2 semaphore(%arg51 : memref<!tpu.dma_semaphore, #tpu.memory_space<semaphore_mem>>) src(%dma_wait3A_669 : memref<40xi32, #tpu.memory_space<hbm>>) dst(%arg7 : memref<40xi32, #tpu.memory_space<vmem>>)
        %dma_start3A_670 = arith.constant 0 : i32
        %dma_start3A_671 = arith.constant 0 : i32
        %dma_start3A_672 = tpu.memref_slice %arg3[%dma_start3A_670, %dma_start3A_671] : memref<10000x128xf32, #tpu.memory_space<hbm>> -> memref<10000x128xf32, #tpu.memory_space<hbm>>
        tpu.enqueue_indirect_dma source(%dma_start3A_672 : memref<10000x128xf32, #tpu.memory_space<hbm>>) target(%arg25 : memref<40x128xf32, #tpu.memory_space<vmem>>) offsets(%arg7 : memref<40xi32, #tpu.memory_space<vmem>>) semaphore(%arg35 : memref<!tpu.dma_semaphore, #tpu.memory_space<semaphore_mem>>)
      } else {
      }
      %add3A_491 = arith.constant 5 : i32
      %add3A_492 = arith.addi %add3A_279, %add3A_491 : i32
      %lt3A_493 = arith.constant 250 : i32
      %lt3A_494 = arith.cmpi slt, %add3A_492, %lt3A_493 : i32
      %convert_element_type3A_495 = arith.extui %lt3A_494 : i1 to i32
      %cond3A_496 = arith.constant 0 : i32
      %cond3A_497 = arith.cmpi ne, %convert_element_type3A_495, %cond3A_496 : i32
      scf.if %cond3A_497 {
        %dma_wait3A_663 = arith.constant 0 : i32
        %dma_wait3A_664 = arith.constant 0 : i32
        %dma_wait3A_665 = tpu.memref_slice %arg3[%dma_wait3A_663, %dma_wait3A_664] : memref<10000x128xf32, #tpu.memory_space<hbm>> -> memref<10000x128xf32, #tpu.memory_space<hbm>>
        tpu.wait_indirect_dma semaphore(%arg38 : memref<!tpu.dma_semaphore, #tpu.memory_space<semaphore_mem>>) src(%dma_wait3A_665 : memref<10000x128xf32, #tpu.memory_space<hbm>>) dst(%arg28 : memref<40x128xf32, #tpu.memory_space<vmem>>)
        %add3A_666 = arith.constant 320000 : i32
        %add3A_667 = arith.addi %add3A_666, %mul3A_2 : i32
        %mul3A_668 = arith.constant 40 : i32
        %mul3A_669 = arith.muli %add3A_492, %mul3A_668 : i32
        %add3A_670 = arith.addi %add3A_667, %mul3A_669 : i32
        %dma_wait3A_671 = tpu.memref_slice %arg2[%add3A_670] : memref<640000xi32, #tpu.memory_space<hbm>> -> memref<40xi32, #tpu.memory_space<hbm>>
        %dma_wait3A_672 = tpu.memref_slice %arg2[%add3A_670] : memref<640000xi32, #tpu.memory_space<hbm>> -> memref<40xi32, #tpu.memory_space<hbm>>
        tpu.wait_dma2 semaphore(%arg52 : memref<!tpu.dma_semaphore, #tpu.memory_space<semaphore_mem>>) src(%dma_wait3A_672 : memref<40xi32, #tpu.memory_space<hbm>>) dst(%arg19 : memref<40xi32, #tpu.memory_space<vmem>>)
        %dma_start3A_673 = arith.constant 0 : i32
        %dma_start3A_674 = arith.constant 0 : i32
        %dma_start3A_675 = tpu.memref_slice %arg32[%dma_start3A_673, %dma_start3A_674] : memref<10000x128xf32, #tpu.memory_space<vmem_shared>> -> memref<10000x128xf32, #tpu.memory_space<vmem_shared>>
        tpu.enqueue_indirect_dma source(%arg28 : memref<40x128xf32, #tpu.memory_space<vmem>>) target(%dma_start3A_675 : memref<10000x128xf32, #tpu.memory_space<vmem_shared>>) offsets(%arg19 : memref<40xi32, #tpu.memory_space<vmem>>) semaphore(%arg47 : memref<!tpu.dma_semaphore, #tpu.memory_space<semaphore_mem>>) {add = true}
      } else {
      }
      %add3A_498 = arith.constant 9 : i32
      %add3A_499 = arith.addi %add3A_492, %add3A_498 : i32
      %lt3A_500 = arith.constant 250 : i32
      %lt3A_501 = arith.cmpi slt, %add3A_499, %lt3A_500 : i32
      %convert_element_type3A_502 = arith.extui %lt3A_501 : i1 to i32
      %cond3A_503 = arith.constant 0 : i32
      %cond3A_504 = arith.cmpi ne, %convert_element_type3A_502, %cond3A_503 : i32
      scf.if %cond3A_504 {
        %add3A_663 = arith.constant 9 : i32
        %add3A_664 = arith.addi %add3A_492, %add3A_663 : i32
        %mul3A_665 = arith.constant 40 : i32
        %mul3A_666 = arith.muli %add3A_664, %mul3A_665 : i32
        %add3A_667 = arith.addi %mul3A_2, %mul3A_666 : i32
        %dma_start3A_668 = tpu.memref_slice %arg2[%add3A_667] : memref<640000xi32, #tpu.memory_space<hbm>> -> memref<40xi32, #tpu.memory_space<hbm>>
        %dma_start3A_669 = tpu.memref_slice %arg2[%add3A_667] : memref<640000xi32, #tpu.memory_space<hbm>> -> memref<40xi32, #tpu.memory_space<hbm>>
        tpu.enqueue_dma source(%dma_start3A_669 : memref<40xi32, #tpu.memory_space<hbm>>) target(%arg10 : memref<40xi32, #tpu.memory_space<vmem>>) target_semaphore(%arg51 : memref<!tpu.dma_semaphore, #tpu.memory_space<semaphore_mem>>)
      } else {
      }
      %ge3A_505 = arith.constant 2 : i32
      %ge3A_506 = arith.cmpi sge, %add3A_492, %ge3A_505 : i32
      %sub3A_507 = arith.constant 2 : i32
      %sub3A_508 = arith.subi %add3A_492, %sub3A_507 : i32
      %lt3A_509 = arith.constant 250 : i32
      %lt3A_510 = arith.cmpi slt, %sub3A_508, %lt3A_509 : i32
      %and3A_511 = arith.andi %ge3A_506, %lt3A_510 : i1
      %convert_element_type3A_512 = arith.extui %and3A_511 : i1 to i32
      %cond3A_513 = arith.constant 0 : i32
      %cond3A_514 = arith.cmpi ne, %convert_element_type3A_512, %cond3A_513 : i32
      scf.if %cond3A_514 {
        %dma_wait3A_663 = arith.constant 0 : i32
        %dma_wait3A_664 = arith.constant 0 : i32
        %dma_wait3A_665 = tpu.memref_slice %arg32[%dma_wait3A_663, %dma_wait3A_664] : memref<10000x128xf32, #tpu.memory_space<vmem_shared>> -> memref<10000x128xf32, #tpu.memory_space<vmem_shared>>
        tpu.wait_indirect_dma semaphore(%arg45 : memref<!tpu.dma_semaphore, #tpu.memory_space<semaphore_mem>>) src(%arg26 : memref<40x128xf32, #tpu.memory_space<vmem>>) dst(%dma_wait3A_665 : memref<10000x128xf32, #tpu.memory_space<vmem_shared>>)
      } else {
      }
      %add3A_515 = arith.constant 7 : i32
      %add3A_516 = arith.addi %add3A_492, %add3A_515 : i32
      %ge3A_517 = arith.constant 9 : i32
      %ge3A_518 = arith.cmpi sge, %add3A_516, %ge3A_517 : i32
      %add3A_519 = arith.constant 7 : i32
      %add3A_520 = arith.addi %add3A_492, %add3A_519 : i32
      %lt3A_521 = arith.constant 250 : i32
      %lt3A_522 = arith.cmpi slt, %add3A_520, %lt3A_521 : i32
      %and3A_523 = arith.andi %ge3A_518, %lt3A_522 : i1
      %convert_element_type3A_524 = arith.extui %and3A_523 : i1 to i32
      %cond3A_525 = arith.constant 0 : i32
      %cond3A_526 = arith.cmpi ne, %convert_element_type3A_524, %cond3A_525 : i32
      scf.if %cond3A_526 {
        %add3A_663 = arith.constant 7 : i32
        %add3A_664 = arith.addi %add3A_492, %add3A_663 : i32
        %add3A_665 = arith.constant 320000 : i32
        %add3A_666 = arith.addi %add3A_665, %mul3A_2 : i32
        %mul3A_667 = arith.constant 40 : i32
        %mul3A_668 = arith.muli %add3A_664, %mul3A_667 : i32
        %add3A_669 = arith.addi %add3A_666, %mul3A_668 : i32
        %dma_start3A_670 = tpu.memref_slice %arg2[%add3A_669] : memref<640000xi32, #tpu.memory_space<hbm>> -> memref<40xi32, #tpu.memory_space<hbm>>
        %dma_start3A_671 = tpu.memref_slice %arg2[%add3A_669] : memref<640000xi32, #tpu.memory_space<hbm>> -> memref<40xi32, #tpu.memory_space<hbm>>
        tpu.enqueue_dma source(%dma_start3A_671 : memref<40xi32, #tpu.memory_space<hbm>>) target(%arg17 : memref<40xi32, #tpu.memory_space<vmem>>) target_semaphore(%arg52 : memref<!tpu.dma_semaphore, #tpu.memory_space<semaphore_mem>>)
      } else {
      }
      %add3A_527 = arith.constant 7 : i32
      %add3A_528 = arith.addi %add3A_492, %add3A_527 : i32
      %lt3A_529 = arith.constant 250 : i32
      %lt3A_530 = arith.cmpi slt, %add3A_528, %lt3A_529 : i32
      %convert_element_type3A_531 = arith.extui %lt3A_530 : i1 to i32
      %cond3A_532 = arith.constant 0 : i32
      %cond3A_533 = arith.cmpi ne, %convert_element_type3A_531, %cond3A_532 : i32
      scf.if %cond3A_533 {
        %add3A_663 = arith.constant 7 : i32
        %add3A_664 = arith.addi %add3A_492, %add3A_663 : i32
        %mul3A_665 = arith.constant 40 : i32
        %mul3A_666 = arith.muli %add3A_664, %mul3A_665 : i32
        %add3A_667 = arith.addi %mul3A_2, %mul3A_666 : i32
        %dma_wait3A_668 = tpu.memref_slice %arg2[%add3A_667] : memref<640000xi32, #tpu.memory_space<hbm>> -> memref<40xi32, #tpu.memory_space<hbm>>
        %dma_wait3A_669 = tpu.memref_slice %arg2[%add3A_667] : memref<640000xi32, #tpu.memory_space<hbm>> -> memref<40xi32, #tpu.memory_space<hbm>>
        tpu.wait_dma2 semaphore(%arg51 : memref<!tpu.dma_semaphore, #tpu.memory_space<semaphore_mem>>) src(%dma_wait3A_669 : memref<40xi32, #tpu.memory_space<hbm>>) dst(%arg8 : memref<40xi32, #tpu.memory_space<vmem>>)
        %dma_start3A_670 = arith.constant 0 : i32
        %dma_start3A_671 = arith.constant 0 : i32
        %dma_start3A_672 = tpu.memref_slice %arg3[%dma_start3A_670, %dma_start3A_671] : memref<10000x128xf32, #tpu.memory_space<hbm>> -> memref<10000x128xf32, #tpu.memory_space<hbm>>
        tpu.enqueue_indirect_dma source(%dma_start3A_672 : memref<10000x128xf32, #tpu.memory_space<hbm>>) target(%arg26 : memref<40x128xf32, #tpu.memory_space<vmem>>) offsets(%arg8 : memref<40xi32, #tpu.memory_space<vmem>>) semaphore(%arg36 : memref<!tpu.dma_semaphore, #tpu.memory_space<semaphore_mem>>)
      } else {
      }
      %add3A_534 = arith.constant 6 : i32
      %add3A_535 = arith.addi %add3A_279, %add3A_534 : i32
      %lt3A_536 = arith.constant 250 : i32
      %lt3A_537 = arith.cmpi slt, %add3A_535, %lt3A_536 : i32
      %convert_element_type3A_538 = arith.extui %lt3A_537 : i1 to i32
      %cond3A_539 = arith.constant 0 : i32
      %cond3A_540 = arith.cmpi ne, %convert_element_type3A_538, %cond3A_539 : i32
      scf.if %cond3A_540 {
        %dma_wait3A_663 = arith.constant 0 : i32
        %dma_wait3A_664 = arith.constant 0 : i32
        %dma_wait3A_665 = tpu.memref_slice %arg3[%dma_wait3A_663, %dma_wait3A_664] : memref<10000x128xf32, #tpu.memory_space<hbm>> -> memref<10000x128xf32, #tpu.memory_space<hbm>>
        tpu.wait_indirect_dma semaphore(%arg39 : memref<!tpu.dma_semaphore, #tpu.memory_space<semaphore_mem>>) src(%dma_wait3A_665 : memref<10000x128xf32, #tpu.memory_space<hbm>>) dst(%arg29 : memref<40x128xf32, #tpu.memory_space<vmem>>)
        %add3A_666 = arith.constant 320000 : i32
        %add3A_667 = arith.addi %add3A_666, %mul3A_2 : i32
        %mul3A_668 = arith.constant 40 : i32
        %mul3A_669 = arith.muli %add3A_535, %mul3A_668 : i32
        %add3A_670 = arith.addi %add3A_667, %mul3A_669 : i32
        %dma_wait3A_671 = tpu.memref_slice %arg2[%add3A_670] : memref<640000xi32, #tpu.memory_space<hbm>> -> memref<40xi32, #tpu.memory_space<hbm>>
        %dma_wait3A_672 = tpu.memref_slice %arg2[%add3A_670] : memref<640000xi32, #tpu.memory_space<hbm>> -> memref<40xi32, #tpu.memory_space<hbm>>
        tpu.wait_dma2 semaphore(%arg52 : memref<!tpu.dma_semaphore, #tpu.memory_space<semaphore_mem>>) src(%dma_wait3A_672 : memref<40xi32, #tpu.memory_space<hbm>>) dst(%arg20 : memref<40xi32, #tpu.memory_space<vmem>>)
        %dma_start3A_673 = arith.constant 0 : i32
        %dma_start3A_674 = arith.constant 0 : i32
        %dma_start3A_675 = tpu.memref_slice %arg32[%dma_start3A_673, %dma_start3A_674] : memref<10000x128xf32, #tpu.memory_space<vmem_shared>> -> memref<10000x128xf32, #tpu.memory_space<vmem_shared>>
        tpu.enqueue_indirect_dma source(%arg29 : memref<40x128xf32, #tpu.memory_space<vmem>>) target(%dma_start3A_675 : memref<10000x128xf32, #tpu.memory_space<vmem_shared>>) offsets(%arg20 : memref<40xi32, #tpu.memory_space<vmem>>) semaphore(%arg48 : memref<!tpu.dma_semaphore, #tpu.memory_space<semaphore_mem>>) {add = true}
      } else {
      }
      %add3A_541 = arith.constant 9 : i32
      %add3A_542 = arith.addi %add3A_535, %add3A_541 : i32
      %lt3A_543 = arith.constant 250 : i32
      %lt3A_544 = arith.cmpi slt, %add3A_542, %lt3A_543 : i32
      %convert_element_type3A_545 = arith.extui %lt3A_544 : i1 to i32
      %cond3A_546 = arith.constant 0 : i32
      %cond3A_547 = arith.cmpi ne, %convert_element_type3A_545, %cond3A_546 : i32
      scf.if %cond3A_547 {
        %add3A_663 = arith.constant 9 : i32
        %add3A_664 = arith.addi %add3A_535, %add3A_663 : i32
        %mul3A_665 = arith.constant 40 : i32
        %mul3A_666 = arith.muli %add3A_664, %mul3A_665 : i32
        %add3A_667 = arith.addi %mul3A_2, %mul3A_666 : i32
        %dma_start3A_668 = tpu.memref_slice %arg2[%add3A_667] : memref<640000xi32, #tpu.memory_space<hbm>> -> memref<40xi32, #tpu.memory_space<hbm>>
        %dma_start3A_669 = tpu.memref_slice %arg2[%add3A_667] : memref<640000xi32, #tpu.memory_space<hbm>> -> memref<40xi32, #tpu.memory_space<hbm>>
        tpu.enqueue_dma source(%dma_start3A_669 : memref<40xi32, #tpu.memory_space<hbm>>) target(%arg11 : memref<40xi32, #tpu.memory_space<vmem>>) target_semaphore(%arg51 : memref<!tpu.dma_semaphore, #tpu.memory_space<semaphore_mem>>)
      } else {
      }
      %ge3A_548 = arith.constant 2 : i32
      %ge3A_549 = arith.cmpi sge, %add3A_535, %ge3A_548 : i32
      %sub3A_550 = arith.constant 2 : i32
      %sub3A_551 = arith.subi %add3A_535, %sub3A_550 : i32
      %lt3A_552 = arith.constant 250 : i32
      %lt3A_553 = arith.cmpi slt, %sub3A_551, %lt3A_552 : i32
      %and3A_554 = arith.andi %ge3A_549, %lt3A_553 : i1
      %convert_element_type3A_555 = arith.extui %and3A_554 : i1 to i32
      %cond3A_556 = arith.constant 0 : i32
      %cond3A_557 = arith.cmpi ne, %convert_element_type3A_555, %cond3A_556 : i32
      scf.if %cond3A_557 {
        %dma_wait3A_663 = arith.constant 0 : i32
        %dma_wait3A_664 = arith.constant 0 : i32
        %dma_wait3A_665 = tpu.memref_slice %arg32[%dma_wait3A_663, %dma_wait3A_664] : memref<10000x128xf32, #tpu.memory_space<vmem_shared>> -> memref<10000x128xf32, #tpu.memory_space<vmem_shared>>
        tpu.wait_indirect_dma semaphore(%arg46 : memref<!tpu.dma_semaphore, #tpu.memory_space<semaphore_mem>>) src(%arg27 : memref<40x128xf32, #tpu.memory_space<vmem>>) dst(%dma_wait3A_665 : memref<10000x128xf32, #tpu.memory_space<vmem_shared>>)
      } else {
      }
      %add3A_558 = arith.constant 7 : i32
      %add3A_559 = arith.addi %add3A_535, %add3A_558 : i32
      %ge3A_560 = arith.constant 9 : i32
      %ge3A_561 = arith.cmpi sge, %add3A_559, %ge3A_560 : i32
      %add3A_562 = arith.constant 7 : i32
      %add3A_563 = arith.addi %add3A_535, %add3A_562 : i32
      %lt3A_564 = arith.constant 250 : i32
      %lt3A_565 = arith.cmpi slt, %add3A_563, %lt3A_564 : i32
      %and3A_566 = arith.andi %ge3A_561, %lt3A_565 : i1
      %convert_element_type3A_567 = arith.extui %and3A_566 : i1 to i32
      %cond3A_568 = arith.constant 0 : i32
      %cond3A_569 = arith.cmpi ne, %convert_element_type3A_567, %cond3A_568 : i32
      scf.if %cond3A_569 {
        %add3A_663 = arith.constant 7 : i32
        %add3A_664 = arith.addi %add3A_535, %add3A_663 : i32
        %add3A_665 = arith.constant 320000 : i32
        %add3A_666 = arith.addi %add3A_665, %mul3A_2 : i32
        %mul3A_667 = arith.constant 40 : i32
        %mul3A_668 = arith.muli %add3A_664, %mul3A_667 : i32
        %add3A_669 = arith.addi %add3A_666, %mul3A_668 : i32
        %dma_start3A_670 = tpu.memref_slice %arg2[%add3A_669] : memref<640000xi32, #tpu.memory_space<hbm>> -> memref<40xi32, #tpu.memory_space<hbm>>
        %dma_start3A_671 = tpu.memref_slice %arg2[%add3A_669] : memref<640000xi32, #tpu.memory_space<hbm>> -> memref<40xi32, #tpu.memory_space<hbm>>
        tpu.enqueue_dma source(%dma_start3A_671 : memref<40xi32, #tpu.memory_space<hbm>>) target(%arg18 : memref<40xi32, #tpu.memory_space<vmem>>) target_semaphore(%arg52 : memref<!tpu.dma_semaphore, #tpu.memory_space<semaphore_mem>>)
      } else {
      }
      %add3A_570 = arith.constant 7 : i32
      %add3A_571 = arith.addi %add3A_535, %add3A_570 : i32
      %lt3A_572 = arith.constant 250 : i32
      %lt3A_573 = arith.cmpi slt, %add3A_571, %lt3A_572 : i32
      %convert_element_type3A_574 = arith.extui %lt3A_573 : i1 to i32
      %cond3A_575 = arith.constant 0 : i32
      %cond3A_576 = arith.cmpi ne, %convert_element_type3A_574, %cond3A_575 : i32
      scf.if %cond3A_576 {
        %add3A_663 = arith.constant 7 : i32
        %add3A_664 = arith.addi %add3A_535, %add3A_663 : i32
        %mul3A_665 = arith.constant 40 : i32
        %mul3A_666 = arith.muli %add3A_664, %mul3A_665 : i32
        %add3A_667 = arith.addi %mul3A_2, %mul3A_666 : i32
        %dma_wait3A_668 = tpu.memref_slice %arg2[%add3A_667] : memref<640000xi32, #tpu.memory_space<hbm>> -> memref<40xi32, #tpu.memory_space<hbm>>
        %dma_wait3A_669 = tpu.memref_slice %arg2[%add3A_667] : memref<640000xi32, #tpu.memory_space<hbm>> -> memref<40xi32, #tpu.memory_space<hbm>>
        tpu.wait_dma2 semaphore(%arg51 : memref<!tpu.dma_semaphore, #tpu.memory_space<semaphore_mem>>) src(%dma_wait3A_669 : memref<40xi32, #tpu.memory_space<hbm>>) dst(%arg9 : memref<40xi32, #tpu.memory_space<vmem>>)
        %dma_start3A_670 = arith.constant 0 : i32
        %dma_start3A_671 = arith.constant 0 : i32
        %dma_start3A_672 = tpu.memref_slice %arg3[%dma_start3A_670, %dma_start3A_671] : memref<10000x128xf32, #tpu.memory_space<hbm>> -> memref<10000x128xf32, #tpu.memory_space<hbm>>
        tpu.enqueue_indirect_dma source(%dma_start3A_672 : memref<10000x128xf32, #tpu.memory_space<hbm>>) target(%arg27 : memref<40x128xf32, #tpu.memory_space<vmem>>) offsets(%arg9 : memref<40xi32, #tpu.memory_space<vmem>>) semaphore(%arg37 : memref<!tpu.dma_semaphore, #tpu.memory_space<semaphore_mem>>)
      } else {
      }
      %add3A_577 = arith.constant 7 : i32
      %add3A_578 = arith.addi %add3A_279, %add3A_577 : i32
      %lt3A_579 = arith.constant 250 : i32
      %lt3A_580 = arith.cmpi slt, %add3A_578, %lt3A_579 : i32
      %convert_element_type3A_581 = arith.extui %lt3A_580 : i1 to i32
      %cond3A_582 = arith.constant 0 : i32
      %cond3A_583 = arith.cmpi ne, %convert_element_type3A_581, %cond3A_582 : i32
      scf.if %cond3A_583 {
        %dma_wait3A_663 = arith.constant 0 : i32
        %dma_wait3A_664 = arith.constant 0 : i32
        %dma_wait3A_665 = tpu.memref_slice %arg3[%dma_wait3A_663, %dma_wait3A_664] : memref<10000x128xf32, #tpu.memory_space<hbm>> -> memref<10000x128xf32, #tpu.memory_space<hbm>>
        tpu.wait_indirect_dma semaphore(%arg40 : memref<!tpu.dma_semaphore, #tpu.memory_space<semaphore_mem>>) src(%dma_wait3A_665 : memref<10000x128xf32, #tpu.memory_space<hbm>>) dst(%arg30 : memref<40x128xf32, #tpu.memory_space<vmem>>)
        %add3A_666 = arith.constant 320000 : i32
        %add3A_667 = arith.addi %add3A_666, %mul3A_2 : i32
        %mul3A_668 = arith.constant 40 : i32
        %mul3A_669 = arith.muli %add3A_578, %mul3A_668 : i32
        %add3A_670 = arith.addi %add3A_667, %mul3A_669 : i32
        %dma_wait3A_671 = tpu.memref_slice %arg2[%add3A_670] : memref<640000xi32, #tpu.memory_space<hbm>> -> memref<40xi32, #tpu.memory_space<hbm>>
        %dma_wait3A_672 = tpu.memref_slice %arg2[%add3A_670] : memref<640000xi32, #tpu.memory_space<hbm>> -> memref<40xi32, #tpu.memory_space<hbm>>
        tpu.wait_dma2 semaphore(%arg52 : memref<!tpu.dma_semaphore, #tpu.memory_space<semaphore_mem>>) src(%dma_wait3A_672 : memref<40xi32, #tpu.memory_space<hbm>>) dst(%arg21 : memref<40xi32, #tpu.memory_space<vmem>>)
        %dma_start3A_673 = arith.constant 0 : i32
        %dma_start3A_674 = arith.constant 0 : i32
        %dma_start3A_675 = tpu.memref_slice %arg32[%dma_start3A_673, %dma_start3A_674] : memref<10000x128xf32, #tpu.memory_space<vmem_shared>> -> memref<10000x128xf32, #tpu.memory_space<vmem_shared>>
        tpu.enqueue_indirect_dma source(%arg30 : memref<40x128xf32, #tpu.memory_space<vmem>>) target(%dma_start3A_675 : memref<10000x128xf32, #tpu.memory_space<vmem_shared>>) offsets(%arg21 : memref<40xi32, #tpu.memory_space<vmem>>) semaphore(%arg49 : memref<!tpu.dma_semaphore, #tpu.memory_space<semaphore_mem>>) {add = true}
      } else {
      }
      %add3A_584 = arith.constant 9 : i32
      %add3A_585 = arith.addi %add3A_578, %add3A_584 : i32
      %lt3A_586 = arith.constant 250 : i32
      %lt3A_587 = arith.cmpi slt, %add3A_585, %lt3A_586 : i32
      %convert_element_type3A_588 = arith.extui %lt3A_587 : i1 to i32
      %cond3A_589 = arith.constant 0 : i32
      %cond3A_590 = arith.cmpi ne, %convert_element_type3A_588, %cond3A_589 : i32
      scf.if %cond3A_590 {
        %add3A_663 = arith.constant 9 : i32
        %add3A_664 = arith.addi %add3A_578, %add3A_663 : i32
        %mul3A_665 = arith.constant 40 : i32
        %mul3A_666 = arith.muli %add3A_664, %mul3A_665 : i32
        %add3A_667 = arith.addi %mul3A_2, %mul3A_666 : i32
        %dma_start3A_668 = tpu.memref_slice %arg2[%add3A_667] : memref<640000xi32, #tpu.memory_space<hbm>> -> memref<40xi32, #tpu.memory_space<hbm>>
        %dma_start3A_669 = tpu.memref_slice %arg2[%add3A_667] : memref<640000xi32, #tpu.memory_space<hbm>> -> memref<40xi32, #tpu.memory_space<hbm>>
        tpu.enqueue_dma source(%dma_start3A_669 : memref<40xi32, #tpu.memory_space<hbm>>) target(%arg12 : memref<40xi32, #tpu.memory_space<vmem>>) target_semaphore(%arg51 : memref<!tpu.dma_semaphore, #tpu.memory_space<semaphore_mem>>)
      } else {
      }
      %ge3A_591 = arith.constant 2 : i32
      %ge3A_592 = arith.cmpi sge, %add3A_578, %ge3A_591 : i32
      %sub3A_593 = arith.constant 2 : i32
      %sub3A_594 = arith.subi %add3A_578, %sub3A_593 : i32
      %lt3A_595 = arith.constant 250 : i32
      %lt3A_596 = arith.cmpi slt, %sub3A_594, %lt3A_595 : i32
      %and3A_597 = arith.andi %ge3A_592, %lt3A_596 : i1
      %convert_element_type3A_598 = arith.extui %and3A_597 : i1 to i32
      %cond3A_599 = arith.constant 0 : i32
      %cond3A_600 = arith.cmpi ne, %convert_element_type3A_598, %cond3A_599 : i32
      scf.if %cond3A_600 {
        %dma_wait3A_663 = arith.constant 0 : i32
        %dma_wait3A_664 = arith.constant 0 : i32
        %dma_wait3A_665 = tpu.memref_slice %arg32[%dma_wait3A_663, %dma_wait3A_664] : memref<10000x128xf32, #tpu.memory_space<vmem_shared>> -> memref<10000x128xf32, #tpu.memory_space<vmem_shared>>
        tpu.wait_indirect_dma semaphore(%arg47 : memref<!tpu.dma_semaphore, #tpu.memory_space<semaphore_mem>>) src(%arg28 : memref<40x128xf32, #tpu.memory_space<vmem>>) dst(%dma_wait3A_665 : memref<10000x128xf32, #tpu.memory_space<vmem_shared>>)
      } else {
      }
      %add3A_601 = arith.constant 7 : i32
      %add3A_602 = arith.addi %add3A_578, %add3A_601 : i32
      %ge3A_603 = arith.constant 9 : i32
      %ge3A_604 = arith.cmpi sge, %add3A_602, %ge3A_603 : i32
      %add3A_605 = arith.constant 7 : i32
      %add3A_606 = arith.addi %add3A_578, %add3A_605 : i32
      %lt3A_607 = arith.constant 250 : i32
      %lt3A_608 = arith.cmpi slt, %add3A_606, %lt3A_607 : i32
      %and3A_609 = arith.andi %ge3A_604, %lt3A_608 : i1
      %convert_element_type3A_610 = arith.extui %and3A_609 : i1 to i32
      %cond3A_611 = arith.constant 0 : i32
      %cond3A_612 = arith.cmpi ne, %convert_element_type3A_610, %cond3A_611 : i32
      scf.if %cond3A_612 {
        %add3A_663 = arith.constant 7 : i32
        %add3A_664 = arith.addi %add3A_578, %add3A_663 : i32
        %add3A_665 = arith.constant 320000 : i32
        %add3A_666 = arith.addi %add3A_665, %mul3A_2 : i32
        %mul3A_667 = arith.constant 40 : i32
        %mul3A_668 = arith.muli %add3A_664, %mul3A_667 : i32
        %add3A_669 = arith.addi %add3A_666, %mul3A_668 : i32
        %dma_start3A_670 = tpu.memref_slice %arg2[%add3A_669] : memref<640000xi32, #tpu.memory_space<hbm>> -> memref<40xi32, #tpu.memory_space<hbm>>
        %dma_start3A_671 = tpu.memref_slice %arg2[%add3A_669] : memref<640000xi32, #tpu.memory_space<hbm>> -> memref<40xi32, #tpu.memory_space<hbm>>
        tpu.enqueue_dma source(%dma_start3A_671 : memref<40xi32, #tpu.memory_space<hbm>>) target(%arg19 : memref<40xi32, #tpu.memory_space<vmem>>) target_semaphore(%arg52 : memref<!tpu.dma_semaphore, #tpu.memory_space<semaphore_mem>>)
      } else {
      }
      %add3A_613 = arith.constant 7 : i32
      %add3A_614 = arith.addi %add3A_578, %add3A_613 : i32
      %lt3A_615 = arith.constant 250 : i32
      %lt3A_616 = arith.cmpi slt, %add3A_614, %lt3A_615 : i32
      %convert_element_type3A_617 = arith.extui %lt3A_616 : i1 to i32
      %cond3A_618 = arith.constant 0 : i32
      %cond3A_619 = arith.cmpi ne, %convert_element_type3A_617, %cond3A_618 : i32
      scf.if %cond3A_619 {
        %add3A_663 = arith.constant 7 : i32
        %add3A_664 = arith.addi %add3A_578, %add3A_663 : i32
        %mul3A_665 = arith.constant 40 : i32
        %mul3A_666 = arith.muli %add3A_664, %mul3A_665 : i32
        %add3A_667 = arith.addi %mul3A_2, %mul3A_666 : i32
        %dma_wait3A_668 = tpu.memref_slice %arg2[%add3A_667] : memref<640000xi32, #tpu.memory_space<hbm>> -> memref<40xi32, #tpu.memory_space<hbm>>
        %dma_wait3A_669 = tpu.memref_slice %arg2[%add3A_667] : memref<640000xi32, #tpu.memory_space<hbm>> -> memref<40xi32, #tpu.memory_space<hbm>>
        tpu.wait_dma2 semaphore(%arg51 : memref<!tpu.dma_semaphore, #tpu.memory_space<semaphore_mem>>) src(%dma_wait3A_669 : memref<40xi32, #tpu.memory_space<hbm>>) dst(%arg10 : memref<40xi32, #tpu.memory_space<vmem>>)
        %dma_start3A_670 = arith.constant 0 : i32
        %dma_start3A_671 = arith.constant 0 : i32
        %dma_start3A_672 = tpu.memref_slice %arg3[%dma_start3A_670, %dma_start3A_671] : memref<10000x128xf32, #tpu.memory_space<hbm>> -> memref<10000x128xf32, #tpu.memory_space<hbm>>
        tpu.enqueue_indirect_dma source(%dma_start3A_672 : memref<10000x128xf32, #tpu.memory_space<hbm>>) target(%arg28 : memref<40x128xf32, #tpu.memory_space<vmem>>) offsets(%arg10 : memref<40xi32, #tpu.memory_space<vmem>>) semaphore(%arg38 : memref<!tpu.dma_semaphore, #tpu.memory_space<semaphore_mem>>)
      } else {
      }
      %add3A_620 = arith.constant 8 : i32
      %add3A_621 = arith.addi %add3A_279, %add3A_620 : i32
      %lt3A_622 = arith.constant 250 : i32
      %lt3A_623 = arith.cmpi slt, %add3A_621, %lt3A_622 : i32
      %convert_element_type3A_624 = arith.extui %lt3A_623 : i1 to i32
      %cond3A_625 = arith.constant 0 : i32
      %cond3A_626 = arith.cmpi ne, %convert_element_type3A_624, %cond3A_625 : i32
      scf.if %cond3A_626 {
        %dma_wait3A_663 = arith.constant 0 : i32
        %dma_wait3A_664 = arith.constant 0 : i32
        %dma_wait3A_665 = tpu.memref_slice %arg3[%dma_wait3A_663, %dma_wait3A_664] : memref<10000x128xf32, #tpu.memory_space<hbm>> -> memref<10000x128xf32, #tpu.memory_space<hbm>>
        tpu.wait_indirect_dma semaphore(%arg41 : memref<!tpu.dma_semaphore, #tpu.memory_space<semaphore_mem>>) src(%dma_wait3A_665 : memref<10000x128xf32, #tpu.memory_space<hbm>>) dst(%arg31 : memref<40x128xf32, #tpu.memory_space<vmem>>)
        %add3A_666 = arith.constant 320000 : i32
        %add3A_667 = arith.addi %add3A_666, %mul3A_2 : i32
        %mul3A_668 = arith.constant 40 : i32
        %mul3A_669 = arith.muli %add3A_621, %mul3A_668 : i32
        %add3A_670 = arith.addi %add3A_667, %mul3A_669 : i32
        %dma_wait3A_671 = tpu.memref_slice %arg2[%add3A_670] : memref<640000xi32, #tpu.memory_space<hbm>> -> memref<40xi32, #tpu.memory_space<hbm>>
        %dma_wait3A_672 = tpu.memref_slice %arg2[%add3A_670] : memref<640000xi32, #tpu.memory_space<hbm>> -> memref<40xi32, #tpu.memory_space<hbm>>
        tpu.wait_dma2 semaphore(%arg52 : memref<!tpu.dma_semaphore, #tpu.memory_space<semaphore_mem>>) src(%dma_wait3A_672 : memref<40xi32, #tpu.memory_space<hbm>>) dst(%arg22 : memref<40xi32, #tpu.memory_space<vmem>>)
        %dma_start3A_673 = arith.constant 0 : i32
        %dma_start3A_674 = arith.constant 0 : i32
        %dma_start3A_675 = tpu.memref_slice %arg32[%dma_start3A_673, %dma_start3A_674] : memref<10000x128xf32, #tpu.memory_space<vmem_shared>> -> memref<10000x128xf32, #tpu.memory_space<vmem_shared>>
        tpu.enqueue_indirect_dma source(%arg31 : memref<40x128xf32, #tpu.memory_space<vmem>>) target(%dma_start3A_675 : memref<10000x128xf32, #tpu.memory_space<vmem_shared>>) offsets(%arg22 : memref<40xi32, #tpu.memory_space<vmem>>) semaphore(%arg50 : memref<!tpu.dma_semaphore, #tpu.memory_space<semaphore_mem>>) {add = true}
      } else {
      }
      %add3A_627 = arith.constant 9 : i32
      %add3A_628 = arith.addi %add3A_621, %add3A_627 : i32
      %lt3A_629 = arith.constant 250 : i32
      %lt3A_630 = arith.cmpi slt, %add3A_628, %lt3A_629 : i32
      %convert_element_type3A_631 = arith.extui %lt3A_630 : i1 to i32
      %cond3A_632 = arith.constant 0 : i32
      %cond3A_633 = arith.cmpi ne, %convert_element_type3A_631, %cond3A_632 : i32
      scf.if %cond3A_633 {
        %add3A_663 = arith.constant 9 : i32
        %add3A_664 = arith.addi %add3A_621, %add3A_663 : i32
        %mul3A_665 = arith.constant 40 : i32
        %mul3A_666 = arith.muli %add3A_664, %mul3A_665 : i32
        %add3A_667 = arith.addi %mul3A_2, %mul3A_666 : i32
        %dma_start3A_668 = tpu.memref_slice %arg2[%add3A_667] : memref<640000xi32, #tpu.memory_space<hbm>> -> memref<40xi32, #tpu.memory_space<hbm>>
        %dma_start3A_669 = tpu.memref_slice %arg2[%add3A_667] : memref<640000xi32, #tpu.memory_space<hbm>> -> memref<40xi32, #tpu.memory_space<hbm>>
        tpu.enqueue_dma source(%dma_start3A_669 : memref<40xi32, #tpu.memory_space<hbm>>) target(%arg13 : memref<40xi32, #tpu.memory_space<vmem>>) target_semaphore(%arg51 : memref<!tpu.dma_semaphore, #tpu.memory_space<semaphore_mem>>)
      } else {
      }
      %ge3A_634 = arith.constant 2 : i32
      %ge3A_635 = arith.cmpi sge, %add3A_621, %ge3A_634 : i32
      %sub3A_636 = arith.constant 2 : i32
      %sub3A_637 = arith.subi %add3A_621, %sub3A_636 : i32
      %lt3A_638 = arith.constant 250 : i32
      %lt3A_639 = arith.cmpi slt, %sub3A_637, %lt3A_638 : i32
      %and3A_640 = arith.andi %ge3A_635, %lt3A_639 : i1
      %convert_element_type3A_641 = arith.extui %and3A_640 : i1 to i32
      %cond3A_642 = arith.constant 0 : i32
      %cond3A_643 = arith.cmpi ne, %convert_element_type3A_641, %cond3A_642 : i32
      scf.if %cond3A_643 {
        %dma_wait3A_663 = arith.constant 0 : i32
        %dma_wait3A_664 = arith.constant 0 : i32
        %dma_wait3A_665 = tpu.memref_slice %arg32[%dma_wait3A_663, %dma_wait3A_664] : memref<10000x128xf32, #tpu.memory_space<vmem_shared>> -> memref<10000x128xf32, #tpu.memory_space<vmem_shared>>
        tpu.wait_indirect_dma semaphore(%arg48 : memref<!tpu.dma_semaphore, #tpu.memory_space<semaphore_mem>>) src(%arg29 : memref<40x128xf32, #tpu.memory_space<vmem>>) dst(%dma_wait3A_665 : memref<10000x128xf32, #tpu.memory_space<vmem_shared>>)
      } else {
      }
      %add3A_644 = arith.constant 7 : i32
      %add3A_645 = arith.addi %add3A_621, %add3A_644 : i32
      %ge3A_646 = arith.constant 9 : i32
      %ge3A_647 = arith.cmpi sge, %add3A_645, %ge3A_646 : i32
      %add3A_648 = arith.constant 7 : i32
      %add3A_649 = arith.addi %add3A_621, %add3A_648 : i32
      %lt3A_650 = arith.constant 250 : i32
      %lt3A_651 = arith.cmpi slt, %add3A_649, %lt3A_650 : i32
      %and3A_652 = arith.andi %ge3A_647, %lt3A_651 : i1
      %convert_element_type3A_653 = arith.extui %and3A_652 : i1 to i32
      %cond3A_654 = arith.constant 0 : i32
      %cond3A_655 = arith.cmpi ne, %convert_element_type3A_653, %cond3A_654 : i32
      scf.if %cond3A_655 {
        %add3A_663 = arith.constant 7 : i32
        %add3A_664 = arith.addi %add3A_621, %add3A_663 : i32
        %add3A_665 = arith.constant 320000 : i32
        %add3A_666 = arith.addi %add3A_665, %mul3A_2 : i32
        %mul3A_667 = arith.constant 40 : i32
        %mul3A_668 = arith.muli %add3A_664, %mul3A_667 : i32
        %add3A_669 = arith.addi %add3A_666, %mul3A_668 : i32
        %dma_start3A_670 = tpu.memref_slice %arg2[%add3A_669] : memref<640000xi32, #tpu.memory_space<hbm>> -> memref<40xi32, #tpu.memory_space<hbm>>
        %dma_start3A_671 = tpu.memref_slice %arg2[%add3A_669] : memref<640000xi32, #tpu.memory_space<hbm>> -> memref<40xi32, #tpu.memory_space<hbm>>
        tpu.enqueue_dma source(%dma_start3A_671 : memref<40xi32, #tpu.memory_space<hbm>>) target(%arg20 : memref<40xi32, #tpu.memory_space<vmem>>) target_semaphore(%arg52 : memref<!tpu.dma_semaphore, #tpu.memory_space<semaphore_mem>>)
      } else {
      }
      %add3A_656 = arith.constant 7 : i32
      %add3A_657 = arith.addi %add3A_621, %add3A_656 : i32
      %lt3A_658 = arith.constant 250 : i32
      %lt3A_659 = arith.cmpi slt, %add3A_657, %lt3A_658 : i32
      %convert_element_type3A_660 = arith.extui %lt3A_659 : i1 to i32
      %cond3A_661 = arith.constant 0 : i32
      %cond3A_662 = arith.cmpi ne, %convert_element_type3A_660, %cond3A_661 : i32
      scf.if %cond3A_662 {
        %add3A_663 = arith.constant 7 : i32
        %add3A_664 = arith.addi %add3A_621, %add3A_663 : i32
        %mul3A_665 = arith.constant 40 : i32
        %mul3A_666 = arith.muli %add3A_664, %mul3A_665 : i32
        %add3A_667 = arith.addi %mul3A_2, %mul3A_666 : i32
        %dma_wait3A_668 = tpu.memref_slice %arg2[%add3A_667] : memref<640000xi32, #tpu.memory_space<hbm>> -> memref<40xi32, #tpu.memory_space<hbm>>
        %dma_wait3A_669 = tpu.memref_slice %arg2[%add3A_667] : memref<640000xi32, #tpu.memory_space<hbm>> -> memref<40xi32, #tpu.memory_space<hbm>>
        tpu.wait_dma2 semaphore(%arg51 : memref<!tpu.dma_semaphore, #tpu.memory_space<semaphore_mem>>) src(%dma_wait3A_669 : memref<40xi32, #tpu.memory_space<hbm>>) dst(%arg11 : memref<40xi32, #tpu.memory_space<vmem>>)
        %dma_start3A_670 = arith.constant 0 : i32
        %dma_start3A_671 = arith.constant 0 : i32
        %dma_start3A_672 = tpu.memref_slice %arg3[%dma_start3A_670, %dma_start3A_671] : memref<10000x128xf32, #tpu.memory_space<hbm>> -> memref<10000x128xf32, #tpu.memory_space<hbm>>
        tpu.enqueue_indirect_dma source(%dma_start3A_672 : memref<10000x128xf32, #tpu.memory_space<hbm>>) target(%arg29 : memref<40x128xf32, #tpu.memory_space<vmem>>) offsets(%arg11 : memref<40xi32, #tpu.memory_space<vmem>>) semaphore(%arg39 : memref<!tpu.dma_semaphore, #tpu.memory_space<semaphore_mem>>)
      } else {
      }
    }
    %scan3A_206 = arith.constant 29 : i32
    %barrier3A_207 = arith.constant 0 : index
    tpu.barrier barrier_id(%barrier3A_207)
    %sub3A_208 = arith.constant 125 : i32
    %sub3A_209 = arith.subi %sub3A_208, %arg1 : i32
    %add3A_210 = arith.constant 16 : i32
    %add3A_211 = arith.addi %sub3A_209, %add3A_210 : i32
    %sub3A_212 = arith.constant 1 : i32
    %sub3A_213 = arith.subi %add3A_211, %sub3A_212 : i32
    %jit3A_214 = arith.constant 16 : i32
    %div3A_215 = arith.divsi %sub3A_213, %jit3A_214 : i32
    %sign3A_216 = arith.constant 0 : i32
    %sign3A_217 = arith.cmpi sgt, %sub3A_213, %sign3A_216 : i32
    %sign3A_218 = arith.extui %sign3A_217 : i1 to i32
    %sign3A_219 = arith.constant 0 : i32
    %sign3A_220 = arith.cmpi slt, %sub3A_213, %sign3A_219 : i32
    %sign3A_221 = arith.extui %sign3A_220 : i1 to i32
    %sign3A_222 = arith.subi %sign3A_218, %sign3A_221 : i32
    %sign3A_223 = arith.constant 0 : i32
    %sign3A_224 = arith.cmpi sgt, %jit3A_214, %sign3A_223 : i32
    %sign3A_225 = arith.extui %sign3A_224 : i1 to i32
    %sign3A_226 = arith.constant 0 : i32
    %sign3A_227 = arith.cmpi slt, %jit3A_214, %sign3A_226 : i32
    %sign3A_228 = arith.extui %sign3A_227 : i1 to i32
    %sign3A_229 = arith.subi %sign3A_225, %sign3A_228 : i32
    %ne3A_230 = arith.cmpi ne, %sign3A_222, %sign3A_229 : i32
    %rem3A_231 = arith.remsi %sub3A_213, %jit3A_214 : i32
    %ne3A_232 = arith.constant 0 : i32
    %ne3A_233 = arith.cmpi ne, %rem3A_231, %ne3A_232 : i32
    %and3A_234 = arith.andi %ne3A_230, %ne3A_233 : i1
    %sub3A_235 = arith.constant 1 : i32
    %sub3A_236 = arith.subi %div3A_215, %sub3A_235 : i32
    %select_n3A_237 = arith.select %and3A_234, %sub3A_236, %div3A_215 : i32
    %sub3A_238 = arith.constant 125 : i32
    %sub3A_239 = arith.subi %sub3A_238, %arg1 : i32
    %sub3A_240 = arith.constant 16 : i32
    %sub3A_241 = arith.constant 1 : i32
    %sub3A_242 = arith.subi %sub3A_240, %sub3A_241 : i32
    %add3A_243 = arith.addi %sub3A_239, %sub3A_242 : i32
    %div3A_244 = arith.constant 16 : i32
    %div3A_245 = arith.divsi %add3A_243, %div3A_244 : i32
    %while3A_246 = arith.constant 16 : i32
    %while3A_247 = arith.constant 0 : i32
    %while3A_248 = arith.subi %div3A_245, %while3A_247 : i32
    %while3A_249 = arith.addi %while3A_247, %while3A_248 : i32
    %while3A_250 = arith.constant 1 : i32
    %while3A_251 = arith.divsi %while3A_248, %while3A_250 : i32
    %while3A_252 = arith.muli %while3A_251, %while3A_250 : i32
    %while3A_253 = arith.addi %while3A_247, %while3A_252 : i32
    %while3A_254 = arith.constant 1 : i32
    scf.for %while3A_275 = %while3A_247 to %while3A_253 step %while3A_254  : i32 {
      %mul3A_276 = arith.muli %while3A_275, %while3A_246 : i32
      %add3A_277 = arith.addi %arg1, %mul3A_276 : i32
      %mul3A_278 = arith.constant 80 : i32
      %mul3A_279 = arith.muli %add3A_277, %mul3A_278 : i32
      %mul3A_280 = arith.constant 80 : i32
      %mul3A_281 = arith.muli %add3A_277, %mul3A_280 : i32
      %dma_start3A_282 = arith.constant 0 : i32
      %dma_start3A_283 = tpu.memref_slice %arg4[%arg0, %mul3A_281, %dma_start3A_282] : memref<2x10000x128xf32, #tpu.memory_space<hbm>> -> memref<1x80x128xf32, #tpu.memory_space<hbm>>
      %dma_start3A_284 = tpu.memref_squeeze %dma_start3A_283 : memref<1x80x128xf32, #tpu.memory_space<hbm>> -> memref<80x128xf32, #tpu.memory_space<hbm>>
      %dma_start3A_285 = arith.constant 0 : i32
      %dma_start3A_286 = tpu.memref_slice %arg32[%mul3A_279, %dma_start3A_285] : memref<10000x128xf32, #tpu.memory_space<vmem_shared>> -> memref<80x128xf32, #tpu.memory_space<vmem_shared>>
      tpu.enqueue_dma source(%dma_start3A_286 : memref<80x128xf32, #tpu.memory_space<vmem_shared>>) target(%dma_start3A_284 : memref<80x128xf32, #tpu.memory_space<hbm>>) target_semaphore(%arg42 : memref<!tpu.dma_semaphore, #tpu.memory_space<semaphore_mem>>)
    }
    %while3A_255 = arith.constant 1 : i32
    scf.for %while3A_275 = %while3A_253 to %while3A_249 step %while3A_255  : i32 {
      %mul3A_276 = arith.muli %while3A_275, %while3A_246 : i32
      %add3A_277 = arith.addi %arg1, %mul3A_276 : i32
      %mul3A_278 = arith.constant 80 : i32
      %mul3A_279 = arith.muli %add3A_277, %mul3A_278 : i32
      %mul3A_280 = arith.constant 80 : i32
      %mul3A_281 = arith.muli %add3A_277, %mul3A_280 : i32
      %dma_start3A_282 = arith.constant 0 : i32
      %dma_start3A_283 = tpu.memref_slice %arg4[%arg0, %mul3A_281, %dma_start3A_282] : memref<2x10000x128xf32, #tpu.memory_space<hbm>> -> memref<1x80x128xf32, #tpu.memory_space<hbm>>
      %dma_start3A_284 = tpu.memref_squeeze %dma_start3A_283 : memref<1x80x128xf32, #tpu.memory_space<hbm>> -> memref<80x128xf32, #tpu.memory_space<hbm>>
      %dma_start3A_285 = arith.constant 0 : i32
      %dma_start3A_286 = tpu.memref_slice %arg32[%mul3A_279, %dma_start3A_285] : memref<10000x128xf32, #tpu.memory_space<vmem_shared>> -> memref<80x128xf32, #tpu.memory_space<vmem_shared>>
      tpu.enqueue_dma source(%dma_start3A_286 : memref<80x128xf32, #tpu.memory_space<vmem_shared>>) target(%dma_start3A_284 : memref<80x128xf32, #tpu.memory_space<hbm>>) target_semaphore(%arg42 : memref<!tpu.dma_semaphore, #tpu.memory_space<semaphore_mem>>)
    }
    %sub3A_256 = arith.constant 0 : i32
    %sub3A_257 = arith.subi %select_n3A_237, %sub3A_256 : i32
    %sub3A_258 = arith.constant 1 : i32
    %sub3A_259 = arith.constant 1 : i32
    %sub3A_260 = arith.subi %sub3A_258, %sub3A_259 : i32
    %add3A_261 = arith.addi %sub3A_257, %sub3A_260 : i32
    %div3A_262 = arith.constant 1 : i32
    %div3A_263 = arith.divsi %add3A_261, %div3A_262 : i32
    %while3A_264 = arith.constant 1 : i32
    %while3A_265 = arith.constant 0 : i32
    %while3A_266 = arith.constant 0 : i32
    %while3A_267 = arith.subi %div3A_263, %while3A_266 : i32
    %while3A_268 = arith.addi %while3A_266, %while3A_267 : i32
    %while3A_269 = arith.constant 1 : i32
    %while3A_270 = arith.divsi %while3A_267, %while3A_269 : i32
    %while3A_271 = arith.muli %while3A_270, %while3A_269 : i32
    %while3A_272 = arith.addi %while3A_266, %while3A_271 : i32
    %while3A_273 = arith.constant 1 : i32
    scf.for %while3A_275 = %while3A_266 to %while3A_272 step %while3A_273  : i32 {
      %mul3A_276 = arith.muli %while3A_275, %while3A_264 : i32
      %add3A_277 = arith.addi %while3A_265, %mul3A_276 : i32
      %dma_wait3A_278 = arith.constant 0 : i32
      %dma_wait3A_279 = arith.constant 0 : i32
      %dma_wait3A_280 = tpu.memref_slice %arg4[%arg0, %dma_wait3A_278, %dma_wait3A_279] : memref<2x10000x128xf32, #tpu.memory_space<hbm>> -> memref<1x80x128xf32, #tpu.memory_space<hbm>>
      %dma_wait3A_281 = tpu.memref_squeeze %dma_wait3A_280 : memref<1x80x128xf32, #tpu.memory_space<hbm>> -> memref<80x128xf32, #tpu.memory_space<hbm>>
      %dma_wait3A_282 = arith.constant 0 : i32
      %dma_wait3A_283 = arith.constant 0 : i32
      %dma_wait3A_284 = tpu.memref_slice %arg32[%dma_wait3A_282, %dma_wait3A_283] : memref<10000x128xf32, #tpu.memory_space<vmem_shared>> -> memref<80x128xf32, #tpu.memory_space<vmem_shared>>
      tpu.wait_dma2 semaphore(%arg42 : memref<!tpu.dma_semaphore, #tpu.memory_space<semaphore_mem>>) src(%dma_wait3A_284 : memref<80x128xf32, #tpu.memory_space<vmem_shared>>) dst(%dma_wait3A_281 : memref<80x128xf32, #tpu.memory_space<hbm>>)
    }
    %while3A_274 = arith.constant 1 : i32
    scf.for %while3A_275 = %while3A_272 to %while3A_268 step %while3A_274  : i32 {
      %mul3A_276 = arith.muli %while3A_275, %while3A_264 : i32
      %add3A_277 = arith.addi %while3A_265, %mul3A_276 : i32
      %dma_wait3A_278 = arith.constant 0 : i32
      %dma_wait3A_279 = arith.constant 0 : i32
      %dma_wait3A_280 = tpu.memref_slice %arg4[%arg0, %dma_wait3A_278, %dma_wait3A_279] : memref<2x10000x128xf32, #tpu.memory_space<hbm>> -> memref<1x80x128xf32, #tpu.memory_space<hbm>>
      %dma_wait3A_281 = tpu.memref_squeeze %dma_wait3A_280 : memref<1x80x128xf32, #tpu.memory_space<hbm>> -> memref<80x128xf32, #tpu.memory_space<hbm>>
      %dma_wait3A_282 = arith.constant 0 : i32
      %dma_wait3A_283 = arith.constant 0 : i32
      %dma_wait3A_284 = tpu.memref_slice %arg32[%dma_wait3A_282, %dma_wait3A_283] : memref<10000x128xf32, #tpu.memory_space<vmem_shared>> -> memref<80x128xf32, #tpu.memory_space<vmem_shared>>
      tpu.wait_dma2 semaphore(%arg42 : memref<!tpu.dma_semaphore, #tpu.memory_space<semaphore_mem>>) src(%dma_wait3A_284 : memref<80x128xf32, #tpu.memory_space<vmem_shared>>) dst(%dma_wait3A_281 : memref<80x128xf32, #tpu.memory_space<hbm>>)
    }
    return
  }
}

#map = affine_map<(d0, d1) -> (0)>
#map1 = affine_map<(d0, d1) -> (0, 0)>
#map2 = affine_map<(d0, d1) -> (0, 0, 0)>
module attributes {stable_mosaic.version = 14 : i64} {
  func.func @mp_kernel(%arg0: i32, %arg1: i32, %arg2: memref<640000xi32, #tpu.memory_space<hbm>>, %arg3: memref<10000x128xf32, #tpu.memory_space<hbm>>, %arg4: memref<2x10000x128xf32, #tpu.memory_space<hbm>>, %arg5: memref<40xi32, #tpu.memory_space<vmem>>, %arg6: memref<40xi32, #tpu.memory_space<vmem>>, %arg7: memref<40xi32, #tpu.memory_space<vmem>>, %arg8: memref<40xi32, #tpu.memory_space<vmem>>, %arg9: memref<40xi32, #tpu.memory_space<vmem>>, %arg10: memref<40xi32, #tpu.memory_space<vmem>>, %arg11: memref<40xi32, #tpu.memory_space<vmem>>, %arg12: memref<40xi32, #tpu.memory_space<vmem>>, %arg13: memref<40xi32, #tpu.memory_space<vmem>>, %arg14: memref<40xi32, #tpu.memory_space<vmem>>, %arg15: memref<40xi32, #tpu.memory_space<vmem>>, %arg16: memref<40xi32, #tpu.memory_space<vmem>>, %arg17: memref<40xi32, #tpu.memory_space<vmem>>, %arg18: memref<40xi32, #tpu.memory_space<vmem>>, %arg19: memref<40xi32, #tpu.memory_space<vmem>>, %arg20: memref<40xi32, #tpu.memory_space<vmem>>, %arg21: memref<40xi32, #tpu.memory_space<vmem>>, %arg22: memref<40xi32, #tpu.memory_space<vmem>>, %arg23: memref<40x128xf32, #tpu.memory_space<vmem>>, %arg24: memref<40x128xf32, #tpu.memory_space<vmem>>, %arg25: memref<40x128xf32, #tpu.memory_space<vmem>>, %arg26: memref<40x128xf32, #tpu.memory_space<vmem>>, %arg27: memref<40x128xf32, #tpu.memory_space<vmem>>, %arg28: memref<40x128xf32, #tpu.memory_space<vmem>>, %arg29: memref<40x128xf32, #tpu.memory_space<vmem>>, %arg30: memref<40x128xf32, #tpu.memory_space<vmem>>, %arg31: memref<40x128xf32, #tpu.memory_space<vmem>>, %arg32: memref<10000x128xf32, #tpu.memory_space<vmem_shared>>, %arg33: memref<!tpu.dma_semaphore, #tpu.memory_space<semaphore_mem>>, %arg34: memref<!tpu.dma_semaphore, #tpu.memory_space<semaphore_mem>>, %arg35: memref<!tpu.dma_semaphore, #tpu.memory_space<semaphore_mem>>, %arg36: memref<!tpu.dma_semaphore, #tpu.memory_space<semaphore_mem>>, %arg37: memref<!tpu.dma_semaphore, #tpu.memory_space<semaphore_mem>>, %arg38: memref<!tpu.dma_semaphore, #tpu.memory_space<semaphore_mem>>, %arg39: memref<!tpu.dma_semaphore, #tpu.memory_space<semaphore_mem>>, %arg40: memref<!tpu.dma_semaphore, #tpu.memory_space<semaphore_mem>>, %arg41: memref<!tpu.dma_semaphore, #tpu.memory_space<semaphore_mem>>, %arg42: memref<!tpu.dma_semaphore, #tpu.memory_space<semaphore_mem>>, %arg43: memref<!tpu.dma_semaphore, #tpu.memory_space<semaphore_mem>>, %arg44: memref<!tpu.dma_semaphore, #tpu.memory_space<semaphore_mem>>, %arg45: memref<!tpu.dma_semaphore, #tpu.memory_space<semaphore_mem>>, %arg46: memref<!tpu.dma_semaphore, #tpu.memory_space<semaphore_mem>>, %arg47: memref<!tpu.dma_semaphore, #tpu.memory_space<semaphore_mem>>, %arg48: memref<!tpu.dma_semaphore, #tpu.memory_space<semaphore_mem>>, %arg49: memref<!tpu.dma_semaphore, #tpu.memory_space<semaphore_mem>>, %arg50: memref<!tpu.dma_semaphore, #tpu.memory_space<semaphore_mem>>, %arg51: memref<!tpu.dma_semaphore, #tpu.memory_space<semaphore_mem>>, %arg52: memref<!tpu.dma_semaphore, #tpu.memory_space<semaphore_mem>>) attributes {dimension_semantics = [#tpu.dimension_semantics<core_parallel>, #tpu.dimension_semantics<subcore_parallel>], iteration_bounds = array<i64: 2, 16>, scalar_prefetch = 0 : i64, scratch_operands = 48 : i64, tpu.core_type = #tpu.core_type<sc_vector_subcore>, window_params = [{transform_indices = #map}, {transform_indices = #map1}, {transform_indices = #map2}]} {
    %mul3A = arith.constant 16 : i32
    %mul3A_0 = arith.muli %arg0, %mul3A : i32
    %add3A = arith.addi %mul3A_0, %arg1 : i32
    %mul3A_1 = arith.constant 10000 : i32
    %mul3A_2 = arith.muli %add3A, %mul3A_1 : i32
    %add3A_3 = arith.constant 0 : i32
    %add3A_4 = arith.addi %mul3A_2, %add3A_3 : i32
    %dma_start3A = tpu.memref_slice %arg2[%add3A_4] : memref<640000xi32, #tpu.memory_space<hbm>> -> memref<40xi32, #tpu.memory_space<hbm>>
    %dma_start3A_5 = tpu.memref_slice %arg2[%add3A_4] : memref<640000xi32, #tpu.memory_space<hbm>> -> memref<40xi32, #tpu.memory_space<hbm>>
    tpu.enqueue_dma source(%dma_start3A_5 : memref<40xi32, #tpu.memory_space<hbm>>) target(%arg5 : memref<40xi32, #tpu.memory_space<vmem>>) target_semaphore(%arg51 : memref<!tpu.dma_semaphore, #tpu.memory_space<semaphore_mem>>)
    %add3A_6 = arith.constant 320000 : i32
    %add3A_7 = arith.addi %add3A_6, %mul3A_2 : i32
    %add3A_8 = arith.constant 0 : i32
    %add3A_9 = arith.addi %add3A_7, %add3A_8 : i32
    %dma_start3A_10 = tpu.memref_slice %arg2[%add3A_9] : memref<640000xi32, #tpu.memory_space<hbm>> -> memref<40xi32, #tpu.memory_space<hbm>>
    %dma_start3A_11 = tpu.memref_slice %arg2[%add3A_9] : memref<640000xi32, #tpu.memory_space<hbm>> -> memref<40xi32, #tpu.memory_space<hbm>>
    tpu.enqueue_dma source(%dma_start3A_11 : memref<40xi32, #tpu.memory_space<hbm>>) target(%arg14 : memref<40xi32, #tpu.memory_space<vmem>>) target_semaphore(%arg52 : memref<!tpu.dma_semaphore, #tpu.memory_space<semaphore_mem>>)
    %add3A_12 = arith.constant 40 : i32
    %add3A_13 = arith.addi %mul3A_2, %add3A_12 : i32
    %dma_start3A_14 = tpu.memref_slice %arg2[%add3A_13] : memref<640000xi32, #tpu.memory_space<hbm>> -> memref<40xi32, #tpu.memory_space<hbm>>
    %dma_start3A_15 = tpu.memref_slice %arg2[%add3A_13] : memref<640000xi32, #tpu.memory_space<hbm>> -> memref<40xi32, #tpu.memory_space<hbm>>
    tpu.enqueue_dma source(%dma_start3A_15 : memref<40xi32, #tpu.memory_space<hbm>>) target(%arg6 : memref<40xi32, #tpu.memory_space<vmem>>) target_semaphore(%arg51 : memref<!tpu.dma_semaphore, #tpu.memory_space<semaphore_mem>>)
    %add3A_16 = arith.constant 320000 : i32
    %add3A_17 = arith.addi %add3A_16, %mul3A_2 : i32
    %add3A_18 = arith.constant 40 : i32
    %add3A_19 = arith.addi %add3A_17, %add3A_18 : i32
    %dma_start3A_20 = tpu.memref_slice %arg2[%add3A_19] : memref<640000xi32, #tpu.memory_space<hbm>> -> memref<40xi32, #tpu.memory_space<hbm>>
    %dma_start3A_21 = tpu.memref_slice %arg2[%add3A_19] : memref<640000xi32, #tpu.memory_space<hbm>> -> memref<40xi32, #tpu.memory_space<hbm>>
    tpu.enqueue_dma source(%dma_start3A_21 : memref<40xi32, #tpu.memory_space<hbm>>) target(%arg15 : memref<40xi32, #tpu.memory_space<vmem>>) target_semaphore(%arg52 : memref<!tpu.dma_semaphore, #tpu.memory_space<semaphore_mem>>)
    %add3A_22 = arith.constant 80 : i32
    %add3A_23 = arith.addi %mul3A_2, %add3A_22 : i32
    %dma_start3A_24 = tpu.memref_slice %arg2[%add3A_23] : memref<640000xi32, #tpu.memory_space<hbm>> -> memref<40xi32, #tpu.memory_space<hbm>>
    %dma_start3A_25 = tpu.memref_slice %arg2[%add3A_23] : memref<640000xi32, #tpu.memory_space<hbm>> -> memref<40xi32, #tpu.memory_space<hbm>>
    tpu.enqueue_dma source(%dma_start3A_25 : memref<40xi32, #tpu.memory_space<hbm>>) target(%arg7 : memref<40xi32, #tpu.memory_space<vmem>>) target_semaphore(%arg51 : memref<!tpu.dma_semaphore, #tpu.memory_space<semaphore_mem>>)
    %add3A_26 = arith.constant 320000 : i32
    %add3A_27 = arith.addi %add3A_26, %mul3A_2 : i32
    %add3A_28 = arith.constant 80 : i32
    %add3A_29 = arith.addi %add3A_27, %add3A_28 : i32
    %dma_start3A_30 = tpu.memref_slice %arg2[%add3A_29] : memref<640000xi32, #tpu.memory_space<hbm>> -> memref<40xi32, #tpu.memory_space<hbm>>
    %dma_start3A_31 = tpu.memref_slice %arg2[%add3A_29] : memref<640000xi32, #tpu.memory_space<hbm>> -> memref<40xi32, #tpu.memory_space<hbm>>
    tpu.enqueue_dma source(%dma_start3A_31 : memref<40xi32, #tpu.memory_space<hbm>>) target(%arg16 : memref<40xi32, #tpu.memory_space<vmem>>) target_semaphore(%arg52 : memref<!tpu.dma_semaphore, #tpu.memory_space<semaphore_mem>>)
    %add3A_32 = arith.constant 120 : i32
    %add3A_33 = arith.addi %mul3A_2, %add3A_32 : i32
    %dma_start3A_34 = tpu.memref_slice %arg2[%add3A_33] : memref<640000xi32, #tpu.memory_space<hbm>> -> memref<40xi32, #tpu.memory_space<hbm>>
    %dma_start3A_35 = tpu.memref_slice %arg2[%add3A_33] : memref<640000xi32, #tpu.memory_space<hbm>> -> memref<40xi32, #tpu.memory_space<hbm>>
    tpu.enqueue_dma source(%dma_start3A_35 : memref<40xi32, #tpu.memory_space<hbm>>) target(%arg8 : memref<40xi32, #tpu.memory_space<vmem>>) target_semaphore(%arg51 : memref<!tpu.dma_semaphore, #tpu.memory_space<semaphore_mem>>)
    %add3A_36 = arith.constant 320000 : i32
    %add3A_37 = arith.addi %add3A_36, %mul3A_2 : i32
    %add3A_38 = arith.constant 120 : i32
    %add3A_39 = arith.addi %add3A_37, %add3A_38 : i32
    %dma_start3A_40 = tpu.memref_slice %arg2[%add3A_39] : memref<640000xi32, #tpu.memory_space<hbm>> -> memref<40xi32, #tpu.memory_space<hbm>>
    %dma_start3A_41 = tpu.memref_slice %arg2[%add3A_39] : memref<640000xi32, #tpu.memory_space<hbm>> -> memref<40xi32, #tpu.memory_space<hbm>>
    tpu.enqueue_dma source(%dma_start3A_41 : memref<40xi32, #tpu.memory_space<hbm>>) target(%arg17 : memref<40xi32, #tpu.memory_space<vmem>>) target_semaphore(%arg52 : memref<!tpu.dma_semaphore, #tpu.memory_space<semaphore_mem>>)
    %add3A_42 = arith.constant 160 : i32
    %add3A_43 = arith.addi %mul3A_2, %add3A_42 : i32
    %dma_start3A_44 = tpu.memref_slice %arg2[%add3A_43] : memref<640000xi32, #tpu.memory_space<hbm>> -> memref<40xi32, #tpu.memory_space<hbm>>
    %dma_start3A_45 = tpu.memref_slice %arg2[%add3A_43] : memref<640000xi32, #tpu.memory_space<hbm>> -> memref<40xi32, #tpu.memory_space<hbm>>
    tpu.enqueue_dma source(%dma_start3A_45 : memref<40xi32, #tpu.memory_space<hbm>>) target(%arg9 : memref<40xi32, #tpu.memory_space<vmem>>) target_semaphore(%arg51 : memref<!tpu.dma_semaphore, #tpu.memory_space<semaphore_mem>>)
    %add3A_46 = arith.constant 320000 : i32
    %add3A_47 = arith.addi %add3A_46, %mul3A_2 : i32
    %add3A_48 = arith.constant 160 : i32
    %add3A_49 = arith.addi %add3A_47, %add3A_48 : i32
    %dma_start3A_50 = tpu.memref_slice %arg2[%add3A_49] : memref<640000xi32, #tpu.memory_space<hbm>> -> memref<40xi32, #tpu.memory_space<hbm>>
    %dma_start3A_51 = tpu.memref_slice %arg2[%add3A_49] : memref<640000xi32, #tpu.memory_space<hbm>> -> memref<40xi32, #tpu.memory_space<hbm>>
    tpu.enqueue_dma source(%dma_start3A_51 : memref<40xi32, #tpu.memory_space<hbm>>) target(%arg18 : memref<40xi32, #tpu.memory_space<vmem>>) target_semaphore(%arg52 : memref<!tpu.dma_semaphore, #tpu.memory_space<semaphore_mem>>)
    %add3A_52 = arith.constant 200 : i32
    %add3A_53 = arith.addi %mul3A_2, %add3A_52 : i32
    %dma_start3A_54 = tpu.memref_slice %arg2[%add3A_53] : memref<640000xi32, #tpu.memory_space<hbm>> -> memref<40xi32, #tpu.memory_space<hbm>>
    %dma_start3A_55 = tpu.memref_slice %arg2[%add3A_53] : memref<640000xi32, #tpu.memory_space<hbm>> -> memref<40xi32, #tpu.memory_space<hbm>>
    tpu.enqueue_dma source(%dma_start3A_55 : memref<40xi32, #tpu.memory_space<hbm>>) target(%arg10 : memref<40xi32, #tpu.memory_space<vmem>>) target_semaphore(%arg51 : memref<!tpu.dma_semaphore, #tpu.memory_space<semaphore_mem>>)
    %add3A_56 = arith.constant 320000 : i32
    %add3A_57 = arith.addi %add3A_56, %mul3A_2 : i32
    %add3A_58 = arith.constant 200 : i32
    %add3A_59 = arith.addi %add3A_57, %add3A_58 : i32
    %dma_start3A_60 = tpu.memref_slice %arg2[%add3A_59] : memref<640000xi32, #tpu.memory_space<hbm>> -> memref<40xi32, #tpu.memory_space<hbm>>
    %dma_start3A_61 = tpu.memref_slice %arg2[%add3A_59] : memref<640000xi32, #tpu.memory_space<hbm>> -> memref<40xi32, #tpu.memory_space<hbm>>
    tpu.enqueue_dma source(%dma_start3A_61 : memref<40xi32, #tpu.memory_space<hbm>>) target(%arg19 : memref<40xi32, #tpu.memory_space<vmem>>) target_semaphore(%arg52 : memref<!tpu.dma_semaphore, #tpu.memory_space<semaphore_mem>>)
    %add3A_62 = arith.constant 240 : i32
    %add3A_63 = arith.addi %mul3A_2, %add3A_62 : i32
    %dma_start3A_64 = tpu.memref_slice %arg2[%add3A_63] : memref<640000xi32, #tpu.memory_space<hbm>> -> memref<40xi32, #tpu.memory_space<hbm>>
    %dma_start3A_65 = tpu.memref_slice %arg2[%add3A_63] : memref<640000xi32, #tpu.memory_space<hbm>> -> memref<40xi32, #tpu.memory_space<hbm>>
    tpu.enqueue_dma source(%dma_start3A_65 : memref<40xi32, #tpu.memory_space<hbm>>) target(%arg11 : memref<40xi32, #tpu.memory_space<vmem>>) target_semaphore(%arg51 : memref<!tpu.dma_semaphore, #tpu.memory_space<semaphore_mem>>)
    %add3A_66 = arith.constant 320000 : i32
    %add3A_67 = arith.addi %add3A_66, %mul3A_2 : i32
    %add3A_68 = arith.constant 240 : i32
    %add3A_69 = arith.addi %add3A_67, %add3A_68 : i32
    %dma_start3A_70 = tpu.memref_slice %arg2[%add3A_69] : memref<640000xi32, #tpu.memory_space<hbm>> -> memref<40xi32, #tpu.memory_space<hbm>>
    %dma_start3A_71 = tpu.memref_slice %arg2[%add3A_69] : memref<640000xi32, #tpu.memory_space<hbm>> -> memref<40xi32, #tpu.memory_space<hbm>>
    tpu.enqueue_dma source(%dma_start3A_71 : memref<40xi32, #tpu.memory_space<hbm>>) target(%arg20 : memref<40xi32, #tpu.memory_space<vmem>>) target_semaphore(%arg52 : memref<!tpu.dma_semaphore, #tpu.memory_space<semaphore_mem>>)
    %add3A_72 = arith.constant 280 : i32
    %add3A_73 = arith.addi %mul3A_2, %add3A_72 : i32
    %dma_start3A_74 = tpu.memref_slice %arg2[%add3A_73] : memref<640000xi32, #tpu.memory_space<hbm>> -> memref<40xi32, #tpu.memory_space<hbm>>
    %dma_start3A_75 = tpu.memref_slice %arg2[%add3A_73] : memref<640000xi32, #tpu.memory_space<hbm>> -> memref<40xi32, #tpu.memory_space<hbm>>
    tpu.enqueue_dma source(%dma_start3A_75 : memref<40xi32, #tpu.memory_space<hbm>>) target(%arg12 : memref<40xi32, #tpu.memory_space<vmem>>) target_semaphore(%arg51 : memref<!tpu.dma_semaphore, #tpu.memory_space<semaphore_mem>>)
    %add3A_76 = arith.constant 320000 : i32
    %add3A_77 = arith.addi %add3A_76, %mul3A_2 : i32
    %add3A_78 = arith.constant 280 : i32
    %add3A_79 = arith.addi %add3A_77, %add3A_78 : i32
    %dma_start3A_80 = tpu.memref_slice %arg2[%add3A_79] : memref<640000xi32, #tpu.memory_space<hbm>> -> memref<40xi32, #tpu.memory_space<hbm>>
    %dma_start3A_81 = tpu.memref_slice %arg2[%add3A_79] : memref<640000xi32, #tpu.memory_space<hbm>> -> memref<40xi32, #tpu.memory_space<hbm>>
    tpu.enqueue_dma source(%dma_start3A_81 : memref<40xi32, #tpu.memory_space<hbm>>) target(%arg21 : memref<40xi32, #tpu.memory_space<vmem>>) target_semaphore(%arg52 : memref<!tpu.dma_semaphore, #tpu.memory_space<semaphore_mem>>)
    %add3A_82 = arith.constant 320 : i32
    %add3A_83 = arith.addi %mul3A_2, %add3A_82 : i32
    %dma_start3A_84 = tpu.memref_slice %arg2[%add3A_83] : memref<640000xi32, #tpu.memory_space<hbm>> -> memref<40xi32, #tpu.memory_space<hbm>>
    %dma_start3A_85 = tpu.memref_slice %arg2[%add3A_83] : memref<640000xi32, #tpu.memory_space<hbm>> -> memref<40xi32, #tpu.memory_space<hbm>>
    tpu.enqueue_dma source(%dma_start3A_85 : memref<40xi32, #tpu.memory_space<hbm>>) target(%arg13 : memref<40xi32, #tpu.memory_space<vmem>>) target_semaphore(%arg51 : memref<!tpu.dma_semaphore, #tpu.memory_space<semaphore_mem>>)
    %add3A_86 = arith.constant 320000 : i32
    %add3A_87 = arith.addi %add3A_86, %mul3A_2 : i32
    %add3A_88 = arith.constant 320 : i32
    %add3A_89 = arith.addi %add3A_87, %add3A_88 : i32
    %dma_start3A_90 = tpu.memref_slice %arg2[%add3A_89] : memref<640000xi32, #tpu.memory_space<hbm>> -> memref<40xi32, #tpu.memory_space<hbm>>
    %dma_start3A_91 = tpu.memref_slice %arg2[%add3A_89] : memref<640000xi32, #tpu.memory_space<hbm>> -> memref<40xi32, #tpu.memory_space<hbm>>
    tpu.enqueue_dma source(%dma_start3A_91 : memref<40xi32, #tpu.memory_space<hbm>>) target(%arg22 : memref<40xi32, #tpu.memory_space<vmem>>) target_semaphore(%arg52 : memref<!tpu.dma_semaphore, #tpu.memory_space<semaphore_mem>>)
    %scan3A = arith.constant 0 : i32
    %scan3A_92 = arith.constant 40 : i32
    %scan3A_93 = arith.addi %scan3A, %scan3A_92 : i32
    %scan3A_94 = arith.constant 1 : i32
    scf.for %scan3A_275 = %scan3A to %scan3A_93 step %scan3A_94  : i32 {
      %mul3A_276 = arith.constant 1 : i32
      %mul3A_277 = arith.muli %scan3A_275, %mul3A_276 : i32
      %add3A_278 = arith.constant 0 : i32
      %add3A_279 = arith.addi %add3A_278, %mul3A_277 : i32
      %scan3A_280 = arith.constant 0 : i32
      %scan3A_281 = arith.constant 8 : i32
      %scan3A_282 = arith.addi %scan3A_280, %scan3A_281 : i32
      %scan3A_283 = arith.constant 1 : i32
      scf.for %scan3A_285 = %scan3A_280 to %scan3A_282 step %scan3A_283  : i32 {
        %mul3A_286 = arith.constant 16 : i32
        %mul3A_287 = arith.muli %scan3A_285, %mul3A_286 : i32
        %add3A_288 = arith.constant 0 : i32
        %add3A_289 = arith.addi %add3A_288, %mul3A_287 : i32
        %broadcast_in_dim3A = arith.constant 0.000000e+00 : f32
        %broadcast_in_dim3A_290 = vector.broadcast %broadcast_in_dim3A : f32 to vector<16xf32>
        %swap3A = arith.index_cast %add3A_279 : i32 to index
        %swap3A_291 = arith.index_cast %add3A_289 : i32 to index
        %swap3A_292 = tpu.vector_load %arg23[%swap3A, %swap3A_291] {strides = array<i32>} : memref<40x128xf32, #tpu.memory_space<vmem>>, vector<1x16xf32>,
        %swap3A_293 = vector.shape_cast %swap3A_292 : vector<1x16xf32> to vector<16xf32>
        %swap3A_294 = vector.shape_cast %broadcast_in_dim3A_290 : vector<16xf32> to vector<1x16xf32>
        tpu.vector_store %arg23[%swap3A, %swap3A_291], %swap3A_294 {strides = array<i32>} : memref<40x128xf32, #tpu.memory_space<vmem>>, vector<1x16xf32>,
      }
      %scan3A_284 = arith.constant 8 : i32
    }
    %scan3A_95 = arith.constant 40 : i32
    %sub3A = arith.constant 250 : i32
    %sub3A_96 = arith.subi %sub3A, %arg1 : i32
    %add3A_97 = arith.constant 16 : i32
    %add3A_98 = arith.addi %sub3A_96, %add3A_97 : i32
    %sub3A_99 = arith.constant 1 : i32
    %sub3A_100 = arith.subi %add3A_98, %sub3A_99 : i32
    %jit3A = arith.constant 16 : i32
    %div3A = arith.divsi %sub3A_100, %jit3A : i32
    %sign3A = arith.constant 0 : i32
    %sign3A_101 = arith.cmpi sgt, %sub3A_100, %sign3A : i32
    %sign3A_102 = arith.extui %sign3A_101 : i1 to i32
    %sign3A_103 = arith.constant 0 : i32
    %sign3A_104 = arith.cmpi slt, %sub3A_100, %sign3A_103 : i32
    %sign3A_105 = arith.extui %sign3A_104 : i1 to i32
    %sign3A_106 = arith.subi %sign3A_102, %sign3A_105 : i32
    %sign3A_107 = arith.constant 0 : i32
    %sign3A_108 = arith.cmpi sgt, %jit3A, %sign3A_107 : i32
    %sign3A_109 = arith.extui %sign3A_108 : i1 to i32
    %sign3A_110 = arith.constant 0 : i32
    %sign3A_111 = arith.cmpi slt, %jit3A, %sign3A_110 : i32
    %sign3A_112 = arith.extui %sign3A_111 : i1 to i32
    %sign3A_113 = arith.subi %sign3A_109, %sign3A_112 : i32
    %ne3A = arith.cmpi ne, %sign3A_106, %sign3A_113 : i32
    %rem3A = arith.remsi %sub3A_100, %jit3A : i32
    %ne3A_114 = arith.constant 0 : i32
    %ne3A_115 = arith.cmpi ne, %rem3A, %ne3A_114 : i32
    %and3A = arith.andi %ne3A, %ne3A_115 : i1
    %sub3A_116 = arith.constant 1 : i32
    %sub3A_117 = arith.subi %div3A, %sub3A_116 : i32
    %select_n3A = arith.select %and3A, %sub3A_117, %div3A : i32
    %sub3A_118 = arith.constant 250 : i32
    %sub3A_119 = arith.subi %sub3A_118, %arg1 : i32
    %sub3A_120 = arith.constant 16 : i32
    %sub3A_121 = arith.constant 1 : i32
    %sub3A_122 = arith.subi %sub3A_120, %sub3A_121 : i32
    %add3A_123 = arith.addi %sub3A_119, %sub3A_122 : i32
    %div3A_124 = arith.constant 16 : i32
    %div3A_125 = arith.divsi %add3A_123, %div3A_124 : i32
    %while3A = arith.constant 16 : i32
    %while3A_126 = arith.constant 0 : i32
    %while3A_127 = arith.subi %div3A_125, %while3A_126 : i32
    %while3A_128 = arith.addi %while3A_126, %while3A_127 : i32
    %while3A_129 = arith.constant 1 : i32
    %while3A_130 = arith.divsi %while3A_127, %while3A_129 : i32
    %while3A_131 = arith.muli %while3A_130, %while3A_129 : i32
    %while3A_132 = arith.addi %while3A_126, %while3A_131 : i32
    %while3A_133 = arith.constant 1 : i32
    scf.for %while3A_275 = %while3A_126 to %while3A_132 step %while3A_133  : i32 {
      %mul3A_276 = arith.muli %while3A_275, %while3A : i32
      %add3A_277 = arith.addi %arg1, %mul3A_276 : i32
      %mul3A_278 = arith.constant 40 : i32
      %mul3A_279 = arith.muli %add3A_277, %mul3A_278 : i32
      %dma_start3A_280 = arith.constant 0 : i32
      %dma_start3A_281 = tpu.memref_slice %arg32[%mul3A_279, %dma_start3A_280] : memref<10000x128xf32, #tpu.memory_space<vmem_shared>> -> memref<40x128xf32, #tpu.memory_space<vmem_shared>>
      %dma_start3A_282 = arith.constant 0 : i32
      %dma_start3A_283 = tpu.memref_slice %arg32[%mul3A_279, %dma_start3A_282] : memref<10000x128xf32, #tpu.memory_space<vmem_shared>> -> memref<40x128xf32, #tpu.memory_space<vmem_shared>>
      tpu.enqueue_dma source(%arg23 : memref<40x128xf32, #tpu.memory_space<vmem>>) target(%dma_start3A_283 : memref<40x128xf32, #tpu.memory_space<vmem_shared>>) target_semaphore(%arg42 : memref<!tpu.dma_semaphore, #tpu.memory_space<semaphore_mem>>)
    }
    %while3A_134 = arith.constant 1 : i32
    scf.for %while3A_275 = %while3A_132 to %while3A_128 step %while3A_134  : i32 {
      %mul3A_276 = arith.muli %while3A_275, %while3A : i32
      %add3A_277 = arith.addi %arg1, %mul3A_276 : i32
      %mul3A_278 = arith.constant 40 : i32
      %mul3A_279 = arith.muli %add3A_277, %mul3A_278 : i32
      %dma_start3A_280 = arith.constant 0 : i32
      %dma_start3A_281 = tpu.memref_slice %arg32[%mul3A_279, %dma_start3A_280] : memref<10000x128xf32, #tpu.memory_space<vmem_shared>> -> memref<40x128xf32, #tpu.memory_space<vmem_shared>>
      %dma_start3A_282 = arith.constant 0 : i32
      %dma_start3A_283 = tpu.memref_slice %arg32[%mul3A_279, %dma_start3A_282] : memref<10000x128xf32, #tpu.memory_space<vmem_shared>> -> memref<40x128xf32, #tpu.memory_space<vmem_shared>>
      tpu.enqueue_dma source(%arg23 : memref<40x128xf32, #tpu.memory_space<vmem>>) target(%dma_start3A_283 : memref<40x128xf32, #tpu.memory_space<vmem_shared>>) target_semaphore(%arg42 : memref<!tpu.dma_semaphore, #tpu.memory_space<semaphore_mem>>)
    }
    %sub3A_135 = arith.constant 0 : i32
    %sub3A_136 = arith.subi %select_n3A, %sub3A_135 : i32
    %sub3A_137 = arith.constant 1 : i32
    %sub3A_138 = arith.constant 1 : i32
    %sub3A_139 = arith.subi %sub3A_137, %sub3A_138 : i32
    %add3A_140 = arith.addi %sub3A_136, %sub3A_139 : i32
    %div3A_141 = arith.constant 1 : i32
    %div3A_142 = arith.divsi %add3A_140, %div3A_141 : i32
    %while3A_143 = arith.constant 1 : i32
    %while3A_144 = arith.constant 0 : i32
    %while3A_145 = arith.constant 0 : i32
    %while3A_146 = arith.subi %div3A_142, %while3A_145 : i32
    %while3A_147 = arith.addi %while3A_145, %while3A_146 : i32
    %while3A_148 = arith.constant 1 : i32
    %while3A_149 = arith.divsi %while3A_146, %while3A_148 : i32
    %while3A_150 = arith.muli %while3A_149, %while3A_148 : i32
    %while3A_151 = arith.addi %while3A_145, %while3A_150 : i32
    %while3A_152 = arith.constant 1 : i32
    scf.for %while3A_275 = %while3A_145 to %while3A_151 step %while3A_152  : i32 {
      %mul3A_276 = arith.muli %while3A_275, %while3A_143 : i32
      %add3A_277 = arith.addi %while3A_144, %mul3A_276 : i32
      %dma_wait3A_278 = arith.constant 0 : i32
      %dma_wait3A_279 = arith.constant 0 : i32
      %dma_wait3A_280 = tpu.memref_slice %arg32[%dma_wait3A_278, %dma_wait3A_279] : memref<10000x128xf32, #tpu.memory_space<vmem_shared>> -> memref<40x128xf32, #tpu.memory_space<vmem_shared>>
      %dma_wait3A_281 = arith.constant 0 : i32
      %dma_wait3A_282 = arith.constant 0 : i32
      %dma_wait3A_283 = tpu.memref_slice %arg32[%dma_wait3A_281, %dma_wait3A_282] : memref<10000x128xf32, #tpu.memory_space<vmem_shared>> -> memref<40x128xf32, #tpu.memory_space<vmem_shared>>
      tpu.wait_dma2 semaphore(%arg42 : memref<!tpu.dma_semaphore, #tpu.memory_space<semaphore_mem>>) src(%arg23 : memref<40x128xf32, #tpu.memory_space<vmem>>) dst(%dma_wait3A_283 : memref<40x128xf32, #tpu.memory_space<vmem_shared>>)
    }
    %while3A_153 = arith.constant 1 : i32
    scf.for %while3A_275 = %while3A_151 to %while3A_147 step %while3A_153  : i32 {
      %mul3A_276 = arith.muli %while3A_275, %while3A_143 : i32
      %add3A_277 = arith.addi %while3A_144, %mul3A_276 : i32
      %dma_wait3A_278 = arith.constant 0 : i32
      %dma_wait3A_279 = arith.constant 0 : i32
      %dma_wait3A_280 = tpu.memref_slice %arg32[%dma_wait3A_278, %dma_wait3A_279] : memref<10000x128xf32, #tpu.memory_space<vmem_shared>> -> memref<40x128xf32, #tpu.memory_space<vmem_shared>>
      %dma_wait3A_281 = arith.constant 0 : i32
      %dma_wait3A_282 = arith.constant 0 : i32
      %dma_wait3A_283 = tpu.memref_slice %arg32[%dma_wait3A_281, %dma_wait3A_282] : memref<10000x128xf32, #tpu.memory_space<vmem_shared>> -> memref<40x128xf32, #tpu.memory_space<vmem_shared>>
      tpu.wait_dma2 semaphore(%arg42 : memref<!tpu.dma_semaphore, #tpu.memory_space<semaphore_mem>>) src(%arg23 : memref<40x128xf32, #tpu.memory_space<vmem>>) dst(%dma_wait3A_283 : memref<40x128xf32, #tpu.memory_space<vmem_shared>>)
    }
    %barrier3A = arith.constant 0 : index
    tpu.barrier barrier_id(%barrier3A)
    %add3A_154 = arith.constant 0 : i32
    %add3A_155 = arith.addi %mul3A_2, %add3A_154 : i32
    %dma_wait3A = tpu.memref_slice %arg2[%add3A_155] : memref<640000xi32, #tpu.memory_space<hbm>> -> memref<40xi32, #tpu.memory_space<hbm>>
    %dma_wait3A_156 = tpu.memref_slice %arg2[%add3A_155] : memref<640000xi32, #tpu.memory_space<hbm>> -> memref<40xi32, #tpu.memory_space<hbm>>
    tpu.wait_dma2 semaphore(%arg51 : memref<!tpu.dma_semaphore, #tpu.memory_space<semaphore_mem>>) src(%dma_wait3A_156 : memref<40xi32, #tpu.memory_space<hbm>>) dst(%arg5 : memref<40xi32, #tpu.memory_space<vmem>>)
    %dma_start3A_157 = arith.constant 0 : i32
    %dma_start3A_158 = arith.constant 0 : i32
    %dma_start3A_159 = tpu.memref_slice %arg3[%dma_start3A_157, %dma_start3A_158] : memref<10000x128xf32, #tpu.memory_space<hbm>> -> memref<10000x128xf32, #tpu.memory_space<hbm>>
    tpu.enqueue_indirect_dma source(%dma_start3A_159 : memref<10000x128xf32, #tpu.memory_space<hbm>>) target(%arg23 : memref<40x128xf32, #tpu.memory_space<vmem>>) offsets(%arg5 : memref<40xi32, #tpu.memory_space<vmem>>) semaphore(%arg33 : memref<!tpu.dma_semaphore, #tpu.memory_space<semaphore_mem>>)
    %add3A_160 = arith.constant 40 : i32
    %add3A_161 = arith.addi %mul3A_2, %add3A_160 : i32
    %dma_wait3A_162 = tpu.memref_slice %arg2[%add3A_161] : memref<640000xi32, #tpu.memory_space<hbm>> -> memref<40xi32, #tpu.memory_space<hbm>>
    %dma_wait3A_163 = tpu.memref_slice %arg2[%add3A_161] : memref<640000xi32, #tpu.memory_space<hbm>> -> memref<40xi32, #tpu.memory_space<hbm>>
    tpu.wait_dma2 semaphore(%arg51 : memref<!tpu.dma_semaphore, #tpu.memory_space<semaphore_mem>>) src(%dma_wait3A_163 : memref<40xi32, #tpu.memory_space<hbm>>) dst(%arg6 : memref<40xi32, #tpu.memory_space<vmem>>)
    %dma_start3A_164 = arith.constant 0 : i32
    %dma_start3A_165 = arith.constant 0 : i32
    %dma_start3A_166 = tpu.memref_slice %arg3[%dma_start3A_164, %dma_start3A_165] : memref<10000x128xf32, #tpu.memory_space<hbm>> -> memref<10000x128xf32, #tpu.memory_space<hbm>>
    tpu.enqueue_indirect_dma source(%dma_start3A_166 : memref<10000x128xf32, #tpu.memory_space<hbm>>) target(%arg24 : memref<40x128xf32, #tpu.memory_space<vmem>>) offsets(%arg6 : memref<40xi32, #tpu.memory_space<vmem>>) semaphore(%arg34 : memref<!tpu.dma_semaphore, #tpu.memory_space<semaphore_mem>>)
    %add3A_167 = arith.constant 80 : i32
    %add3A_168 = arith.addi %mul3A_2, %add3A_167 : i32
    %dma_wait3A_169 = tpu.memref_slice %arg2[%add3A_168] : memref<640000xi32, #tpu.memory_space<hbm>> -> memref<40xi32, #tpu.memory_space<hbm>>
    %dma_wait3A_170 = tpu.memref_slice %arg2[%add3A_168] : memref<640000xi32, #tpu.memory_space<hbm>> -> memref<40xi32, #tpu.memory_space<hbm>>
    tpu.wait_dma2 semaphore(%arg51 : memref<!tpu.dma_semaphore, #tpu.memory_space<semaphore_mem>>) src(%dma_wait3A_170 : memref<40xi32, #tpu.memory_space<hbm>>) dst(%arg7 : memref<40xi32, #tpu.memory_space<vmem>>)
    %dma_start3A_171 = arith.constant 0 : i32
    %dma_start3A_172 = arith.constant 0 : i32
    %dma_start3A_173 = tpu.memref_slice %arg3[%dma_start3A_171, %dma_start3A_172] : memref<10000x128xf32, #tpu.memory_space<hbm>> -> memref<10000x128xf32, #tpu.memory_space<hbm>>
    tpu.enqueue_indirect_dma source(%dma_start3A_173 : memref<10000x128xf32, #tpu.memory_space<hbm>>) target(%arg25 : memref<40x128xf32, #tpu.memory_space<vmem>>) offsets(%arg7 : memref<40xi32, #tpu.memory_space<vmem>>) semaphore(%arg35 : memref<!tpu.dma_semaphore, #tpu.memory_space<semaphore_mem>>)
    %add3A_174 = arith.constant 120 : i32
    %add3A_175 = arith.addi %mul3A_2, %add3A_174 : i32
    %dma_wait3A_176 = tpu.memref_slice %arg2[%add3A_175] : memref<640000xi32, #tpu.memory_space<hbm>> -> memref<40xi32, #tpu.memory_space<hbm>>
    %dma_wait3A_177 = tpu.memref_slice %arg2[%add3A_175] : memref<640000xi32, #tpu.memory_space<hbm>> -> memref<40xi32, #tpu.memory_space<hbm>>
    tpu.wait_dma2 semaphore(%arg51 : memref<!tpu.dma_semaphore, #tpu.memory_space<semaphore_mem>>) src(%dma_wait3A_177 : memref<40xi32, #tpu.memory_space<hbm>>) dst(%arg8 : memref<40xi32, #tpu.memory_space<vmem>>)
    %dma_start3A_178 = arith.constant 0 : i32
    %dma_start3A_179 = arith.constant 0 : i32
    %dma_start3A_180 = tpu.memref_slice %arg3[%dma_start3A_178, %dma_start3A_179] : memref<10000x128xf32, #tpu.memory_space<hbm>> -> memref<10000x128xf32, #tpu.memory_space<hbm>>
    tpu.enqueue_indirect_dma source(%dma_start3A_180 : memref<10000x128xf32, #tpu.memory_space<hbm>>) target(%arg26 : memref<40x128xf32, #tpu.memory_space<vmem>>) offsets(%arg8 : memref<40xi32, #tpu.memory_space<vmem>>) semaphore(%arg36 : memref<!tpu.dma_semaphore, #tpu.memory_space<semaphore_mem>>)
    %add3A_181 = arith.constant 160 : i32
    %add3A_182 = arith.addi %mul3A_2, %add3A_181 : i32
    %dma_wait3A_183 = tpu.memref_slice %arg2[%add3A_182] : memref<640000xi32, #tpu.memory_space<hbm>> -> memref<40xi32, #tpu.memory_space<hbm>>
    %dma_wait3A_184 = tpu.memref_slice %arg2[%add3A_182] : memref<640000xi32, #tpu.memory_space<hbm>> -> memref<40xi32, #tpu.memory_space<hbm>>
    tpu.wait_dma2 semaphore(%arg51 : memref<!tpu.dma_semaphore, #tpu.memory_space<semaphore_mem>>) src(%dma_wait3A_184 : memref<40xi32, #tpu.memory_space<hbm>>) dst(%arg9 : memref<40xi32, #tpu.memory_space<vmem>>)
    %dma_start3A_185 = arith.constant 0 : i32
    %dma_start3A_186 = arith.constant 0 : i32
    %dma_start3A_187 = tpu.memref_slice %arg3[%dma_start3A_185, %dma_start3A_186] : memref<10000x128xf32, #tpu.memory_space<hbm>> -> memref<10000x128xf32, #tpu.memory_space<hbm>>
    tpu.enqueue_indirect_dma source(%dma_start3A_187 : memref<10000x128xf32, #tpu.memory_space<hbm>>) target(%arg27 : memref<40x128xf32, #tpu.memory_space<vmem>>) offsets(%arg9 : memref<40xi32, #tpu.memory_space<vmem>>) semaphore(%arg37 : memref<!tpu.dma_semaphore, #tpu.memory_space<semaphore_mem>>)
    %add3A_188 = arith.constant 200 : i32
    %add3A_189 = arith.addi %mul3A_2, %add3A_188 : i32
    %dma_wait3A_190 = tpu.memref_slice %arg2[%add3A_189] : memref<640000xi32, #tpu.memory_space<hbm>> -> memref<40xi32, #tpu.memory_space<hbm>>
    %dma_wait3A_191 = tpu.memref_slice %arg2[%add3A_189] : memref<640000xi32, #tpu.memory_space<hbm>> -> memref<40xi32, #tpu.memory_space<hbm>>
    tpu.wait_dma2 semaphore(%arg51 : memref<!tpu.dma_semaphore, #tpu.memory_space<semaphore_mem>>) src(%dma_wait3A_191 : memref<40xi32, #tpu.memory_space<hbm>>) dst(%arg10 : memref<40xi32, #tpu.memory_space<vmem>>)
    %dma_start3A_192 = arith.constant 0 : i32
    %dma_start3A_193 = arith.constant 0 : i32
    %dma_start3A_194 = tpu.memref_slice %arg3[%dma_start3A_192, %dma_start3A_193] : memref<10000x128xf32, #tpu.memory_space<hbm>> -> memref<10000x128xf32, #tpu.memory_space<hbm>>
    tpu.enqueue_indirect_dma source(%dma_start3A_194 : memref<10000x128xf32, #tpu.memory_space<hbm>>) target(%arg28 : memref<40x128xf32, #tpu.memory_space<vmem>>) offsets(%arg10 : memref<40xi32, #tpu.memory_space<vmem>>) semaphore(%arg38 : memref<!tpu.dma_semaphore, #tpu.memory_space<semaphore_mem>>)
    %add3A_195 = arith.constant 240 : i32
    %add3A_196 = arith.addi %mul3A_2, %add3A_195 : i32
    %dma_wait3A_197 = tpu.memref_slice %arg2[%add3A_196] : memref<640000xi32, #tpu.memory_space<hbm>> -> memref<40xi32, #tpu.memory_space<hbm>>
    %dma_wait3A_198 = tpu.memref_slice %arg2[%add3A_196] : memref<640000xi32, #tpu.memory_space<hbm>> -> memref<40xi32, #tpu.memory_space<hbm>>
    tpu.wait_dma2 semaphore(%arg51 : memref<!tpu.dma_semaphore, #tpu.memory_space<semaphore_mem>>) src(%dma_wait3A_198 : memref<40xi32, #tpu.memory_space<hbm>>) dst(%arg11 : memref<40xi32, #tpu.memory_space<vmem>>)
    %dma_start3A_199 = arith.constant 0 : i32
    %dma_start3A_200 = arith.constant 0 : i32
    %dma_start3A_201 = tpu.memref_slice %arg3[%dma_start3A_199, %dma_start3A_200] : memref<10000x128xf32, #tpu.memory_space<hbm>> -> memref<10000x128xf32, #tpu.memory_space<hbm>>
    tpu.enqueue_indirect_dma source(%dma_start3A_201 : memref<10000x128xf32, #tpu.memory_space<hbm>>) target(%arg29 : memref<40x128xf32, #tpu.memory_space<vmem>>) offsets(%arg11 : memref<40xi32, #tpu.memory_space<vmem>>) semaphore(%arg39 : memref<!tpu.dma_semaphore, #tpu.memory_space<semaphore_mem>>)
    %scan3A_202 = arith.constant 0 : i32
    %scan3A_203 = arith.constant 29 : i32
    %scan3A_204 = arith.addi %scan3A_202, %scan3A_203 : i32
    %scan3A_205 = arith.constant 1 : i32
    scf.for %scan3A_275 = %scan3A_202 to %scan3A_204 step %scan3A_205  : i32 {
      %mul3A_276 = arith.constant 9 : i32
      %mul3A_277 = arith.muli %scan3A_275, %mul3A_276 : i32
      %add3A_278 = arith.constant 0 : i32
      %add3A_279 = arith.addi %add3A_278, %mul3A_277 : i32
      %add3A_280 = arith.constant 0 : i32
      %add3A_281 = arith.addi %add3A_279, %add3A_280 : i32
      %lt3A = arith.constant 250 : i32
      %lt3A_282 = arith.cmpi slt, %add3A_281, %lt3A : i32
      %convert_element_type3A = arith.extui %lt3A_282 : i1 to i32
      %cond3A = arith.constant 0 : i32
      %cond3A_283 = arith.cmpi ne, %convert_element_type3A, %cond3A : i32
      scf.if %cond3A_283 {
        %dma_wait3A_663 = arith.constant 0 : i32
        %dma_wait3A_664 = arith.constant 0 : i32
        %dma_wait3A_665 = tpu.memref_slice %arg3[%dma_wait3A_663, %dma_wait3A_664] : memref<10000x128xf32, #tpu.memory_space<hbm>> -> memref<10000x128xf32, #tpu.memory_space<hbm>>
        tpu.wait_indirect_dma semaphore(%arg33 : memref<!tpu.dma_semaphore, #tpu.memory_space<semaphore_mem>>) src(%dma_wait3A_665 : memref<10000x128xf32, #tpu.memory_space<hbm>>) dst(%arg23 : memref<40x128xf32, #tpu.memory_space<vmem>>)
        %add3A_666 = arith.constant 320000 : i32
        %add3A_667 = arith.addi %add3A_666, %mul3A_2 : i32
        %mul3A_668 = arith.constant 40 : i32
        %mul3A_669 = arith.muli %add3A_281, %mul3A_668 : i32
        %add3A_670 = arith.addi %add3A_667, %mul3A_669 : i32
        %dma_wait3A_671 = tpu.memref_slice %arg2[%add3A_670] : memref<640000xi32, #tpu.memory_space<hbm>> -> memref<40xi32, #tpu.memory_space<hbm>>
        %dma_wait3A_672 = tpu.memref_slice %arg2[%add3A_670] : memref<640000xi32, #tpu.memory_space<hbm>> -> memref<40xi32, #tpu.memory_space<hbm>>
        tpu.wait_dma2 semaphore(%arg52 : memref<!tpu.dma_semaphore, #tpu.memory_space<semaphore_mem>>) src(%dma_wait3A_672 : memref<40xi32, #tpu.memory_space<hbm>>) dst(%arg14 : memref<40xi32, #tpu.memory_space<vmem>>)
        %dma_start3A_673 = arith.constant 0 : i32
        %dma_start3A_674 = arith.constant 0 : i32
        %dma_start3A_675 = tpu.memref_slice %arg32[%dma_start3A_673, %dma_start3A_674] : memref<10000x128xf32, #tpu.memory_space<vmem_shared>> -> memref<10000x128xf32, #tpu.memory_space<vmem_shared>>
        tpu.enqueue_indirect_dma source(%arg23 : memref<40x128xf32, #tpu.memory_space<vmem>>) target(%dma_start3A_675 : memref<10000x128xf32, #tpu.memory_space<vmem_shared>>) offsets(%arg14 : memref<40xi32, #tpu.memory_space<vmem>>) semaphore(%arg42 : memref<!tpu.dma_semaphore, #tpu.memory_space<semaphore_mem>>) {add = true}
      } else {
      }
      %add3A_284 = arith.constant 9 : i32
      %add3A_285 = arith.addi %add3A_281, %add3A_284 : i32
      %lt3A_286 = arith.constant 250 : i32
      %lt3A_287 = arith.cmpi slt, %add3A_285, %lt3A_286 : i32
      %convert_element_type3A_288 = arith.extui %lt3A_287 : i1 to i32
      %cond3A_289 = arith.constant 0 : i32
      %cond3A_290 = arith.cmpi ne, %convert_element_type3A_288, %cond3A_289 : i32
      scf.if %cond3A_290 {
        %add3A_663 = arith.constant 9 : i32
        %add3A_664 = arith.addi %add3A_281, %add3A_663 : i32
        %mul3A_665 = arith.constant 40 : i32
        %mul3A_666 = arith.muli %add3A_664, %mul3A_665 : i32
        %add3A_667 = arith.addi %mul3A_2, %mul3A_666 : i32
        %dma_start3A_668 = tpu.memref_slice %arg2[%add3A_667] : memref<640000xi32, #tpu.memory_space<hbm>> -> memref<40xi32, #tpu.memory_space<hbm>>
        %dma_start3A_669 = tpu.memref_slice %arg2[%add3A_667] : memref<640000xi32, #tpu.memory_space<hbm>> -> memref<40xi32, #tpu.memory_space<hbm>>
        tpu.enqueue_dma source(%dma_start3A_669 : memref<40xi32, #tpu.memory_space<hbm>>) target(%arg5 : memref<40xi32, #tpu.memory_space<vmem>>) target_semaphore(%arg51 : memref<!tpu.dma_semaphore, #tpu.memory_space<semaphore_mem>>)
      } else {
      }
      %ge3A = arith.constant 2 : i32
      %ge3A_291 = arith.cmpi sge, %add3A_281, %ge3A : i32
      %sub3A_292 = arith.constant 2 : i32
      %sub3A_293 = arith.subi %add3A_281, %sub3A_292 : i32
      %lt3A_294 = arith.constant 250 : i32
      %lt3A_295 = arith.cmpi slt, %sub3A_293, %lt3A_294 : i32
      %and3A_296 = arith.andi %ge3A_291, %lt3A_295 : i1
      %convert_element_type3A_297 = arith.extui %and3A_296 : i1 to i32
      %cond3A_298 = arith.constant 0 : i32
      %cond3A_299 = arith.cmpi ne, %convert_element_type3A_297, %cond3A_298 : i32
      scf.if %cond3A_299 {
        %dma_wait3A_663 = arith.constant 0 : i32
        %dma_wait3A_664 = arith.constant 0 : i32
        %dma_wait3A_665 = tpu.memref_slice %arg32[%dma_wait3A_663, %dma_wait3A_664] : memref<10000x128xf32, #tpu.memory_space<vmem_shared>> -> memref<10000x128xf32, #tpu.memory_space<vmem_shared>>
        tpu.wait_indirect_dma semaphore(%arg49 : memref<!tpu.dma_semaphore, #tpu.memory_space<semaphore_mem>>) src(%arg30 : memref<40x128xf32, #tpu.memory_space<vmem>>) dst(%dma_wait3A_665 : memref<10000x128xf32, #tpu.memory_space<vmem_shared>>)
      } else {
      }
      %add3A_300 = arith.constant 7 : i32
      %add3A_301 = arith.addi %add3A_281, %add3A_300 : i32
      %ge3A_302 = arith.constant 9 : i32
      %ge3A_303 = arith.cmpi sge, %add3A_301, %ge3A_302 : i32
      %add3A_304 = arith.constant 7 : i32
      %add3A_305 = arith.addi %add3A_281, %add3A_304 : i32
      %lt3A_306 = arith.constant 250 : i32
      %lt3A_307 = arith.cmpi slt, %add3A_305, %lt3A_306 : i32
      %and3A_308 = arith.andi %ge3A_303, %lt3A_307 : i1
      %convert_element_type3A_309 = arith.extui %and3A_308 : i1 to i32
      %cond3A_310 = arith.constant 0 : i32
      %cond3A_311 = arith.cmpi ne, %convert_element_type3A_309, %cond3A_310 : i32
      scf.if %cond3A_311 {
        %add3A_663 = arith.constant 7 : i32
        %add3A_664 = arith.addi %add3A_281, %add3A_663 : i32
        %add3A_665 = arith.constant 320000 : i32
        %add3A_666 = arith.addi %add3A_665, %mul3A_2 : i32
        %mul3A_667 = arith.constant 40 : i32
        %mul3A_668 = arith.muli %add3A_664, %mul3A_667 : i32
        %add3A_669 = arith.addi %add3A_666, %mul3A_668 : i32
        %dma_start3A_670 = tpu.memref_slice %arg2[%add3A_669] : memref<640000xi32, #tpu.memory_space<hbm>> -> memref<40xi32, #tpu.memory_space<hbm>>
        %dma_start3A_671 = tpu.memref_slice %arg2[%add3A_669] : memref<640000xi32, #tpu.memory_space<hbm>> -> memref<40xi32, #tpu.memory_space<hbm>>
        tpu.enqueue_dma source(%dma_start3A_671 : memref<40xi32, #tpu.memory_space<hbm>>) target(%arg21 : memref<40xi32, #tpu.memory_space<vmem>>) target_semaphore(%arg52 : memref<!tpu.dma_semaphore, #tpu.memory_space<semaphore_mem>>)
      } else {
      }
      %add3A_312 = arith.constant 7 : i32
      %add3A_313 = arith.addi %add3A_281, %add3A_312 : i32
      %lt3A_314 = arith.constant 250 : i32
      %lt3A_315 = arith.cmpi slt, %add3A_313, %lt3A_314 : i32
      %convert_element_type3A_316 = arith.extui %lt3A_315 : i1 to i32
      %cond3A_317 = arith.constant 0 : i32
      %cond3A_318 = arith.cmpi ne, %convert_element_type3A_316, %cond3A_317 : i32
      scf.if %cond3A_318 {
        %add3A_663 = arith.constant 7 : i32
        %add3A_664 = arith.addi %add3A_281, %add3A_663 : i32
        %mul3A_665 = arith.constant 40 : i32
        %mul3A_666 = arith.muli %add3A_664, %mul3A_665 : i32
        %add3A_667 = arith.addi %mul3A_2, %mul3A_666 : i32
        %dma_wait3A_668 = tpu.memref_slice %arg2[%add3A_667] : memref<640000xi32, #tpu.memory_space<hbm>> -> memref<40xi32, #tpu.memory_space<hbm>>
        %dma_wait3A_669 = tpu.memref_slice %arg2[%add3A_667] : memref<640000xi32, #tpu.memory_space<hbm>> -> memref<40xi32, #tpu.memory_space<hbm>>
        tpu.wait_dma2 semaphore(%arg51 : memref<!tpu.dma_semaphore, #tpu.memory_space<semaphore_mem>>) src(%dma_wait3A_669 : memref<40xi32, #tpu.memory_space<hbm>>) dst(%arg12 : memref<40xi32, #tpu.memory_space<vmem>>)
        %dma_start3A_670 = arith.constant 0 : i32
        %dma_start3A_671 = arith.constant 0 : i32
        %dma_start3A_672 = tpu.memref_slice %arg3[%dma_start3A_670, %dma_start3A_671] : memref<10000x128xf32, #tpu.memory_space<hbm>> -> memref<10000x128xf32, #tpu.memory_space<hbm>>
        tpu.enqueue_indirect_dma source(%dma_start3A_672 : memref<10000x128xf32, #tpu.memory_space<hbm>>) target(%arg30 : memref<40x128xf32, #tpu.memory_space<vmem>>) offsets(%arg12 : memref<40xi32, #tpu.memory_space<vmem>>) semaphore(%arg40 : memref<!tpu.dma_semaphore, #tpu.memory_space<semaphore_mem>>)
      } else {
      }
      %add3A_319 = arith.constant 1 : i32
      %add3A_320 = arith.addi %add3A_279, %add3A_319 : i32
      %lt3A_321 = arith.constant 250 : i32
      %lt3A_322 = arith.cmpi slt, %add3A_320, %lt3A_321 : i32
      %convert_element_type3A_323 = arith.extui %lt3A_322 : i1 to i32
      %cond3A_324 = arith.constant 0 : i32
      %cond3A_325 = arith.cmpi ne, %convert_element_type3A_323, %cond3A_324 : i32
      scf.if %cond3A_325 {
        %dma_wait3A_663 = arith.constant 0 : i32
        %dma_wait3A_664 = arith.constant 0 : i32
        %dma_wait3A_665 = tpu.memref_slice %arg3[%dma_wait3A_663, %dma_wait3A_664] : memref<10000x128xf32, #tpu.memory_space<hbm>> -> memref<10000x128xf32, #tpu.memory_space<hbm>>
        tpu.wait_indirect_dma semaphore(%arg34 : memref<!tpu.dma_semaphore, #tpu.memory_space<semaphore_mem>>) src(%dma_wait3A_665 : memref<10000x128xf32, #tpu.memory_space<hbm>>) dst(%arg24 : memref<40x128xf32, #tpu.memory_space<vmem>>)
        %add3A_666 = arith.constant 320000 : i32
        %add3A_667 = arith.addi %add3A_666, %mul3A_2 : i32
        %mul3A_668 = arith.constant 40 : i32
        %mul3A_669 = arith.muli %add3A_320, %mul3A_668 : i32
        %add3A_670 = arith.addi %add3A_667, %mul3A_669 : i32
        %dma_wait3A_671 = tpu.memref_slice %arg2[%add3A_670] : memref<640000xi32, #tpu.memory_space<hbm>> -> memref<40xi32, #tpu.memory_space<hbm>>
        %dma_wait3A_672 = tpu.memref_slice %arg2[%add3A_670] : memref<640000xi32, #tpu.memory_space<hbm>> -> memref<40xi32, #tpu.memory_space<hbm>>
        tpu.wait_dma2 semaphore(%arg52 : memref<!tpu.dma_semaphore, #tpu.memory_space<semaphore_mem>>) src(%dma_wait3A_672 : memref<40xi32, #tpu.memory_space<hbm>>) dst(%arg15 : memref<40xi32, #tpu.memory_space<vmem>>)
        %dma_start3A_673 = arith.constant 0 : i32
        %dma_start3A_674 = arith.constant 0 : i32
        %dma_start3A_675 = tpu.memref_slice %arg32[%dma_start3A_673, %dma_start3A_674] : memref<10000x128xf32, #tpu.memory_space<vmem_shared>> -> memref<10000x128xf32, #tpu.memory_space<vmem_shared>>
        tpu.enqueue_indirect_dma source(%arg24 : memref<40x128xf32, #tpu.memory_space<vmem>>) target(%dma_start3A_675 : memref<10000x128xf32, #tpu.memory_space<vmem_shared>>) offsets(%arg15 : memref<40xi32, #tpu.memory_space<vmem>>) semaphore(%arg43 : memref<!tpu.dma_semaphore, #tpu.memory_space<semaphore_mem>>) {add = true}
      } else {
      }
      %add3A_326 = arith.constant 9 : i32
      %add3A_327 = arith.addi %add3A_320, %add3A_326 : i32
      %lt3A_328 = arith.constant 250 : i32
      %lt3A_329 = arith.cmpi slt, %add3A_327, %lt3A_328 : i32
      %convert_element_type3A_330 = arith.extui %lt3A_329 : i1 to i32
      %cond3A_331 = arith.constant 0 : i32
      %cond3A_332 = arith.cmpi ne, %convert_element_type3A_330, %cond3A_331 : i32
      scf.if %cond3A_332 {
        %add3A_663 = arith.constant 9 : i32
        %add3A_664 = arith.addi %add3A_320, %add3A_663 : i32
        %mul3A_665 = arith.constant 40 : i32
        %mul3A_666 = arith.muli %add3A_664, %mul3A_665 : i32
        %add3A_667 = arith.addi %mul3A_2, %mul3A_666 : i32
        %dma_start3A_668 = tpu.memref_slice %arg2[%add3A_667] : memref<640000xi32, #tpu.memory_space<hbm>> -> memref<40xi32, #tpu.memory_space<hbm>>
        %dma_start3A_669 = tpu.memref_slice %arg2[%add3A_667] : memref<640000xi32, #tpu.memory_space<hbm>> -> memref<40xi32, #tpu.memory_space<hbm>>
        tpu.enqueue_dma source(%dma_start3A_669 : memref<40xi32, #tpu.memory_space<hbm>>) target(%arg6 : memref<40xi32, #tpu.memory_space<vmem>>) target_semaphore(%arg51 : memref<!tpu.dma_semaphore, #tpu.memory_space<semaphore_mem>>)
      } else {
      }
      %ge3A_333 = arith.constant 2 : i32
      %ge3A_334 = arith.cmpi sge, %add3A_320, %ge3A_333 : i32
      %sub3A_335 = arith.constant 2 : i32
      %sub3A_336 = arith.subi %add3A_320, %sub3A_335 : i32
      %lt3A_337 = arith.constant 250 : i32
      %lt3A_338 = arith.cmpi slt, %sub3A_336, %lt3A_337 : i32
      %and3A_339 = arith.andi %ge3A_334, %lt3A_338 : i1
      %convert_element_type3A_340 = arith.extui %and3A_339 : i1 to i32
      %cond3A_341 = arith.constant 0 : i32
      %cond3A_342 = arith.cmpi ne, %convert_element_type3A_340, %cond3A_341 : i32
      scf.if %cond3A_342 {
        %dma_wait3A_663 = arith.constant 0 : i32
        %dma_wait3A_664 = arith.constant 0 : i32
        %dma_wait3A_665 = tpu.memref_slice %arg32[%dma_wait3A_663, %dma_wait3A_664] : memref<10000x128xf32, #tpu.memory_space<vmem_shared>> -> memref<10000x128xf32, #tpu.memory_space<vmem_shared>>
        tpu.wait_indirect_dma semaphore(%arg50 : memref<!tpu.dma_semaphore, #tpu.memory_space<semaphore_mem>>) src(%arg31 : memref<40x128xf32, #tpu.memory_space<vmem>>) dst(%dma_wait3A_665 : memref<10000x128xf32, #tpu.memory_space<vmem_shared>>)
      } else {
      }
      %add3A_343 = arith.constant 7 : i32
      %add3A_344 = arith.addi %add3A_320, %add3A_343 : i32
      %ge3A_345 = arith.constant 9 : i32
      %ge3A_346 = arith.cmpi sge, %add3A_344, %ge3A_345 : i32
      %add3A_347 = arith.constant 7 : i32
      %add3A_348 = arith.addi %add3A_320, %add3A_347 : i32
      %lt3A_349 = arith.constant 250 : i32
      %lt3A_350 = arith.cmpi slt, %add3A_348, %lt3A_349 : i32
      %and3A_351 = arith.andi %ge3A_346, %lt3A_350 : i1
      %convert_element_type3A_352 = arith.extui %and3A_351 : i1 to i32
      %cond3A_353 = arith.constant 0 : i32
      %cond3A_354 = arith.cmpi ne, %convert_element_type3A_352, %cond3A_353 : i32
      scf.if %cond3A_354 {
        %add3A_663 = arith.constant 7 : i32
        %add3A_664 = arith.addi %add3A_320, %add3A_663 : i32
        %add3A_665 = arith.constant 320000 : i32
        %add3A_666 = arith.addi %add3A_665, %mul3A_2 : i32
        %mul3A_667 = arith.constant 40 : i32
        %mul3A_668 = arith.muli %add3A_664, %mul3A_667 : i32
        %add3A_669 = arith.addi %add3A_666, %mul3A_668 : i32
        %dma_start3A_670 = tpu.memref_slice %arg2[%add3A_669] : memref<640000xi32, #tpu.memory_space<hbm>> -> memref<40xi32, #tpu.memory_space<hbm>>
        %dma_start3A_671 = tpu.memref_slice %arg2[%add3A_669] : memref<640000xi32, #tpu.memory_space<hbm>> -> memref<40xi32, #tpu.memory_space<hbm>>
        tpu.enqueue_dma source(%dma_start3A_671 : memref<40xi32, #tpu.memory_space<hbm>>) target(%arg22 : memref<40xi32, #tpu.memory_space<vmem>>) target_semaphore(%arg52 : memref<!tpu.dma_semaphore, #tpu.memory_space<semaphore_mem>>)
      } else {
      }
      %add3A_355 = arith.constant 7 : i32
      %add3A_356 = arith.addi %add3A_320, %add3A_355 : i32
      %lt3A_357 = arith.constant 250 : i32
      %lt3A_358 = arith.cmpi slt, %add3A_356, %lt3A_357 : i32
      %convert_element_type3A_359 = arith.extui %lt3A_358 : i1 to i32
      %cond3A_360 = arith.constant 0 : i32
      %cond3A_361 = arith.cmpi ne, %convert_element_type3A_359, %cond3A_360 : i32
      scf.if %cond3A_361 {
        %add3A_663 = arith.constant 7 : i32
        %add3A_664 = arith.addi %add3A_320, %add3A_663 : i32
        %mul3A_665 = arith.constant 40 : i32
        %mul3A_666 = arith.muli %add3A_664, %mul3A_665 : i32
        %add3A_667 = arith.addi %mul3A_2, %mul3A_666 : i32
        %dma_wait3A_668 = tpu.memref_slice %arg2[%add3A_667] : memref<640000xi32, #tpu.memory_space<hbm>> -> memref<40xi32, #tpu.memory_space<hbm>>
        %dma_wait3A_669 = tpu.memref_slice %arg2[%add3A_667] : memref<640000xi32, #tpu.memory_space<hbm>> -> memref<40xi32, #tpu.memory_space<hbm>>
        tpu.wait_dma2 semaphore(%arg51 : memref<!tpu.dma_semaphore, #tpu.memory_space<semaphore_mem>>) src(%dma_wait3A_669 : memref<40xi32, #tpu.memory_space<hbm>>) dst(%arg13 : memref<40xi32, #tpu.memory_space<vmem>>)
        %dma_start3A_670 = arith.constant 0 : i32
        %dma_start3A_671 = arith.constant 0 : i32
        %dma_start3A_672 = tpu.memref_slice %arg3[%dma_start3A_670, %dma_start3A_671] : memref<10000x128xf32, #tpu.memory_space<hbm>> -> memref<10000x128xf32, #tpu.memory_space<hbm>>
        tpu.enqueue_indirect_dma source(%dma_start3A_672 : memref<10000x128xf32, #tpu.memory_space<hbm>>) target(%arg31 : memref<40x128xf32, #tpu.memory_space<vmem>>) offsets(%arg13 : memref<40xi32, #tpu.memory_space<vmem>>) semaphore(%arg41 : memref<!tpu.dma_semaphore, #tpu.memory_space<semaphore_mem>>)
      } else {
      }
      %add3A_362 = arith.constant 2 : i32
      %add3A_363 = arith.addi %add3A_279, %add3A_362 : i32
      %lt3A_364 = arith.constant 250 : i32
      %lt3A_365 = arith.cmpi slt, %add3A_363, %lt3A_364 : i32
      %convert_element_type3A_366 = arith.extui %lt3A_365 : i1 to i32
      %cond3A_367 = arith.constant 0 : i32
      %cond3A_368 = arith.cmpi ne, %convert_element_type3A_366, %cond3A_367 : i32
      scf.if %cond3A_368 {
        %dma_wait3A_663 = arith.constant 0 : i32
        %dma_wait3A_664 = arith.constant 0 : i32
        %dma_wait3A_665 = tpu.memref_slice %arg3[%dma_wait3A_663, %dma_wait3A_664] : memref<10000x128xf32, #tpu.memory_space<hbm>> -> memref<10000x128xf32, #tpu.memory_space<hbm>>
        tpu.wait_indirect_dma semaphore(%arg35 : memref<!tpu.dma_semaphore, #tpu.memory_space<semaphore_mem>>) src(%dma_wait3A_665 : memref<10000x128xf32, #tpu.memory_space<hbm>>) dst(%arg25 : memref<40x128xf32, #tpu.memory_space<vmem>>)
        %add3A_666 = arith.constant 320000 : i32
        %add3A_667 = arith.addi %add3A_666, %mul3A_2 : i32
        %mul3A_668 = arith.constant 40 : i32
        %mul3A_669 = arith.muli %add3A_363, %mul3A_668 : i32
        %add3A_670 = arith.addi %add3A_667, %mul3A_669 : i32
        %dma_wait3A_671 = tpu.memref_slice %arg2[%add3A_670] : memref<640000xi32, #tpu.memory_space<hbm>> -> memref<40xi32, #tpu.memory_space<hbm>>
        %dma_wait3A_672 = tpu.memref_slice %arg2[%add3A_670] : memref<640000xi32, #tpu.memory_space<hbm>> -> memref<40xi32, #tpu.memory_space<hbm>>
        tpu.wait_dma2 semaphore(%arg52 : memref<!tpu.dma_semaphore, #tpu.memory_space<semaphore_mem>>) src(%dma_wait3A_672 : memref<40xi32, #tpu.memory_space<hbm>>) dst(%arg16 : memref<40xi32, #tpu.memory_space<vmem>>)
        %dma_start3A_673 = arith.constant 0 : i32
        %dma_start3A_674 = arith.constant 0 : i32
        %dma_start3A_675 = tpu.memref_slice %arg32[%dma_start3A_673, %dma_start3A_674] : memref<10000x128xf32, #tpu.memory_space<vmem_shared>> -> memref<10000x128xf32, #tpu.memory_space<vmem_shared>>
        tpu.enqueue_indirect_dma source(%arg25 : memref<40x128xf32, #tpu.memory_space<vmem>>) target(%dma_start3A_675 : memref<10000x128xf32, #tpu.memory_space<vmem_shared>>) offsets(%arg16 : memref<40xi32, #tpu.memory_space<vmem>>) semaphore(%arg44 : memref<!tpu.dma_semaphore, #tpu.memory_space<semaphore_mem>>) {add = true}
      } else {
      }
      %add3A_369 = arith.constant 9 : i32
      %add3A_370 = arith.addi %add3A_363, %add3A_369 : i32
      %lt3A_371 = arith.constant 250 : i32
      %lt3A_372 = arith.cmpi slt, %add3A_370, %lt3A_371 : i32
      %convert_element_type3A_373 = arith.extui %lt3A_372 : i1 to i32
      %cond3A_374 = arith.constant 0 : i32
      %cond3A_375 = arith.cmpi ne, %convert_element_type3A_373, %cond3A_374 : i32
      scf.if %cond3A_375 {
        %add3A_663 = arith.constant 9 : i32
        %add3A_664 = arith.addi %add3A_363, %add3A_663 : i32
        %mul3A_665 = arith.constant 40 : i32
        %mul3A_666 = arith.muli %add3A_664, %mul3A_665 : i32
        %add3A_667 = arith.addi %mul3A_2, %mul3A_666 : i32
        %dma_start3A_668 = tpu.memref_slice %arg2[%add3A_667] : memref<640000xi32, #tpu.memory_space<hbm>> -> memref<40xi32, #tpu.memory_space<hbm>>
        %dma_start3A_669 = tpu.memref_slice %arg2[%add3A_667] : memref<640000xi32, #tpu.memory_space<hbm>> -> memref<40xi32, #tpu.memory_space<hbm>>
        tpu.enqueue_dma source(%dma_start3A_669 : memref<40xi32, #tpu.memory_space<hbm>>) target(%arg7 : memref<40xi32, #tpu.memory_space<vmem>>) target_semaphore(%arg51 : memref<!tpu.dma_semaphore, #tpu.memory_space<semaphore_mem>>)
      } else {
      }
      %ge3A_376 = arith.constant 2 : i32
      %ge3A_377 = arith.cmpi sge, %add3A_363, %ge3A_376 : i32
      %sub3A_378 = arith.constant 2 : i32
      %sub3A_379 = arith.subi %add3A_363, %sub3A_378 : i32
      %lt3A_380 = arith.constant 250 : i32
      %lt3A_381 = arith.cmpi slt, %sub3A_379, %lt3A_380 : i32
      %and3A_382 = arith.andi %ge3A_377, %lt3A_381 : i1
      %convert_element_type3A_383 = arith.extui %and3A_382 : i1 to i32
      %cond3A_384 = arith.constant 0 : i32
      %cond3A_385 = arith.cmpi ne, %convert_element_type3A_383, %cond3A_384 : i32
      scf.if %cond3A_385 {
        %dma_wait3A_663 = arith.constant 0 : i32
        %dma_wait3A_664 = arith.constant 0 : i32
        %dma_wait3A_665 = tpu.memref_slice %arg32[%dma_wait3A_663, %dma_wait3A_664] : memref<10000x128xf32, #tpu.memory_space<vmem_shared>> -> memref<10000x128xf32, #tpu.memory_space<vmem_shared>>
        tpu.wait_indirect_dma semaphore(%arg42 : memref<!tpu.dma_semaphore, #tpu.memory_space<semaphore_mem>>) src(%arg23 : memref<40x128xf32, #tpu.memory_space<vmem>>) dst(%dma_wait3A_665 : memref<10000x128xf32, #tpu.memory_space<vmem_shared>>)
      } else {
      }
      %add3A_386 = arith.constant 7 : i32
      %add3A_387 = arith.addi %add3A_363, %add3A_386 : i32
      %ge3A_388 = arith.constant 9 : i32
      %ge3A_389 = arith.cmpi sge, %add3A_387, %ge3A_388 : i32
      %add3A_390 = arith.constant 7 : i32
      %add3A_391 = arith.addi %add3A_363, %add3A_390 : i32
      %lt3A_392 = arith.constant 250 : i32
      %lt3A_393 = arith.cmpi slt, %add3A_391, %lt3A_392 : i32
      %and3A_394 = arith.andi %ge3A_389, %lt3A_393 : i1
      %convert_element_type3A_395 = arith.extui %and3A_394 : i1 to i32
      %cond3A_396 = arith.constant 0 : i32
      %cond3A_397 = arith.cmpi ne, %convert_element_type3A_395, %cond3A_396 : i32
      scf.if %cond3A_397 {
        %add3A_663 = arith.constant 7 : i32
        %add3A_664 = arith.addi %add3A_363, %add3A_663 : i32
        %add3A_665 = arith.constant 320000 : i32
        %add3A_666 = arith.addi %add3A_665, %mul3A_2 : i32
        %mul3A_667 = arith.constant 40 : i32
        %mul3A_668 = arith.muli %add3A_664, %mul3A_667 : i32
        %add3A_669 = arith.addi %add3A_666, %mul3A_668 : i32
        %dma_start3A_670 = tpu.memref_slice %arg2[%add3A_669] : memref<640000xi32, #tpu.memory_space<hbm>> -> memref<40xi32, #tpu.memory_space<hbm>>
        %dma_start3A_671 = tpu.memref_slice %arg2[%add3A_669] : memref<640000xi32, #tpu.memory_space<hbm>> -> memref<40xi32, #tpu.memory_space<hbm>>
        tpu.enqueue_dma source(%dma_start3A_671 : memref<40xi32, #tpu.memory_space<hbm>>) target(%arg14 : memref<40xi32, #tpu.memory_space<vmem>>) target_semaphore(%arg52 : memref<!tpu.dma_semaphore, #tpu.memory_space<semaphore_mem>>)
      } else {
      }
      %add3A_398 = arith.constant 7 : i32
      %add3A_399 = arith.addi %add3A_363, %add3A_398 : i32
      %lt3A_400 = arith.constant 250 : i32
      %lt3A_401 = arith.cmpi slt, %add3A_399, %lt3A_400 : i32
      %convert_element_type3A_402 = arith.extui %lt3A_401 : i1 to i32
      %cond3A_403 = arith.constant 0 : i32
      %cond3A_404 = arith.cmpi ne, %convert_element_type3A_402, %cond3A_403 : i32
      scf.if %cond3A_404 {
        %add3A_663 = arith.constant 7 : i32
        %add3A_664 = arith.addi %add3A_363, %add3A_663 : i32
        %mul3A_665 = arith.constant 40 : i32
        %mul3A_666 = arith.muli %add3A_664, %mul3A_665 : i32
        %add3A_667 = arith.addi %mul3A_2, %mul3A_666 : i32
        %dma_wait3A_668 = tpu.memref_slice %arg2[%add3A_667] : memref<640000xi32, #tpu.memory_space<hbm>> -> memref<40xi32, #tpu.memory_space<hbm>>
        %dma_wait3A_669 = tpu.memref_slice %arg2[%add3A_667] : memref<640000xi32, #tpu.memory_space<hbm>> -> memref<40xi32, #tpu.memory_space<hbm>>
        tpu.wait_dma2 semaphore(%arg51 : memref<!tpu.dma_semaphore, #tpu.memory_space<semaphore_mem>>) src(%dma_wait3A_669 : memref<40xi32, #tpu.memory_space<hbm>>) dst(%arg5 : memref<40xi32, #tpu.memory_space<vmem>>)
        %dma_start3A_670 = arith.constant 0 : i32
        %dma_start3A_671 = arith.constant 0 : i32
        %dma_start3A_672 = tpu.memref_slice %arg3[%dma_start3A_670, %dma_start3A_671] : memref<10000x128xf32, #tpu.memory_space<hbm>> -> memref<10000x128xf32, #tpu.memory_space<hbm>>
        tpu.enqueue_indirect_dma source(%dma_start3A_672 : memref<10000x128xf32, #tpu.memory_space<hbm>>) target(%arg23 : memref<40x128xf32, #tpu.memory_space<vmem>>) offsets(%arg5 : memref<40xi32, #tpu.memory_space<vmem>>) semaphore(%arg33 : memref<!tpu.dma_semaphore, #tpu.memory_space<semaphore_mem>>)
      } else {
      }
      %add3A_405 = arith.constant 3 : i32
      %add3A_406 = arith.addi %add3A_279, %add3A_405 : i32
      %lt3A_407 = arith.constant 250 : i32
      %lt3A_408 = arith.cmpi slt, %add3A_406, %lt3A_407 : i32
      %convert_element_type3A_409 = arith.extui %lt3A_408 : i1 to i32
      %cond3A_410 = arith.constant 0 : i32
      %cond3A_411 = arith.cmpi ne, %convert_element_type3A_409, %cond3A_410 : i32
      scf.if %cond3A_411 {
        %dma_wait3A_663 = arith.constant 0 : i32
        %dma_wait3A_664 = arith.constant 0 : i32
        %dma_wait3A_665 = tpu.memref_slice %arg3[%dma_wait3A_663, %dma_wait3A_664] : memref<10000x128xf32, #tpu.memory_space<hbm>> -> memref<10000x128xf32, #tpu.memory_space<hbm>>
        tpu.wait_indirect_dma semaphore(%arg36 : memref<!tpu.dma_semaphore, #tpu.memory_space<semaphore_mem>>) src(%dma_wait3A_665 : memref<10000x128xf32, #tpu.memory_space<hbm>>) dst(%arg26 : memref<40x128xf32, #tpu.memory_space<vmem>>)
        %add3A_666 = arith.constant 320000 : i32
        %add3A_667 = arith.addi %add3A_666, %mul3A_2 : i32
        %mul3A_668 = arith.constant 40 : i32
        %mul3A_669 = arith.muli %add3A_406, %mul3A_668 : i32
        %add3A_670 = arith.addi %add3A_667, %mul3A_669 : i32
        %dma_wait3A_671 = tpu.memref_slice %arg2[%add3A_670] : memref<640000xi32, #tpu.memory_space<hbm>> -> memref<40xi32, #tpu.memory_space<hbm>>
        %dma_wait3A_672 = tpu.memref_slice %arg2[%add3A_670] : memref<640000xi32, #tpu.memory_space<hbm>> -> memref<40xi32, #tpu.memory_space<hbm>>
        tpu.wait_dma2 semaphore(%arg52 : memref<!tpu.dma_semaphore, #tpu.memory_space<semaphore_mem>>) src(%dma_wait3A_672 : memref<40xi32, #tpu.memory_space<hbm>>) dst(%arg17 : memref<40xi32, #tpu.memory_space<vmem>>)
        %dma_start3A_673 = arith.constant 0 : i32
        %dma_start3A_674 = arith.constant 0 : i32
        %dma_start3A_675 = tpu.memref_slice %arg32[%dma_start3A_673, %dma_start3A_674] : memref<10000x128xf32, #tpu.memory_space<vmem_shared>> -> memref<10000x128xf32, #tpu.memory_space<vmem_shared>>
        tpu.enqueue_indirect_dma source(%arg26 : memref<40x128xf32, #tpu.memory_space<vmem>>) target(%dma_start3A_675 : memref<10000x128xf32, #tpu.memory_space<vmem_shared>>) offsets(%arg17 : memref<40xi32, #tpu.memory_space<vmem>>) semaphore(%arg45 : memref<!tpu.dma_semaphore, #tpu.memory_space<semaphore_mem>>) {add = true}
      } else {
      }
      %add3A_412 = arith.constant 9 : i32
      %add3A_413 = arith.addi %add3A_406, %add3A_412 : i32
      %lt3A_414 = arith.constant 250 : i32
      %lt3A_415 = arith.cmpi slt, %add3A_413, %lt3A_414 : i32
      %convert_element_type3A_416 = arith.extui %lt3A_415 : i1 to i32
      %cond3A_417 = arith.constant 0 : i32
      %cond3A_418 = arith.cmpi ne, %convert_element_type3A_416, %cond3A_417 : i32
      scf.if %cond3A_418 {
        %add3A_663 = arith.constant 9 : i32
        %add3A_664 = arith.addi %add3A_406, %add3A_663 : i32
        %mul3A_665 = arith.constant 40 : i32
        %mul3A_666 = arith.muli %add3A_664, %mul3A_665 : i32
        %add3A_667 = arith.addi %mul3A_2, %mul3A_666 : i32
        %dma_start3A_668 = tpu.memref_slice %arg2[%add3A_667] : memref<640000xi32, #tpu.memory_space<hbm>> -> memref<40xi32, #tpu.memory_space<hbm>>
        %dma_start3A_669 = tpu.memref_slice %arg2[%add3A_667] : memref<640000xi32, #tpu.memory_space<hbm>> -> memref<40xi32, #tpu.memory_space<hbm>>
        tpu.enqueue_dma source(%dma_start3A_669 : memref<40xi32, #tpu.memory_space<hbm>>) target(%arg8 : memref<40xi32, #tpu.memory_space<vmem>>) target_semaphore(%arg51 : memref<!tpu.dma_semaphore, #tpu.memory_space<semaphore_mem>>)
      } else {
      }
      %ge3A_419 = arith.constant 2 : i32
      %ge3A_420 = arith.cmpi sge, %add3A_406, %ge3A_419 : i32
      %sub3A_421 = arith.constant 2 : i32
      %sub3A_422 = arith.subi %add3A_406, %sub3A_421 : i32
      %lt3A_423 = arith.constant 250 : i32
      %lt3A_424 = arith.cmpi slt, %sub3A_422, %lt3A_423 : i32
      %and3A_425 = arith.andi %ge3A_420, %lt3A_424 : i1
      %convert_element_type3A_426 = arith.extui %and3A_425 : i1 to i32
      %cond3A_427 = arith.constant 0 : i32
      %cond3A_428 = arith.cmpi ne, %convert_element_type3A_426, %cond3A_427 : i32
      scf.if %cond3A_428 {
        %dma_wait3A_663 = arith.constant 0 : i32
        %dma_wait3A_664 = arith.constant 0 : i32
        %dma_wait3A_665 = tpu.memref_slice %arg32[%dma_wait3A_663, %dma_wait3A_664] : memref<10000x128xf32, #tpu.memory_space<vmem_shared>> -> memref<10000x128xf32, #tpu.memory_space<vmem_shared>>
        tpu.wait_indirect_dma semaphore(%arg43 : memref<!tpu.dma_semaphore, #tpu.memory_space<semaphore_mem>>) src(%arg24 : memref<40x128xf32, #tpu.memory_space<vmem>>) dst(%dma_wait3A_665 : memref<10000x128xf32, #tpu.memory_space<vmem_shared>>)
      } else {
      }
      %add3A_429 = arith.constant 7 : i32
      %add3A_430 = arith.addi %add3A_406, %add3A_429 : i32
      %ge3A_431 = arith.constant 9 : i32
      %ge3A_432 = arith.cmpi sge, %add3A_430, %ge3A_431 : i32
      %add3A_433 = arith.constant 7 : i32
      %add3A_434 = arith.addi %add3A_406, %add3A_433 : i32
      %lt3A_435 = arith.constant 250 : i32
      %lt3A_436 = arith.cmpi slt, %add3A_434, %lt3A_435 : i32
      %and3A_437 = arith.andi %ge3A_432, %lt3A_436 : i1
      %convert_element_type3A_438 = arith.extui %and3A_437 : i1 to i32
      %cond3A_439 = arith.constant 0 : i32
      %cond3A_440 = arith.cmpi ne, %convert_element_type3A_438, %cond3A_439 : i32
      scf.if %cond3A_440 {
        %add3A_663 = arith.constant 7 : i32
        %add3A_664 = arith.addi %add3A_406, %add3A_663 : i32
        %add3A_665 = arith.constant 320000 : i32
        %add3A_666 = arith.addi %add3A_665, %mul3A_2 : i32
        %mul3A_667 = arith.constant 40 : i32
        %mul3A_668 = arith.muli %add3A_664, %mul3A_667 : i32
        %add3A_669 = arith.addi %add3A_666, %mul3A_668 : i32
        %dma_start3A_670 = tpu.memref_slice %arg2[%add3A_669] : memref<640000xi32, #tpu.memory_space<hbm>> -> memref<40xi32, #tpu.memory_space<hbm>>
        %dma_start3A_671 = tpu.memref_slice %arg2[%add3A_669] : memref<640000xi32, #tpu.memory_space<hbm>> -> memref<40xi32, #tpu.memory_space<hbm>>
        tpu.enqueue_dma source(%dma_start3A_671 : memref<40xi32, #tpu.memory_space<hbm>>) target(%arg15 : memref<40xi32, #tpu.memory_space<vmem>>) target_semaphore(%arg52 : memref<!tpu.dma_semaphore, #tpu.memory_space<semaphore_mem>>)
      } else {
      }
      %add3A_441 = arith.constant 7 : i32
      %add3A_442 = arith.addi %add3A_406, %add3A_441 : i32
      %lt3A_443 = arith.constant 250 : i32
      %lt3A_444 = arith.cmpi slt, %add3A_442, %lt3A_443 : i32
      %convert_element_type3A_445 = arith.extui %lt3A_444 : i1 to i32
      %cond3A_446 = arith.constant 0 : i32
      %cond3A_447 = arith.cmpi ne, %convert_element_type3A_445, %cond3A_446 : i32
      scf.if %cond3A_447 {
        %add3A_663 = arith.constant 7 : i32
        %add3A_664 = arith.addi %add3A_406, %add3A_663 : i32
        %mul3A_665 = arith.constant 40 : i32
        %mul3A_666 = arith.muli %add3A_664, %mul3A_665 : i32
        %add3A_667 = arith.addi %mul3A_2, %mul3A_666 : i32
        %dma_wait3A_668 = tpu.memref_slice %arg2[%add3A_667] : memref<640000xi32, #tpu.memory_space<hbm>> -> memref<40xi32, #tpu.memory_space<hbm>>
        %dma_wait3A_669 = tpu.memref_slice %arg2[%add3A_667] : memref<640000xi32, #tpu.memory_space<hbm>> -> memref<40xi32, #tpu.memory_space<hbm>>
        tpu.wait_dma2 semaphore(%arg51 : memref<!tpu.dma_semaphore, #tpu.memory_space<semaphore_mem>>) src(%dma_wait3A_669 : memref<40xi32, #tpu.memory_space<hbm>>) dst(%arg6 : memref<40xi32, #tpu.memory_space<vmem>>)
        %dma_start3A_670 = arith.constant 0 : i32
        %dma_start3A_671 = arith.constant 0 : i32
        %dma_start3A_672 = tpu.memref_slice %arg3[%dma_start3A_670, %dma_start3A_671] : memref<10000x128xf32, #tpu.memory_space<hbm>> -> memref<10000x128xf32, #tpu.memory_space<hbm>>
        tpu.enqueue_indirect_dma source(%dma_start3A_672 : memref<10000x128xf32, #tpu.memory_space<hbm>>) target(%arg24 : memref<40x128xf32, #tpu.memory_space<vmem>>) offsets(%arg6 : memref<40xi32, #tpu.memory_space<vmem>>) semaphore(%arg34 : memref<!tpu.dma_semaphore, #tpu.memory_space<semaphore_mem>>)
      } else {
      }
      %add3A_448 = arith.constant 4 : i32
      %add3A_449 = arith.addi %add3A_279, %add3A_448 : i32
      %lt3A_450 = arith.constant 250 : i32
      %lt3A_451 = arith.cmpi slt, %add3A_449, %lt3A_450 : i32
      %convert_element_type3A_452 = arith.extui %lt3A_451 : i1 to i32
      %cond3A_453 = arith.constant 0 : i32
      %cond3A_454 = arith.cmpi ne, %convert_element_type3A_452, %cond3A_453 : i32
      scf.if %cond3A_454 {
        %dma_wait3A_663 = arith.constant 0 : i32
        %dma_wait3A_664 = arith.constant 0 : i32
        %dma_wait3A_665 = tpu.memref_slice %arg3[%dma_wait3A_663, %dma_wait3A_664] : memref<10000x128xf32, #tpu.memory_space<hbm>> -> memref<10000x128xf32, #tpu.memory_space<hbm>>
        tpu.wait_indirect_dma semaphore(%arg37 : memref<!tpu.dma_semaphore, #tpu.memory_space<semaphore_mem>>) src(%dma_wait3A_665 : memref<10000x128xf32, #tpu.memory_space<hbm>>) dst(%arg27 : memref<40x128xf32, #tpu.memory_space<vmem>>)
        %add3A_666 = arith.constant 320000 : i32
        %add3A_667 = arith.addi %add3A_666, %mul3A_2 : i32
        %mul3A_668 = arith.constant 40 : i32
        %mul3A_669 = arith.muli %add3A_449, %mul3A_668 : i32
        %add3A_670 = arith.addi %add3A_667, %mul3A_669 : i32
        %dma_wait3A_671 = tpu.memref_slice %arg2[%add3A_670] : memref<640000xi32, #tpu.memory_space<hbm>> -> memref<40xi32, #tpu.memory_space<hbm>>
        %dma_wait3A_672 = tpu.memref_slice %arg2[%add3A_670] : memref<640000xi32, #tpu.memory_space<hbm>> -> memref<40xi32, #tpu.memory_space<hbm>>
        tpu.wait_dma2 semaphore(%arg52 : memref<!tpu.dma_semaphore, #tpu.memory_space<semaphore_mem>>) src(%dma_wait3A_672 : memref<40xi32, #tpu.memory_space<hbm>>) dst(%arg18 : memref<40xi32, #tpu.memory_space<vmem>>)
        %dma_start3A_673 = arith.constant 0 : i32
        %dma_start3A_674 = arith.constant 0 : i32
        %dma_start3A_675 = tpu.memref_slice %arg32[%dma_start3A_673, %dma_start3A_674] : memref<10000x128xf32, #tpu.memory_space<vmem_shared>> -> memref<10000x128xf32, #tpu.memory_space<vmem_shared>>
        tpu.enqueue_indirect_dma source(%arg27 : memref<40x128xf32, #tpu.memory_space<vmem>>) target(%dma_start3A_675 : memref<10000x128xf32, #tpu.memory_space<vmem_shared>>) offsets(%arg18 : memref<40xi32, #tpu.memory_space<vmem>>) semaphore(%arg46 : memref<!tpu.dma_semaphore, #tpu.memory_space<semaphore_mem>>) {add = true}
      } else {
      }
      %add3A_455 = arith.constant 9 : i32
      %add3A_456 = arith.addi %add3A_449, %add3A_455 : i32
      %lt3A_457 = arith.constant 250 : i32
      %lt3A_458 = arith.cmpi slt, %add3A_456, %lt3A_457 : i32
      %convert_element_type3A_459 = arith.extui %lt3A_458 : i1 to i32
      %cond3A_460 = arith.constant 0 : i32
      %cond3A_461 = arith.cmpi ne, %convert_element_type3A_459, %cond3A_460 : i32
      scf.if %cond3A_461 {
        %add3A_663 = arith.constant 9 : i32
        %add3A_664 = arith.addi %add3A_449, %add3A_663 : i32
        %mul3A_665 = arith.constant 40 : i32
        %mul3A_666 = arith.muli %add3A_664, %mul3A_665 : i32
        %add3A_667 = arith.addi %mul3A_2, %mul3A_666 : i32
        %dma_start3A_668 = tpu.memref_slice %arg2[%add3A_667] : memref<640000xi32, #tpu.memory_space<hbm>> -> memref<40xi32, #tpu.memory_space<hbm>>
        %dma_start3A_669 = tpu.memref_slice %arg2[%add3A_667] : memref<640000xi32, #tpu.memory_space<hbm>> -> memref<40xi32, #tpu.memory_space<hbm>>
        tpu.enqueue_dma source(%dma_start3A_669 : memref<40xi32, #tpu.memory_space<hbm>>) target(%arg9 : memref<40xi32, #tpu.memory_space<vmem>>) target_semaphore(%arg51 : memref<!tpu.dma_semaphore, #tpu.memory_space<semaphore_mem>>)
      } else {
      }
      %ge3A_462 = arith.constant 2 : i32
      %ge3A_463 = arith.cmpi sge, %add3A_449, %ge3A_462 : i32
      %sub3A_464 = arith.constant 2 : i32
      %sub3A_465 = arith.subi %add3A_449, %sub3A_464 : i32
      %lt3A_466 = arith.constant 250 : i32
      %lt3A_467 = arith.cmpi slt, %sub3A_465, %lt3A_466 : i32
      %and3A_468 = arith.andi %ge3A_463, %lt3A_467 : i1
      %convert_element_type3A_469 = arith.extui %and3A_468 : i1 to i32
      %cond3A_470 = arith.constant 0 : i32
      %cond3A_471 = arith.cmpi ne, %convert_element_type3A_469, %cond3A_470 : i32
      scf.if %cond3A_471 {
        %dma_wait3A_663 = arith.constant 0 : i32
        %dma_wait3A_664 = arith.constant 0 : i32
        %dma_wait3A_665 = tpu.memref_slice %arg32[%dma_wait3A_663, %dma_wait3A_664] : memref<10000x128xf32, #tpu.memory_space<vmem_shared>> -> memref<10000x128xf32, #tpu.memory_space<vmem_shared>>
        tpu.wait_indirect_dma semaphore(%arg44 : memref<!tpu.dma_semaphore, #tpu.memory_space<semaphore_mem>>) src(%arg25 : memref<40x128xf32, #tpu.memory_space<vmem>>) dst(%dma_wait3A_665 : memref<10000x128xf32, #tpu.memory_space<vmem_shared>>)
      } else {
      }
      %add3A_472 = arith.constant 7 : i32
      %add3A_473 = arith.addi %add3A_449, %add3A_472 : i32
      %ge3A_474 = arith.constant 9 : i32
      %ge3A_475 = arith.cmpi sge, %add3A_473, %ge3A_474 : i32
      %add3A_476 = arith.constant 7 : i32
      %add3A_477 = arith.addi %add3A_449, %add3A_476 : i32
      %lt3A_478 = arith.constant 250 : i32
      %lt3A_479 = arith.cmpi slt, %add3A_477, %lt3A_478 : i32
      %and3A_480 = arith.andi %ge3A_475, %lt3A_479 : i1
      %convert_element_type3A_481 = arith.extui %and3A_480 : i1 to i32
      %cond3A_482 = arith.constant 0 : i32
      %cond3A_483 = arith.cmpi ne, %convert_element_type3A_481, %cond3A_482 : i32
      scf.if %cond3A_483 {
        %add3A_663 = arith.constant 7 : i32
        %add3A_664 = arith.addi %add3A_449, %add3A_663 : i32
        %add3A_665 = arith.constant 320000 : i32
        %add3A_666 = arith.addi %add3A_665, %mul3A_2 : i32
        %mul3A_667 = arith.constant 40 : i32
        %mul3A_668 = arith.muli %add3A_664, %mul3A_667 : i32
        %add3A_669 = arith.addi %add3A_666, %mul3A_668 : i32
        %dma_start3A_670 = tpu.memref_slice %arg2[%add3A_669] : memref<640000xi32, #tpu.memory_space<hbm>> -> memref<40xi32, #tpu.memory_space<hbm>>
        %dma_start3A_671 = tpu.memref_slice %arg2[%add3A_669] : memref<640000xi32, #tpu.memory_space<hbm>> -> memref<40xi32, #tpu.memory_space<hbm>>
        tpu.enqueue_dma source(%dma_start3A_671 : memref<40xi32, #tpu.memory_space<hbm>>) target(%arg16 : memref<40xi32, #tpu.memory_space<vmem>>) target_semaphore(%arg52 : memref<!tpu.dma_semaphore, #tpu.memory_space<semaphore_mem>>)
      } else {
      }
      %add3A_484 = arith.constant 7 : i32
      %add3A_485 = arith.addi %add3A_449, %add3A_484 : i32
      %lt3A_486 = arith.constant 250 : i32
      %lt3A_487 = arith.cmpi slt, %add3A_485, %lt3A_486 : i32
      %convert_element_type3A_488 = arith.extui %lt3A_487 : i1 to i32
      %cond3A_489 = arith.constant 0 : i32
      %cond3A_490 = arith.cmpi ne, %convert_element_type3A_488, %cond3A_489 : i32
      scf.if %cond3A_490 {
        %add3A_663 = arith.constant 7 : i32
        %add3A_664 = arith.addi %add3A_449, %add3A_663 : i32
        %mul3A_665 = arith.constant 40 : i32
        %mul3A_666 = arith.muli %add3A_664, %mul3A_665 : i32
        %add3A_667 = arith.addi %mul3A_2, %mul3A_666 : i32
        %dma_wait3A_668 = tpu.memref_slice %arg2[%add3A_667] : memref<640000xi32, #tpu.memory_space<hbm>> -> memref<40xi32, #tpu.memory_space<hbm>>
        %dma_wait3A_669 = tpu.memref_slice %arg2[%add3A_667] : memref<640000xi32, #tpu.memory_space<hbm>> -> memref<40xi32, #tpu.memory_space<hbm>>
        tpu.wait_dma2 semaphore(%arg51 : memref<!tpu.dma_semaphore, #tpu.memory_space<semaphore_mem>>) src(%dma_wait3A_669 : memref<40xi32, #tpu.memory_space<hbm>>) dst(%arg7 : memref<40xi32, #tpu.memory_space<vmem>>)
        %dma_start3A_670 = arith.constant 0 : i32
        %dma_start3A_671 = arith.constant 0 : i32
        %dma_start3A_672 = tpu.memref_slice %arg3[%dma_start3A_670, %dma_start3A_671] : memref<10000x128xf32, #tpu.memory_space<hbm>> -> memref<10000x128xf32, #tpu.memory_space<hbm>>
        tpu.enqueue_indirect_dma source(%dma_start3A_672 : memref<10000x128xf32, #tpu.memory_space<hbm>>) target(%arg25 : memref<40x128xf32, #tpu.memory_space<vmem>>) offsets(%arg7 : memref<40xi32, #tpu.memory_space<vmem>>) semaphore(%arg35 : memref<!tpu.dma_semaphore, #tpu.memory_space<semaphore_mem>>)
      } else {
      }
      %add3A_491 = arith.constant 5 : i32
      %add3A_492 = arith.addi %add3A_279, %add3A_491 : i32
      %lt3A_493 = arith.constant 250 : i32
      %lt3A_494 = arith.cmpi slt, %add3A_492, %lt3A_493 : i32
      %convert_element_type3A_495 = arith.extui %lt3A_494 : i1 to i32
      %cond3A_496 = arith.constant 0 : i32
      %cond3A_497 = arith.cmpi ne, %convert_element_type3A_495, %cond3A_496 : i32
      scf.if %cond3A_497 {
        %dma_wait3A_663 = arith.constant 0 : i32
        %dma_wait3A_664 = arith.constant 0 : i32
        %dma_wait3A_665 = tpu.memref_slice %arg3[%dma_wait3A_663, %dma_wait3A_664] : memref<10000x128xf32, #tpu.memory_space<hbm>> -> memref<10000x128xf32, #tpu.memory_space<hbm>>
        tpu.wait_indirect_dma semaphore(%arg38 : memref<!tpu.dma_semaphore, #tpu.memory_space<semaphore_mem>>) src(%dma_wait3A_665 : memref<10000x128xf32, #tpu.memory_space<hbm>>) dst(%arg28 : memref<40x128xf32, #tpu.memory_space<vmem>>)
        %add3A_666 = arith.constant 320000 : i32
        %add3A_667 = arith.addi %add3A_666, %mul3A_2 : i32
        %mul3A_668 = arith.constant 40 : i32
        %mul3A_669 = arith.muli %add3A_492, %mul3A_668 : i32
        %add3A_670 = arith.addi %add3A_667, %mul3A_669 : i32
        %dma_wait3A_671 = tpu.memref_slice %arg2[%add3A_670] : memref<640000xi32, #tpu.memory_space<hbm>> -> memref<40xi32, #tpu.memory_space<hbm>>
        %dma_wait3A_672 = tpu.memref_slice %arg2[%add3A_670] : memref<640000xi32, #tpu.memory_space<hbm>> -> memref<40xi32, #tpu.memory_space<hbm>>
        tpu.wait_dma2 semaphore(%arg52 : memref<!tpu.dma_semaphore, #tpu.memory_space<semaphore_mem>>) src(%dma_wait3A_672 : memref<40xi32, #tpu.memory_space<hbm>>) dst(%arg19 : memref<40xi32, #tpu.memory_space<vmem>>)
        %dma_start3A_673 = arith.constant 0 : i32
        %dma_start3A_674 = arith.constant 0 : i32
        %dma_start3A_675 = tpu.memref_slice %arg32[%dma_start3A_673, %dma_start3A_674] : memref<10000x128xf32, #tpu.memory_space<vmem_shared>> -> memref<10000x128xf32, #tpu.memory_space<vmem_shared>>
        tpu.enqueue_indirect_dma source(%arg28 : memref<40x128xf32, #tpu.memory_space<vmem>>) target(%dma_start3A_675 : memref<10000x128xf32, #tpu.memory_space<vmem_shared>>) offsets(%arg19 : memref<40xi32, #tpu.memory_space<vmem>>) semaphore(%arg47 : memref<!tpu.dma_semaphore, #tpu.memory_space<semaphore_mem>>) {add = true}
      } else {
      }
      %add3A_498 = arith.constant 9 : i32
      %add3A_499 = arith.addi %add3A_492, %add3A_498 : i32
      %lt3A_500 = arith.constant 250 : i32
      %lt3A_501 = arith.cmpi slt, %add3A_499, %lt3A_500 : i32
      %convert_element_type3A_502 = arith.extui %lt3A_501 : i1 to i32
      %cond3A_503 = arith.constant 0 : i32
      %cond3A_504 = arith.cmpi ne, %convert_element_type3A_502, %cond3A_503 : i32
      scf.if %cond3A_504 {
        %add3A_663 = arith.constant 9 : i32
        %add3A_664 = arith.addi %add3A_492, %add3A_663 : i32
        %mul3A_665 = arith.constant 40 : i32
        %mul3A_666 = arith.muli %add3A_664, %mul3A_665 : i32
        %add3A_667 = arith.addi %mul3A_2, %mul3A_666 : i32
        %dma_start3A_668 = tpu.memref_slice %arg2[%add3A_667] : memref<640000xi32, #tpu.memory_space<hbm>> -> memref<40xi32, #tpu.memory_space<hbm>>
        %dma_start3A_669 = tpu.memref_slice %arg2[%add3A_667] : memref<640000xi32, #tpu.memory_space<hbm>> -> memref<40xi32, #tpu.memory_space<hbm>>
        tpu.enqueue_dma source(%dma_start3A_669 : memref<40xi32, #tpu.memory_space<hbm>>) target(%arg10 : memref<40xi32, #tpu.memory_space<vmem>>) target_semaphore(%arg51 : memref<!tpu.dma_semaphore, #tpu.memory_space<semaphore_mem>>)
      } else {
      }
      %ge3A_505 = arith.constant 2 : i32
      %ge3A_506 = arith.cmpi sge, %add3A_492, %ge3A_505 : i32
      %sub3A_507 = arith.constant 2 : i32
      %sub3A_508 = arith.subi %add3A_492, %sub3A_507 : i32
      %lt3A_509 = arith.constant 250 : i32
      %lt3A_510 = arith.cmpi slt, %sub3A_508, %lt3A_509 : i32
      %and3A_511 = arith.andi %ge3A_506, %lt3A_510 : i1
      %convert_element_type3A_512 = arith.extui %and3A_511 : i1 to i32
      %cond3A_513 = arith.constant 0 : i32
      %cond3A_514 = arith.cmpi ne, %convert_element_type3A_512, %cond3A_513 : i32
      scf.if %cond3A_514 {
        %dma_wait3A_663 = arith.constant 0 : i32
        %dma_wait3A_664 = arith.constant 0 : i32
        %dma_wait3A_665 = tpu.memref_slice %arg32[%dma_wait3A_663, %dma_wait3A_664] : memref<10000x128xf32, #tpu.memory_space<vmem_shared>> -> memref<10000x128xf32, #tpu.memory_space<vmem_shared>>
        tpu.wait_indirect_dma semaphore(%arg45 : memref<!tpu.dma_semaphore, #tpu.memory_space<semaphore_mem>>) src(%arg26 : memref<40x128xf32, #tpu.memory_space<vmem>>) dst(%dma_wait3A_665 : memref<10000x128xf32, #tpu.memory_space<vmem_shared>>)
      } else {
      }
      %add3A_515 = arith.constant 7 : i32
      %add3A_516 = arith.addi %add3A_492, %add3A_515 : i32
      %ge3A_517 = arith.constant 9 : i32
      %ge3A_518 = arith.cmpi sge, %add3A_516, %ge3A_517 : i32
      %add3A_519 = arith.constant 7 : i32
      %add3A_520 = arith.addi %add3A_492, %add3A_519 : i32
      %lt3A_521 = arith.constant 250 : i32
      %lt3A_522 = arith.cmpi slt, %add3A_520, %lt3A_521 : i32
      %and3A_523 = arith.andi %ge3A_518, %lt3A_522 : i1
      %convert_element_type3A_524 = arith.extui %and3A_523 : i1 to i32
      %cond3A_525 = arith.constant 0 : i32
      %cond3A_526 = arith.cmpi ne, %convert_element_type3A_524, %cond3A_525 : i32
      scf.if %cond3A_526 {
        %add3A_663 = arith.constant 7 : i32
        %add3A_664 = arith.addi %add3A_492, %add3A_663 : i32
        %add3A_665 = arith.constant 320000 : i32
        %add3A_666 = arith.addi %add3A_665, %mul3A_2 : i32
        %mul3A_667 = arith.constant 40 : i32
        %mul3A_668 = arith.muli %add3A_664, %mul3A_667 : i32
        %add3A_669 = arith.addi %add3A_666, %mul3A_668 : i32
        %dma_start3A_670 = tpu.memref_slice %arg2[%add3A_669] : memref<640000xi32, #tpu.memory_space<hbm>> -> memref<40xi32, #tpu.memory_space<hbm>>
        %dma_start3A_671 = tpu.memref_slice %arg2[%add3A_669] : memref<640000xi32, #tpu.memory_space<hbm>> -> memref<40xi32, #tpu.memory_space<hbm>>
        tpu.enqueue_dma source(%dma_start3A_671 : memref<40xi32, #tpu.memory_space<hbm>>) target(%arg17 : memref<40xi32, #tpu.memory_space<vmem>>) target_semaphore(%arg52 : memref<!tpu.dma_semaphore, #tpu.memory_space<semaphore_mem>>)
      } else {
      }
      %add3A_527 = arith.constant 7 : i32
      %add3A_528 = arith.addi %add3A_492, %add3A_527 : i32
      %lt3A_529 = arith.constant 250 : i32
      %lt3A_530 = arith.cmpi slt, %add3A_528, %lt3A_529 : i32
      %convert_element_type3A_531 = arith.extui %lt3A_530 : i1 to i32
      %cond3A_532 = arith.constant 0 : i32
      %cond3A_533 = arith.cmpi ne, %convert_element_type3A_531, %cond3A_532 : i32
      scf.if %cond3A_533 {
        %add3A_663 = arith.constant 7 : i32
        %add3A_664 = arith.addi %add3A_492, %add3A_663 : i32
        %mul3A_665 = arith.constant 40 : i32
        %mul3A_666 = arith.muli %add3A_664, %mul3A_665 : i32
        %add3A_667 = arith.addi %mul3A_2, %mul3A_666 : i32
        %dma_wait3A_668 = tpu.memref_slice %arg2[%add3A_667] : memref<640000xi32, #tpu.memory_space<hbm>> -> memref<40xi32, #tpu.memory_space<hbm>>
        %dma_wait3A_669 = tpu.memref_slice %arg2[%add3A_667] : memref<640000xi32, #tpu.memory_space<hbm>> -> memref<40xi32, #tpu.memory_space<hbm>>
        tpu.wait_dma2 semaphore(%arg51 : memref<!tpu.dma_semaphore, #tpu.memory_space<semaphore_mem>>) src(%dma_wait3A_669 : memref<40xi32, #tpu.memory_space<hbm>>) dst(%arg8 : memref<40xi32, #tpu.memory_space<vmem>>)
        %dma_start3A_670 = arith.constant 0 : i32
        %dma_start3A_671 = arith.constant 0 : i32
        %dma_start3A_672 = tpu.memref_slice %arg3[%dma_start3A_670, %dma_start3A_671] : memref<10000x128xf32, #tpu.memory_space<hbm>> -> memref<10000x128xf32, #tpu.memory_space<hbm>>
        tpu.enqueue_indirect_dma source(%dma_start3A_672 : memref<10000x128xf32, #tpu.memory_space<hbm>>) target(%arg26 : memref<40x128xf32, #tpu.memory_space<vmem>>) offsets(%arg8 : memref<40xi32, #tpu.memory_space<vmem>>) semaphore(%arg36 : memref<!tpu.dma_semaphore, #tpu.memory_space<semaphore_mem>>)
      } else {
      }
      %add3A_534 = arith.constant 6 : i32
      %add3A_535 = arith.addi %add3A_279, %add3A_534 : i32
      %lt3A_536 = arith.constant 250 : i32
      %lt3A_537 = arith.cmpi slt, %add3A_535, %lt3A_536 : i32
      %convert_element_type3A_538 = arith.extui %lt3A_537 : i1 to i32
      %cond3A_539 = arith.constant 0 : i32
      %cond3A_540 = arith.cmpi ne, %convert_element_type3A_538, %cond3A_539 : i32
      scf.if %cond3A_540 {
        %dma_wait3A_663 = arith.constant 0 : i32
        %dma_wait3A_664 = arith.constant 0 : i32
        %dma_wait3A_665 = tpu.memref_slice %arg3[%dma_wait3A_663, %dma_wait3A_664] : memref<10000x128xf32, #tpu.memory_space<hbm>> -> memref<10000x128xf32, #tpu.memory_space<hbm>>
        tpu.wait_indirect_dma semaphore(%arg39 : memref<!tpu.dma_semaphore, #tpu.memory_space<semaphore_mem>>) src(%dma_wait3A_665 : memref<10000x128xf32, #tpu.memory_space<hbm>>) dst(%arg29 : memref<40x128xf32, #tpu.memory_space<vmem>>)
        %add3A_666 = arith.constant 320000 : i32
        %add3A_667 = arith.addi %add3A_666, %mul3A_2 : i32
        %mul3A_668 = arith.constant 40 : i32
        %mul3A_669 = arith.muli %add3A_535, %mul3A_668 : i32
        %add3A_670 = arith.addi %add3A_667, %mul3A_669 : i32
        %dma_wait3A_671 = tpu.memref_slice %arg2[%add3A_670] : memref<640000xi32, #tpu.memory_space<hbm>> -> memref<40xi32, #tpu.memory_space<hbm>>
        %dma_wait3A_672 = tpu.memref_slice %arg2[%add3A_670] : memref<640000xi32, #tpu.memory_space<hbm>> -> memref<40xi32, #tpu.memory_space<hbm>>
        tpu.wait_dma2 semaphore(%arg52 : memref<!tpu.dma_semaphore, #tpu.memory_space<semaphore_mem>>) src(%dma_wait3A_672 : memref<40xi32, #tpu.memory_space<hbm>>) dst(%arg20 : memref<40xi32, #tpu.memory_space<vmem>>)
        %dma_start3A_673 = arith.constant 0 : i32
        %dma_start3A_674 = arith.constant 0 : i32
        %dma_start3A_675 = tpu.memref_slice %arg32[%dma_start3A_673, %dma_start3A_674] : memref<10000x128xf32, #tpu.memory_space<vmem_shared>> -> memref<10000x128xf32, #tpu.memory_space<vmem_shared>>
        tpu.enqueue_indirect_dma source(%arg29 : memref<40x128xf32, #tpu.memory_space<vmem>>) target(%dma_start3A_675 : memref<10000x128xf32, #tpu.memory_space<vmem_shared>>) offsets(%arg20 : memref<40xi32, #tpu.memory_space<vmem>>) semaphore(%arg48 : memref<!tpu.dma_semaphore, #tpu.memory_space<semaphore_mem>>) {add = true}
      } else {
      }
      %add3A_541 = arith.constant 9 : i32
      %add3A_542 = arith.addi %add3A_535, %add3A_541 : i32
      %lt3A_543 = arith.constant 250 : i32
      %lt3A_544 = arith.cmpi slt, %add3A_542, %lt3A_543 : i32
      %convert_element_type3A_545 = arith.extui %lt3A_544 : i1 to i32
      %cond3A_546 = arith.constant 0 : i32
      %cond3A_547 = arith.cmpi ne, %convert_element_type3A_545, %cond3A_546 : i32
      scf.if %cond3A_547 {
        %add3A_663 = arith.constant 9 : i32
        %add3A_664 = arith.addi %add3A_535, %add3A_663 : i32
        %mul3A_665 = arith.constant 40 : i32
        %mul3A_666 = arith.muli %add3A_664, %mul3A_665 : i32
        %add3A_667 = arith.addi %mul3A_2, %mul3A_666 : i32
        %dma_start3A_668 = tpu.memref_slice %arg2[%add3A_667] : memref<640000xi32, #tpu.memory_space<hbm>> -> memref<40xi32, #tpu.memory_space<hbm>>
        %dma_start3A_669 = tpu.memref_slice %arg2[%add3A_667] : memref<640000xi32, #tpu.memory_space<hbm>> -> memref<40xi32, #tpu.memory_space<hbm>>
        tpu.enqueue_dma source(%dma_start3A_669 : memref<40xi32, #tpu.memory_space<hbm>>) target(%arg11 : memref<40xi32, #tpu.memory_space<vmem>>) target_semaphore(%arg51 : memref<!tpu.dma_semaphore, #tpu.memory_space<semaphore_mem>>)
      } else {
      }
      %ge3A_548 = arith.constant 2 : i32
      %ge3A_549 = arith.cmpi sge, %add3A_535, %ge3A_548 : i32
      %sub3A_550 = arith.constant 2 : i32
      %sub3A_551 = arith.subi %add3A_535, %sub3A_550 : i32
      %lt3A_552 = arith.constant 250 : i32
      %lt3A_553 = arith.cmpi slt, %sub3A_551, %lt3A_552 : i32
      %and3A_554 = arith.andi %ge3A_549, %lt3A_553 : i1
      %convert_element_type3A_555 = arith.extui %and3A_554 : i1 to i32
      %cond3A_556 = arith.constant 0 : i32
      %cond3A_557 = arith.cmpi ne, %convert_element_type3A_555, %cond3A_556 : i32
      scf.if %cond3A_557 {
        %dma_wait3A_663 = arith.constant 0 : i32
        %dma_wait3A_664 = arith.constant 0 : i32
        %dma_wait3A_665 = tpu.memref_slice %arg32[%dma_wait3A_663, %dma_wait3A_664] : memref<10000x128xf32, #tpu.memory_space<vmem_shared>> -> memref<10000x128xf32, #tpu.memory_space<vmem_shared>>
        tpu.wait_indirect_dma semaphore(%arg46 : memref<!tpu.dma_semaphore, #tpu.memory_space<semaphore_mem>>) src(%arg27 : memref<40x128xf32, #tpu.memory_space<vmem>>) dst(%dma_wait3A_665 : memref<10000x128xf32, #tpu.memory_space<vmem_shared>>)
      } else {
      }
      %add3A_558 = arith.constant 7 : i32
      %add3A_559 = arith.addi %add3A_535, %add3A_558 : i32
      %ge3A_560 = arith.constant 9 : i32
      %ge3A_561 = arith.cmpi sge, %add3A_559, %ge3A_560 : i32
      %add3A_562 = arith.constant 7 : i32
      %add3A_563 = arith.addi %add3A_535, %add3A_562 : i32
      %lt3A_564 = arith.constant 250 : i32
      %lt3A_565 = arith.cmpi slt, %add3A_563, %lt3A_564 : i32
      %and3A_566 = arith.andi %ge3A_561, %lt3A_565 : i1
      %convert_element_type3A_567 = arith.extui %and3A_566 : i1 to i32
      %cond3A_568 = arith.constant 0 : i32
      %cond3A_569 = arith.cmpi ne, %convert_element_type3A_567, %cond3A_568 : i32
      scf.if %cond3A_569 {
        %add3A_663 = arith.constant 7 : i32
        %add3A_664 = arith.addi %add3A_535, %add3A_663 : i32
        %add3A_665 = arith.constant 320000 : i32
        %add3A_666 = arith.addi %add3A_665, %mul3A_2 : i32
        %mul3A_667 = arith.constant 40 : i32
        %mul3A_668 = arith.muli %add3A_664, %mul3A_667 : i32
        %add3A_669 = arith.addi %add3A_666, %mul3A_668 : i32
        %dma_start3A_670 = tpu.memref_slice %arg2[%add3A_669] : memref<640000xi32, #tpu.memory_space<hbm>> -> memref<40xi32, #tpu.memory_space<hbm>>
        %dma_start3A_671 = tpu.memref_slice %arg2[%add3A_669] : memref<640000xi32, #tpu.memory_space<hbm>> -> memref<40xi32, #tpu.memory_space<hbm>>
        tpu.enqueue_dma source(%dma_start3A_671 : memref<40xi32, #tpu.memory_space<hbm>>) target(%arg18 : memref<40xi32, #tpu.memory_space<vmem>>) target_semaphore(%arg52 : memref<!tpu.dma_semaphore, #tpu.memory_space<semaphore_mem>>)
      } else {
      }
      %add3A_570 = arith.constant 7 : i32
      %add3A_571 = arith.addi %add3A_535, %add3A_570 : i32
      %lt3A_572 = arith.constant 250 : i32
      %lt3A_573 = arith.cmpi slt, %add3A_571, %lt3A_572 : i32
      %convert_element_type3A_574 = arith.extui %lt3A_573 : i1 to i32
      %cond3A_575 = arith.constant 0 : i32
      %cond3A_576 = arith.cmpi ne, %convert_element_type3A_574, %cond3A_575 : i32
      scf.if %cond3A_576 {
        %add3A_663 = arith.constant 7 : i32
        %add3A_664 = arith.addi %add3A_535, %add3A_663 : i32
        %mul3A_665 = arith.constant 40 : i32
        %mul3A_666 = arith.muli %add3A_664, %mul3A_665 : i32
        %add3A_667 = arith.addi %mul3A_2, %mul3A_666 : i32
        %dma_wait3A_668 = tpu.memref_slice %arg2[%add3A_667] : memref<640000xi32, #tpu.memory_space<hbm>> -> memref<40xi32, #tpu.memory_space<hbm>>
        %dma_wait3A_669 = tpu.memref_slice %arg2[%add3A_667] : memref<640000xi32, #tpu.memory_space<hbm>> -> memref<40xi32, #tpu.memory_space<hbm>>
        tpu.wait_dma2 semaphore(%arg51 : memref<!tpu.dma_semaphore, #tpu.memory_space<semaphore_mem>>) src(%dma_wait3A_669 : memref<40xi32, #tpu.memory_space<hbm>>) dst(%arg9 : memref<40xi32, #tpu.memory_space<vmem>>)
        %dma_start3A_670 = arith.constant 0 : i32
        %dma_start3A_671 = arith.constant 0 : i32
        %dma_start3A_672 = tpu.memref_slice %arg3[%dma_start3A_670, %dma_start3A_671] : memref<10000x128xf32, #tpu.memory_space<hbm>> -> memref<10000x128xf32, #tpu.memory_space<hbm>>
        tpu.enqueue_indirect_dma source(%dma_start3A_672 : memref<10000x128xf32, #tpu.memory_space<hbm>>) target(%arg27 : memref<40x128xf32, #tpu.memory_space<vmem>>) offsets(%arg9 : memref<40xi32, #tpu.memory_space<vmem>>) semaphore(%arg37 : memref<!tpu.dma_semaphore, #tpu.memory_space<semaphore_mem>>)
      } else {
      }
      %add3A_577 = arith.constant 7 : i32
      %add3A_578 = arith.addi %add3A_279, %add3A_577 : i32
      %lt3A_579 = arith.constant 250 : i32
      %lt3A_580 = arith.cmpi slt, %add3A_578, %lt3A_579 : i32
      %convert_element_type3A_581 = arith.extui %lt3A_580 : i1 to i32
      %cond3A_582 = arith.constant 0 : i32
      %cond3A_583 = arith.cmpi ne, %convert_element_type3A_581, %cond3A_582 : i32
      scf.if %cond3A_583 {
        %dma_wait3A_663 = arith.constant 0 : i32
        %dma_wait3A_664 = arith.constant 0 : i32
        %dma_wait3A_665 = tpu.memref_slice %arg3[%dma_wait3A_663, %dma_wait3A_664] : memref<10000x128xf32, #tpu.memory_space<hbm>> -> memref<10000x128xf32, #tpu.memory_space<hbm>>
        tpu.wait_indirect_dma semaphore(%arg40 : memref<!tpu.dma_semaphore, #tpu.memory_space<semaphore_mem>>) src(%dma_wait3A_665 : memref<10000x128xf32, #tpu.memory_space<hbm>>) dst(%arg30 : memref<40x128xf32, #tpu.memory_space<vmem>>)
        %add3A_666 = arith.constant 320000 : i32
        %add3A_667 = arith.addi %add3A_666, %mul3A_2 : i32
        %mul3A_668 = arith.constant 40 : i32
        %mul3A_669 = arith.muli %add3A_578, %mul3A_668 : i32
        %add3A_670 = arith.addi %add3A_667, %mul3A_669 : i32
        %dma_wait3A_671 = tpu.memref_slice %arg2[%add3A_670] : memref<640000xi32, #tpu.memory_space<hbm>> -> memref<40xi32, #tpu.memory_space<hbm>>
        %dma_wait3A_672 = tpu.memref_slice %arg2[%add3A_670] : memref<640000xi32, #tpu.memory_space<hbm>> -> memref<40xi32, #tpu.memory_space<hbm>>
        tpu.wait_dma2 semaphore(%arg52 : memref<!tpu.dma_semaphore, #tpu.memory_space<semaphore_mem>>) src(%dma_wait3A_672 : memref<40xi32, #tpu.memory_space<hbm>>) dst(%arg21 : memref<40xi32, #tpu.memory_space<vmem>>)
        %dma_start3A_673 = arith.constant 0 : i32
        %dma_start3A_674 = arith.constant 0 : i32
        %dma_start3A_675 = tpu.memref_slice %arg32[%dma_start3A_673, %dma_start3A_674] : memref<10000x128xf32, #tpu.memory_space<vmem_shared>> -> memref<10000x128xf32, #tpu.memory_space<vmem_shared>>
        tpu.enqueue_indirect_dma source(%arg30 : memref<40x128xf32, #tpu.memory_space<vmem>>) target(%dma_start3A_675 : memref<10000x128xf32, #tpu.memory_space<vmem_shared>>) offsets(%arg21 : memref<40xi32, #tpu.memory_space<vmem>>) semaphore(%arg49 : memref<!tpu.dma_semaphore, #tpu.memory_space<semaphore_mem>>) {add = true}
      } else {
      }
      %add3A_584 = arith.constant 9 : i32
      %add3A_585 = arith.addi %add3A_578, %add3A_584 : i32
      %lt3A_586 = arith.constant 250 : i32
      %lt3A_587 = arith.cmpi slt, %add3A_585, %lt3A_586 : i32
      %convert_element_type3A_588 = arith.extui %lt3A_587 : i1 to i32
      %cond3A_589 = arith.constant 0 : i32
      %cond3A_590 = arith.cmpi ne, %convert_element_type3A_588, %cond3A_589 : i32
      scf.if %cond3A_590 {
        %add3A_663 = arith.constant 9 : i32
        %add3A_664 = arith.addi %add3A_578, %add3A_663 : i32
        %mul3A_665 = arith.constant 40 : i32
        %mul3A_666 = arith.muli %add3A_664, %mul3A_665 : i32
        %add3A_667 = arith.addi %mul3A_2, %mul3A_666 : i32
        %dma_start3A_668 = tpu.memref_slice %arg2[%add3A_667] : memref<640000xi32, #tpu.memory_space<hbm>> -> memref<40xi32, #tpu.memory_space<hbm>>
        %dma_start3A_669 = tpu.memref_slice %arg2[%add3A_667] : memref<640000xi32, #tpu.memory_space<hbm>> -> memref<40xi32, #tpu.memory_space<hbm>>
        tpu.enqueue_dma source(%dma_start3A_669 : memref<40xi32, #tpu.memory_space<hbm>>) target(%arg12 : memref<40xi32, #tpu.memory_space<vmem>>) target_semaphore(%arg51 : memref<!tpu.dma_semaphore, #tpu.memory_space<semaphore_mem>>)
      } else {
      }
      %ge3A_591 = arith.constant 2 : i32
      %ge3A_592 = arith.cmpi sge, %add3A_578, %ge3A_591 : i32
      %sub3A_593 = arith.constant 2 : i32
      %sub3A_594 = arith.subi %add3A_578, %sub3A_593 : i32
      %lt3A_595 = arith.constant 250 : i32
      %lt3A_596 = arith.cmpi slt, %sub3A_594, %lt3A_595 : i32
      %and3A_597 = arith.andi %ge3A_592, %lt3A_596 : i1
      %convert_element_type3A_598 = arith.extui %and3A_597 : i1 to i32
      %cond3A_599 = arith.constant 0 : i32
      %cond3A_600 = arith.cmpi ne, %convert_element_type3A_598, %cond3A_599 : i32
      scf.if %cond3A_600 {
        %dma_wait3A_663 = arith.constant 0 : i32
        %dma_wait3A_664 = arith.constant 0 : i32
        %dma_wait3A_665 = tpu.memref_slice %arg32[%dma_wait3A_663, %dma_wait3A_664] : memref<10000x128xf32, #tpu.memory_space<vmem_shared>> -> memref<10000x128xf32, #tpu.memory_space<vmem_shared>>
        tpu.wait_indirect_dma semaphore(%arg47 : memref<!tpu.dma_semaphore, #tpu.memory_space<semaphore_mem>>) src(%arg28 : memref<40x128xf32, #tpu.memory_space<vmem>>) dst(%dma_wait3A_665 : memref<10000x128xf32, #tpu.memory_space<vmem_shared>>)
      } else {
      }
      %add3A_601 = arith.constant 7 : i32
      %add3A_602 = arith.addi %add3A_578, %add3A_601 : i32
      %ge3A_603 = arith.constant 9 : i32
      %ge3A_604 = arith.cmpi sge, %add3A_602, %ge3A_603 : i32
      %add3A_605 = arith.constant 7 : i32
      %add3A_606 = arith.addi %add3A_578, %add3A_605 : i32
      %lt3A_607 = arith.constant 250 : i32
      %lt3A_608 = arith.cmpi slt, %add3A_606, %lt3A_607 : i32
      %and3A_609 = arith.andi %ge3A_604, %lt3A_608 : i1
      %convert_element_type3A_610 = arith.extui %and3A_609 : i1 to i32
      %cond3A_611 = arith.constant 0 : i32
      %cond3A_612 = arith.cmpi ne, %convert_element_type3A_610, %cond3A_611 : i32
      scf.if %cond3A_612 {
        %add3A_663 = arith.constant 7 : i32
        %add3A_664 = arith.addi %add3A_578, %add3A_663 : i32
        %add3A_665 = arith.constant 320000 : i32
        %add3A_666 = arith.addi %add3A_665, %mul3A_2 : i32
        %mul3A_667 = arith.constant 40 : i32
        %mul3A_668 = arith.muli %add3A_664, %mul3A_667 : i32
        %add3A_669 = arith.addi %add3A_666, %mul3A_668 : i32
        %dma_start3A_670 = tpu.memref_slice %arg2[%add3A_669] : memref<640000xi32, #tpu.memory_space<hbm>> -> memref<40xi32, #tpu.memory_space<hbm>>
        %dma_start3A_671 = tpu.memref_slice %arg2[%add3A_669] : memref<640000xi32, #tpu.memory_space<hbm>> -> memref<40xi32, #tpu.memory_space<hbm>>
        tpu.enqueue_dma source(%dma_start3A_671 : memref<40xi32, #tpu.memory_space<hbm>>) target(%arg19 : memref<40xi32, #tpu.memory_space<vmem>>) target_semaphore(%arg52 : memref<!tpu.dma_semaphore, #tpu.memory_space<semaphore_mem>>)
      } else {
      }
      %add3A_613 = arith.constant 7 : i32
      %add3A_614 = arith.addi %add3A_578, %add3A_613 : i32
      %lt3A_615 = arith.constant 250 : i32
      %lt3A_616 = arith.cmpi slt, %add3A_614, %lt3A_615 : i32
      %convert_element_type3A_617 = arith.extui %lt3A_616 : i1 to i32
      %cond3A_618 = arith.constant 0 : i32
      %cond3A_619 = arith.cmpi ne, %convert_element_type3A_617, %cond3A_618 : i32
      scf.if %cond3A_619 {
        %add3A_663 = arith.constant 7 : i32
        %add3A_664 = arith.addi %add3A_578, %add3A_663 : i32
        %mul3A_665 = arith.constant 40 : i32
        %mul3A_666 = arith.muli %add3A_664, %mul3A_665 : i32
        %add3A_667 = arith.addi %mul3A_2, %mul3A_666 : i32
        %dma_wait3A_668 = tpu.memref_slice %arg2[%add3A_667] : memref<640000xi32, #tpu.memory_space<hbm>> -> memref<40xi32, #tpu.memory_space<hbm>>
        %dma_wait3A_669 = tpu.memref_slice %arg2[%add3A_667] : memref<640000xi32, #tpu.memory_space<hbm>> -> memref<40xi32, #tpu.memory_space<hbm>>
        tpu.wait_dma2 semaphore(%arg51 : memref<!tpu.dma_semaphore, #tpu.memory_space<semaphore_mem>>) src(%dma_wait3A_669 : memref<40xi32, #tpu.memory_space<hbm>>) dst(%arg10 : memref<40xi32, #tpu.memory_space<vmem>>)
        %dma_start3A_670 = arith.constant 0 : i32
        %dma_start3A_671 = arith.constant 0 : i32
        %dma_start3A_672 = tpu.memref_slice %arg3[%dma_start3A_670, %dma_start3A_671] : memref<10000x128xf32, #tpu.memory_space<hbm>> -> memref<10000x128xf32, #tpu.memory_space<hbm>>
        tpu.enqueue_indirect_dma source(%dma_start3A_672 : memref<10000x128xf32, #tpu.memory_space<hbm>>) target(%arg28 : memref<40x128xf32, #tpu.memory_space<vmem>>) offsets(%arg10 : memref<40xi32, #tpu.memory_space<vmem>>) semaphore(%arg38 : memref<!tpu.dma_semaphore, #tpu.memory_space<semaphore_mem>>)
      } else {
      }
      %add3A_620 = arith.constant 8 : i32
      %add3A_621 = arith.addi %add3A_279, %add3A_620 : i32
      %lt3A_622 = arith.constant 250 : i32
      %lt3A_623 = arith.cmpi slt, %add3A_621, %lt3A_622 : i32
      %convert_element_type3A_624 = arith.extui %lt3A_623 : i1 to i32
      %cond3A_625 = arith.constant 0 : i32
      %cond3A_626 = arith.cmpi ne, %convert_element_type3A_624, %cond3A_625 : i32
      scf.if %cond3A_626 {
        %dma_wait3A_663 = arith.constant 0 : i32
        %dma_wait3A_664 = arith.constant 0 : i32
        %dma_wait3A_665 = tpu.memref_slice %arg3[%dma_wait3A_663, %dma_wait3A_664] : memref<10000x128xf32, #tpu.memory_space<hbm>> -> memref<10000x128xf32, #tpu.memory_space<hbm>>
        tpu.wait_indirect_dma semaphore(%arg41 : memref<!tpu.dma_semaphore, #tpu.memory_space<semaphore_mem>>) src(%dma_wait3A_665 : memref<10000x128xf32, #tpu.memory_space<hbm>>) dst(%arg31 : memref<40x128xf32, #tpu.memory_space<vmem>>)
        %add3A_666 = arith.constant 320000 : i32
        %add3A_667 = arith.addi %add3A_666, %mul3A_2 : i32
        %mul3A_668 = arith.constant 40 : i32
        %mul3A_669 = arith.muli %add3A_621, %mul3A_668 : i32
        %add3A_670 = arith.addi %add3A_667, %mul3A_669 : i32
        %dma_wait3A_671 = tpu.memref_slice %arg2[%add3A_670] : memref<640000xi32, #tpu.memory_space<hbm>> -> memref<40xi32, #tpu.memory_space<hbm>>
        %dma_wait3A_672 = tpu.memref_slice %arg2[%add3A_670] : memref<640000xi32, #tpu.memory_space<hbm>> -> memref<40xi32, #tpu.memory_space<hbm>>
        tpu.wait_dma2 semaphore(%arg52 : memref<!tpu.dma_semaphore, #tpu.memory_space<semaphore_mem>>) src(%dma_wait3A_672 : memref<40xi32, #tpu.memory_space<hbm>>) dst(%arg22 : memref<40xi32, #tpu.memory_space<vmem>>)
        %dma_start3A_673 = arith.constant 0 : i32
        %dma_start3A_674 = arith.constant 0 : i32
        %dma_start3A_675 = tpu.memref_slice %arg32[%dma_start3A_673, %dma_start3A_674] : memref<10000x128xf32, #tpu.memory_space<vmem_shared>> -> memref<10000x128xf32, #tpu.memory_space<vmem_shared>>
        tpu.enqueue_indirect_dma source(%arg31 : memref<40x128xf32, #tpu.memory_space<vmem>>) target(%dma_start3A_675 : memref<10000x128xf32, #tpu.memory_space<vmem_shared>>) offsets(%arg22 : memref<40xi32, #tpu.memory_space<vmem>>) semaphore(%arg50 : memref<!tpu.dma_semaphore, #tpu.memory_space<semaphore_mem>>) {add = true}
      } else {
      }
      %add3A_627 = arith.constant 9 : i32
      %add3A_628 = arith.addi %add3A_621, %add3A_627 : i32
      %lt3A_629 = arith.constant 250 : i32
      %lt3A_630 = arith.cmpi slt, %add3A_628, %lt3A_629 : i32
      %convert_element_type3A_631 = arith.extui %lt3A_630 : i1 to i32
      %cond3A_632 = arith.constant 0 : i32
      %cond3A_633 = arith.cmpi ne, %convert_element_type3A_631, %cond3A_632 : i32
      scf.if %cond3A_633 {
        %add3A_663 = arith.constant 9 : i32
        %add3A_664 = arith.addi %add3A_621, %add3A_663 : i32
        %mul3A_665 = arith.constant 40 : i32
        %mul3A_666 = arith.muli %add3A_664, %mul3A_665 : i32
        %add3A_667 = arith.addi %mul3A_2, %mul3A_666 : i32
        %dma_start3A_668 = tpu.memref_slice %arg2[%add3A_667] : memref<640000xi32, #tpu.memory_space<hbm>> -> memref<40xi32, #tpu.memory_space<hbm>>
        %dma_start3A_669 = tpu.memref_slice %arg2[%add3A_667] : memref<640000xi32, #tpu.memory_space<hbm>> -> memref<40xi32, #tpu.memory_space<hbm>>
        tpu.enqueue_dma source(%dma_start3A_669 : memref<40xi32, #tpu.memory_space<hbm>>) target(%arg13 : memref<40xi32, #tpu.memory_space<vmem>>) target_semaphore(%arg51 : memref<!tpu.dma_semaphore, #tpu.memory_space<semaphore_mem>>)
      } else {
      }
      %ge3A_634 = arith.constant 2 : i32
      %ge3A_635 = arith.cmpi sge, %add3A_621, %ge3A_634 : i32
      %sub3A_636 = arith.constant 2 : i32
      %sub3A_637 = arith.subi %add3A_621, %sub3A_636 : i32
      %lt3A_638 = arith.constant 250 : i32
      %lt3A_639 = arith.cmpi slt, %sub3A_637, %lt3A_638 : i32
      %and3A_640 = arith.andi %ge3A_635, %lt3A_639 : i1
      %convert_element_type3A_641 = arith.extui %and3A_640 : i1 to i32
      %cond3A_642 = arith.constant 0 : i32
      %cond3A_643 = arith.cmpi ne, %convert_element_type3A_641, %cond3A_642 : i32
      scf.if %cond3A_643 {
        %dma_wait3A_663 = arith.constant 0 : i32
        %dma_wait3A_664 = arith.constant 0 : i32
        %dma_wait3A_665 = tpu.memref_slice %arg32[%dma_wait3A_663, %dma_wait3A_664] : memref<10000x128xf32, #tpu.memory_space<vmem_shared>> -> memref<10000x128xf32, #tpu.memory_space<vmem_shared>>
        tpu.wait_indirect_dma semaphore(%arg48 : memref<!tpu.dma_semaphore, #tpu.memory_space<semaphore_mem>>) src(%arg29 : memref<40x128xf32, #tpu.memory_space<vmem>>) dst(%dma_wait3A_665 : memref<10000x128xf32, #tpu.memory_space<vmem_shared>>)
      } else {
      }
      %add3A_644 = arith.constant 7 : i32
      %add3A_645 = arith.addi %add3A_621, %add3A_644 : i32
      %ge3A_646 = arith.constant 9 : i32
      %ge3A_647 = arith.cmpi sge, %add3A_645, %ge3A_646 : i32
      %add3A_648 = arith.constant 7 : i32
      %add3A_649 = arith.addi %add3A_621, %add3A_648 : i32
      %lt3A_650 = arith.constant 250 : i32
      %lt3A_651 = arith.cmpi slt, %add3A_649, %lt3A_650 : i32
      %and3A_652 = arith.andi %ge3A_647, %lt3A_651 : i1
      %convert_element_type3A_653 = arith.extui %and3A_652 : i1 to i32
      %cond3A_654 = arith.constant 0 : i32
      %cond3A_655 = arith.cmpi ne, %convert_element_type3A_653, %cond3A_654 : i32
      scf.if %cond3A_655 {
        %add3A_663 = arith.constant 7 : i32
        %add3A_664 = arith.addi %add3A_621, %add3A_663 : i32
        %add3A_665 = arith.constant 320000 : i32
        %add3A_666 = arith.addi %add3A_665, %mul3A_2 : i32
        %mul3A_667 = arith.constant 40 : i32
        %mul3A_668 = arith.muli %add3A_664, %mul3A_667 : i32
        %add3A_669 = arith.addi %add3A_666, %mul3A_668 : i32
        %dma_start3A_670 = tpu.memref_slice %arg2[%add3A_669] : memref<640000xi32, #tpu.memory_space<hbm>> -> memref<40xi32, #tpu.memory_space<hbm>>
        %dma_start3A_671 = tpu.memref_slice %arg2[%add3A_669] : memref<640000xi32, #tpu.memory_space<hbm>> -> memref<40xi32, #tpu.memory_space<hbm>>
        tpu.enqueue_dma source(%dma_start3A_671 : memref<40xi32, #tpu.memory_space<hbm>>) target(%arg20 : memref<40xi32, #tpu.memory_space<vmem>>) target_semaphore(%arg52 : memref<!tpu.dma_semaphore, #tpu.memory_space<semaphore_mem>>)
      } else {
      }
      %add3A_656 = arith.constant 7 : i32
      %add3A_657 = arith.addi %add3A_621, %add3A_656 : i32
      %lt3A_658 = arith.constant 250 : i32
      %lt3A_659 = arith.cmpi slt, %add3A_657, %lt3A_658 : i32
      %convert_element_type3A_660 = arith.extui %lt3A_659 : i1 to i32
      %cond3A_661 = arith.constant 0 : i32
      %cond3A_662 = arith.cmpi ne, %convert_element_type3A_660, %cond3A_661 : i32
      scf.if %cond3A_662 {
        %add3A_663 = arith.constant 7 : i32
        %add3A_664 = arith.addi %add3A_621, %add3A_663 : i32
        %mul3A_665 = arith.constant 40 : i32
        %mul3A_666 = arith.muli %add3A_664, %mul3A_665 : i32
        %add3A_667 = arith.addi %mul3A_2, %mul3A_666 : i32
        %dma_wait3A_668 = tpu.memref_slice %arg2[%add3A_667] : memref<640000xi32, #tpu.memory_space<hbm>> -> memref<40xi32, #tpu.memory_space<hbm>>
        %dma_wait3A_669 = tpu.memref_slice %arg2[%add3A_667] : memref<640000xi32, #tpu.memory_space<hbm>> -> memref<40xi32, #tpu.memory_space<hbm>>
        tpu.wait_dma2 semaphore(%arg51 : memref<!tpu.dma_semaphore, #tpu.memory_space<semaphore_mem>>) src(%dma_wait3A_669 : memref<40xi32, #tpu.memory_space<hbm>>) dst(%arg11 : memref<40xi32, #tpu.memory_space<vmem>>)
        %dma_start3A_670 = arith.constant 0 : i32
        %dma_start3A_671 = arith.constant 0 : i32
        %dma_start3A_672 = tpu.memref_slice %arg3[%dma_start3A_670, %dma_start3A_671] : memref<10000x128xf32, #tpu.memory_space<hbm>> -> memref<10000x128xf32, #tpu.memory_space<hbm>>
        tpu.enqueue_indirect_dma source(%dma_start3A_672 : memref<10000x128xf32, #tpu.memory_space<hbm>>) target(%arg29 : memref<40x128xf32, #tpu.memory_space<vmem>>) offsets(%arg11 : memref<40xi32, #tpu.memory_space<vmem>>) semaphore(%arg39 : memref<!tpu.dma_semaphore, #tpu.memory_space<semaphore_mem>>)
      } else {
      }
    }
    %scan3A_206 = arith.constant 29 : i32
    %barrier3A_207 = arith.constant 0 : index
    tpu.barrier barrier_id(%barrier3A_207)
    %sub3A_208 = arith.constant 125 : i32
    %sub3A_209 = arith.subi %sub3A_208, %arg1 : i32
    %add3A_210 = arith.constant 16 : i32
    %add3A_211 = arith.addi %sub3A_209, %add3A_210 : i32
    %sub3A_212 = arith.constant 1 : i32
    %sub3A_213 = arith.subi %add3A_211, %sub3A_212 : i32
    %jit3A_214 = arith.constant 16 : i32
    %div3A_215 = arith.divsi %sub3A_213, %jit3A_214 : i32
    %sign3A_216 = arith.constant 0 : i32
    %sign3A_217 = arith.cmpi sgt, %sub3A_213, %sign3A_216 : i32
    %sign3A_218 = arith.extui %sign3A_217 : i1 to i32
    %sign3A_219 = arith.constant 0 : i32
    %sign3A_220 = arith.cmpi slt, %sub3A_213, %sign3A_219 : i32
    %sign3A_221 = arith.extui %sign3A_220 : i1 to i32
    %sign3A_222 = arith.subi %sign3A_218, %sign3A_221 : i32
    %sign3A_223 = arith.constant 0 : i32
    %sign3A_224 = arith.cmpi sgt, %jit3A_214, %sign3A_223 : i32
    %sign3A_225 = arith.extui %sign3A_224 : i1 to i32
    %sign3A_226 = arith.constant 0 : i32
    %sign3A_227 = arith.cmpi slt, %jit3A_214, %sign3A_226 : i32
    %sign3A_228 = arith.extui %sign3A_227 : i1 to i32
    %sign3A_229 = arith.subi %sign3A_225, %sign3A_228 : i32
    %ne3A_230 = arith.cmpi ne, %sign3A_222, %sign3A_229 : i32
    %rem3A_231 = arith.remsi %sub3A_213, %jit3A_214 : i32
    %ne3A_232 = arith.constant 0 : i32
    %ne3A_233 = arith.cmpi ne, %rem3A_231, %ne3A_232 : i32
    %and3A_234 = arith.andi %ne3A_230, %ne3A_233 : i1
    %sub3A_235 = arith.constant 1 : i32
    %sub3A_236 = arith.subi %div3A_215, %sub3A_235 : i32
    %select_n3A_237 = arith.select %and3A_234, %sub3A_236, %div3A_215 : i32
    %sub3A_238 = arith.constant 125 : i32
    %sub3A_239 = arith.subi %sub3A_238, %arg1 : i32
    %sub3A_240 = arith.constant 16 : i32
    %sub3A_241 = arith.constant 1 : i32
    %sub3A_242 = arith.subi %sub3A_240, %sub3A_241 : i32
    %add3A_243 = arith.addi %sub3A_239, %sub3A_242 : i32
    %div3A_244 = arith.constant 16 : i32
    %div3A_245 = arith.divsi %add3A_243, %div3A_244 : i32
    %while3A_246 = arith.constant 16 : i32
    %while3A_247 = arith.constant 0 : i32
    %while3A_248 = arith.subi %div3A_245, %while3A_247 : i32
    %while3A_249 = arith.addi %while3A_247, %while3A_248 : i32
    %while3A_250 = arith.constant 1 : i32
    %while3A_251 = arith.divsi %while3A_248, %while3A_250 : i32
    %while3A_252 = arith.muli %while3A_251, %while3A_250 : i32
    %while3A_253 = arith.addi %while3A_247, %while3A_252 : i32
    %while3A_254 = arith.constant 1 : i32
    scf.for %while3A_275 = %while3A_247 to %while3A_253 step %while3A_254  : i32 {
      %mul3A_276 = arith.muli %while3A_275, %while3A_246 : i32
      %add3A_277 = arith.addi %arg1, %mul3A_276 : i32
      %mul3A_278 = arith.constant 80 : i32
      %mul3A_279 = arith.muli %add3A_277, %mul3A_278 : i32
      %mul3A_280 = arith.constant 80 : i32
      %mul3A_281 = arith.muli %add3A_277, %mul3A_280 : i32
      %dma_start3A_282 = arith.constant 0 : i32
      %dma_start3A_283 = tpu.memref_slice %arg4[%arg0, %mul3A_281, %dma_start3A_282] : memref<2x10000x128xf32, #tpu.memory_space<hbm>> -> memref<1x80x128xf32, #tpu.memory_space<hbm>>
      %dma_start3A_284 = tpu.memref_squeeze %dma_start3A_283 : memref<1x80x128xf32, #tpu.memory_space<hbm>> -> memref<80x128xf32, #tpu.memory_space<hbm>>
      %dma_start3A_285 = arith.constant 0 : i32
      %dma_start3A_286 = tpu.memref_slice %arg32[%mul3A_279, %dma_start3A_285] : memref<10000x128xf32, #tpu.memory_space<vmem_shared>> -> memref<80x128xf32, #tpu.memory_space<vmem_shared>>
      tpu.enqueue_dma source(%dma_start3A_286 : memref<80x128xf32, #tpu.memory_space<vmem_shared>>) target(%dma_start3A_284 : memref<80x128xf32, #tpu.memory_space<hbm>>) target_semaphore(%arg42 : memref<!tpu.dma_semaphore, #tpu.memory_space<semaphore_mem>>)
    }
    %while3A_255 = arith.constant 1 : i32
    scf.for %while3A_275 = %while3A_253 to %while3A_249 step %while3A_255  : i32 {
      %mul3A_276 = arith.muli %while3A_275, %while3A_246 : i32
      %add3A_277 = arith.addi %arg1, %mul3A_276 : i32
      %mul3A_278 = arith.constant 80 : i32
      %mul3A_279 = arith.muli %add3A_277, %mul3A_278 : i32
      %mul3A_280 = arith.constant 80 : i32
      %mul3A_281 = arith.muli %add3A_277, %mul3A_280 : i32
      %dma_start3A_282 = arith.constant 0 : i32
      %dma_start3A_283 = tpu.memref_slice %arg4[%arg0, %mul3A_281, %dma_start3A_282] : memref<2x10000x128xf32, #tpu.memory_space<hbm>> -> memref<1x80x128xf32, #tpu.memory_space<hbm>>
      %dma_start3A_284 = tpu.memref_squeeze %dma_start3A_283 : memref<1x80x128xf32, #tpu.memory_space<hbm>> -> memref<80x128xf32, #tpu.memory_space<hbm>>
      %dma_start3A_285 = arith.constant 0 : i32
      %dma_start3A_286 = tpu.memref_slice %arg32[%mul3A_279, %dma_start3A_285] : memref<10000x128xf32, #tpu.memory_space<vmem_shared>> -> memref<80x128xf32, #tpu.memory_space<vmem_shared>>
      tpu.enqueue_dma source(%dma_start3A_286 : memref<80x128xf32, #tpu.memory_space<vmem_shared>>) target(%dma_start3A_284 : memref<80x128xf32, #tpu.memory_space<hbm>>) target_semaphore(%arg42 : memref<!tpu.dma_semaphore, #tpu.memory_space<semaphore_mem>>)
    }
    %sub3A_256 = arith.constant 0 : i32
    %sub3A_257 = arith.subi %select_n3A_237, %sub3A_256 : i32
    %sub3A_258 = arith.constant 1 : i32
    %sub3A_259 = arith.constant 1 : i32
    %sub3A_260 = arith.subi %sub3A_258, %sub3A_259 : i32
    %add3A_261 = arith.addi %sub3A_257, %sub3A_260 : i32
    %div3A_262 = arith.constant 1 : i32
    %div3A_263 = arith.divsi %add3A_261, %div3A_262 : i32
    %while3A_264 = arith.constant 1 : i32
    %while3A_265 = arith.constant 0 : i32
    %while3A_266 = arith.constant 0 : i32
    %while3A_267 = arith.subi %div3A_263, %while3A_266 : i32
    %while3A_268 = arith.addi %while3A_266, %while3A_267 : i32
    %while3A_269 = arith.constant 1 : i32
    %while3A_270 = arith.divsi %while3A_267, %while3A_269 : i32
    %while3A_271 = arith.muli %while3A_270, %while3A_269 : i32
    %while3A_272 = arith.addi %while3A_266, %while3A_271 : i32
    %while3A_273 = arith.constant 1 : i32
    scf.for %while3A_275 = %while3A_266 to %while3A_272 step %while3A_273  : i32 {
      %mul3A_276 = arith.muli %while3A_275, %while3A_264 : i32
      %add3A_277 = arith.addi %while3A_265, %mul3A_276 : i32
      %dma_wait3A_278 = arith.constant 0 : i32
      %dma_wait3A_279 = arith.constant 0 : i32
      %dma_wait3A_280 = tpu.memref_slice %arg4[%arg0, %dma_wait3A_278, %dma_wait3A_279] : memref<2x10000x128xf32, #tpu.memory_space<hbm>> -> memref<1x80x128xf32, #tpu.memory_space<hbm>>
      %dma_wait3A_281 = tpu.memref_squeeze %dma_wait3A_280 : memref<1x80x128xf32, #tpu.memory_space<hbm>> -> memref<80x128xf32, #tpu.memory_space<hbm>>
      %dma_wait3A_282 = arith.constant 0 : i32
      %dma_wait3A_283 = arith.constant 0 : i32
      %dma_wait3A_284 = tpu.memref_slice %arg32[%dma_wait3A_282, %dma_wait3A_283] : memref<10000x128xf32, #tpu.memory_space<vmem_shared>> -> memref<80x128xf32, #tpu.memory_space<vmem_shared>>
      tpu.wait_dma2 semaphore(%arg42 : memref<!tpu.dma_semaphore, #tpu.memory_space<semaphore_mem>>) src(%dma_wait3A_284 : memref<80x128xf32, #tpu.memory_space<vmem_shared>>) dst(%dma_wait3A_281 : memref<80x128xf32, #tpu.memory_space<hbm>>)
    }
    %while3A_274 = arith.constant 1 : i32
    scf.for %while3A_275 = %while3A_272 to %while3A_268 step %while3A_274  : i32 {
      %mul3A_276 = arith.muli %while3A_275, %while3A_264 : i32
      %add3A_277 = arith.addi %while3A_265, %mul3A_276 : i32
      %dma_wait3A_278 = arith.constant 0 : i32
      %dma_wait3A_279 = arith.constant 0 : i32
      %dma_wait3A_280 = tpu.memref_slice %arg4[%arg0, %dma_wait3A_278, %dma_wait3A_279] : memref<2x10000x128xf32, #tpu.memory_space<hbm>> -> memref<1x80x128xf32, #tpu.memory_space<hbm>>
      %dma_wait3A_281 = tpu.memref_squeeze %dma_wait3A_280 : memref<1x80x128xf32, #tpu.memory_space<hbm>> -> memref<80x128xf32, #tpu.memory_space<hbm>>
      %dma_wait3A_282 = arith.constant 0 : i32
      %dma_wait3A_283 = arith.constant 0 : i32
      %dma_wait3A_284 = tpu.memref_slice %arg32[%dma_wait3A_282, %dma_wait3A_283] : memref<10000x128xf32, #tpu.memory_space<vmem_shared>> -> memref<80x128xf32, #tpu.memory_space<vmem_shared>>
      tpu.wait_dma2 semaphore(%arg42 : memref<!tpu.dma_semaphore, #tpu.memory_space<semaphore_mem>>) src(%dma_wait3A_284 : memref<80x128xf32, #tpu.memory_space<vmem_shared>>) dst(%dma_wait3A_281 : memref<80x128xf32, #tpu.memory_space<hbm>>)
    }
    return
  }
}

module attributes {stable_mosaic.version = 14 : i64} {
  func.func @body(%arg0: memref<2x10000x128xf32, #tpu.memory_space<vmem>>, %arg1: memref<10000x128xf32, #tpu.memory_space<vmem>>, %arg2: memref<10000x1xf32, #tpu.memory_space<vmem>>, %arg3: memref<128xf32, #tpu.memory_space<vmem>>, %arg4: memref<10000x128xf32, #tpu.memory_space<vmem>>) attributes {dimension_semantics = [], scalar_prefetch = 0 : i64, scratch_operands = 0 : i64, tpu.core_type = #tpu.core_type<tc>} {
    %get3A = arith.constant 0 : index
    %get3A_0 = arith.constant 0 : index
    %get3A_1 = vector.load %arg2[%get3A, %get3A_0] : memref<10000x1xf32, #tpu.memory_space<vmem>>, vector<10000x1xf32>
    %get3A_2 = arith.constant 0 : index
    %get3A_3 = arith.constant 0 : index
    %get3A_4 = arith.constant 0 : index
    %get3A_5 = vector.load %arg0[%get3A_2, %get3A_3, %get3A_4] : memref<2x10000x128xf32, #tpu.memory_space<vmem>>, vector<1x10000x128xf32>
    %get3A_6 = vector.shape_cast %get3A_5 : vector<1x10000x128xf32> to vector<10000x128xf32>
    %get3A_7 = arith.constant 1 : index
    %get3A_8 = arith.constant 0 : index
    %get3A_9 = arith.constant 0 : index
    %get3A_10 = vector.load %arg0[%get3A_7, %get3A_8, %get3A_9] : memref<2x10000x128xf32, #tpu.memory_space<vmem>>, vector<1x10000x128xf32>
    %get3A_11 = vector.shape_cast %get3A_10 : vector<1x10000x128xf32> to vector<10000x128xf32>
    %add3A = arith.addf %get3A_6, %get3A_11 : vector<10000x128xf32>
    %get3A_12 = arith.constant 0 : index
    %get3A_13 = arith.constant 0 : index
    %get3A_14 = vector.load %arg1[%get3A_12, %get3A_13] : memref<10000x128xf32, #tpu.memory_space<vmem>>, vector<10000x128xf32>
    %add3A_15 = arith.addf %add3A, %get3A_14 : vector<10000x128xf32>
    %mul3A = vector.broadcast %get3A_1 : vector<10000x1xf32> to vector<10000x128xf32>
    %mul3A_16 = arith.mulf %mul3A, %add3A_15 : vector<10000x128xf32>
    %get3A_17 = arith.constant 0 : index
    %get3A_18 = vector.load %arg3[%get3A_17] : memref<128xf32, #tpu.memory_space<vmem>>, vector<128xf32>
    %broadcast_in_dim3A = vector.shape_cast %get3A_18 : vector<128xf32> to vector<1x128xf32>
    %add3A_19 = vector.broadcast %broadcast_in_dim3A : vector<1x128xf32> to vector<10000x128xf32>
    %add3A_20 = arith.addf %mul3A_16, %add3A_19 : vector<10000x128xf32>
    %max3A = arith.constant 0.000000e+00 : f32
    %max3A_21 = vector.broadcast %max3A : f32 to vector<10000x128xf32>
    %max3A_22 = arith.maximumf %add3A_20, %max3A_21 : vector<10000x128xf32>
    %swap3A = arith.constant 0 : index
    %swap3A_23 = arith.constant 0 : index
    %swap3A_24 = vector.load %arg4[%swap3A, %swap3A_23] : memref<10000x128xf32, #tpu.memory_space<vmem>>, vector<10000x128xf32>
    tpu.vector_store %arg4[%swap3A, %swap3A_23], %max3A_22 {strides = array<i32>} : memref<10000x128xf32, #tpu.memory_space<vmem>>, vector<10000x128xf32>,
    return
  }
}

module attributes {stable_mosaic.version = 14 : i64} {
  func.func @body(%arg0: memref<2x10000x128xf32, #tpu.memory_space<vmem>>, %arg1: memref<10000x128xf32, #tpu.memory_space<vmem>>, %arg2: memref<10000x1xf32, #tpu.memory_space<vmem>>, %arg3: memref<128xf32, #tpu.memory_space<vmem>>, %arg4: memref<128xf32, #tpu.memory_space<vmem>>, %arg5: memref<128xf32, #tpu.memory_space<vmem>>, %arg6: memref<128x128xf32, #tpu.memory_space<vmem>>, %arg7: memref<10000x128xf32, #tpu.memory_space<vmem>>) attributes {dimension_semantics = [], scalar_prefetch = 0 : i64, scratch_operands = 0 : i64, tpu.core_type = #tpu.core_type<tc>} {
    %get3A = arith.constant 0 : index
    %get3A_0 = arith.constant 0 : index
    %get3A_1 = vector.load %arg2[%get3A, %get3A_0] : memref<10000x1xf32, #tpu.memory_space<vmem>>, vector<10000x1xf32>
    %get3A_2 = arith.constant 0 : index
    %get3A_3 = arith.constant 0 : index
    %get3A_4 = arith.constant 0 : index
    %get3A_5 = vector.load %arg0[%get3A_2, %get3A_3, %get3A_4] : memref<2x10000x128xf32, #tpu.memory_space<vmem>>, vector<1x10000x128xf32>
    %get3A_6 = vector.shape_cast %get3A_5 : vector<1x10000x128xf32> to vector<10000x128xf32>
    %get3A_7 = arith.constant 1 : index
    %get3A_8 = arith.constant 0 : index
    %get3A_9 = arith.constant 0 : index
    %get3A_10 = vector.load %arg0[%get3A_7, %get3A_8, %get3A_9] : memref<2x10000x128xf32, #tpu.memory_space<vmem>>, vector<1x10000x128xf32>
    %get3A_11 = vector.shape_cast %get3A_10 : vector<1x10000x128xf32> to vector<10000x128xf32>
    %add3A = arith.addf %get3A_6, %get3A_11 : vector<10000x128xf32>
    %get3A_12 = arith.constant 0 : index
    %get3A_13 = arith.constant 0 : index
    %get3A_14 = vector.load %arg1[%get3A_12, %get3A_13] : memref<10000x128xf32, #tpu.memory_space<vmem>>, vector<10000x128xf32>
    %add3A_15 = arith.addf %add3A, %get3A_14 : vector<10000x128xf32>
    %mul3A = vector.broadcast %get3A_1 : vector<10000x1xf32> to vector<10000x128xf32>
    %mul3A_16 = arith.mulf %mul3A, %add3A_15 : vector<10000x128xf32>
    %get3A_17 = arith.constant 0 : index
    %get3A_18 = vector.load %arg3[%get3A_17] : memref<128xf32, #tpu.memory_space<vmem>>, vector<128xf32>
    %broadcast_in_dim3A = vector.shape_cast %get3A_18 : vector<128xf32> to vector<1x128xf32>
    %add3A_19 = vector.broadcast %broadcast_in_dim3A : vector<1x128xf32> to vector<10000x128xf32>
    %add3A_20 = arith.addf %mul3A_16, %add3A_19 : vector<10000x128xf32>
    %reduce_sum3A = arith.constant dense<0.000000e+00> : vector<128xf32>
    %reduce_sum3A_21 = vector.multi_reduction <add>, %add3A_20, %reduce_sum3A [0] : vector<10000x128xf32> to vector<128xf32>
    %broadcast_in_dim3A_22 = vector.shape_cast %reduce_sum3A_21 : vector<128xf32> to vector<1x128xf32>
    %div3A = arith.constant 1.000000e+04 : f32
    %div3A_23 = vector.broadcast %div3A : f32 to vector<1x128xf32>
    %div3A_24 = arith.divf %broadcast_in_dim3A_22, %div3A_23 : vector<1x128xf32>
    %sub3A = vector.broadcast %div3A_24 : vector<1x128xf32> to vector<10000x128xf32>
    %sub3A_25 = arith.subf %add3A_20, %sub3A : vector<10000x128xf32>
    %mul3A_26 = arith.mulf %sub3A_25, %sub3A_25 : vector<10000x128xf32>
    %reduce_sum3A_27 = arith.constant dense<0.000000e+00> : vector<128xf32>
    %reduce_sum3A_28 = vector.multi_reduction <add>, %mul3A_26, %reduce_sum3A_27 [0] : vector<10000x128xf32> to vector<128xf32>
    %broadcast_in_dim3A_29 = vector.shape_cast %reduce_sum3A_28 : vector<128xf32> to vector<1x128xf32>
    %div3A_30 = arith.constant 1.000000e+04 : f32
    %div3A_31 = vector.broadcast %div3A_30 : f32 to vector<1x128xf32>
    %div3A_32 = arith.divf %broadcast_in_dim3A_29, %div3A_31 : vector<1x128xf32>
    %add3A_33 = arith.constant 9.99999974E-6 : f32
    %add3A_34 = vector.broadcast %add3A_33 : f32 to vector<1x128xf32>
    %add3A_35 = arith.addf %div3A_32, %add3A_34 : vector<1x128xf32>
    %rsqrt3A = math.rsqrt %add3A_35 : vector<1x128xf32>
    %mul3A_36 = vector.broadcast %rsqrt3A : vector<1x128xf32> to vector<10000x128xf32>
    %mul3A_37 = arith.mulf %sub3A_25, %mul3A_36 : vector<10000x128xf32>
    %get3A_38 = arith.constant 0 : index
    %get3A_39 = vector.load %arg4[%get3A_38] : memref<128xf32, #tpu.memory_space<vmem>>, vector<128xf32>
    %broadcast_in_dim3A_40 = vector.shape_cast %get3A_39 : vector<128xf32> to vector<1x128xf32>
    %mul3A_41 = vector.broadcast %broadcast_in_dim3A_40 : vector<1x128xf32> to vector<10000x128xf32>
    %mul3A_42 = arith.mulf %mul3A_37, %mul3A_41 : vector<10000x128xf32>
    %get3A_43 = arith.constant 0 : index
    %get3A_44 = vector.load %arg5[%get3A_43] : memref<128xf32, #tpu.memory_space<vmem>>, vector<128xf32>
    %broadcast_in_dim3A_45 = vector.shape_cast %get3A_44 : vector<128xf32> to vector<1x128xf32>
    %add3A_46 = vector.broadcast %broadcast_in_dim3A_45 : vector<1x128xf32> to vector<10000x128xf32>
    %add3A_47 = arith.addf %mul3A_42, %add3A_46 : vector<10000x128xf32>
    %max3A = arith.constant 0.000000e+00 : f32
    %max3A_48 = vector.broadcast %max3A : f32 to vector<10000x128xf32>
    %max3A_49 = arith.maximumf %add3A_47, %max3A_48 : vector<10000x128xf32>
    %get3A_50 = arith.constant 0 : index
    %get3A_51 = arith.constant 0 : index
    %get3A_52 = vector.load %arg6[%get3A_50, %get3A_51] : memref<128x128xf32, #tpu.memory_space<vmem>>, vector<128x128xf32>
    %dot_general3A = arith.constant dense<0.000000e+00> : vector<10000x128xf32>
    %dot_general3A_53 = tpu.matmul %max3A_49, %get3A_52, %dot_general3A {dimension_numbers = #tpu.dot_dimension_numbers<[1], [0], [0], [1], [0, 0, 1, 1], [], []>, transpose_lhs_hint = false} : vector<10000x128xf32>, vector<128x128xf32>, vector<10000x128xf32> -> vector<10000x128xf32>
    %mul3A_54 = vector.broadcast %get3A_1 : vector<10000x1xf32> to vector<10000x128xf32>
    %mul3A_55 = arith.mulf %mul3A_54, %dot_general3A_53 : vector<10000x128xf32>
    %swap3A = arith.constant 0 : index
    %swap3A_56 = arith.constant 0 : index
    %swap3A_57 = vector.load %arg7[%swap3A, %swap3A_56] : memref<10000x128xf32, #tpu.memory_space<vmem>>, vector<10000x128xf32>
    tpu.vector_store %arg7[%swap3A, %swap3A_56], %mul3A_55 {strides = array<i32>} : memref<10000x128xf32, #tpu.memory_space<vmem>>, vector<10000x128xf32>,
    return
  }
}

module attributes {stable_mosaic.version = 14 : i64} {
  func.func @body(%arg0: memref<10000x128xf32, #tpu.memory_space<vmem>>, %arg1: memref<128x128xf32, #tpu.memory_space<vmem>>, %arg2: memref<32x10000xf32, #tpu.memory_space<vmem>>, %arg3: memref<10000x128xf32, #tpu.memory_space<vmem>>, %arg4: memref<10000x1xf32, #tpu.memory_space<vmem>>) attributes {dimension_semantics = [], scalar_prefetch = 0 : i64, scratch_operands = 0 : i64, tpu.core_type = #tpu.core_type<tc>} {
    %get3A = arith.constant 0 : index
    %get3A_0 = arith.constant 0 : index
    %get3A_1 = vector.load %arg0[%get3A, %get3A_0] : memref<10000x128xf32, #tpu.memory_space<vmem>>, vector<10000x128xf32>
    %get3A_2 = arith.constant 0 : index
    %get3A_3 = arith.constant 0 : index
    %get3A_4 = vector.load %arg1[%get3A_2, %get3A_3] : memref<128x128xf32, #tpu.memory_space<vmem>>, vector<128x128xf32>
    %dot_general3A = arith.constant dense<0.000000e+00> : vector<10000x128xf32>
    %dot_general3A_5 = tpu.matmul %get3A_1, %get3A_4, %dot_general3A {dimension_numbers = #tpu.dot_dimension_numbers<[1], [0], [0], [1], [0, 0, 1, 1], [], []>, transpose_lhs_hint = false} : vector<10000x128xf32>, vector<128x128xf32>, vector<10000x128xf32> -> vector<10000x128xf32>
    %get3A_6 = arith.constant 0 : index
    %get3A_7 = arith.constant 0 : index
    %get3A_8 = vector.load %arg2[%get3A_6, %get3A_7] : memref<32x10000xf32, #tpu.memory_space<vmem>>, vector<32x10000xf32>
    %reduce_sum3A = arith.constant dense<0.000000e+00> : vector<10000xf32>
    %reduce_sum3A_9 = vector.multi_reduction <add>, %get3A_8, %reduce_sum3A [0] : vector<32x10000xf32> to vector<10000xf32>
    %add3A = arith.constant 1.000000e+00 : f32
    %add3A_10 = vector.broadcast %add3A : f32 to vector<10000xf32>
    %add3A_11 = arith.addf %reduce_sum3A_9, %add3A_10 : vector<10000xf32>
    %max3A = arith.constant 1.000000e+00 : f32
    %max3A_12 = vector.broadcast %max3A : f32 to vector<10000xf32>
    %max3A_13 = arith.maximumf %add3A_11, %max3A_12 : vector<10000xf32>
    %rsqrt3A = math.rsqrt %max3A_13 : vector<10000xf32>
    %broadcast_in_dim3A = vector.shape_cast %rsqrt3A : vector<10000xf32> to vector<10000x1xf32>
    %swap3A = arith.constant 0 : index
    %swap3A_14 = arith.constant 0 : index
    %swap3A_15 = vector.load %arg4[%swap3A, %swap3A_14] : memref<10000x1xf32, #tpu.memory_space<vmem>>, vector<10000x1xf32>
    tpu.vector_store %arg4[%swap3A, %swap3A_14], %broadcast_in_dim3A {strides = array<i32>} : memref<10000x1xf32, #tpu.memory_space<vmem>>, vector<10000x1xf32>,
    %mul3A = vector.broadcast %broadcast_in_dim3A : vector<10000x1xf32> to vector<10000x128xf32>
    %mul3A_16 = arith.mulf %mul3A, %dot_general3A_5 : vector<10000x128xf32>
    %swap3A_17 = arith.constant 0 : index
    %swap3A_18 = arith.constant 0 : index
    %swap3A_19 = vector.load %arg3[%swap3A_17, %swap3A_18] : memref<10000x128xf32, #tpu.memory_space<vmem>>, vector<10000x128xf32>
    tpu.vector_store %arg3[%swap3A_17, %swap3A_18], %mul3A_16 {strides = array<i32>} : memref<10000x128xf32, #tpu.memory_space<vmem>>, vector<10000x128xf32>,
    return
  }
}

</mosaic_0001>

<sc_bundles>
// kernel: kernel.11.cloned.1.call-start
scs
__scs_entry_jumppad:
0x0: {  	(pc) =	sbr.rel $0x88, $3  }
0x1: {  	(tag) =	ssettag $0x0;
	lr =	simm.s32 $0x1  }
0x2: {  	[smem:$0x3F99] =	sst lr;
	_ =	strace $0xD0000000  }
0x3: {  	_ = 	snop  }
0x4: {  	_ = 	snop  }
0x5: {  	_ = 	snop  }
0x6: {  	_ = 	snop  }
0x7: {  	_ = 	snop  }
__scs_overlays_trampoline_lowered:
0x8: {  	[smem:$0x3FA8] =	sst s0  }
0x9: {  	[smem:$0x3FA9] =	sst s1  }
0xa: {  	[smem:$0x3FAA] =	sst s2  }
0xb: {  	[smem:$0x3FAB] =	sst s3  }
0xc: {  	[smem:$0x3FAC] =	sst s4  }
0xd: {  	[smem:$0x3FAD] =	sst s5  }
0xe: {  	[smem:$0x3FAE] =	sst s6  }
0xf: {  	[smem:$0x3FAF] =	sst s7  }
0x10: {  	[smem:$0x3FB0] =	sst s8  }
0x11: {  	[smem:$0x3FB1] =	sst s9;
	s0 =	simm.s32 @!p0 $0x0  }
0x12: {  	s1 =	sld [smem:$0x3F97];
	s0 =	simm.s32 @p0 $0x1  }
0x13: {  	[smem:$0x3FB2] =	sst s0;
	s0 =	simm.s32 @!p1 $0x0  }
0x14: {  	s2 =	sld [smem:$0x3F96];
	s0 =	simm.s32 @p1 $0x1  }
0x15: {  	[smem:$0x3FB3] =	sst s0;
	s0 =	simm.s32 @!p2 $0x0  }
0x16: {  	s3 =	sld [smem:$0x3FDB];
	s0 =	simm.s32 @p2 $0x1  }
0x17: {  	s4 =	simm.s32 $0x1BF5;
	[smem:$0x3FB5] =	sst s0  }
0x18: {  	s0 =	sld [smem:$0x3F98];
	_ =	swait.ge [sflag:s4], $0x0  }
0x19: {  	s7 =	sld [smem:$0x3F99]  }
0x1a: {  	s8 =	sadd.s32 $0xFFFFE003, lr  }
0x1b: {  	s9 =	sadd.s32 $0xFFFFFEF7, lr;
	s5 =	simm.s32 $0xFFFFFFFF;
	p2 =	slt.u32 s8, $0xFFFFF086  }
0x1c: {  	p1 =	slt.u32 s9, $0xF7A;
	s5 =	simm.s32 @!p2 $0x0  }
0x1d: {  	s5 =	simm.s32 @p1 $0x1;
	p0 =	seq.s32 s7, s2  }
0x1e: {  	s7 =	smul.u32 @!p0 $0xF7A, s2;
	p2 =	seq.s32 @!p0 s5, $0x0  }
0x1f: {  	s9 =	smul.u32 $0xF7A, s1;
	s8 =	simm.s32 @!p0 $0x1BF5;
	p2 =	por !p2, p0  }
0x20: {  	[sflag:s8] =	ssyncset.s32 @!p0 $0xFFFFF086;
	s6 =	sadd.s32 @!p0 s3, s7;
	s7 =	simm.s32 @!p0 $0x108  }
0x21: {  	s3 =	sadd.s32 s3, s9;
	s6 =	sadd.s32 @!p0 $0x88, s6;
	s7 =	simm.s32 @p2 $0x1082  }
0x22: {  	[simem:s7], [sflag:s8] =	dma.local @!p0 [hbm:s6], $0xF7A  }
0x23: {  	s9 =	sor.u32 $0xD0000000, s2;
	s6 =	simm.s32 $0x108;
	_ =	swait.ge @!p0 [sflag:s8], $0x0  }
0x24: {  	s3 =	sadd.s32 $0x88, s3;
	s6 =	simm.s32 @!p1 $0x1082;
	[sflag:s4] =	ssyncset.s32 $0xFFFFF086  }
0x25: {  	[simem:s6], [sflag:s4] =	dma.local [hbm:s3], $0xF7A  }
0x26: {  	[smem:$0x3F99] =	sst s1;
	(tag) =	ssettag s2;
	_ =	strace s9  }
0x27: {  	s1 =	sld [smem:$0x3FA9]  }
0x28: {  	s2 =	sld [smem:$0x3FAA]  }
0x29: {  	s4 =	sld [smem:$0x3FAC]  }
0x2a: {  	p0 =	seq.s32 s5, $0x0;
	s5 =	sld [smem:$0x3FAD]  }
0x2b: {  	s6 =	sld [smem:$0x3FAE]  }
0x2c: {  	s7 =	sld [smem:$0x3FAF]  }
0x2d: {  	s3 =	simm.s32 $0x108;
	s8 =	sld [smem:$0x3FB0]  }
0x2e: {  	s3 =	simm.s32 @!p0 $0x1082;
	s9 =	sld [smem:$0x3FB1]  }
0x2f: {  	lr =	sadd.s32 s0, s3;
	s0 =	sld [smem:$0x3FA8]  }
0x30: {  	s3 =	sld [smem:$0x3FAB]  }
0x31: {  	[smem:$0x3FB4] =	sst s10  }
0x32: {  	s10 =	sld [smem:$0x3FB2];
	_ =	sdelay $0x3  }
0x33: {  	p0 =	seq.s32 s10, $0x1;
	s10 =	sld [smem:$0x3FB4];
	_ =	sdelay $0x3  }
0x34: {  	[smem:$0x3FB4] =	sst s10  }
0x35: {  	s10 =	sld [smem:$0x3FB3];
	_ =	sdelay $0x3  }
0x36: {  	p1 =	seq.s32 s10, $0x1;
	s10 =	sld [smem:$0x3FB4];
	_ =	sdelay $0x3  }
0x37: {  	[smem:$0x3FB4] =	sst s10  }
0x38: {  	s10 =	sld [smem:$0x3FB5]  }
0x39: {  	_ = 	snop;
	(pc) =	sbr.ind lr, $3  }
0x3a: {  	_ = 	snop  }
0x3b: {  	_ = 	snop  }
0x3c: {  	p2 =	seq.s32 s10, $0x1;
	s10 =	sld [smem:$0x3FB4]  }
0x3d: {  	_ =	shalt  }
0x3e: {  	_ =	shalt  }
0x3f: {  	_ =	shalt  }
0x40: {  	_ =	shalt  }
0x41: {  	_ =	shalt  }
0x42: {  	_ =	shalt  }
0x43: {  	_ =	shalt  }
0x44: {  	_ =	shalt  }
0x45: {  	_ =	shalt  }
0x46: {  	_ =	shalt  }
0x47: {  	_ =	shalt  }
0x48: {  	_ =	shalt  }
0x49: {  	_ =	shalt  }
0x4a: {  	_ =	shalt  }
0x4b: {  	_ =	shalt  }
0x4c: {  	_ =	shalt  }
0x4d: {  	_ =	shalt  }
0x4e: {  	_ =	shalt  }
0x4f: {  	_ =	shalt  }
0x50: {  	_ =	shalt  }
0x51: {  	_ =	shalt  }
0x52: {  	_ =	shalt  }
0x53: {  	_ =	shalt  }
0x54: {  	_ =	shalt  }
0x55: {  	_ =	shalt  }
0x56: {  	_ =	shalt  }
0x57: {  	_ =	shalt  }
0x58: {  	_ =	shalt  }
0x59: {  	_ =	shalt  }
0x5a: {  	_ =	shalt  }
0x5b: {  	_ =	shalt  }
0x5c: {  	_ =	shalt  }
0x5d: {  	_ =	shalt  }
0x5e: {  	_ =	shalt  }
0x5f: {  	_ =	shalt  }
0x60: {  	_ =	shalt  }
0x61: {  	_ =	shalt  }
0x62: {  	_ =	shalt  }
0x63: {  	_ =	shalt  }
0x64: {  	_ =	shalt  }
0x65: {  	_ =	shalt  }
0x66: {  	_ =	shalt  }
0x67: {  	_ =	shalt  }
0x68: {  	_ =	shalt  }
0x69: {  	_ =	shalt  }
0x6a: {  	_ =	shalt  }
0x6b: {  	_ =	shalt  }
0x6c: {  	_ =	shalt  }
0x6d: {  	_ =	shalt  }
0x6e: {  	_ =	shalt  }
0x6f: {  	_ =	shalt  }
0x70: {  	_ =	shalt  }
0x71: {  	_ =	shalt  }
0x72: {  	_ =	shalt  }
0x73: {  	_ =	shalt  }
0x74: {  	_ =	shalt  }
0x75: {  	_ =	shalt  }
0x76: {  	_ =	shalt  }
0x77: {  	_ =	shalt  }
0x78: {  	_ =	shalt  }
0x79: {  	_ =	shalt  }
0x7a: {  	_ =	shalt  }
0x7b: {  	_ =	shalt  }
0x7c: {  	_ =	shalt  }
0x7d: {  	_ =	shalt  }
0x7e: {  	_ =	shalt  }
0x7f: {  	_ =	shalt  }
0x80: {  	_ =	shalt  }
0x81: {  	_ =	shalt  }
0x82: {  	_ =	shalt  }
0x83: {  	_ =	shalt  }
0x84: {  	_ =	shalt  }
0x85: {  	_ =	shalt  }
0x86: {  	_ =	shalt  }
0x87: {  	_ =	shalt  }
.Lfunc_end0:
.L_simem_size_0:
called_computation.1_lowered:
.L_overlay_start_0:
0x88: {  	s2 =	sld [smem:$0x3FD9]  }
0x89: {  	s3 =	sld [smem:$0x3FFE];
	_ =	sdelay $0x1  }
0x8a: {  	s1 =	srdreg.scid  }
0x8b: {  	s0 =	sand.u32 $0x1, s1  }
0x8c: {  	s17 =	sshll.u32 s0, $0xA;
	s2 =	sadd.s32 s3, s2  }
0x8d: {  	s2 =	sadd.s32 s2, s17  }
0x8e: {  	[smem:$0x3FC0] =	sst s2  }
0x8f: {  	_ = 	snop  }
0x90: {  	s2 =	sld [smem:$0x3FD0];
	(tm) =	ssettm $0x1  }
0x91: {  	s18 =	sld [smem:$0x3FFB];
	_ =	sdelay $0x3  }
0x92: {  	_ =	strace s18  }
0x93: {  	s3 =	sld [smem:$0x3FFC];
	_ =	sdelay $0x3  }
0x94: {  	_ =	strace s3  }
0x95: {  	s3 =	sld [smem:$0x3FFD];
	_ =	sdelay $0x3  }
0x96: {  	_ =	strace s3  }
0x97: {  	_ =	strace $0x8FFFFFFF  }
0x98: {  	s19 =	sld [smem:$0x3FDB];
	_ =	sdelay $0x1  }
0x99: {  	s4 =	simm.s32 $_scs_section_size  }
0x9a: {  	s5 =	simm.s32 $_size__tile_overlayer_lowered;
	s6 =	simm.s32 $_tile_overlayer_lowered  }
0x9b: {  	s22 =	simm.s32 $0x1BFF;
	s21 =	sshll.u32 s6, $0x1;
	s3 =	sadd.s32 s4, s19  }
0x9c: {  	s7 =	simm.s32 $0x0;
	s20 =	sshll.u32 s5, $0x1;
	s5 =	sadd.s32 s21, s3  }
0x9d: {  	[timem:s7], [sflag:s22] =	dma.local [hbm:s5], s20  }
0x9e: {  	_ =	swait.ge [sflag:s22], s20  }
0x9f: {  	s4 =	ssub.s32 $0x0, s20;
	[sflag:s22] =	ssyncset.done $0x0  }
0xa0: {  	[sflag:s22] =	ssyncadd.s32 s4;
	_ =	sdelay $0x1  }
0xa1: {  	s23 =	simm.s32 $0x1B8B  }
0xa2: {  	_ =	swait.ge [sflag:s23], $0x1  }
0xa3: {  	[sflag:s23] =	ssyncset.done $0x0  }
0xa4: {  	s25 =	simm.s32 $0x1B8E;
	s24 =	sld [smem:$0x3FFE];
	[sflag:s23] =	ssyncadd.s32 $0xFFFFFFFF  }
0xa5: {  	s26 =	simm.s32 $execute0_lowered;
	[smem:$0x3FD2] =	sst s25  }
0xa6: {  	s5 =	sshll.u32 s26, $0x1;
	_ =	strace $0x80000049;
	[dreg:$0x1] =	wrdreg $0xFFFFFFFF  }
0xa7: {  	s28 =	simm.s32 $_size_execute0_lowered;
	s3 =	sadd.s32 s3, s5;
	[dreg:$0x0] =	wrdreg $0x0  }
0xa8: {  	s5 =	sshll.u32 s28, $0x1;
	[dreg:$0x2] =	wrdreg s3  }
0xa9: {  	[dreg:$0x3] =	wrdreg s5  }
0xaa: {  	[dreg:$0x4] =	wrdreg $0xC0  }
0xab: {  	_ =	task [dreg:s7], $0x5FFFF  }
0xac: {  	[dreg:$0x1] =	wrdreg $0xFFFFFFFF  }
0xad: {  	[dreg:$0x0] =	wrdreg $0x60  }
0xae: {  	[dreg:$0x2] =	wrdreg s24  }
0xaf: {  	[dreg:$0x3] =	wrdreg s2  }
0xb0: {  	[dreg:$0x4] =	wrdreg $0xBD000  }
0xb1: {  	[dreg:$0x5] =	wrdreg $0x9  }
0xb2: {  	_ =	task.clear_ibuf [dreg:s7], $0x6FFFF;
	_ =	strace $0x90000049  }
0xb3: {  	s29 =	simm.s32 $0x9;
	_ =	strace $0x8000004B  }
0xb4: {  	_ =	swait.ge [sflag:s29], $0x1  }
0xb5: {  	[sflag:s29] =	ssyncadd.s32 $0xFFFFFFFF  }
0xb6: {  	_ =	strace $0x9000004B  }
0xb7: {  	_ =	sfence  }
0xb8: {  	s30 =	sld [smem:$0x0];
	_ =	sdelay $0x2  }
0xb9: {  	s31 =	sshll.u32 s1, $0xD;
	s1 =	sshrl.u32 s1, $0x2  }
0xba: {  	s3 =	sand.u32 $0x4000, s31;
	s1 =	sadd.s32 s1, s30  }
0xbb: {  	s0 =	sor.u32 s3, s0;
	s1 =	sshll.u32 s1, $0x11  }
0xbc: {  	s0 =	sor.u32 s1, s0  }
0xbd: {  	s0 =	sadd.s32 $0x8F2B, s0  }
0xbe: {  	[sflag:s0] =	ssyncadd.remote.s32 $0x1  }
0xbf: {  	_ =	sfence.sel $0xFFFF  }
0xc0: {  	[dreg:$0x0] =	wrdreg $0xFFFFFFFF;
	(pc) =	sbr.abs _section_cstart, $3  }
0xc1: {  	[dreg:$0x1] =	wrdreg $0xFFFFFFFF  }
0xc2: {  	_ =	task.clear_ibuf [dreg:s7], $0x2FFFF;
	_ =	strace $0x9FFFFFFF  }
0xc3: {  	(tm) =	ssettm $0x7FFFFFFF  }
tec
execute0_lowered:
.L_overlay_start_1:
0x0: {  	(tag) =	ssettag $0x1  }
0x1: {  	s0 =	rddreg [dreg:$0x0]  }
0x2: {  	s2 =	rddreg [dreg:$0x1];
	s1 =	srdreg.scid  }
0x3: {  	s3 =	rddreg [dreg:$0x2];
	s10 =	stileid.u32  }
0x4: {  	s4 =	simm.s32 $0x0;
	s1 =	sand.u32 $0x1, s1;
	s6 =	smul.u32 $0x2800, s10  }
0x5: {  	[smem:$0x7FF] =	sst s4;
	s11 =	sadd.s32 $0x2E00, s0;
	s24 =	smul.u32 $0x2710, s10  }
0x6: {  	s23 =	ssub.s32 $0x109, s10;
	s5 =	smul.u32 $0x138800, s1;
	s7 =	sshll.u32 s1, $0x4  }
0x7: {  	s26 =	ssub.s32 $0x2, s1;
	s1 =	smul.u32 $0x27100, s1;
	s25 =	sor.u32 s10, s7  }
0x8: {  	_ =	strace $0x8000004A;
	s5 =	sadd.s32 s6, s5;
	s6 =	smul.u32 $0x2710, s25  }
0x9: {  	s28 =	sshrl.u32 s26, $0x1;
	s25 =	ssub.s32 $0x8C, s10;
	s5 =	sshrl.u32 s5, $0x3  }
0xa: {  	s5 =	sadd.s32 s5, s0;
	s0 =	ssub.s32 s26, s28;
	s29 =	sshrl.u32 s6, $0x3  }
0xb: {  	s8 =	sadd.s32 $0x28, s6;
	s31 =	sadd.s32 $0x4E228, s6;
	s13 =	sadd.s32 $0x78, s6  }
0xc: {  	s15 =	sadd.s32 $0x4E278, s6;
	s17 =	sadd.s32 $0xC8, s6;
	s19 =	sadd.s32 $0x4E2C8, s6  }
0xd: {  	s21 =	sadd.s32 $0x118, s6;
	s6 =	sadd.s32 $0x4E318, s6;
	s26 =	smul.u32 $0x5000, s10  }
0xe: {  	s10 =	smul.u32 $0xA000, s10;
	s12 =	sadd.s32 s11, s29;
	s30 =	sshrl.u32 s8, $0x3  }
0xf: {  	s9 =	sshrl.u32 s31, $0x3;
	s14 =	sshrl.u32 s13, $0x3;
	s0 =	smax.u32 s0, $0x1  }
0x10: {  	s16 =	sshrl.u32 s15, $0x3;
	s18 =	sshrl.u32 s17, $0x3;
	[dreg:$0xf] =	wrdreg s0  }
0x11: {  	s6 =	sshrl.u32 s6, $0x3;
	s7 =	sadd.s32 s11, s30;
	[dreg:$0x4] =	wrdreg s12  }
0x12: {  	s20 =	sshrl.u32 s19, $0x3;
	s6 =	sadd.s32 s11, s6;
	[dreg:$0x5] =	wrdreg s7  }
0x13: {  	s22 =	sshrl.u32 s21, $0x3;
	s7 =	sadd.s32 s11, s9;
	[dreg:$0xc] =	wrdreg s6  }
0x14: {  	s28 =	sshrl.u32 s26, $0x2;
	s6 =	sshrl.u32 s25, $0x4;
	[dreg:$0x6] =	wrdreg s7  }
0x15: {  	s0 =	sadd.s32 s28, s3;
	s7 =	sadd.s32 s11, s14;
	[dreg:$0xe] =	wrdreg s6  }
0x16: {  	s14 =	sshrl.u32 s23, $0x4;
	s6 =	sadd.s32 s24, s1;
	[dreg:$0x10] =	wrdreg s0  }
0x17: {  	[dreg:$0x7] =	wrdreg s7;
	s7 =	sadd.s32 s11, s16;
	s1 =	sadd.s32 $0x2A8, s6  }
0x18: {  	s8 =	sadd.s32 $0x4E458, s6;
	s16 =	sadd.s32 $0x258, s6;
	s17 =	sadd.s32 $0x4E430, s6  }
0x19: {  	s23 =	sadd.s32 $0x208, s6;
	s24 =	sadd.s32 $0x4E3E0, s6;
	[dreg:$0xd] =	wrdreg s14  }
0x1a: {  	[dreg:$0x8] =	wrdreg s7;
	s7 =	sadd.s32 s11, s18;
	s29 =	sshrl.u32 s1, $0x3  }
0x1b: {  	s1 =	sadd.s32 $0x4E318, s6;
	s13 =	sshrl.u32 s8, $0x3;
	s18 =	sadd.s32 $0x230, s6  }
0x1c: {  	s19 =	sshrl.u32 s17, $0x3;
	s25 =	sshrl.u32 s23, $0x3;
	s26 =	sshrl.u32 s24, $0x3  }
0x1d: {  	s23 =	sadd.s32 $0xA, s12;
	s24 =	sadd.s32 $0x9C4A, s12;
	[dreg:$0x9] =	wrdreg s7  }
0x1e: {  	s7 =	sadd.s32 s11, s20;
	s0 =	sadd.s32 s29, s11;
	[smem:$0x7F6] =	sst s23  }
0x1f: {  	s15 =	sadd.s32 s13, s11;
	s20 =	sshrl.u32 s18, $0x3;
	[smem:$0x7F7] =	sst s24  }
0x20: {  	s28 =	sadd.s32 s26, s11;
	s29 =	sadd.s32 $0x1E0, s6;
	[dreg:$0xa] =	wrdreg s7  }
0x21: {  	s13 =	sadd.s32 $0x4E390, s6;
	s18 =	sadd.s32 $0x168, s6;
	[dreg:$0x11] =	wrdreg s0  }
0x22: {  	s26 =	sadd.s32 $0x9C54, s12;
	s24 =	simm.s32 $0x100;
	[dreg:$0x15] =	wrdreg s15  }
0x23: {  	s23 =	simm.s32 $0x3;
	s7 =	sadd.s32 s11, s22;
	[dreg:$0x1b] =	wrdreg s28  }
0x24: {  	s0 =	sshrl.u32 s1, $0x3;
	s21 =	sadd.s32 s20, s11;
	[smem:$0x7F2] =	sst s18  }
0x25: {  	s22 =	sadd.s32 $0x4E408, s6;
	s15 =	sadd.s32 $0x190, s6;
	[smem:$0x7F9] =	sst s26  }
0x26: {  	s20 =	sshrl.u32 s10, $0x2;
	s28 =	sadd.s32 $0x1E, s12;
	[dreg:$0xb] =	wrdreg s7  }
0x27: {  	s18 =	simm.s32 $0x900;
	s10 =	simm.s32 $0x5;
	[dreg:$0x18] =	wrdreg s21  }
0x28: {  	s7 =	sadd.s32 $0x280, s6;
	s0 =	sadd.s32 s0, s11;
	[smem:$0x7FA] =	sst s28  }
0x29: {  	s21 =	sadd.s32 s20, s3;
	s20 =	simm.s32 $0xA;
	[dreg:$0x13] =	wrdreg s0  }
0x2a: {  	s30 =	sshrl.u32 s7, $0x3;
	s7 =	sadd.s32 $0x4E340, s6;
	[smem:$0x7F4] =	sst s21  }
0x2b: {  	s21 =	simm.s32 $0x13;
	s31 =	sadd.s32 s30, s11;
	s9 =	sshrl.u32 s7, $0x3  }
0x2c: {  	s30 =	sadd.s32 $0x4E3B8, s6;
	s7 =	sshrl.u32 s13, $0x3;
	[dreg:$0x12] =	wrdreg s31  }
0x2d: {  	s0 =	sadd.s32 s9, s11;
	s31 =	sadd.s32 $0x1B8, s6;
	s1 =	sshrl.u32 s30, $0x3  }
0x2e: {  	s30 =	sadd.s32 $0x28, s12;
	[dreg:$0x14] =	wrdreg s0;
	s0 =	sshrl.u32 s16, $0x3  }
0x2f: {  	s8 =	sshrl.u32 s31, $0x3;
	s16 =	sadd.s32 s7, s11;
	[smem:$0x7FC] =	sst s30  }
0x30: {  	s31 =	sadd.s32 $0x9C68, s12;
	s7 =	simm.s32 $0x80;
	[dreg:$0x1f] =	wrdreg s16  }
0x31: {  	s0 =	sadd.s32 s0, s11;
	s9 =	sadd.s32 s8, s11;
	[smem:$0x7FD] =	sst s31  }
0x32: {  	s8 =	sshrl.u32 s15, $0x3;
	s16 =	simm.s32 $0x14;
	[dreg:$0x16] =	wrdreg s0  }
0x33: {  	s15 =	simm.s32 $0x10;
	s0 =	sadd.s32 s19, s11;
	[dreg:$0x1e] =	wrdreg s9  }
0x34: {  	s9 =	sadd.s32 $0x4E368, s6;
	s17 =	sadd.s32 s8, s11;
	s8 =	smov.u32 s11  }
0x35: {  	s19 =	sadd.s32 $0x16800, s5;
	s6 =	simm.s32 $0x1;
	[dreg:$0x17] =	wrdreg s0  }
0x36: {  	s0 =	sshrl.u32 s22, $0x3;
	s9 =	sshrl.u32 s9, $0x3;
	[smem:$0x7F1] =	sst s17  }
0x37: {  	[smem:$0x7F3] =	sst s19;
	s22 =	sadd.s32 $0x9C40, s12;
	s17 =	simm.s32 $0x6  }
0x38: {  	s19 =	simm.s32 $0x7;
	s0 =	sadd.s32 s0, s11;
	[smem:$0x7F5] =	sst s22  }
0x39: {  	s9 =	sadd.s32 s9, s11;
	[dreg:$0x19] =	wrdreg s0;
	s0 =	sadd.s32 s25, s11  }
0x3a: {  	s22 =	simm.s32 $0x28;
	s25 =	sadd.s32 $0x14, s12;
	[dreg:$0x1a] =	wrdreg s0  }
0x3b: {  	s0 =	sshrl.u32 s29, $0x3;
	[smem:$0x7F8] =	sst s25;
	s29 =	sadd.s32 $0x9C5E, s12  }
0x3c: {  	s25 =	simm.s32 $0x4;
	s0 =	sadd.s32 s0, s11;
	[smem:$0x7FB] =	sst s29  }
0x3d: {  	s12 =	simm.s32 $0xF;
	[dreg:$0x1c] =	wrdreg s0;
	s0 =	sadd.s32 s1, s11  }
0x3e: {  	v0 =	vimm.f32 $0.0e+00;
	s11 =	simm.s32 $0x2;
	s1 =	simm.s32 $0x0;
	[dreg:$0x1d] =	wrdreg s0  }
.LBB2_1:
0x3f: {  	[smem:$0x7F0] =	sst s1  }
0x40: {  	s0 =	rddreg [dreg:$0x4]  }
0x41: {  	s1 =	sld [smem:$0x7F5]  }
0x42: {  	[tilespmem:s4], [sflag:$0x13] =	stream.linear.gather [hbm4b:s0+s4], $0x28, $0x38;
	[tilespmem:$0x1F580] =	vst v63  }
0x43: {  	s5 =	simm.s32 $0x480;
	s13 =	rddreg [dreg:$0x5]  }
0x44: {  	[tilespmem:s5], [sflag:$0x14] =	stream.linear.gather [hbm4b:s1+s4], $0x28, $0x38;
	[tilespmem:$0x1F580] =	vst v63  }
0x45: {  	s26 =	rddreg [dreg:$0x6]  }
0x46: {  	[tilespmem:s7], [sflag:$0x13] =	stream.linear.gather [hbm4b:s13+s4], $0x28, $0x38;
	[tilespmem:$0x1F580] =	vst v63  }
0x47: {  	s28 =	simm.s32 $0x500;
	s29 =	sld [smem:$0x7F6]  }
0x48: {  	[tilespmem:s28], [sflag:$0x14] =	stream.linear.gather [hbm4b:s26+s4], $0x28, $0x38;
	[tilespmem:$0x1F580] =	vst v63  }
0x49: {  	s30 =	sld [smem:$0x7F7]  }
0x4a: {  	[tilespmem:s24], [sflag:$0x13] =	stream.linear.gather [hbm4b:s29+s4], $0x28, $0x38;
	[tilespmem:$0x1F580] =	vst v63  }
0x4b: {  	s31 =	simm.s32 $0x580;
	s1 =	rddreg [dreg:$0x7]  }
0x4c: {  	[tilespmem:s31], [sflag:$0x14] =	stream.linear.gather [hbm4b:s30+s4], $0x28, $0x38;
	[tilespmem:$0x1F580] =	vst v63  }
0x4d: {  	s5 =	simm.s32 $0x180;
	s13 =	rddreg [dreg:$0x8]  }
0x4e: {  	[tilespmem:s5], [sflag:$0x13] =	stream.linear.gather [hbm4b:s1+s4], $0x28, $0x38;
	[tilespmem:$0x1F580] =	vst v63  }
0x4f: {  	s26 =	simm.s32 $0x600;
	s28 =	sld [smem:$0x7F8]  }
0x50: {  	[tilespmem:s26], [sflag:$0x14] =	stream.linear.gather [hbm4b:s13+s4], $0x28, $0x38;
	[tilespmem:$0x1F580] =	vst v63  }
0x51: {  	s29 =	simm.s32 $0x200;
	s30 =	sld [smem:$0x7F9]  }
0x52: {  	[tilespmem:s29], [sflag:$0x13] =	stream.linear.gather [hbm4b:s28+s4], $0x28, $0x38;
	[tilespmem:$0x1F580] =	vst v63  }
0x53: {  	s31 =	simm.s32 $0x680;
	s1 =	rddreg [dreg:$0x9]  }
0x54: {  	[tilespmem:s31], [sflag:$0x14] =	stream.linear.gather [hbm4b:s30+s4], $0x28, $0x38;
	[tilespmem:$0x1F580] =	vst v63  }
0x55: {  	s5 =	simm.s32 $0x280;
	s13 =	rddreg [dreg:$0xa]  }
0x56: {  	[tilespmem:s5], [sflag:$0x13] =	stream.linear.gather [hbm4b:s1+s4], $0x28, $0x38;
	[tilespmem:$0x1F580] =	vst v63  }
0x57: {  	s26 =	simm.s32 $0x700;
	s28 =	sld [smem:$0x7FA]  }
0x58: {  	[tilespmem:s26], [sflag:$0x14] =	stream.linear.gather [hbm4b:s13+s4], $0x28, $0x38;
	[tilespmem:$0x1F580] =	vst v63  }
0x59: {  	s29 =	simm.s32 $0x300;
	s30 =	sld [smem:$0x7FB]  }
0x5a: {  	[tilespmem:s29], [sflag:$0x13] =	stream.linear.gather [hbm4b:s28+s4], $0x28, $0x38;
	[tilespmem:$0x1F580] =	vst v63  }
0x5b: {  	s31 =	simm.s32 $0x780;
	s1 =	rddreg [dreg:$0xb]  }
0x5c: {  	[tilespmem:s31], [sflag:$0x14] =	stream.linear.gather [hbm4b:s30+s4], $0x28, $0x38;
	[tilespmem:$0x1F580] =	vst v63  }
0x5d: {  	s5 =	simm.s32 $0x380;
	s13 =	rddreg [dreg:$0xc]  }
0x5e: {  	[tilespmem:s5], [sflag:$0x13] =	stream.linear.gather [hbm4b:s1+s4], $0x28, $0x38;
	[tilespmem:$0x1F580] =	vst v63  }
0x5f: {  	s26 =	simm.s32 $0x800;
	s28 =	sld [smem:$0x7FC]  }
0x60: {  	[tilespmem:s26], [sflag:$0x14] =	stream.linear.gather [hbm4b:s13+s4], $0x28, $0x38;
	[tilespmem:$0x1F580] =	vst v63  }
0x61: {  	s29 =	simm.s32 $0x400;
	s30 =	sld [smem:$0x7FD]  }
0x62: {  	[tilespmem:s29], [sflag:$0x13] =	stream.linear.gather [hbm4b:s28+s4], $0x28, $0x38;
	[tilespmem:$0x1F580] =	vst v63  }
0x63: {  	s31 =	simm.s32 $0x880;
	s5 =	simm.s32 $0x70;
	s13 =	simm.s32 $0x3C0  }
0x64: {  	[tilespmem:s31], [sflag:$0x14] =	stream.linear.gather [hbm4b:s30+s4], $0x28, $0x38;
	[tilespmem:$0x1F580] =	vst v63  }
.LBB2_2:
0x65: {  	p0 =	sne.s32 s13, $0x4FC0;
	[tilespmem:s5+$0x900] =	vst v0  }
0x66: {  	[tilespmem:s5+$0x890] =	vst v0  }
0x67: {  	[tilespmem:s5+$0x8A0] =	vst v0  }
.Ltmp0:
0x68: {  	[tilespmem:s5+$0x8B0] =	vst v0;
	(pc) =	sbr.rel @p0 .LBB2_2-.Ltmp0, $4  }
0x69: {  	[tilespmem:s5+$0x8C0] =	vst v0  }
0x6a: {  	[tilespmem:s5+$0x8D0] =	vst v0  }
0x6b: {  	[tilespmem:s5+$0x8E0] =	vst v0  }
0x6c: {  	[tilespmem:s5+$0x8F0] =	vst v0;
	s5 =	sshra.s32 s13, $0x2;
	s13 =	sadd.s32 $0x200, s13  }
0x6d: {  	[tilespmem:s5+$0x900] =	vst v0  }
0x6e: {  	[tilespmem:s5+$0x890] =	vst v0  }
0x6f: {  	[tilespmem:s5+$0x8A0] =	vst v0  }
0x70: {  	[tilespmem:s5+$0x8B0] =	vst v0;
	p0 =	sne.s32 s14, $0x1  }
.Ltmp1:
0x71: {  	[tilespmem:s5+$0x8C0] =	vst v0;
	(pc) =	sbr.rel @!p0 .LBB2_5-.Ltmp1, $4  }
0x72: {  	[tilespmem:s5+$0x8D0] =	vst v0  }
0x73: {  	[tilespmem:s5+$0x8E0] =	vst v0  }
0x74: {  	[tilespmem:s5+$0x8F0] =	vst v0;
	s13 =	rddreg [dreg:$0x10];
	s5 =	sadd.s32 $0xFFFFFFFF, s14  }
0x75: {  	[spmem:s13] =	stream.linear.scatter [tilespmem:s18], [sflag:$0xA], $0x1400, $0x38;
	[tilespmem:$0x1F580] =	vst v63  }
.LBB2_4:
0x76: {  	p1 =	sne.s32 s5, $0x1  }
.Ltmp2:
0x77: {  	_ = 	snop;
	(pc) =	sbr.rel @p1 .LBB2_4-.Ltmp2, $3  }
0x78: {  	_ = 	snop  }
0x79: {  	s5 =	sadd.s32 $0xFFFFFFFF, s5;
	s13 =	sadd.s32 $0x14000, s13;
	_ =	sdelay $0x1  }
0x7a: {  	[spmem:s13] =	stream.linear.scatter [tilespmem:s18], [sflag:$0xA], $0x1400, $0x38;
	[tilespmem:$0x1F580] =	vst v63  }
.LBB2_5:
.Ltmp3:
0x7b: {  	(pc) =	sbr.rel @!p0 .LBB2_7-.Ltmp3, $3  }
0x7c: {  	_ =	sdelay $0x1  }
0x7d: {  	_ =	swait.ge [sflag:s20], $0x1400  }
0x7e: {  	s5 =	sadd.s32 $0xFFFFFFFF, s14;
	[sflag:s20] =	ssyncset.done $0x0  }
.LBB2_6:
0x7f: {  	p0 =	sne.s32 s5, $0x1;
	s5 =	sadd.s32 $0xFFFFFFFF, s5;
	[sflag:s20] =	ssyncadd.s32 $0xFFFFEC00  }
.Ltmp4:
0x80: {  	(pc) =	sbr.rel @p0 .LBB2_6-.Ltmp4, $3  }
0x81: {  	_ =	sdelay $0x1  }
0x82: {  	_ =	swait.ge [sflag:s20], $0x1400  }
0x83: {  	[sflag:s20] =	ssyncset.done $0x0  }
.LBB2_7:
0x84: {  	[sflag:s20] =	ssyncadd.s32 $0xFFFFEC00  }
0x85: {  	[bflag:$0x0] =	sbarrier.arrive $0xFFFF  }
0x86: {  	_ =	swait.ge [sflag:s21], $0x28  }
0x87: {  	[sflag:s21] =	ssyncset.done $0x0  }
0x88: {  	s13 =	simm.s32 $0x0;
	[sflag:s21] =	ssyncadd.s32 $0xFFFFFFD8  }
0x89: {  	[tilespmem:s18], [sflag:$0x1] =	stream.indirect.gather [hbm4b:s2+s22], $0x80, s13, s22, $0xb8;
	[tilespmem:$0x1F580] =	vst v63  }
0x8a: {  	_ =	swait.ge [sflag:s21], $0x28  }
0x8b: {  	[sflag:s21] =	ssyncset.done $0x0  }
0x8c: {  	s0 =	simm.s32 $0x1D00;
	[sflag:s21] =	ssyncadd.s32 $0xFFFFFFD8  }
0x8d: {  	[tilespmem:s0], [sflag:$0x2] =	stream.indirect.gather [hbm4b:s2+s22], $0x80, s7, s22, $0xb8;
	[tilespmem:$0x1F580] =	vst v63  }
0x8e: {  	_ =	swait.ge [sflag:s21], $0x28  }
0x8f: {  	[sflag:s21] =	ssyncset.done $0x0  }
0x90: {  	s7 =	simm.s32 $0x3100;
	[sflag:s21] =	ssyncadd.s32 $0xFFFFFFD8  }
0x91: {  	[tilespmem:s7], [sflag:$0x3] =	stream.indirect.gather [hbm4b:s2+s22], $0x80, s24, s22, $0xb8;
	[tilespmem:$0x1F580] =	vst v63  }
0x92: {  	_ =	swait.ge [sflag:s21], $0x28  }
0x93: {  	[sflag:s21] =	ssyncset.done $0x0  }
0x94: {  	s14 =	simm.s32 $0x180;
	s1 =	simm.s32 $0x4500;
	[sflag:s21] =	ssyncadd.s32 $0xFFFFFFD8  }
0x95: {  	[tilespmem:s1], [sflag:$0x4] =	stream.indirect.gather [hbm4b:s2+s22], $0x80, s14, s22, $0xb8;
	[tilespmem:$0x1F580] =	vst v63  }
0x96: {  	_ =	swait.ge [sflag:s21], $0x28  }
0x97: {  	[sflag:s21] =	ssyncset.done $0x0  }
0x98: {  	s26 =	simm.s32 $0x5900;
	s24 =	simm.s32 $0x200;
	[sflag:s21] =	ssyncadd.s32 $0xFFFFFFD8  }
0x99: {  	[tilespmem:s26], [sflag:$0x5] =	stream.indirect.gather [hbm4b:s2+s22], $0x80, s24, s22, $0xb8;
	[tilespmem:$0x1F580] =	vst v63  }
0x9a: {  	_ =	swait.ge [sflag:s21], $0x28  }
0x9b: {  	[sflag:s21] =	ssyncset.done $0x0  }
0x9c: {  	s28 =	simm.s32 $0x280;
	s29 =	simm.s32 $0x6D00;
	[sflag:s21] =	ssyncadd.s32 $0xFFFFFFD8  }
0x9d: {  	[tilespmem:s29], [sflag:$0x6] =	stream.indirect.gather [hbm4b:s2+s22], $0x80, s28, s22, $0xb8;
	[tilespmem:$0x1F580] =	vst v63  }
.Ltmp5:
0x9e: {  	_ = 	snop;
	(pc) =	sbr.rel .LBB2_8-.Ltmp5, $4  }
0x9f: {  	s30 =	simm.s32 $0x300;
	_ =	swait.ge [sflag:s21], $0x28  }
0xa0: {  	s31 =	simm.s32 $0x8100;
	s14 =	simm.s32 $0xFFFFFFFE;
	[sflag:s21] =	ssyncset.done $0x0  }
0xa1: {  	s24 =	simm.s32 $0x0;
	s5 =	sld [smem:$0x7F2];
	[sflag:s21] =	ssyncadd.s32 $0xFFFFFFD8  }
0xa2: {  	[tilespmem:s31], [sflag:$0x7] =	stream.indirect.gather [hbm4b:s2+s22], $0x80, s30, s22, $0xb8;
	[tilespmem:$0x1F580] =	vst v63  }
.LBB2_21:
0xa3: {  	s0 =	rddreg [dreg:$0x17]  }
0xa4: {  	s1 =	simm.s32 $0x700;
	s0 =	sadd.s32 s13, s0  }
0xa5: {  	[tilespmem:s1], [sflag:$0x14] =	stream.linear.gather [hbm4b:s0+s4], $0x28, $0x38;
	[tilespmem:$0x1F580] =	vst v63  }
0xa6: {  	_ =	swait.ge [sflag:s21], $0x28  }
0xa7: {  	s30 =	simm.s32 $0x280;
	[sflag:s21] =	ssyncset.done $0x0  }
0xa8: {  	s31 =	simm.s32 $0x6D00;
	s1 =	simm.s32 $0x9;
	[sflag:s21] =	ssyncadd.s32 $0xFFFFFFD8  }
0xa9: {  	[tilespmem:s31], [sflag:$0x6] =	stream.indirect.gather [hbm4b:s2+s22], $0x80, s30, s22, $0xb8;
	[tilespmem:$0x1F580] =	vst v63  }
0xaa: {  	_ =	swait.ge [sflag:s1], $0x1400  }
0xab: {  	[sflag:s1] =	ssyncset.done $0x0  }
0xac: {  	[sflag:s1] =	ssyncadd.s32 $0xFFFFEC00  }
0xad: {  	_ =	swait.ge [sflag:s16], $0x28  }
0xae: {  	s7 =	simm.s32 $0x880;
	[sflag:s16] =	ssyncset.done $0x0  }
0xaf: {  	s26 =	simm.s32 $0xA900;
	s0 =	rddreg [dreg:$0x11];
	[sflag:s16] =	ssyncadd.s32 $0xFFFFFFD8  }
0xb0: {  	[spmem:s3] =	stream.indirect.scatter.add.f32 [tilespmem:s26], [sflag:$0x12], $0x80, s7, s22, $0xb8;
	[tilespmem:$0x1F580] =	vst v63  }
0xb1: {  	s1 =	simm.s32 @!p1 $0x0;
	s0 =	sadd.s32 @!p1 s13, s0;
	s7 =	simm.s32 @!p1 $0x400  }
0xb2: {  	[tilespmem:s7], [sflag:$0x13] =	stream.linear.gather @!p1 [hbm4b:s0+s1], $0x28, $0x38;
	[tilespmem:$0x1F580] =	vst v63  }
0xb3: {  	_ =	swait.ge [sflag:s15], $0x1400  }
0xb4: {  	[sflag:s15] =	ssyncset.done $0x0;
	s28 =	rddreg [dreg:$0x15]  }
0xb5: {  	s29 =	simm.s32 $0x780;
	[sflag:s15] =	ssyncadd.s32 $0xFFFFEC00;
	s0 =	sadd.s32 s13, s28  }
0xb6: {  	[tilespmem:s29], [sflag:$0x14] =	stream.linear.gather [hbm4b:s0+s4], $0x28, $0x38;
	[tilespmem:$0x1F580] =	vst v63  }
0xb7: {  	_ =	swait.ge [sflag:s21], $0x28  }
0xb8: {  	[sflag:s21] =	ssyncset.done $0x0  }
0xb9: {  	s30 =	simm.s32 $0x300;
	s31 =	simm.s32 $0x8100;
	[sflag:s21] =	ssyncadd.s32 $0xFFFFFFD8  }
0xba: {  	[tilespmem:s31], [sflag:$0x7] =	stream.indirect.gather [hbm4b:s2+s22], $0x80, s30, s22, $0xb8;
	[tilespmem:$0x1F580] =	vst v63  }
.LBB2_22:
0xbb: {  	s13 =	sadd.s32 $0x2D, s13  }
0xbc: {  	p0 =	sne.s32 s13, $0x519  }
.Ltmp6:
0xbd: {  	_ = 	snop;
	(pc) =	sbr.rel @!p0 .LBB2_23-.Ltmp6, $2  }
0xbe: {  	_ =	sdelay $0x2  }
0xbf: {  	s24 =	sadd.s32 $0x1, s24;
	s14 =	sadd.s32 $0x9, s14;
	s5 =	sadd.s32 $0x168, s5  }
.LBB2_8:
0xc0: {  	p0 =	seq.s32 s13, $0x4EC  }
.Ltmp7:
0xc1: {  	_ = 	snop;
	(pc) =	sbr.rel @p0 .LBB2_23-.Ltmp7, $1  }
0xc2: {  	_ =	sdelay $0x3  }
0xc3: {  	_ =	swait.ge [sflag:s6], $0x1400  }
0xc4: {  	[sflag:s6] =	ssyncset.done $0x0  }
0xc5: {  	[sflag:s6] =	ssyncadd.s32 $0xFFFFEC00  }
0xc6: {  	_ =	swait.ge [sflag:s16], $0x28  }
0xc7: {  	p0 =	sgt.u32 s24, $0x1A;
	[sflag:s16] =	ssyncset.done $0x0  }
0xc8: {  	s0 =	simm.s32 $0x480;
	s26 =	sshrl.u32 @!p0 s5, $0x3;
	[sflag:s16] =	ssyncadd.s32 $0xFFFFFFD8  }
0xc9: {  	[spmem:s3] =	stream.indirect.scatter.add.f32 [tilespmem:s18], [sflag:$0xA], $0x80, s0, s22, $0xb8;
	[tilespmem:$0x1F580] =	vst v63  }
0xca: {  	p2 =	sgt.u32 s14, $0xF0;
	s28 =	simm.s32 @!p0 $0x0;
	s26 =	sadd.s32 @!p0 s8, s26  }
0xcb: {  	[tilespmem:s28], [sflag:$0x13] =	stream.linear.gather @!p0 [hbm4b:s26+s28], $0x28, $0x38;
	[tilespmem:$0x1F580] =	vst v63  }
.Ltmp8:
0xcc: {  	p1 =	sgt.u32 s14, $0xF9;
	(pc) =	sbr.rel @p2 .LBB2_11-.Ltmp8, $4  }
0xcd: {  	s26 =	simm.s32 @!p1 $0x11  }
0xce: {  	_ =	swait.ge @!p1 [sflag:s26], $0x1400  }
0xcf: {  	[sflag:s26] =	ssyncset.done @!p1 $0x0  }
0xd0: {  	[sflag:s26] =	ssyncadd.s32 @!p1 $0xFFFFEC00  }
0xd1: {  	p0 =	slt.u32 s24, $0x1B  }
.Ltmp9:
0xd2: {  	_ = 	snop;
	(pc) =	sbr.rel @p0 .LBB2_12-.Ltmp9, $4  }
.Ltmp10:
0xd3: {  	_ = 	snop;
	(pc) =	sbr.rel @!p0 .LBB2_13-.Ltmp10, $4  }
0xd4: {  	s0 =	rddreg [dreg:$0x13]  }
0xd5: {  	s31 =	simm.s32 $0x800;
	p1 =	por $0x0, $0x0;
	s26 =	sadd.s32 s13, s0  }
0xd6: {  	[tilespmem:s31], [sflag:$0x14] =	stream.linear.gather [hbm4b:s26+s4], $0x28, $0x38;
	[tilespmem:$0x1F580] =	vst v63  }
0xd7: {  	_ = 	snop  }
.LBB2_11:
.Ltmp11:
0xd8: {  	(pc) =	sbr.rel @p0 .LBB2_13-.Ltmp11, $2  }
0xd9: {  	_ =	sdelay $0x2  }
0xda: {  	p1 =	por $0x0, $0x0  }
.LBB2_12:
0xdb: {  	_ =	swait.ge [sflag:s21], $0x28  }
0xdc: {  	s0 =	simm.s32 $0x380;
	[sflag:s21] =	ssyncset.done $0x0  }
0xdd: {  	s1 =	simm.s32 $0x9500;
	p1 =	por $0x1, $0x1;
	[sflag:s21] =	ssyncadd.s32 $0xFFFFFFD8  }
0xde: {  	[tilespmem:s1], [sflag:$0x8] =	stream.indirect.gather [hbm4b:s2+s22], $0x80, s0, s22, $0xb8;
	[tilespmem:$0x1F580] =	vst v63  }
.LBB2_13:
0xdf: {  	_ =	swait.ge [sflag:s11], $0x1400  }
0xe0: {  	[sflag:s11] =	ssyncset.done $0x0  }
0xe1: {  	[sflag:s11] =	ssyncadd.s32 $0xFFFFEC00  }
0xe2: {  	_ =	swait.ge [sflag:s16], $0x28  }
0xe3: {  	[sflag:s16] =	ssyncset.done $0x0  }
0xe4: {  	s0 =	simm.s32 $0x500;
	s1 =	simm.s32 $0x1D00;
	[sflag:s16] =	ssyncadd.s32 $0xFFFFFFD8  }
0xe5: {  	[spmem:s3] =	stream.indirect.scatter.add.f32 [tilespmem:s1], [sflag:$0xB], $0x80, s0, s22, $0xb8;
	[tilespmem:$0x1F580] =	vst v63  }
0xe6: {  	s0 =	sld [smem:$0x7F1];
	_ =	sdelay $0x1  }
0xe7: {  	s28 =	simm.s32 @p1 $0x0;
	s31 =	sadd.s32 $0x1, s14  }
0xe8: {  	s29 =	simm.s32 @p1 $0x80;
	p2 =	sgt.u32 s31, $0xF0;
	s26 =	sadd.s32 @p1 s13, s0  }
0xe9: {  	[tilespmem:s29], [sflag:$0x13] =	stream.linear.gather @p1 [hbm4b:s26+s28], $0x28, $0x38;
	[tilespmem:$0x1F580] =	vst v63  }
.Ltmp12:
0xea: {  	p0 =	sgt.u32 s31, $0xF9;
	(pc) =	sbr.rel @p2 .LBB2_15-.Ltmp12, $4  }
0xeb: {  	s28 =	simm.s32 @!p0 $0x12  }
0xec: {  	_ =	swait.ge @!p0 [sflag:s28], $0x1400  }
0xed: {  	[sflag:s28] =	ssyncset.done @!p0 $0x0  }
0xee: {  	[sflag:s28] =	ssyncadd.s32 @!p0 $0xFFFFEC00  }
.Ltmp13:
0xef: {  	(pc) =	sbr.rel @p1 .LBB2_16-.Ltmp13, $4  }
.Ltmp14:
0xf0: {  	(pc) =	sbr.rel @!p1 .LBB2_17-.Ltmp14, $4  }
0xf1: {  	s0 =	rddreg [dreg:$0x14]  }
0xf2: {  	s31 =	simm.s32 $0x880;
	p0 =	por $0x0, $0x0;
	s26 =	sadd.s32 s13, s0  }
0xf3: {  	[tilespmem:s31], [sflag:$0x14] =	stream.linear.gather [hbm4b:s26+s4], $0x28, $0x38;
	[tilespmem:$0x1F580] =	vst v63  }
0xf4: {  	_ = 	snop  }
.LBB2_15:
.Ltmp15:
0xf5: {  	(pc) =	sbr.rel @!p1 .LBB2_17-.Ltmp15, $2  }
0xf6: {  	_ =	sdelay $0x2  }
0xf7: {  	p0 =	por $0x0, $0x0  }
.LBB2_16:
0xf8: {  	_ =	swait.ge [sflag:s21], $0x28  }
0xf9: {  	s0 =	simm.s32 $0x400;
	[sflag:s21] =	ssyncset.done $0x0  }
0xfa: {  	s1 =	simm.s32 $0xA900;
	p0 =	por $0x1, $0x1;
	[sflag:s21] =	ssyncadd.s32 $0xFFFFFFD8  }
0xfb: {  	[tilespmem:s1], [sflag:$0x9] =	stream.indirect.gather [hbm4b:s2+s22], $0x80, s0, s22, $0xb8;
	[tilespmem:$0x1F580] =	vst v63  }
.LBB2_17:
0xfc: {  	_ =	swait.ge [sflag:s23], $0x1400  }
0xfd: {  	[sflag:s23] =	ssyncset.done $0x0  }
0xfe: {  	[sflag:s23] =	ssyncadd.s32 $0xFFFFEC00  }
0xff: {  	_ =	swait.ge [sflag:s16], $0x28  }
0x100: {  	s0 =	simm.s32 $0x580;
	[sflag:s16] =	ssyncset.done $0x0  }
0x101: {  	s1 =	simm.s32 $0x3100;
	s26 =	simm.s32 @!p0 $0xA;
	[sflag:s16] =	ssyncadd.s32 $0xFFFFFFD8  }
0x102: {  	[spmem:s3] =	stream.indirect.scatter.add.f32 [tilespmem:s1], [sflag:$0xC], $0x80, s0, s22, $0xb8;
	[tilespmem:$0x1F580] =	vst v63  }
0x103: {  	_ =	swait.ge @!p0 [sflag:s26], $0x1400  }
0x104: {  	s28 =	simm.s32 @p0 $0x0;
	[sflag:s26] =	ssyncset.done @!p0 $0x0;
	s0 =	rddreg [dreg:$0x1e]  }
0x105: {  	s30 =	simm.s32 @p0 $0x100;
	[sflag:s26] =	ssyncadd.s32 @!p0 $0xFFFFEC00;
	s26 =	sadd.s32 @p0 s13, s0  }
0x106: {  	[tilespmem:s30], [sflag:$0x13] =	stream.linear.gather @p0 [hbm4b:s26+s28], $0x28, $0x38;
	[tilespmem:$0x1F580] =	vst v63  }
0x107: {  	s26 =	simm.s32 @p0 $0xA  }
0x108: {  	_ =	swait.ge @p0 [sflag:s26], $0x1400  }
0x109: {  	[sflag:s26] =	ssyncset.done @p0 $0x0  }
0x10a: {  	s29 =	simm.s32 @p0 $0x480;
	[sflag:s26] =	ssyncadd.s32 @p0 $0xFFFFEC00;
	s26 =	sadd.s32 @p0 s13, s9  }
0x10b: {  	[tilespmem:s29], [sflag:$0x14] =	stream.linear.gather @p0 [hbm4b:s26+s28], $0x28, $0x38;
	[tilespmem:$0x1F580] =	vst v63  }
0x10c: {  	s29 =	simm.s32 @p0 $0x13  }
0x10d: {  	_ =	swait.ge @p0 [sflag:s29], $0x28  }
0x10e: {  	[sflag:s29] =	ssyncset.done @p0 $0x0  }
0x10f: {  	s31 =	simm.s32 @p0 $0x900;
	s26 =	simm.s32 @p0 $0x28;
	[sflag:s29] =	ssyncadd.s32 @p0 $0xFFFFFFD8  }
0x110: {  	[tilespmem:s31], [sflag:$0x1] =	stream.indirect.gather @p0 [hbm4b:s2+s26], $0x80, s28, s26, $0xb8;
	[tilespmem:$0x1F580] =	vst v63  }
0x111: {  	_ =	swait.ge [sflag:s25], $0x1400  }
0x112: {  	[sflag:s25] =	ssyncset.done $0x0  }
0x113: {  	[sflag:s25] =	ssyncadd.s32 $0xFFFFEC00  }
0x114: {  	_ =	swait.ge [sflag:s16], $0x28  }
0x115: {  	[sflag:s16] =	ssyncset.done $0x0  }
0x116: {  	s7 =	simm.s32 $0x600;
	s31 =	simm.s32 $0x4500;
	[sflag:s16] =	ssyncadd.s32 $0xFFFFFFD8  }
0x117: {  	[spmem:s3] =	stream.indirect.scatter.add.f32 [tilespmem:s31], [sflag:$0xD], $0x80, s7, s22, $0xb8;
	[tilespmem:$0x1F580] =	vst v63  }
0x118: {  	s31 =	simm.s32 @!p0 $0xB  }
0x119: {  	_ =	swait.ge @!p0 [sflag:s31], $0x1400  }
0x11a: {  	[sflag:s31] =	ssyncset.done @!p0 $0x0;
	s0 =	rddreg [dreg:$0x1c]  }
0x11b: {  	[sflag:s31] =	ssyncadd.s32 @!p0 $0xFFFFEC00;
	s0 =	sadd.s32 @p0 s13, s0;
	s31 =	simm.s32 @p0 $0x180  }
0x11c: {  	[tilespmem:s31], [sflag:$0x13] =	stream.linear.gather @p0 [hbm4b:s0+s28], $0x28, $0x38;
	[tilespmem:$0x1F580] =	vst v63  }
0x11d: {  	s0 =	simm.s32 @p0 $0xB  }
0x11e: {  	_ =	swait.ge @p0 [sflag:s0], $0x1400  }
0x11f: {  	[sflag:s0] =	ssyncset.done @p0 $0x0  }
0x120: {  	[sflag:s0] =	ssyncadd.s32 @p0 $0xFFFFEC00;
	s0 =	rddreg [dreg:$0x1f]  }
0x121: {  	s1 =	simm.s32 @p0 $0x500;
	s0 =	sadd.s32 @p0 s13, s0  }
0x122: {  	[tilespmem:s1], [sflag:$0x14] =	stream.linear.gather @p0 [hbm4b:s0+s28], $0x28, $0x38;
	[tilespmem:$0x1F580] =	vst v63  }
0x123: {  	_ =	swait.ge @p0 [sflag:s29], $0x28  }
0x124: {  	[sflag:s29] =	ssyncset.done @p0 $0x0  }
0x125: {  	s0 =	simm.s32 @p0 $0x80;
	s1 =	simm.s32 @p0 $0x1D00;
	[sflag:s29] =	ssyncadd.s32 @p0 $0xFFFFFFD8  }
0x126: {  	[tilespmem:s1], [sflag:$0x2] =	stream.indirect.gather @p0 [hbm4b:s2+s26], $0x80, s0, s26, $0xb8;
	[tilespmem:$0x1F580] =	vst v63  }
0x127: {  	_ =	swait.ge [sflag:s10], $0x1400  }
0x128: {  	[sflag:s10] =	ssyncset.done $0x0  }
0x129: {  	[sflag:s10] =	ssyncadd.s32 $0xFFFFEC00  }
0x12a: {  	_ =	swait.ge [sflag:s16], $0x28  }
0x12b: {  	s7 =	simm.s32 $0x5900;
	[sflag:s16] =	ssyncset.done $0x0  }
0x12c: {  	s1 =	simm.s32 $0x680;
	s0 =	simm.s32 @!p0 $0xC;
	[sflag:s16] =	ssyncadd.s32 $0xFFFFFFD8  }
0x12d: {  	[spmem:s3] =	stream.indirect.scatter.add.f32 [tilespmem:s7], [sflag:$0xE], $0x80, s1, s22, $0xb8;
	[tilespmem:$0x1F580] =	vst v63  }
0x12e: {  	_ =	swait.ge @!p0 [sflag:s0], $0x1400  }
0x12f: {  	[sflag:s0] =	ssyncset.done @!p0 $0x0  }
0x130: {  	[sflag:s0] =	ssyncadd.s32 @!p0 $0xFFFFEC00;
	s0 =	rddreg [dreg:$0x1a]  }
0x131: {  	s1 =	simm.s32 @p0 $0x200;
	s0 =	sadd.s32 @p0 s13, s0  }
0x132: {  	[tilespmem:s1], [sflag:$0x13] =	stream.linear.gather @p0 [hbm4b:s0+s28], $0x28, $0x38;
	[tilespmem:$0x1F580] =	vst v63  }
0x133: {  	s0 =	simm.s32 @p0 $0xC  }
0x134: {  	_ =	swait.ge @p0 [sflag:s0], $0x1400  }
0x135: {  	[sflag:s0] =	ssyncset.done @p0 $0x0  }
0x136: {  	[sflag:s0] =	ssyncadd.s32 @p0 $0xFFFFEC00;
	s0 =	rddreg [dreg:$0x1d]  }
0x137: {  	s7 =	simm.s32 @p0 $0x580;
	s0 =	sadd.s32 @p0 s13, s0  }
0x138: {  	[tilespmem:s7], [sflag:$0x14] =	stream.linear.gather @p0 [hbm4b:s0+s28], $0x28, $0x38;
	[tilespmem:$0x1F580] =	vst v63  }
0x139: {  	_ =	swait.ge @p0 [sflag:s29], $0x28  }
0x13a: {  	[sflag:s29] =	ssyncset.done @p0 $0x0  }
0x13b: {  	s0 =	simm.s32 @p0 $0x3100;
	[sflag:s29] =	ssyncadd.s32 @p0 $0xFFFFFFD8  }
0x13c: {  	[tilespmem:s0], [sflag:$0x3] =	stream.indirect.gather @p0 [hbm4b:s2+s26], $0x80, s30, s26, $0xb8;
	[tilespmem:$0x1F580] =	vst v63  }
0x13d: {  	_ =	swait.ge [sflag:s17], $0x1400  }
0x13e: {  	[sflag:s17] =	ssyncset.done $0x0  }
0x13f: {  	[sflag:s17] =	ssyncadd.s32 $0xFFFFEC00  }
0x140: {  	_ =	swait.ge [sflag:s16], $0x28  }
0x141: {  	s7 =	simm.s32 $0x700;
	[sflag:s16] =	ssyncset.done $0x0  }
0x142: {  	s30 =	simm.s32 $0x6D00;
	s0 =	simm.s32 @!p0 $0xD;
	[sflag:s16] =	ssyncadd.s32 $0xFFFFFFD8  }
0x143: {  	[spmem:s3] =	stream.indirect.scatter.add.f32 [tilespmem:s30], [sflag:$0xF], $0x80, s7, s22, $0xb8;
	[tilespmem:$0x1F580] =	vst v63  }
0x144: {  	_ =	swait.ge @!p0 [sflag:s0], $0x1400  }
0x145: {  	[sflag:s0] =	ssyncset.done @!p0 $0x0  }
0x146: {  	[sflag:s0] =	ssyncadd.s32 @!p0 $0xFFFFEC00;
	s0 =	rddreg [dreg:$0x18]  }
0x147: {  	s7 =	simm.s32 @p0 $0x280;
	s0 =	sadd.s32 @p0 s13, s0  }
0x148: {  	[tilespmem:s7], [sflag:$0x13] =	stream.linear.gather @p0 [hbm4b:s0+s28], $0x28, $0x38;
	[tilespmem:$0x1F580] =	vst v63  }
0x149: {  	s0 =	simm.s32 @p0 $0xD  }
0x14a: {  	_ =	swait.ge @p0 [sflag:s0], $0x1400  }
0x14b: {  	[sflag:s0] =	ssyncset.done @p0 $0x0  }
0x14c: {  	[sflag:s0] =	ssyncadd.s32 @p0 $0xFFFFEC00;
	s0 =	rddreg [dreg:$0x1b]  }
0x14d: {  	s7 =	simm.s32 @p0 $0x600;
	s0 =	sadd.s32 @p0 s13, s0  }
0x14e: {  	[tilespmem:s7], [sflag:$0x14] =	stream.linear.gather @p0 [hbm4b:s0+s28], $0x28, $0x38;
	[tilespmem:$0x1F580] =	vst v63  }
0x14f: {  	_ =	swait.ge @p0 [sflag:s29], $0x28  }
0x150: {  	[sflag:s29] =	ssyncset.done @p0 $0x0  }
0x151: {  	s0 =	simm.s32 @p0 $0x4500;
	[sflag:s29] =	ssyncadd.s32 @p0 $0xFFFFFFD8  }
0x152: {  	[tilespmem:s0], [sflag:$0x4] =	stream.indirect.gather @p0 [hbm4b:s2+s26], $0x80, s31, s26, $0xb8;
	[tilespmem:$0x1F580] =	vst v63  }
0x153: {  	_ =	swait.ge [sflag:s19], $0x1400  }
0x154: {  	[sflag:s19] =	ssyncset.done $0x0  }
0x155: {  	[sflag:s19] =	ssyncadd.s32 $0xFFFFEC00  }
0x156: {  	_ =	swait.ge [sflag:s16], $0x28  }
0x157: {  	s30 =	simm.s32 $0x780;
	[sflag:s16] =	ssyncset.done $0x0  }
0x158: {  	s31 =	simm.s32 $0x8100;
	s0 =	rddreg [dreg:$0x16];
	[sflag:s16] =	ssyncadd.s32 $0xFFFFFFD8  }
0x159: {  	[spmem:s3] =	stream.indirect.scatter.add.f32 [tilespmem:s31], [sflag:$0x10], $0x80, s30, s22, $0xb8;
	[tilespmem:$0x1F580] =	vst v63  }
0x15a: {  	s7 =	simm.s32 @p0 $0x300;
	s0 =	sadd.s32 @p0 s13, s0  }
0x15b: {  	[tilespmem:s7], [sflag:$0x13] =	stream.linear.gather @p0 [hbm4b:s0+s28], $0x28, $0x38;
	[tilespmem:$0x1F580] =	vst v63  }
0x15c: {  	s0 =	simm.s32 @p0 $0xE  }
0x15d: {  	_ =	swait.ge @p0 [sflag:s0], $0x1400  }
0x15e: {  	[sflag:s0] =	ssyncset.done @p0 $0x0  }
0x15f: {  	[sflag:s0] =	ssyncadd.s32 @p0 $0xFFFFEC00;
	s0 =	rddreg [dreg:$0x19]  }
0x160: {  	s7 =	simm.s32 @p0 $0x680;
	s0 =	sadd.s32 @p0 s13, s0  }
0x161: {  	[tilespmem:s7], [sflag:$0x14] =	stream.linear.gather @p0 [hbm4b:s0+s28], $0x28, $0x38;
	[tilespmem:$0x1F580] =	vst v63  }
0x162: {  	_ =	swait.ge @p0 [sflag:s29], $0x28  }
0x163: {  	[sflag:s29] =	ssyncset.done @p0 $0x0  }
0x164: {  	s0 =	simm.s32 @p0 $0x5900;
	[sflag:s29] =	ssyncadd.s32 @p0 $0xFFFFFFD8  }
0x165: {  	[tilespmem:s0], [sflag:$0x5] =	stream.indirect.gather @p0 [hbm4b:s2+s26], $0x80, s1, s26, $0xb8;
	[tilespmem:$0x1F580] =	vst v63  }
0x166: {  	s0 =	simm.s32 @p0 $0x8  }
0x167: {  	_ =	swait.ge @p0 [sflag:s0], $0x1400  }
0x168: {  	[sflag:s0] =	ssyncset.done @p0 $0x0  }
0x169: {  	[sflag:s0] =	ssyncadd.s32 @p0 $0xFFFFEC00;
	s0 =	simm.s32 @p0 $0x14  }
0x16a: {  	_ =	swait.ge @p0 [sflag:s0], $0x28  }
0x16b: {  	p1 =	sgt.u32 s24, $0x19;
	[sflag:s0] =	ssyncset.done @p0 $0x0  }
0x16c: {  	s1 =	simm.s32 @p0 $0x9500;
	[sflag:s0] =	ssyncadd.s32 @p0 $0xFFFFFFD8;
	s0 =	simm.s32 @p0 $0x800  }
0x16d: {  	[spmem:s3] =	stream.indirect.scatter.add.f32 @p0 [tilespmem:s1], [sflag:$0x11], $0x80, s0, s26, $0xb8;
	[tilespmem:$0x1F580] =	vst v63  }
.Ltmp16:
0x16e: {  	_ = 	snop;
	(pc) =	sbr.rel @p1 .LBB2_20-.Ltmp16, $4  }
0x16f: {  	s0 =	simm.s32 @!p0 $0xE  }
0x170: {  	_ =	swait.ge @!p0 [sflag:s0], $0x1400  }
0x171: {  	[sflag:s0] =	ssyncset.done @!p0 $0x0  }
0x172: {  	[sflag:s0] =	ssyncadd.s32 @!p0 $0xFFFFEC00  }
0x173: {  	s0 =	rddreg [dreg:$0x12]  }
.Ltmp17:
0x174: {  	s1 =	simm.s32 $0x380;
	s0 =	sadd.s32 s13, s0;
	(pc) =	sbr.rel @p0 .LBB2_21-.Ltmp17, $4  }
0x175: {  	[tilespmem:s1], [sflag:$0x13] =	stream.linear.gather [hbm4b:s0+s4], $0x28, $0x38;
	[tilespmem:$0x1F580] =	vst v63  }
0x176: {  	_ =	swait.ge [sflag:s12], $0x1400  }
0x177: {  	[sflag:s12] =	ssyncset.done $0x0  }
0x178: {  	[sflag:s12] =	ssyncadd.s32 $0xFFFFEC00  }
0x179: {  	s0 =	rddreg [dreg:$0x11]  }
.Ltmp18:
0x17a: {  	s1 =	simm.s32 $0x400;
	s0 =	sadd.s32 s13, s0;
	(pc) =	sbr.rel .LBB2_22-.Ltmp18, $4  }
0x17b: {  	[tilespmem:s1], [sflag:$0x13] =	stream.linear.gather [hbm4b:s0+s4], $0x28, $0x38;
	[tilespmem:$0x1F580] =	vst v63  }
0x17c: {  	_ =	swait.ge [sflag:s15], $0x1400  }
0x17d: {  	[sflag:s15] =	ssyncset.done $0x0  }
0x17e: {  	[sflag:s15] =	ssyncadd.s32 $0xFFFFEC00  }
.LBB2_20:
.Ltmp19:
0x17f: {  	(pc) =	sbr.rel @p0 .LBB2_21-.Ltmp19, $4  }
0x180: {  	_ = 	snop  }
0x181: {  	_ =	swait.ge [sflag:s12], $0x1400  }
0x182: {  	[sflag:s12] =	ssyncset.done $0x0  }
0x183: {  	[sflag:s12] =	ssyncadd.s32 $0xFFFFEC00  }
.Ltmp20:
0x184: {  	(pc) =	sbr.rel .LBB2_22-.Ltmp20, $4  }
0x185: {  	_ = 	snop  }
0x186: {  	_ =	swait.ge [sflag:s15], $0x1400  }
0x187: {  	[sflag:s15] =	ssyncset.done $0x0  }
0x188: {  	[sflag:s15] =	ssyncadd.s32 $0xFFFFEC00  }
.LBB2_23:
0x189: {  	[bflag:$0x0] =	sbarrier.arrive $0xFFFF  }
0x18a: {  	s1 =	sld [smem:$0x7F4]  }
0x18b: {  	s0 =	stileid.u32;
	s24 =	sld [smem:$0x7F3]  }
0x18c: {  	s0 =	sshll.u32 s0, $0x6  }
0x18d: {  	s5 =	sor.u32 $0x1C0A, s0;
	s31 =	sshrl.u32 s1, $0x3  }
0x18e: {  	[hbm:s24], [sflag:s5] =	dma.local [spmem:s31], $0x500  }
0x18f: {  	s0 =	rddreg [dreg:$0xe]  }
0x190: {  	p0 =	sne.s32 s0, $0x1  }
.Ltmp21:
0x191: {  	_ = 	snop;
	(pc) =	sbr.rel @!p0 .LBB2_25-.Ltmp21, $2  }
0x192: {  	_ =	sdelay $0x2  }
0x193: {  	s14 =	sadd.s32 $0x28000, s1;
	s13 =	sadd.s32 $0xFFFFFFFF, s0  }
.LBB2_24:
0x194: {  	p1 =	sne.s32 s13, $0x1;
	s13 =	sadd.s32 $0xFFFFFFFF, s13  }
.Ltmp22:
0x195: {  	s0 =	sshrl.u32 s14, $0x3;
	s24 =	sadd.s32 $0x5000, s24;
	(pc) =	sbr.rel @p1 .LBB2_24-.Ltmp22, $3  }
0x196: {  	[hbm:s24], [sflag:s5] =	dma.local [spmem:s0], $0x500  }
0x197: {  	_ =	sdelay $0x1  }
0x198: {  	s14 =	sadd.s32 $0x28000, s14  }
.LBB2_25:
.Ltmp23:
0x199: {  	(pc) =	sbr.rel @!p0 .LBB2_27-.Ltmp23, $4  }
0x19a: {  	_ = 	snop  }
0x19b: {  	_ =	swait.ge [sflag:s20], $0x500  }
0x19c: {  	s0 =	rddreg [dreg:$0xe]  }
0x19d: {  	[sflag:s20] =	ssyncset.done $0x0;
	s1 =	sld [smem:$0x7F0];
	s5 =	sadd.s32 $0xFFFFFFFF, s0  }
.LBB2_26:
0x19e: {  	p0 =	sne.s32 s5, $0x1;
	s5 =	sadd.s32 $0xFFFFFFFF, s5;
	[sflag:s20] =	ssyncadd.s32 $0xFFFFFB00  }
.Ltmp24:
0x19f: {  	(pc) =	sbr.rel @p0 .LBB2_26-.Ltmp24, $3  }
0x1a0: {  	_ =	sdelay $0x1  }
0x1a1: {  	_ =	swait.ge [sflag:s20], $0x500  }
0x1a2: {  	[sflag:s20] =	ssyncset.done $0x0  }
.LBB2_27:
0x1a3: {  	_ =	sdelay $0x1  }
0x1a4: {  	s0 =	rddreg [dreg:$0xf];
	s1 =	sadd.s32 $0x1, s1  }
0x1a5: {  	p0 =	sne.s32 s1, s0  }
.Ltmp25:
0x1a6: {  	_ = 	snop;
	(pc) =	sbr.rel @p0 .LBB2_1-.Ltmp25, $3  }
0x1a7: {  	_ =	sdelay $0x1  }
0x1a8: {  	[sflag:s20] =	ssyncadd.s32 $0xFFFFFB00  }
0x1a9: {  	s14 =	rddreg [dreg:$0xd];
	s7 =	simm.s32 $0x80;
	s24 =	simm.s32 $0x100  }
0x1aa: {  	_ =	sfence.sel $0x180000  }
0x1ab: {  	[bflag:$0x0] =	sbarrier.arrive $0xFFFF  }
0x1ac: {  	_ =	strace $0x9000004A  }
0x1ad: {  	s0 =	stileid.u32;
	[bflag:$0x2] =	sbarrier.arrive $0xFFFF  }
0x1ae: {  	p0 =	sne.s32 s0, $0x0;
	s0 =	rddreg [dreg:$0x3]  }
0x1af: {  	s0 =	sadd.s32 @!p0 $0x100000, s0  }
0x1b0: {  	[sflag:s0] =	ssyncadd.tile.s32 @!p0 $0x1;
	_ =	shalt  }
.Lfunc_end2:
_tile_overlayer_lowered:
.L_overlay_start_2:
0x1b1: {  	(tag) =	ssettag $0x2  }
0x1b2: {  	s0 =	rddreg [dreg:$0x0];
	s2 =	stileid.u32  }
0x1b3: {  	s1 =	rddreg [dreg:$0x1];
	p0 =	sne.s32 s2, $0x0  }
0x1b4: {  	s3 =	rddreg [dreg:$0x2];
	[bflag:$0x3] =	sbarrier.arrive $0xFFFF;
	s2 =	simm.s32 @!p0 $0x1C15  }
0x1b5: {  	[timem:s3], [sflag:s2] =	dma.local @!p0 [hbm:s0], s1  }
0x1b6: {  	s0 =	simm.s32 @!p0 $0x15  }
0x1b7: {  	_ =	swait.ge @!p0 [sflag:s0], s1  }
0x1b8: {  	s1 =	ssub.s32 @!p0 $0x0, s1;
	[sflag:s0] =	ssyncset.done @!p0 $0x0  }
0x1b9: {  	[sflag:s0] =	ssyncadd.s32 @!p0 s1  }
0x1ba: {  	[bflag:$0x3] =	sbarrier.arrive $0xFFFF  }
0x1bb: {  	_ =	shalt  }

// kernel: kernel.14.cloned.1.call-start
scs
__scs_entry_jumppad:
0x0: {  	(pc) =	sbr.rel $0x88, $3  }
0x1: {  	(tag) =	ssettag $0x0;
	lr =	simm.s32 $0x1  }
0x2: {  	[smem:$0x3F99] =	sst lr;
	_ =	strace $0xD0000000  }
0x3: {  	_ = 	snop  }
0x4: {  	_ = 	snop  }
0x5: {  	_ = 	snop  }
0x6: {  	_ = 	snop  }
0x7: {  	_ = 	snop  }
__scs_overlays_trampoline_lowered:
0x8: {  	[smem:$0x3FA8] =	sst s0  }
0x9: {  	[smem:$0x3FA9] =	sst s1  }
0xa: {  	[smem:$0x3FAA] =	sst s2  }
0xb: {  	[smem:$0x3FAB] =	sst s3  }
0xc: {  	[smem:$0x3FAC] =	sst s4  }
0xd: {  	[smem:$0x3FAD] =	sst s5  }
0xe: {  	[smem:$0x3FAE] =	sst s6  }
0xf: {  	[smem:$0x3FAF] =	sst s7  }
0x10: {  	[smem:$0x3FB0] =	sst s8  }
0x11: {  	[smem:$0x3FB1] =	sst s9;
	s0 =	simm.s32 @!p0 $0x0  }
0x12: {  	s1 =	sld [smem:$0x3F97];
	s0 =	simm.s32 @p0 $0x1  }
0x13: {  	[smem:$0x3FB2] =	sst s0;
	s0 =	simm.s32 @!p1 $0x0  }
0x14: {  	s2 =	sld [smem:$0x3F96];
	s0 =	simm.s32 @p1 $0x1  }
0x15: {  	[smem:$0x3FB3] =	sst s0;
	s0 =	simm.s32 @!p2 $0x0  }
0x16: {  	s3 =	sld [smem:$0x3FDB];
	s0 =	simm.s32 @p2 $0x1  }
0x17: {  	s4 =	simm.s32 $0x1BF5;
	[smem:$0x3FB5] =	sst s0  }
0x18: {  	s0 =	sld [smem:$0x3F98];
	_ =	swait.ge [sflag:s4], $0x0  }
0x19: {  	s7 =	sld [smem:$0x3F99]  }
0x1a: {  	s8 =	sadd.s32 $0xFFFFE003, lr  }
0x1b: {  	s9 =	sadd.s32 $0xFFFFFEF7, lr;
	s5 =	simm.s32 $0xFFFFFFFF;
	p2 =	slt.u32 s8, $0xFFFFF086  }
0x1c: {  	p1 =	slt.u32 s9, $0xF7A;
	s5 =	simm.s32 @!p2 $0x0  }
0x1d: {  	s5 =	simm.s32 @p1 $0x1;
	p0 =	seq.s32 s7, s2  }
0x1e: {  	s7 =	smul.u32 @!p0 $0xF7A, s2;
	p2 =	seq.s32 @!p0 s5, $0x0  }
0x1f: {  	s9 =	smul.u32 $0xF7A, s1;
	s8 =	simm.s32 @!p0 $0x1BF5;
	p2 =	por !p2, p0  }
0x20: {  	[sflag:s8] =	ssyncset.s32 @!p0 $0xFFFFF086;
	s6 =	sadd.s32 @!p0 s3, s7;
	s7 =	simm.s32 @!p0 $0x108  }
0x21: {  	s3 =	sadd.s32 s3, s9;
	s6 =	sadd.s32 @!p0 $0x88, s6;
	s7 =	simm.s32 @p2 $0x1082  }
0x22: {  	[simem:s7], [sflag:s8] =	dma.local @!p0 [hbm:s6], $0xF7A  }
0x23: {  	s9 =	sor.u32 $0xD0000000, s2;
	s6 =	simm.s32 $0x108;
	_ =	swait.ge @!p0 [sflag:s8], $0x0  }
0x24: {  	s3 =	sadd.s32 $0x88, s3;
	s6 =	simm.s32 @!p1 $0x1082;
	[sflag:s4] =	ssyncset.s32 $0xFFFFF086  }
0x25: {  	[simem:s6], [sflag:s4] =	dma.local [hbm:s3], $0xF7A  }
0x26: {  	[smem:$0x3F99] =	sst s1;
	(tag) =	ssettag s2;
	_ =	strace s9  }
0x27: {  	s1 =	sld [smem:$0x3FA9]  }
0x28: {  	s2 =	sld [smem:$0x3FAA]  }
0x29: {  	s4 =	sld [smem:$0x3FAC]  }
0x2a: {  	p0 =	seq.s32 s5, $0x0;
	s5 =	sld [smem:$0x3FAD]  }
0x2b: {  	s6 =	sld [smem:$0x3FAE]  }
0x2c: {  	s7 =	sld [smem:$0x3FAF]  }
0x2d: {  	s3 =	simm.s32 $0x108;
	s8 =	sld [smem:$0x3FB0]  }
0x2e: {  	s3 =	simm.s32 @!p0 $0x1082;
	s9 =	sld [smem:$0x3FB1]  }
0x2f: {  	lr =	sadd.s32 s0, s3;
	s0 =	sld [smem:$0x3FA8]  }
0x30: {  	s3 =	sld [smem:$0x3FAB]  }
0x31: {  	[smem:$0x3FB4] =	sst s10  }
0x32: {  	s10 =	sld [smem:$0x3FB2];
	_ =	sdelay $0x3  }
0x33: {  	p0 =	seq.s32 s10, $0x1;
	s10 =	sld [smem:$0x3FB4];
	_ =	sdelay $0x3  }
0x34: {  	[smem:$0x3FB4] =	sst s10  }
0x35: {  	s10 =	sld [smem:$0x3FB3];
	_ =	sdelay $0x3  }
0x36: {  	p1 =	seq.s32 s10, $0x1;
	s10 =	sld [smem:$0x3FB4];
	_ =	sdelay $0x3  }
0x37: {  	[smem:$0x3FB4] =	sst s10  }
0x38: {  	s10 =	sld [smem:$0x3FB5]  }
0x39: {  	_ = 	snop;
	(pc) =	sbr.ind lr, $3  }
0x3a: {  	_ = 	snop  }
0x3b: {  	_ = 	snop  }
0x3c: {  	p2 =	seq.s32 s10, $0x1;
	s10 =	sld [smem:$0x3FB4]  }
0x3d: {  	_ =	shalt  }
0x3e: {  	_ =	shalt  }
0x3f: {  	_ =	shalt  }
0x40: {  	_ =	shalt  }
0x41: {  	_ =	shalt  }
0x42: {  	_ =	shalt  }
0x43: {  	_ =	shalt  }
0x44: {  	_ =	shalt  }
0x45: {  	_ =	shalt  }
0x46: {  	_ =	shalt  }
0x47: {  	_ =	shalt  }
0x48: {  	_ =	shalt  }
0x49: {  	_ =	shalt  }
0x4a: {  	_ =	shalt  }
0x4b: {  	_ =	shalt  }
0x4c: {  	_ =	shalt  }
0x4d: {  	_ =	shalt  }
0x4e: {  	_ =	shalt  }
0x4f: {  	_ =	shalt  }
0x50: {  	_ =	shalt  }
0x51: {  	_ =	shalt  }
0x52: {  	_ =	shalt  }
0x53: {  	_ =	shalt  }
0x54: {  	_ =	shalt  }
0x55: {  	_ =	shalt  }
0x56: {  	_ =	shalt  }
0x57: {  	_ =	shalt  }
0x58: {  	_ =	shalt  }
0x59: {  	_ =	shalt  }
0x5a: {  	_ =	shalt  }
0x5b: {  	_ =	shalt  }
0x5c: {  	_ =	shalt  }
0x5d: {  	_ =	shalt  }
0x5e: {  	_ =	shalt  }
0x5f: {  	_ =	shalt  }
0x60: {  	_ =	shalt  }
0x61: {  	_ =	shalt  }
0x62: {  	_ =	shalt  }
0x63: {  	_ =	shalt  }
0x64: {  	_ =	shalt  }
0x65: {  	_ =	shalt  }
0x66: {  	_ =	shalt  }
0x67: {  	_ =	shalt  }
0x68: {  	_ =	shalt  }
0x69: {  	_ =	shalt  }
0x6a: {  	_ =	shalt  }
0x6b: {  	_ =	shalt  }
0x6c: {  	_ =	shalt  }
0x6d: {  	_ =	shalt  }
0x6e: {  	_ =	shalt  }
0x6f: {  	_ =	shalt  }
0x70: {  	_ =	shalt  }
0x71: {  	_ =	shalt  }
0x72: {  	_ =	shalt  }
0x73: {  	_ =	shalt  }
0x74: {  	_ =	shalt  }
0x75: {  	_ =	shalt  }
0x76: {  	_ =	shalt  }
0x77: {  	_ =	shalt  }
0x78: {  	_ =	shalt  }
0x79: {  	_ =	shalt  }
0x7a: {  	_ =	shalt  }
0x7b: {  	_ =	shalt  }
0x7c: {  	_ =	shalt  }
0x7d: {  	_ =	shalt  }
0x7e: {  	_ =	shalt  }
0x7f: {  	_ =	shalt  }
0x80: {  	_ =	shalt  }
0x81: {  	_ =	shalt  }
0x82: {  	_ =	shalt  }
0x83: {  	_ =	shalt  }
0x84: {  	_ =	shalt  }
0x85: {  	_ =	shalt  }
0x86: {  	_ =	shalt  }
0x87: {  	_ =	shalt  }
.Lfunc_end0:
.L_simem_size_0:
called_computation.2_lowered:
.L_overlay_start_0:
0x88: {  	s2 =	sld [smem:$0x3FD9]  }
0x89: {  	s3 =	sld [smem:$0x3FFE];
	_ =	sdelay $0x1  }
0x8a: {  	s1 =	srdreg.scid  }
0x8b: {  	s0 =	sand.u32 $0x1, s1  }
0x8c: {  	s17 =	sshll.u32 s0, $0xA;
	s2 =	sadd.s32 s3, s2  }
0x8d: {  	s2 =	sadd.s32 s2, s17  }
0x8e: {  	[smem:$0x3FC0] =	sst s2  }
0x8f: {  	_ = 	snop  }
0x90: {  	s2 =	sld [smem:$0x3FD0];
	(tm) =	ssettm $0x1  }
0x91: {  	s18 =	sld [smem:$0x3FFB];
	_ =	sdelay $0x3  }
0x92: {  	_ =	strace s18  }
0x93: {  	s3 =	sld [smem:$0x3FFC];
	_ =	sdelay $0x3  }
0x94: {  	_ =	strace s3  }
0x95: {  	s3 =	sld [smem:$0x3FFD];
	_ =	sdelay $0x3  }
0x96: {  	_ =	strace s3  }
0x97: {  	_ =	strace $0x8FFFFFFF  }
0x98: {  	s19 =	sld [smem:$0x3FDB];
	_ =	sdelay $0x1  }
0x99: {  	s4 =	simm.s32 $_scs_section_size  }
0x9a: {  	s5 =	simm.s32 $_size__tile_overlayer_lowered;
	s6 =	simm.s32 $_tile_overlayer_lowered  }
0x9b: {  	s22 =	simm.s32 $0x1BFF;
	s21 =	sshll.u32 s6, $0x1;
	s3 =	sadd.s32 s4, s19  }
0x9c: {  	s7 =	simm.s32 $0x0;
	s20 =	sshll.u32 s5, $0x1;
	s5 =	sadd.s32 s21, s3  }
0x9d: {  	[timem:s7], [sflag:s22] =	dma.local [hbm:s5], s20  }
0x9e: {  	_ =	swait.ge [sflag:s22], s20  }
0x9f: {  	s4 =	ssub.s32 $0x0, s20;
	[sflag:s22] =	ssyncset.done $0x0  }
0xa0: {  	[sflag:s22] =	ssyncadd.s32 s4;
	_ =	sdelay $0x1  }
0xa1: {  	s23 =	simm.s32 $0x1B8B  }
0xa2: {  	_ =	swait.ge [sflag:s23], $0x1  }
0xa3: {  	[sflag:s23] =	ssyncset.done $0x0  }
0xa4: {  	s25 =	simm.s32 $0x1B8E;
	s24 =	sld [smem:$0x3FFE];
	[sflag:s23] =	ssyncadd.s32 $0xFFFFFFFF  }
0xa5: {  	s26 =	simm.s32 $execute0_lowered;
	[smem:$0x3FD2] =	sst s25  }
0xa6: {  	s5 =	sshll.u32 s26, $0x1;
	_ =	strace $0x8000004C;
	[dreg:$0x1] =	wrdreg $0xFFFFFFFF  }
0xa7: {  	s28 =	simm.s32 $_size_execute0_lowered;
	s3 =	sadd.s32 s3, s5;
	[dreg:$0x0] =	wrdreg $0x0  }
0xa8: {  	s5 =	sshll.u32 s28, $0x1;
	[dreg:$0x2] =	wrdreg s3  }
0xa9: {  	[dreg:$0x3] =	wrdreg s5  }
0xaa: {  	[dreg:$0x4] =	wrdreg $0xC0  }
0xab: {  	_ =	task [dreg:s7], $0x5FFFF  }
0xac: {  	[dreg:$0x1] =	wrdreg $0xFFFFFFFF  }
0xad: {  	[dreg:$0x0] =	wrdreg $0x60  }
0xae: {  	[dreg:$0x2] =	wrdreg s24  }
0xaf: {  	[dreg:$0x3] =	wrdreg s2  }
0xb0: {  	[dreg:$0x4] =	wrdreg $0xBD000  }
0xb1: {  	[dreg:$0x5] =	wrdreg $0x9  }
0xb2: {  	_ =	task.clear_ibuf [dreg:s7], $0x6FFFF;
	_ =	strace $0x9000004C  }
0xb3: {  	s29 =	simm.s32 $0x9;
	_ =	strace $0x8000004E  }
0xb4: {  	_ =	swait.ge [sflag:s29], $0x1  }
0xb5: {  	[sflag:s29] =	ssyncadd.s32 $0xFFFFFFFF  }
0xb6: {  	_ =	strace $0x9000004E  }
0xb7: {  	_ =	sfence  }
0xb8: {  	s30 =	sld [smem:$0x0];
	_ =	sdelay $0x2  }
0xb9: {  	s31 =	sshll.u32 s1, $0xD;
	s1 =	sshrl.u32 s1, $0x2  }
0xba: {  	s3 =	sand.u32 $0x4000, s31;
	s1 =	sadd.s32 s1, s30  }
0xbb: {  	s0 =	sor.u32 s3, s0;
	s1 =	sshll.u32 s1, $0x11  }
0xbc: {  	s0 =	sor.u32 s1, s0  }
0xbd: {  	s0 =	sadd.s32 $0x8F2B, s0  }
0xbe: {  	[sflag:s0] =	ssyncadd.remote.s32 $0x1  }
0xbf: {  	_ =	sfence.sel $0xFFFF  }
0xc0: {  	[dreg:$0x0] =	wrdreg $0xFFFFFFFF;
	(pc) =	sbr.abs _section_cstart, $3  }
0xc1: {  	[dreg:$0x1] =	wrdreg $0xFFFFFFFF  }
0xc2: {  	_ =	task.clear_ibuf [dreg:s7], $0x2FFFF;
	_ =	strace $0x9FFFFFFF  }
0xc3: {  	(tm) =	ssettm $0x7FFFFFFF  }
tec
execute0_lowered:
.L_overlay_start_1:
0x0: {  	(tag) =	ssettag $0x1  }
0x1: {  	s0 =	rddreg [dreg:$0x0]  }
0x2: {  	s2 =	rddreg [dreg:$0x1];
	s1 =	srdreg.scid  }
0x3: {  	s3 =	rddreg [dreg:$0x2];
	s10 =	stileid.u32  }
0x4: {  	s4 =	simm.s32 $0x0;
	s1 =	sand.u32 $0x1, s1;
	s6 =	smul.u32 $0x2800, s10  }
0x5: {  	[smem:$0x7FF] =	sst s4;
	s11 =	sadd.s32 $0x2E00, s0;
	s24 =	smul.u32 $0x2710, s10  }
0x6: {  	s23 =	ssub.s32 $0x109, s10;
	s5 =	smul.u32 $0x138800, s1;
	s7 =	sshll.u32 s1, $0x4  }
0x7: {  	s26 =	ssub.s32 $0x2, s1;
	s1 =	smul.u32 $0x27100, s1;
	s25 =	sor.u32 s10, s7  }
0x8: {  	_ =	strace $0x8000004D;
	s5 =	sadd.s32 s6, s5;
	s6 =	smul.u32 $0x2710, s25  }
0x9: {  	s28 =	sshrl.u32 s26, $0x1;
	s25 =	ssub.s32 $0x8C, s10;
	s5 =	sshrl.u32 s5, $0x3  }
0xa: {  	s5 =	sadd.s32 s5, s0;
	s0 =	ssub.s32 s26, s28;
	s29 =	sshrl.u32 s6, $0x3  }
0xb: {  	s8 =	sadd.s32 $0x28, s6;
	s31 =	sadd.s32 $0x4E228, s6;
	s13 =	sadd.s32 $0x78, s6  }
0xc: {  	s15 =	sadd.s32 $0x4E278, s6;
	s17 =	sadd.s32 $0xC8, s6;
	s19 =	sadd.s32 $0x4E2C8, s6  }
0xd: {  	s21 =	sadd.s32 $0x118, s6;
	s6 =	sadd.s32 $0x4E318, s6;
	s26 =	smul.u32 $0x5000, s10  }
0xe: {  	s10 =	smul.u32 $0xA000, s10;
	s12 =	sadd.s32 s11, s29;
	s30 =	sshrl.u32 s8, $0x3  }
0xf: {  	s9 =	sshrl.u32 s31, $0x3;
	s14 =	sshrl.u32 s13, $0x3;
	s0 =	smax.u32 s0, $0x1  }
0x10: {  	s16 =	sshrl.u32 s15, $0x3;
	s18 =	sshrl.u32 s17, $0x3;
	[dreg:$0xf] =	wrdreg s0  }
0x11: {  	s6 =	sshrl.u32 s6, $0x3;
	s7 =	sadd.s32 s11, s30;
	[dreg:$0x4] =	wrdreg s12  }
0x12: {  	s20 =	sshrl.u32 s19, $0x3;
	s6 =	sadd.s32 s11, s6;
	[dreg:$0x5] =	wrdreg s7  }
0x13: {  	s22 =	sshrl.u32 s21, $0x3;
	s7 =	sadd.s32 s11, s9;
	[dreg:$0xc] =	wrdreg s6  }
0x14: {  	s28 =	sshrl.u32 s26, $0x2;
	s6 =	sshrl.u32 s25, $0x4;
	[dreg:$0x6] =	wrdreg s7  }
0x15: {  	s0 =	sadd.s32 s28, s3;
	s7 =	sadd.s32 s11, s14;
	[dreg:$0xe] =	wrdreg s6  }
0x16: {  	s14 =	sshrl.u32 s23, $0x4;
	s6 =	sadd.s32 s24, s1;
	[dreg:$0x10] =	wrdreg s0  }
0x17: {  	[dreg:$0x7] =	wrdreg s7;
	s7 =	sadd.s32 s11, s16;
	s1 =	sadd.s32 $0x2A8, s6  }
0x18: {  	s8 =	sadd.s32 $0x4E458, s6;
	s16 =	sadd.s32 $0x258, s6;
	s17 =	sadd.s32 $0x4E430, s6  }
0x19: {  	s23 =	sadd.s32 $0x208, s6;
	s24 =	sadd.s32 $0x4E3E0, s6;
	[dreg:$0xd] =	wrdreg s14  }
0x1a: {  	[dreg:$0x8] =	wrdreg s7;
	s7 =	sadd.s32 s11, s18;
	s29 =	sshrl.u32 s1, $0x3  }
0x1b: {  	s1 =	sadd.s32 $0x4E318, s6;
	s13 =	sshrl.u32 s8, $0x3;
	s18 =	sadd.s32 $0x230, s6  }
0x1c: {  	s19 =	sshrl.u32 s17, $0x3;
	s25 =	sshrl.u32 s23, $0x3;
	s26 =	sshrl.u32 s24, $0x3  }
0x1d: {  	s23 =	sadd.s32 $0xA, s12;
	s24 =	sadd.s32 $0x9C4A, s12;
	[dreg:$0x9] =	wrdreg s7  }
0x1e: {  	s7 =	sadd.s32 s11, s20;
	s0 =	sadd.s32 s29, s11;
	[smem:$0x7F6] =	sst s23  }
0x1f: {  	s15 =	sadd.s32 s13, s11;
	s20 =	sshrl.u32 s18, $0x3;
	[smem:$0x7F7] =	sst s24  }
0x20: {  	s28 =	sadd.s32 s26, s11;
	s29 =	sadd.s32 $0x1E0, s6;
	[dreg:$0xa] =	wrdreg s7  }
0x21: {  	s13 =	sadd.s32 $0x4E390, s6;
	s18 =	sadd.s32 $0x168, s6;
	[dreg:$0x11] =	wrdreg s0  }
0x22: {  	s26 =	sadd.s32 $0x9C54, s12;
	s24 =	simm.s32 $0x100;
	[dreg:$0x15] =	wrdreg s15  }
0x23: {  	s23 =	simm.s32 $0x3;
	s7 =	sadd.s32 s11, s22;
	[dreg:$0x1b] =	wrdreg s28  }
0x24: {  	s0 =	sshrl.u32 s1, $0x3;
	s21 =	sadd.s32 s20, s11;
	[smem:$0x7F2] =	sst s18  }
0x25: {  	s22 =	sadd.s32 $0x4E408, s6;
	s15 =	sadd.s32 $0x190, s6;
	[smem:$0x7F9] =	sst s26  }
0x26: {  	s20 =	sshrl.u32 s10, $0x2;
	s28 =	sadd.s32 $0x1E, s12;
	[dreg:$0xb] =	wrdreg s7  }
0x27: {  	s18 =	simm.s32 $0x900;
	s10 =	simm.s32 $0x5;
	[dreg:$0x18] =	wrdreg s21  }
0x28: {  	s7 =	sadd.s32 $0x280, s6;
	s0 =	sadd.s32 s0, s11;
	[smem:$0x7FA] =	sst s28  }
0x29: {  	s21 =	sadd.s32 s20, s3;
	s20 =	simm.s32 $0xA;
	[dreg:$0x13] =	wrdreg s0  }
0x2a: {  	s30 =	sshrl.u32 s7, $0x3;
	s7 =	sadd.s32 $0x4E340, s6;
	[smem:$0x7F4] =	sst s21  }
0x2b: {  	s21 =	simm.s32 $0x13;
	s31 =	sadd.s32 s30, s11;
	s9 =	sshrl.u32 s7, $0x3  }
0x2c: {  	s30 =	sadd.s32 $0x4E3B8, s6;
	s7 =	sshrl.u32 s13, $0x3;
	[dreg:$0x12] =	wrdreg s31  }
0x2d: {  	s0 =	sadd.s32 s9, s11;
	s31 =	sadd.s32 $0x1B8, s6;
	s1 =	sshrl.u32 s30, $0x3  }
0x2e: {  	s30 =	sadd.s32 $0x28, s12;
	[dreg:$0x14] =	wrdreg s0;
	s0 =	sshrl.u32 s16, $0x3  }
0x2f: {  	s8 =	sshrl.u32 s31, $0x3;
	s16 =	sadd.s32 s7, s11;
	[smem:$0x7FC] =	sst s30  }
0x30: {  	s31 =	sadd.s32 $0x9C68, s12;
	s7 =	simm.s32 $0x80;
	[dreg:$0x1f] =	wrdreg s16  }
0x31: {  	s0 =	sadd.s32 s0, s11;
	s9 =	sadd.s32 s8, s11;
	[smem:$0x7FD] =	sst s31  }
0x32: {  	s8 =	sshrl.u32 s15, $0x3;
	s16 =	simm.s32 $0x14;
	[dreg:$0x16] =	wrdreg s0  }
0x33: {  	s15 =	simm.s32 $0x10;
	s0 =	sadd.s32 s19, s11;
	[dreg:$0x1e] =	wrdreg s9  }
0x34: {  	s9 =	sadd.s32 $0x4E368, s6;
	s17 =	sadd.s32 s8, s11;
	s8 =	smov.u32 s11  }
0x35: {  	s19 =	sadd.s32 $0x16800, s5;
	s6 =	simm.s32 $0x1;
	[dreg:$0x17] =	wrdreg s0  }
0x36: {  	s0 =	sshrl.u32 s22, $0x3;
	s9 =	sshrl.u32 s9, $0x3;
	[smem:$0x7F1] =	sst s17  }
0x37: {  	[smem:$0x7F3] =	sst s19;
	s22 =	sadd.s32 $0x9C40, s12;
	s17 =	simm.s32 $0x6  }
0x38: {  	s19 =	simm.s32 $0x7;
	s0 =	sadd.s32 s0, s11;
	[smem:$0x7F5] =	sst s22  }
0x39: {  	s9 =	sadd.s32 s9, s11;
	[dreg:$0x19] =	wrdreg s0;
	s0 =	sadd.s32 s25, s11  }
0x3a: {  	s22 =	simm.s32 $0x28;
	s25 =	sadd.s32 $0x14, s12;
	[dreg:$0x1a] =	wrdreg s0  }
0x3b: {  	s0 =	sshrl.u32 s29, $0x3;
	[smem:$0x7F8] =	sst s25;
	s29 =	sadd.s32 $0x9C5E, s12  }
0x3c: {  	s25 =	simm.s32 $0x4;
	s0 =	sadd.s32 s0, s11;
	[smem:$0x7FB] =	sst s29  }
0x3d: {  	s12 =	simm.s32 $0xF;
	[dreg:$0x1c] =	wrdreg s0;
	s0 =	sadd.s32 s1, s11  }
0x3e: {  	v0 =	vimm.f32 $0.0e+00;
	s11 =	simm.s32 $0x2;
	s1 =	simm.s32 $0x0;
	[dreg:$0x1d] =	wrdreg s0  }
.LBB2_1:
0x3f: {  	[smem:$0x7F0] =	sst s1  }
0x40: {  	s0 =	rddreg [dreg:$0x4]  }
0x41: {  	s1 =	sld [smem:$0x7F5]  }
0x42: {  	[tilespmem:s4], [sflag:$0x13] =	stream.linear.gather [hbm4b:s0+s4], $0x28, $0x38;
	[tilespmem:$0x1F580] =	vst v63  }
0x43: {  	s5 =	simm.s32 $0x480;
	s13 =	rddreg [dreg:$0x5]  }
0x44: {  	[tilespmem:s5], [sflag:$0x14] =	stream.linear.gather [hbm4b:s1+s4], $0x28, $0x38;
	[tilespmem:$0x1F580] =	vst v63  }
0x45: {  	s26 =	rddreg [dreg:$0x6]  }
0x46: {  	[tilespmem:s7], [sflag:$0x13] =	stream.linear.gather [hbm4b:s13+s4], $0x28, $0x38;
	[tilespmem:$0x1F580] =	vst v63  }
0x47: {  	s28 =	simm.s32 $0x500;
	s29 =	sld [smem:$0x7F6]  }
0x48: {  	[tilespmem:s28], [sflag:$0x14] =	stream.linear.gather [hbm4b:s26+s4], $0x28, $0x38;
	[tilespmem:$0x1F580] =	vst v63  }
0x49: {  	s30 =	sld [smem:$0x7F7]  }
0x4a: {  	[tilespmem:s24], [sflag:$0x13] =	stream.linear.gather [hbm4b:s29+s4], $0x28, $0x38;
	[tilespmem:$0x1F580] =	vst v63  }
0x4b: {  	s31 =	simm.s32 $0x580;
	s1 =	rddreg [dreg:$0x7]  }
0x4c: {  	[tilespmem:s31], [sflag:$0x14] =	stream.linear.gather [hbm4b:s30+s4], $0x28, $0x38;
	[tilespmem:$0x1F580] =	vst v63  }
0x4d: {  	s5 =	simm.s32 $0x180;
	s13 =	rddreg [dreg:$0x8]  }
0x4e: {  	[tilespmem:s5], [sflag:$0x13] =	stream.linear.gather [hbm4b:s1+s4], $0x28, $0x38;
	[tilespmem:$0x1F580] =	vst v63  }
0x4f: {  	s26 =	simm.s32 $0x600;
	s28 =	sld [smem:$0x7F8]  }
0x50: {  	[tilespmem:s26], [sflag:$0x14] =	stream.linear.gather [hbm4b:s13+s4], $0x28, $0x38;
	[tilespmem:$0x1F580] =	vst v63  }
0x51: {  	s29 =	simm.s32 $0x200;
	s30 =	sld [smem:$0x7F9]  }
0x52: {  	[tilespmem:s29], [sflag:$0x13] =	stream.linear.gather [hbm4b:s28+s4], $0x28, $0x38;
	[tilespmem:$0x1F580] =	vst v63  }
0x53: {  	s31 =	simm.s32 $0x680;
	s1 =	rddreg [dreg:$0x9]  }
0x54: {  	[tilespmem:s31], [sflag:$0x14] =	stream.linear.gather [hbm4b:s30+s4], $0x28, $0x38;
	[tilespmem:$0x1F580] =	vst v63  }
0x55: {  	s5 =	simm.s32 $0x280;
	s13 =	rddreg [dreg:$0xa]  }
0x56: {  	[tilespmem:s5], [sflag:$0x13] =	stream.linear.gather [hbm4b:s1+s4], $0x28, $0x38;
	[tilespmem:$0x1F580] =	vst v63  }
0x57: {  	s26 =	simm.s32 $0x700;
	s28 =	sld [smem:$0x7FA]  }
0x58: {  	[tilespmem:s26], [sflag:$0x14] =	stream.linear.gather [hbm4b:s13+s4], $0x28, $0x38;
	[tilespmem:$0x1F580] =	vst v63  }
0x59: {  	s29 =	simm.s32 $0x300;
	s30 =	sld [smem:$0x7FB]  }
0x5a: {  	[tilespmem:s29], [sflag:$0x13] =	stream.linear.gather [hbm4b:s28+s4], $0x28, $0x38;
	[tilespmem:$0x1F580] =	vst v63  }
0x5b: {  	s31 =	simm.s32 $0x780;
	s1 =	rddreg [dreg:$0xb]  }
0x5c: {  	[tilespmem:s31], [sflag:$0x14] =	stream.linear.gather [hbm4b:s30+s4], $0x28, $0x38;
	[tilespmem:$0x1F580] =	vst v63  }
0x5d: {  	s5 =	simm.s32 $0x380;
	s13 =	rddreg [dreg:$0xc]  }
0x5e: {  	[tilespmem:s5], [sflag:$0x13] =	stream.linear.gather [hbm4b:s1+s4], $0x28, $0x38;
	[tilespmem:$0x1F580] =	vst v63  }
0x5f: {  	s26 =	simm.s32 $0x800;
	s28 =	sld [smem:$0x7FC]  }
0x60: {  	[tilespmem:s26], [sflag:$0x14] =	stream.linear.gather [hbm4b:s13+s4], $0x28, $0x38;
	[tilespmem:$0x1F580] =	vst v63  }
0x61: {  	s29 =	simm.s32 $0x400;
	s30 =	sld [smem:$0x7FD]  }
0x62: {  	[tilespmem:s29], [sflag:$0x13] =	stream.linear.gather [hbm4b:s28+s4], $0x28, $0x38;
	[tilespmem:$0x1F580] =	vst v63  }
0x63: {  	s31 =	simm.s32 $0x880;
	s5 =	simm.s32 $0x70;
	s13 =	simm.s32 $0x3C0  }
0x64: {  	[tilespmem:s31], [sflag:$0x14] =	stream.linear.gather [hbm4b:s30+s4], $0x28, $0x38;
	[tilespmem:$0x1F580] =	vst v63  }
.LBB2_2:
0x65: {  	p0 =	sne.s32 s13, $0x4FC0;
	[tilespmem:s5+$0x900] =	vst v0  }
0x66: {  	[tilespmem:s5+$0x890] =	vst v0  }
0x67: {  	[tilespmem:s5+$0x8A0] =	vst v0  }
.Ltmp0:
0x68: {  	[tilespmem:s5+$0x8B0] =	vst v0;
	(pc) =	sbr.rel @p0 .LBB2_2-.Ltmp0, $4  }
0x69: {  	[tilespmem:s5+$0x8C0] =	vst v0  }
0x6a: {  	[tilespmem:s5+$0x8D0] =	vst v0  }
0x6b: {  	[tilespmem:s5+$0x8E0] =	vst v0  }
0x6c: {  	[tilespmem:s5+$0x8F0] =	vst v0;
	s5 =	sshra.s32 s13, $0x2;
	s13 =	sadd.s32 $0x200, s13  }
0x6d: {  	[tilespmem:s5+$0x900] =	vst v0  }
0x6e: {  	[tilespmem:s5+$0x890] =	vst v0  }
0x6f: {  	[tilespmem:s5+$0x8A0] =	vst v0  }
0x70: {  	[tilespmem:s5+$0x8B0] =	vst v0;
	p0 =	sne.s32 s14, $0x1  }
.Ltmp1:
0x71: {  	[tilespmem:s5+$0x8C0] =	vst v0;
	(pc) =	sbr.rel @!p0 .LBB2_5-.Ltmp1, $4  }
0x72: {  	[tilespmem:s5+$0x8D0] =	vst v0  }
0x73: {  	[tilespmem:s5+$0x8E0] =	vst v0  }
0x74: {  	[tilespmem:s5+$0x8F0] =	vst v0;
	s13 =	rddreg [dreg:$0x10];
	s5 =	sadd.s32 $0xFFFFFFFF, s14  }
0x75: {  	[spmem:s13] =	stream.linear.scatter [tilespmem:s18], [sflag:$0xA], $0x1400, $0x38;
	[tilespmem:$0x1F580] =	vst v63  }
.LBB2_4:
0x76: {  	p1 =	sne.s32 s5, $0x1  }
.Ltmp2:
0x77: {  	_ = 	snop;
	(pc) =	sbr.rel @p1 .LBB2_4-.Ltmp2, $3  }
0x78: {  	_ = 	snop  }
0x79: {  	s5 =	sadd.s32 $0xFFFFFFFF, s5;
	s13 =	sadd.s32 $0x14000, s13;
	_ =	sdelay $0x1  }
0x7a: {  	[spmem:s13] =	stream.linear.scatter [tilespmem:s18], [sflag:$0xA], $0x1400, $0x38;
	[tilespmem:$0x1F580] =	vst v63  }
.LBB2_5:
.Ltmp3:
0x7b: {  	(pc) =	sbr.rel @!p0 .LBB2_7-.Ltmp3, $3  }
0x7c: {  	_ =	sdelay $0x1  }
0x7d: {  	_ =	swait.ge [sflag:s20], $0x1400  }
0x7e: {  	s5 =	sadd.s32 $0xFFFFFFFF, s14;
	[sflag:s20] =	ssyncset.done $0x0  }
.LBB2_6:
0x7f: {  	p0 =	sne.s32 s5, $0x1;
	s5 =	sadd.s32 $0xFFFFFFFF, s5;
	[sflag:s20] =	ssyncadd.s32 $0xFFFFEC00  }
.Ltmp4:
0x80: {  	(pc) =	sbr.rel @p0 .LBB2_6-.Ltmp4, $3  }
0x81: {  	_ =	sdelay $0x1  }
0x82: {  	_ =	swait.ge [sflag:s20], $0x1400  }
0x83: {  	[sflag:s20] =	ssyncset.done $0x0  }
.LBB2_7:
0x84: {  	[sflag:s20] =	ssyncadd.s32 $0xFFFFEC00  }
0x85: {  	[bflag:$0x0] =	sbarrier.arrive $0xFFFF  }
0x86: {  	_ =	swait.ge [sflag:s21], $0x28  }
0x87: {  	[sflag:s21] =	ssyncset.done $0x0  }
0x88: {  	s13 =	simm.s32 $0x0;
	[sflag:s21] =	ssyncadd.s32 $0xFFFFFFD8  }
0x89: {  	[tilespmem:s18], [sflag:$0x1] =	stream.indirect.gather [hbm4b:s2+s22], $0x80, s13, s22, $0xb8;
	[tilespmem:$0x1F580] =	vst v63  }
0x8a: {  	_ =	swait.ge [sflag:s21], $0x28  }
0x8b: {  	[sflag:s21] =	ssyncset.done $0x0  }
0x8c: {  	s0 =	simm.s32 $0x1D00;
	[sflag:s21] =	ssyncadd.s32 $0xFFFFFFD8  }
0x8d: {  	[tilespmem:s0], [sflag:$0x2] =	stream.indirect.gather [hbm4b:s2+s22], $0x80, s7, s22, $0xb8;
	[tilespmem:$0x1F580] =	vst v63  }
0x8e: {  	_ =	swait.ge [sflag:s21], $0x28  }
0x8f: {  	[sflag:s21] =	ssyncset.done $0x0  }
0x90: {  	s7 =	simm.s32 $0x3100;
	[sflag:s21] =	ssyncadd.s32 $0xFFFFFFD8  }
0x91: {  	[tilespmem:s7], [sflag:$0x3] =	stream.indirect.gather [hbm4b:s2+s22], $0x80, s24, s22, $0xb8;
	[tilespmem:$0x1F580] =	vst v63  }
0x92: {  	_ =	swait.ge [sflag:s21], $0x28  }
0x93: {  	[sflag:s21] =	ssyncset.done $0x0  }
0x94: {  	s14 =	simm.s32 $0x180;
	s1 =	simm.s32 $0x4500;
	[sflag:s21] =	ssyncadd.s32 $0xFFFFFFD8  }
0x95: {  	[tilespmem:s1], [sflag:$0x4] =	stream.indirect.gather [hbm4b:s2+s22], $0x80, s14, s22, $0xb8;
	[tilespmem:$0x1F580] =	vst v63  }
0x96: {  	_ =	swait.ge [sflag:s21], $0x28  }
0x97: {  	[sflag:s21] =	ssyncset.done $0x0  }
0x98: {  	s26 =	simm.s32 $0x5900;
	s24 =	simm.s32 $0x200;
	[sflag:s21] =	ssyncadd.s32 $0xFFFFFFD8  }
0x99: {  	[tilespmem:s26], [sflag:$0x5] =	stream.indirect.gather [hbm4b:s2+s22], $0x80, s24, s22, $0xb8;
	[tilespmem:$0x1F580] =	vst v63  }
0x9a: {  	_ =	swait.ge [sflag:s21], $0x28  }
0x9b: {  	[sflag:s21] =	ssyncset.done $0x0  }
0x9c: {  	s28 =	simm.s32 $0x280;
	s29 =	simm.s32 $0x6D00;
	[sflag:s21] =	ssyncadd.s32 $0xFFFFFFD8  }
0x9d: {  	[tilespmem:s29], [sflag:$0x6] =	stream.indirect.gather [hbm4b:s2+s22], $0x80, s28, s22, $0xb8;
	[tilespmem:$0x1F580] =	vst v63  }
.Ltmp5:
0x9e: {  	_ = 	snop;
	(pc) =	sbr.rel .LBB2_8-.Ltmp5, $4  }
0x9f: {  	s30 =	simm.s32 $0x300;
	_ =	swait.ge [sflag:s21], $0x28  }
0xa0: {  	s31 =	simm.s32 $0x8100;
	s14 =	simm.s32 $0xFFFFFFFE;
	[sflag:s21] =	ssyncset.done $0x0  }
0xa1: {  	s24 =	simm.s32 $0x0;
	s5 =	sld [smem:$0x7F2];
	[sflag:s21] =	ssyncadd.s32 $0xFFFFFFD8  }
0xa2: {  	[tilespmem:s31], [sflag:$0x7] =	stream.indirect.gather [hbm4b:s2+s22], $0x80, s30, s22, $0xb8;
	[tilespmem:$0x1F580] =	vst v63  }
.LBB2_21:
0xa3: {  	s0 =	rddreg [dreg:$0x17]  }
0xa4: {  	s1 =	simm.s32 $0x700;
	s0 =	sadd.s32 s13, s0  }
0xa5: {  	[tilespmem:s1], [sflag:$0x14] =	stream.linear.gather [hbm4b:s0+s4], $0x28, $0x38;
	[tilespmem:$0x1F580] =	vst v63  }
0xa6: {  	_ =	swait.ge [sflag:s21], $0x28  }
0xa7: {  	s30 =	simm.s32 $0x280;
	[sflag:s21] =	ssyncset.done $0x0  }
0xa8: {  	s31 =	simm.s32 $0x6D00;
	s1 =	simm.s32 $0x9;
	[sflag:s21] =	ssyncadd.s32 $0xFFFFFFD8  }
0xa9: {  	[tilespmem:s31], [sflag:$0x6] =	stream.indirect.gather [hbm4b:s2+s22], $0x80, s30, s22, $0xb8;
	[tilespmem:$0x1F580] =	vst v63  }
0xaa: {  	_ =	swait.ge [sflag:s1], $0x1400  }
0xab: {  	[sflag:s1] =	ssyncset.done $0x0  }
0xac: {  	[sflag:s1] =	ssyncadd.s32 $0xFFFFEC00  }
0xad: {  	_ =	swait.ge [sflag:s16], $0x28  }
0xae: {  	s7 =	simm.s32 $0x880;
	[sflag:s16] =	ssyncset.done $0x0  }
0xaf: {  	s26 =	simm.s32 $0xA900;
	s0 =	rddreg [dreg:$0x11];
	[sflag:s16] =	ssyncadd.s32 $0xFFFFFFD8  }
0xb0: {  	[spmem:s3] =	stream.indirect.scatter.add.f32 [tilespmem:s26], [sflag:$0x12], $0x80, s7, s22, $0xb8;
	[tilespmem:$0x1F580] =	vst v63  }
0xb1: {  	s1 =	simm.s32 @!p1 $0x0;
	s0 =	sadd.s32 @!p1 s13, s0;
	s7 =	simm.s32 @!p1 $0x400  }
0xb2: {  	[tilespmem:s7], [sflag:$0x13] =	stream.linear.gather @!p1 [hbm4b:s0+s1], $0x28, $0x38;
	[tilespmem:$0x1F580] =	vst v63  }
0xb3: {  	_ =	swait.ge [sflag:s15], $0x1400  }
0xb4: {  	[sflag:s15] =	ssyncset.done $0x0;
	s28 =	rddreg [dreg:$0x15]  }
0xb5: {  	s29 =	simm.s32 $0x780;
	[sflag:s15] =	ssyncadd.s32 $0xFFFFEC00;
	s0 =	sadd.s32 s13, s28  }
0xb6: {  	[tilespmem:s29], [sflag:$0x14] =	stream.linear.gather [hbm4b:s0+s4], $0x28, $0x38;
	[tilespmem:$0x1F580] =	vst v63  }
0xb7: {  	_ =	swait.ge [sflag:s21], $0x28  }
0xb8: {  	[sflag:s21] =	ssyncset.done $0x0  }
0xb9: {  	s30 =	simm.s32 $0x300;
	s31 =	simm.s32 $0x8100;
	[sflag:s21] =	ssyncadd.s32 $0xFFFFFFD8  }
0xba: {  	[tilespmem:s31], [sflag:$0x7] =	stream.indirect.gather [hbm4b:s2+s22], $0x80, s30, s22, $0xb8;
	[tilespmem:$0x1F580] =	vst v63  }
.LBB2_22:
0xbb: {  	s13 =	sadd.s32 $0x2D, s13  }
0xbc: {  	p0 =	sne.s32 s13, $0x519  }
.Ltmp6:
0xbd: {  	_ = 	snop;
	(pc) =	sbr.rel @!p0 .LBB2_23-.Ltmp6, $2  }
0xbe: {  	_ =	sdelay $0x2  }
0xbf: {  	s24 =	sadd.s32 $0x1, s24;
	s14 =	sadd.s32 $0x9, s14;
	s5 =	sadd.s32 $0x168, s5  }
.LBB2_8:
0xc0: {  	p0 =	seq.s32 s13, $0x4EC  }
.Ltmp7:
0xc1: {  	_ = 	snop;
	(pc) =	sbr.rel @p0 .LBB2_23-.Ltmp7, $1  }
0xc2: {  	_ =	sdelay $0x3  }
0xc3: {  	_ =	swait.ge [sflag:s6], $0x1400  }
0xc4: {  	[sflag:s6] =	ssyncset.done $0x0  }
0xc5: {  	[sflag:s6] =	ssyncadd.s32 $0xFFFFEC00  }
0xc6: {  	_ =	swait.ge [sflag:s16], $0x28  }
0xc7: {  	p0 =	sgt.u32 s24, $0x1A;
	[sflag:s16] =	ssyncset.done $0x0  }
0xc8: {  	s0 =	simm.s32 $0x480;
	s26 =	sshrl.u32 @!p0 s5, $0x3;
	[sflag:s16] =	ssyncadd.s32 $0xFFFFFFD8  }
0xc9: {  	[spmem:s3] =	stream.indirect.scatter.add.f32 [tilespmem:s18], [sflag:$0xA], $0x80, s0, s22, $0xb8;
	[tilespmem:$0x1F580] =	vst v63  }
0xca: {  	p2 =	sgt.u32 s14, $0xF0;
	s28 =	simm.s32 @!p0 $0x0;
	s26 =	sadd.s32 @!p0 s8, s26  }
0xcb: {  	[tilespmem:s28], [sflag:$0x13] =	stream.linear.gather @!p0 [hbm4b:s26+s28], $0x28, $0x38;
	[tilespmem:$0x1F580] =	vst v63  }
.Ltmp8:
0xcc: {  	p1 =	sgt.u32 s14, $0xF9;
	(pc) =	sbr.rel @p2 .LBB2_11-.Ltmp8, $4  }
0xcd: {  	s26 =	simm.s32 @!p1 $0x11  }
0xce: {  	_ =	swait.ge @!p1 [sflag:s26], $0x1400  }
0xcf: {  	[sflag:s26] =	ssyncset.done @!p1 $0x0  }
0xd0: {  	[sflag:s26] =	ssyncadd.s32 @!p1 $0xFFFFEC00  }
0xd1: {  	p0 =	slt.u32 s24, $0x1B  }
.Ltmp9:
0xd2: {  	_ = 	snop;
	(pc) =	sbr.rel @p0 .LBB2_12-.Ltmp9, $4  }
.Ltmp10:
0xd3: {  	_ = 	snop;
	(pc) =	sbr.rel @!p0 .LBB2_13-.Ltmp10, $4  }
0xd4: {  	s0 =	rddreg [dreg:$0x13]  }
0xd5: {  	s31 =	simm.s32 $0x800;
	p1 =	por $0x0, $0x0;
	s26 =	sadd.s32 s13, s0  }
0xd6: {  	[tilespmem:s31], [sflag:$0x14] =	stream.linear.gather [hbm4b:s26+s4], $0x28, $0x38;
	[tilespmem:$0x1F580] =	vst v63  }
0xd7: {  	_ = 	snop  }
.LBB2_11:
.Ltmp11:
0xd8: {  	(pc) =	sbr.rel @p0 .LBB2_13-.Ltmp11, $2  }
0xd9: {  	_ =	sdelay $0x2  }
0xda: {  	p1 =	por $0x0, $0x0  }
.LBB2_12:
0xdb: {  	_ =	swait.ge [sflag:s21], $0x28  }
0xdc: {  	s0 =	simm.s32 $0x380;
	[sflag:s21] =	ssyncset.done $0x0  }
0xdd: {  	s1 =	simm.s32 $0x9500;
	p1 =	por $0x1, $0x1;
	[sflag:s21] =	ssyncadd.s32 $0xFFFFFFD8  }
0xde: {  	[tilespmem:s1], [sflag:$0x8] =	stream.indirect.gather [hbm4b:s2+s22], $0x80, s0, s22, $0xb8;
	[tilespmem:$0x1F580] =	vst v63  }
.LBB2_13:
0xdf: {  	_ =	swait.ge [sflag:s11], $0x1400  }
0xe0: {  	[sflag:s11] =	ssyncset.done $0x0  }
0xe1: {  	[sflag:s11] =	ssyncadd.s32 $0xFFFFEC00  }
0xe2: {  	_ =	swait.ge [sflag:s16], $0x28  }
0xe3: {  	[sflag:s16] =	ssyncset.done $0x0  }
0xe4: {  	s0 =	simm.s32 $0x500;
	s1 =	simm.s32 $0x1D00;
	[sflag:s16] =	ssyncadd.s32 $0xFFFFFFD8  }
0xe5: {  	[spmem:s3] =	stream.indirect.scatter.add.f32 [tilespmem:s1], [sflag:$0xB], $0x80, s0, s22, $0xb8;
	[tilespmem:$0x1F580] =	vst v63  }
0xe6: {  	s0 =	sld [smem:$0x7F1];
	_ =	sdelay $0x1  }
0xe7: {  	s28 =	simm.s32 @p1 $0x0;
	s31 =	sadd.s32 $0x1, s14  }
0xe8: {  	s29 =	simm.s32 @p1 $0x80;
	p2 =	sgt.u32 s31, $0xF0;
	s26 =	sadd.s32 @p1 s13, s0  }
0xe9: {  	[tilespmem:s29], [sflag:$0x13] =	stream.linear.gather @p1 [hbm4b:s26+s28], $0x28, $0x38;
	[tilespmem:$0x1F580] =	vst v63  }
.Ltmp12:
0xea: {  	p0 =	sgt.u32 s31, $0xF9;
	(pc) =	sbr.rel @p2 .LBB2_15-.Ltmp12, $4  }
0xeb: {  	s28 =	simm.s32 @!p0 $0x12  }
0xec: {  	_ =	swait.ge @!p0 [sflag:s28], $0x1400  }
0xed: {  	[sflag:s28] =	ssyncset.done @!p0 $0x0  }
0xee: {  	[sflag:s28] =	ssyncadd.s32 @!p0 $0xFFFFEC00  }
.Ltmp13:
0xef: {  	(pc) =	sbr.rel @p1 .LBB2_16-.Ltmp13, $4  }
.Ltmp14:
0xf0: {  	(pc) =	sbr.rel @!p1 .LBB2_17-.Ltmp14, $4  }
0xf1: {  	s0 =	rddreg [dreg:$0x14]  }
0xf2: {  	s31 =	simm.s32 $0x880;
	p0 =	por $0x0, $0x0;
	s26 =	sadd.s32 s13, s0  }
0xf3: {  	[tilespmem:s31], [sflag:$0x14] =	stream.linear.gather [hbm4b:s26+s4], $0x28, $0x38;
	[tilespmem:$0x1F580] =	vst v63  }
0xf4: {  	_ = 	snop  }
.LBB2_15:
.Ltmp15:
0xf5: {  	(pc) =	sbr.rel @!p1 .LBB2_17-.Ltmp15, $2  }
0xf6: {  	_ =	sdelay $0x2  }
0xf7: {  	p0 =	por $0x0, $0x0  }
.LBB2_16:
0xf8: {  	_ =	swait.ge [sflag:s21], $0x28  }
0xf9: {  	s0 =	simm.s32 $0x400;
	[sflag:s21] =	ssyncset.done $0x0  }
0xfa: {  	s1 =	simm.s32 $0xA900;
	p0 =	por $0x1, $0x1;
	[sflag:s21] =	ssyncadd.s32 $0xFFFFFFD8  }
0xfb: {  	[tilespmem:s1], [sflag:$0x9] =	stream.indirect.gather [hbm4b:s2+s22], $0x80, s0, s22, $0xb8;
	[tilespmem:$0x1F580] =	vst v63  }
.LBB2_17:
0xfc: {  	_ =	swait.ge [sflag:s23], $0x1400  }
0xfd: {  	[sflag:s23] =	ssyncset.done $0x0  }
0xfe: {  	[sflag:s23] =	ssyncadd.s32 $0xFFFFEC00  }
0xff: {  	_ =	swait.ge [sflag:s16], $0x28  }
0x100: {  	s0 =	simm.s32 $0x580;
	[sflag:s16] =	ssyncset.done $0x0  }
0x101: {  	s1 =	simm.s32 $0x3100;
	s26 =	simm.s32 @!p0 $0xA;
	[sflag:s16] =	ssyncadd.s32 $0xFFFFFFD8  }
0x102: {  	[spmem:s3] =	stream.indirect.scatter.add.f32 [tilespmem:s1], [sflag:$0xC], $0x80, s0, s22, $0xb8;
	[tilespmem:$0x1F580] =	vst v63  }
0x103: {  	_ =	swait.ge @!p0 [sflag:s26], $0x1400  }
0x104: {  	s28 =	simm.s32 @p0 $0x0;
	[sflag:s26] =	ssyncset.done @!p0 $0x0;
	s0 =	rddreg [dreg:$0x1e]  }
0x105: {  	s30 =	simm.s32 @p0 $0x100;
	[sflag:s26] =	ssyncadd.s32 @!p0 $0xFFFFEC00;
	s26 =	sadd.s32 @p0 s13, s0  }
0x106: {  	[tilespmem:s30], [sflag:$0x13] =	stream.linear.gather @p0 [hbm4b:s26+s28], $0x28, $0x38;
	[tilespmem:$0x1F580] =	vst v63  }
0x107: {  	s26 =	simm.s32 @p0 $0xA  }
0x108: {  	_ =	swait.ge @p0 [sflag:s26], $0x1400  }
0x109: {  	[sflag:s26] =	ssyncset.done @p0 $0x0  }
0x10a: {  	s29 =	simm.s32 @p0 $0x480;
	[sflag:s26] =	ssyncadd.s32 @p0 $0xFFFFEC00;
	s26 =	sadd.s32 @p0 s13, s9  }
0x10b: {  	[tilespmem:s29], [sflag:$0x14] =	stream.linear.gather @p0 [hbm4b:s26+s28], $0x28, $0x38;
	[tilespmem:$0x1F580] =	vst v63  }
0x10c: {  	s29 =	simm.s32 @p0 $0x13  }
0x10d: {  	_ =	swait.ge @p0 [sflag:s29], $0x28  }
0x10e: {  	[sflag:s29] =	ssyncset.done @p0 $0x0  }
0x10f: {  	s31 =	simm.s32 @p0 $0x900;
	s26 =	simm.s32 @p0 $0x28;
	[sflag:s29] =	ssyncadd.s32 @p0 $0xFFFFFFD8  }
0x110: {  	[tilespmem:s31], [sflag:$0x1] =	stream.indirect.gather @p0 [hbm4b:s2+s26], $0x80, s28, s26, $0xb8;
	[tilespmem:$0x1F580] =	vst v63  }
0x111: {  	_ =	swait.ge [sflag:s25], $0x1400  }
0x112: {  	[sflag:s25] =	ssyncset.done $0x0  }
0x113: {  	[sflag:s25] =	ssyncadd.s32 $0xFFFFEC00  }
0x114: {  	_ =	swait.ge [sflag:s16], $0x28  }
0x115: {  	[sflag:s16] =	ssyncset.done $0x0  }
0x116: {  	s7 =	simm.s32 $0x600;
	s31 =	simm.s32 $0x4500;
	[sflag:s16] =	ssyncadd.s32 $0xFFFFFFD8  }
0x117: {  	[spmem:s3] =	stream.indirect.scatter.add.f32 [tilespmem:s31], [sflag:$0xD], $0x80, s7, s22, $0xb8;
	[tilespmem:$0x1F580] =	vst v63  }
0x118: {  	s31 =	simm.s32 @!p0 $0xB  }
0x119: {  	_ =	swait.ge @!p0 [sflag:s31], $0x1400  }
0x11a: {  	[sflag:s31] =	ssyncset.done @!p0 $0x0;
	s0 =	rddreg [dreg:$0x1c]  }
0x11b: {  	[sflag:s31] =	ssyncadd.s32 @!p0 $0xFFFFEC00;
	s0 =	sadd.s32 @p0 s13, s0;
	s31 =	simm.s32 @p0 $0x180  }
0x11c: {  	[tilespmem:s31], [sflag:$0x13] =	stream.linear.gather @p0 [hbm4b:s0+s28], $0x28, $0x38;
	[tilespmem:$0x1F580] =	vst v63  }
0x11d: {  	s0 =	simm.s32 @p0 $0xB  }
0x11e: {  	_ =	swait.ge @p0 [sflag:s0], $0x1400  }
0x11f: {  	[sflag:s0] =	ssyncset.done @p0 $0x0  }
0x120: {  	[sflag:s0] =	ssyncadd.s32 @p0 $0xFFFFEC00;
	s0 =	rddreg [dreg:$0x1f]  }
0x121: {  	s1 =	simm.s32 @p0 $0x500;
	s0 =	sadd.s32 @p0 s13, s0  }
0x122: {  	[tilespmem:s1], [sflag:$0x14] =	stream.linear.gather @p0 [hbm4b:s0+s28], $0x28, $0x38;
	[tilespmem:$0x1F580] =	vst v63  }
0x123: {  	_ =	swait.ge @p0 [sflag:s29], $0x28  }
0x124: {  	[sflag:s29] =	ssyncset.done @p0 $0x0  }
0x125: {  	s0 =	simm.s32 @p0 $0x80;
	s1 =	simm.s32 @p0 $0x1D00;
	[sflag:s29] =	ssyncadd.s32 @p0 $0xFFFFFFD8  }
0x126: {  	[tilespmem:s1], [sflag:$0x2] =	stream.indirect.gather @p0 [hbm4b:s2+s26], $0x80, s0, s26, $0xb8;
	[tilespmem:$0x1F580] =	vst v63  }
0x127: {  	_ =	swait.ge [sflag:s10], $0x1400  }
0x128: {  	[sflag:s10] =	ssyncset.done $0x0  }
0x129: {  	[sflag:s10] =	ssyncadd.s32 $0xFFFFEC00  }
0x12a: {  	_ =	swait.ge [sflag:s16], $0x28  }
0x12b: {  	s7 =	simm.s32 $0x5900;
	[sflag:s16] =	ssyncset.done $0x0  }
0x12c: {  	s1 =	simm.s32 $0x680;
	s0 =	simm.s32 @!p0 $0xC;
	[sflag:s16] =	ssyncadd.s32 $0xFFFFFFD8  }
0x12d: {  	[spmem:s3] =	stream.indirect.scatter.add.f32 [tilespmem:s7], [sflag:$0xE], $0x80, s1, s22, $0xb8;
	[tilespmem:$0x1F580] =	vst v63  }
0x12e: {  	_ =	swait.ge @!p0 [sflag:s0], $0x1400  }
0x12f: {  	[sflag:s0] =	ssyncset.done @!p0 $0x0  }
0x130: {  	[sflag:s0] =	ssyncadd.s32 @!p0 $0xFFFFEC00;
	s0 =	rddreg [dreg:$0x1a]  }
0x131: {  	s1 =	simm.s32 @p0 $0x200;
	s0 =	sadd.s32 @p0 s13, s0  }
0x132: {  	[tilespmem:s1], [sflag:$0x13] =	stream.linear.gather @p0 [hbm4b:s0+s28], $0x28, $0x38;
	[tilespmem:$0x1F580] =	vst v63  }
0x133: {  	s0 =	simm.s32 @p0 $0xC  }
0x134: {  	_ =	swait.ge @p0 [sflag:s0], $0x1400  }
0x135: {  	[sflag:s0] =	ssyncset.done @p0 $0x0  }
0x136: {  	[sflag:s0] =	ssyncadd.s32 @p0 $0xFFFFEC00;
	s0 =	rddreg [dreg:$0x1d]  }
0x137: {  	s7 =	simm.s32 @p0 $0x580;
	s0 =	sadd.s32 @p0 s13, s0  }
0x138: {  	[tilespmem:s7], [sflag:$0x14] =	stream.linear.gather @p0 [hbm4b:s0+s28], $0x28, $0x38;
	[tilespmem:$0x1F580] =	vst v63  }
0x139: {  	_ =	swait.ge @p0 [sflag:s29], $0x28  }
0x13a: {  	[sflag:s29] =	ssyncset.done @p0 $0x0  }
0x13b: {  	s0 =	simm.s32 @p0 $0x3100;
	[sflag:s29] =	ssyncadd.s32 @p0 $0xFFFFFFD8  }
0x13c: {  	[tilespmem:s0], [sflag:$0x3] =	stream.indirect.gather @p0 [hbm4b:s2+s26], $0x80, s30, s26, $0xb8;
	[tilespmem:$0x1F580] =	vst v63  }
0x13d: {  	_ =	swait.ge [sflag:s17], $0x1400  }
0x13e: {  	[sflag:s17] =	ssyncset.done $0x0  }
0x13f: {  	[sflag:s17] =	ssyncadd.s32 $0xFFFFEC00  }
0x140: {  	_ =	swait.ge [sflag:s16], $0x28  }
0x141: {  	s7 =	simm.s32 $0x700;
	[sflag:s16] =	ssyncset.done $0x0  }
0x142: {  	s30 =	simm.s32 $0x6D00;
	s0 =	simm.s32 @!p0 $0xD;
	[sflag:s16] =	ssyncadd.s32 $0xFFFFFFD8  }
0x143: {  	[spmem:s3] =	stream.indirect.scatter.add.f32 [tilespmem:s30], [sflag:$0xF], $0x80, s7, s22, $0xb8;
	[tilespmem:$0x1F580] =	vst v63  }
0x144: {  	_ =	swait.ge @!p0 [sflag:s0], $0x1400  }
0x145: {  	[sflag:s0] =	ssyncset.done @!p0 $0x0  }
0x146: {  	[sflag:s0] =	ssyncadd.s32 @!p0 $0xFFFFEC00;
	s0 =	rddreg [dreg:$0x18]  }
0x147: {  	s7 =	simm.s32 @p0 $0x280;
	s0 =	sadd.s32 @p0 s13, s0  }
0x148: {  	[tilespmem:s7], [sflag:$0x13] =	stream.linear.gather @p0 [hbm4b:s0+s28], $0x28, $0x38;
	[tilespmem:$0x1F580] =	vst v63  }
0x149: {  	s0 =	simm.s32 @p0 $0xD  }
0x14a: {  	_ =	swait.ge @p0 [sflag:s0], $0x1400  }
0x14b: {  	[sflag:s0] =	ssyncset.done @p0 $0x0  }
0x14c: {  	[sflag:s0] =	ssyncadd.s32 @p0 $0xFFFFEC00;
	s0 =	rddreg [dreg:$0x1b]  }
0x14d: {  	s7 =	simm.s32 @p0 $0x600;
	s0 =	sadd.s32 @p0 s13, s0  }
0x14e: {  	[tilespmem:s7], [sflag:$0x14] =	stream.linear.gather @p0 [hbm4b:s0+s28], $0x28, $0x38;
	[tilespmem:$0x1F580] =	vst v63  }
0x14f: {  	_ =	swait.ge @p0 [sflag:s29], $0x28  }
0x150: {  	[sflag:s29] =	ssyncset.done @p0 $0x0  }
0x151: {  	s0 =	simm.s32 @p0 $0x4500;
	[sflag:s29] =	ssyncadd.s32 @p0 $0xFFFFFFD8  }
0x152: {  	[tilespmem:s0], [sflag:$0x4] =	stream.indirect.gather @p0 [hbm4b:s2+s26], $0x80, s31, s26, $0xb8;
	[tilespmem:$0x1F580] =	vst v63  }
0x153: {  	_ =	swait.ge [sflag:s19], $0x1400  }
0x154: {  	[sflag:s19] =	ssyncset.done $0x0  }
0x155: {  	[sflag:s19] =	ssyncadd.s32 $0xFFFFEC00  }
0x156: {  	_ =	swait.ge [sflag:s16], $0x28  }
0x157: {  	s30 =	simm.s32 $0x780;
	[sflag:s16] =	ssyncset.done $0x0  }
0x158: {  	s31 =	simm.s32 $0x8100;
	s0 =	rddreg [dreg:$0x16];
	[sflag:s16] =	ssyncadd.s32 $0xFFFFFFD8  }
0x159: {  	[spmem:s3] =	stream.indirect.scatter.add.f32 [tilespmem:s31], [sflag:$0x10], $0x80, s30, s22, $0xb8;
	[tilespmem:$0x1F580] =	vst v63  }
0x15a: {  	s7 =	simm.s32 @p0 $0x300;
	s0 =	sadd.s32 @p0 s13, s0  }
0x15b: {  	[tilespmem:s7], [sflag:$0x13] =	stream.linear.gather @p0 [hbm4b:s0+s28], $0x28, $0x38;
	[tilespmem:$0x1F580] =	vst v63  }
0x15c: {  	s0 =	simm.s32 @p0 $0xE  }
0x15d: {  	_ =	swait.ge @p0 [sflag:s0], $0x1400  }
0x15e: {  	[sflag:s0] =	ssyncset.done @p0 $0x0  }
0x15f: {  	[sflag:s0] =	ssyncadd.s32 @p0 $0xFFFFEC00;
	s0 =	rddreg [dreg:$0x19]  }
0x160: {  	s7 =	simm.s32 @p0 $0x680;
	s0 =	sadd.s32 @p0 s13, s0  }
0x161: {  	[tilespmem:s7], [sflag:$0x14] =	stream.linear.gather @p0 [hbm4b:s0+s28], $0x28, $0x38;
	[tilespmem:$0x1F580] =	vst v63  }
0x162: {  	_ =	swait.ge @p0 [sflag:s29], $0x28  }
0x163: {  	[sflag:s29] =	ssyncset.done @p0 $0x0  }
0x164: {  	s0 =	simm.s32 @p0 $0x5900;
	[sflag:s29] =	ssyncadd.s32 @p0 $0xFFFFFFD8  }
0x165: {  	[tilespmem:s0], [sflag:$0x5] =	stream.indirect.gather @p0 [hbm4b:s2+s26], $0x80, s1, s26, $0xb8;
	[tilespmem:$0x1F580] =	vst v63  }
0x166: {  	s0 =	simm.s32 @p0 $0x8  }
0x167: {  	_ =	swait.ge @p0 [sflag:s0], $0x1400  }
0x168: {  	[sflag:s0] =	ssyncset.done @p0 $0x0  }
0x169: {  	[sflag:s0] =	ssyncadd.s32 @p0 $0xFFFFEC00;
	s0 =	simm.s32 @p0 $0x14  }
0x16a: {  	_ =	swait.ge @p0 [sflag:s0], $0x28  }
0x16b: {  	p1 =	sgt.u32 s24, $0x19;
	[sflag:s0] =	ssyncset.done @p0 $0x0  }
0x16c: {  	s1 =	simm.s32 @p0 $0x9500;
	[sflag:s0] =	ssyncadd.s32 @p0 $0xFFFFFFD8;
	s0 =	simm.s32 @p0 $0x800  }
0x16d: {  	[spmem:s3] =	stream.indirect.scatter.add.f32 @p0 [tilespmem:s1], [sflag:$0x11], $0x80, s0, s26, $0xb8;
	[tilespmem:$0x1F580] =	vst v63  }
.Ltmp16:
0x16e: {  	_ = 	snop;
	(pc) =	sbr.rel @p1 .LBB2_20-.Ltmp16, $4  }
0x16f: {  	s0 =	simm.s32 @!p0 $0xE  }
0x170: {  	_ =	swait.ge @!p0 [sflag:s0], $0x1400  }
0x171: {  	[sflag:s0] =	ssyncset.done @!p0 $0x0  }
0x172: {  	[sflag:s0] =	ssyncadd.s32 @!p0 $0xFFFFEC00  }
0x173: {  	s0 =	rddreg [dreg:$0x12]  }
.Ltmp17:
0x174: {  	s1 =	simm.s32 $0x380;
	s0 =	sadd.s32 s13, s0;
	(pc) =	sbr.rel @p0 .LBB2_21-.Ltmp17, $4  }
0x175: {  	[tilespmem:s1], [sflag:$0x13] =	stream.linear.gather [hbm4b:s0+s4], $0x28, $0x38;
	[tilespmem:$0x1F580] =	vst v63  }
0x176: {  	_ =	swait.ge [sflag:s12], $0x1400  }
0x177: {  	[sflag:s12] =	ssyncset.done $0x0  }
0x178: {  	[sflag:s12] =	ssyncadd.s32 $0xFFFFEC00  }
0x179: {  	s0 =	rddreg [dreg:$0x11]  }
.Ltmp18:
0x17a: {  	s1 =	simm.s32 $0x400;
	s0 =	sadd.s32 s13, s0;
	(pc) =	sbr.rel .LBB2_22-.Ltmp18, $4  }
0x17b: {  	[tilespmem:s1], [sflag:$0x13] =	stream.linear.gather [hbm4b:s0+s4], $0x28, $0x38;
	[tilespmem:$0x1F580] =	vst v63  }
0x17c: {  	_ =	swait.ge [sflag:s15], $0x1400  }
0x17d: {  	[sflag:s15] =	ssyncset.done $0x0  }
0x17e: {  	[sflag:s15] =	ssyncadd.s32 $0xFFFFEC00  }
.LBB2_20:
.Ltmp19:
0x17f: {  	(pc) =	sbr.rel @p0 .LBB2_21-.Ltmp19, $4  }
0x180: {  	_ = 	snop  }
0x181: {  	_ =	swait.ge [sflag:s12], $0x1400  }
0x182: {  	[sflag:s12] =	ssyncset.done $0x0  }
0x183: {  	[sflag:s12] =	ssyncadd.s32 $0xFFFFEC00  }
.Ltmp20:
0x184: {  	(pc) =	sbr.rel .LBB2_22-.Ltmp20, $4  }
0x185: {  	_ = 	snop  }
0x186: {  	_ =	swait.ge [sflag:s15], $0x1400  }
0x187: {  	[sflag:s15] =	ssyncset.done $0x0  }
0x188: {  	[sflag:s15] =	ssyncadd.s32 $0xFFFFEC00  }
.LBB2_23:
0x189: {  	[bflag:$0x0] =	sbarrier.arrive $0xFFFF  }
0x18a: {  	s1 =	sld [smem:$0x7F4]  }
0x18b: {  	s0 =	stileid.u32;
	s24 =	sld [smem:$0x7F3]  }
0x18c: {  	s0 =	sshll.u32 s0, $0x6  }
0x18d: {  	s5 =	sor.u32 $0x1C0A, s0;
	s31 =	sshrl.u32 s1, $0x3  }
0x18e: {  	[hbm:s24], [sflag:s5] =	dma.local [spmem:s31], $0x500  }
0x18f: {  	s0 =	rddreg [dreg:$0xe]  }
0x190: {  	p0 =	sne.s32 s0, $0x1  }
.Ltmp21:
0x191: {  	_ = 	snop;
	(pc) =	sbr.rel @!p0 .LBB2_25-.Ltmp21, $2  }
0x192: {  	_ =	sdelay $0x2  }
0x193: {  	s14 =	sadd.s32 $0x28000, s1;
	s13 =	sadd.s32 $0xFFFFFFFF, s0  }
.LBB2_24:
0x194: {  	p1 =	sne.s32 s13, $0x1;
	s13 =	sadd.s32 $0xFFFFFFFF, s13  }
.Ltmp22:
0x195: {  	s0 =	sshrl.u32 s14, $0x3;
	s24 =	sadd.s32 $0x5000, s24;
	(pc) =	sbr.rel @p1 .LBB2_24-.Ltmp22, $3  }
0x196: {  	[hbm:s24], [sflag:s5] =	dma.local [spmem:s0], $0x500  }
0x197: {  	_ =	sdelay $0x1  }
0x198: {  	s14 =	sadd.s32 $0x28000, s14  }
.LBB2_25:
.Ltmp23:
0x199: {  	(pc) =	sbr.rel @!p0 .LBB2_27-.Ltmp23, $4  }
0x19a: {  	_ = 	snop  }
0x19b: {  	_ =	swait.ge [sflag:s20], $0x500  }
0x19c: {  	s0 =	rddreg [dreg:$0xe]  }
0x19d: {  	[sflag:s20] =	ssyncset.done $0x0;
	s1 =	sld [smem:$0x7F0];
	s5 =	sadd.s32 $0xFFFFFFFF, s0  }
.LBB2_26:
0x19e: {  	p0 =	sne.s32 s5, $0x1;
	s5 =	sadd.s32 $0xFFFFFFFF, s5;
	[sflag:s20] =	ssyncadd.s32 $0xFFFFFB00  }
.Ltmp24:
0x19f: {  	(pc) =	sbr.rel @p0 .LBB2_26-.Ltmp24, $3  }
0x1a0: {  	_ =	sdelay $0x1  }
0x1a1: {  	_ =	swait.ge [sflag:s20], $0x500  }
0x1a2: {  	[sflag:s20] =	ssyncset.done $0x0  }
.LBB2_27:
0x1a3: {  	_ =	sdelay $0x1  }
0x1a4: {  	s0 =	rddreg [dreg:$0xf];
	s1 =	sadd.s32 $0x1, s1  }
0x1a5: {  	p0 =	sne.s32 s1, s0  }
.Ltmp25:
0x1a6: {  	_ = 	snop;
	(pc) =	sbr.rel @p0 .LBB2_1-.Ltmp25, $3  }
0x1a7: {  	_ =	sdelay $0x1  }
0x1a8: {  	[sflag:s20] =	ssyncadd.s32 $0xFFFFFB00  }
0x1a9: {  	s14 =	rddreg [dreg:$0xd];
	s7 =	simm.s32 $0x80;
	s24 =	simm.s32 $0x100  }
0x1aa: {  	_ =	sfence.sel $0x180000  }
0x1ab: {  	[bflag:$0x0] =	sbarrier.arrive $0xFFFF  }
0x1ac: {  	_ =	strace $0x9000004D  }
0x1ad: {  	s0 =	stileid.u32;
	[bflag:$0x2] =	sbarrier.arrive $0xFFFF  }
0x1ae: {  	p0 =	sne.s32 s0, $0x0;
	s0 =	rddreg [dreg:$0x3]  }
0x1af: {  	s0 =	sadd.s32 @!p0 $0x100000, s0  }
0x1b0: {  	[sflag:s0] =	ssyncadd.tile.s32 @!p0 $0x1;
	_ =	shalt  }
.Lfunc_end2:
_tile_overlayer_lowered:
.L_overlay_start_2:
0x1b1: {  	(tag) =	ssettag $0x2  }
0x1b2: {  	s0 =	rddreg [dreg:$0x0];
	s2 =	stileid.u32  }
0x1b3: {  	s1 =	rddreg [dreg:$0x1];
	p0 =	sne.s32 s2, $0x0  }
0x1b4: {  	s3 =	rddreg [dreg:$0x2];
	[bflag:$0x3] =	sbarrier.arrive $0xFFFF;
	s2 =	simm.s32 @!p0 $0x1C15  }
0x1b5: {  	[timem:s3], [sflag:s2] =	dma.local @!p0 [hbm:s0], s1  }
0x1b6: {  	s0 =	simm.s32 @!p0 $0x15  }
0x1b7: {  	_ =	swait.ge @!p0 [sflag:s0], s1  }
0x1b8: {  	s1 =	ssub.s32 @!p0 $0x0, s1;
	[sflag:s0] =	ssyncset.done @!p0 $0x0  }
0x1b9: {  	[sflag:s0] =	ssyncadd.s32 @!p0 s1  }
0x1ba: {  	[bflag:$0x3] =	sbarrier.arrive $0xFFFF  }
0x1bb: {  	_ =	shalt  }

// kernel: kernel.8.cloned.1.call-start
scs
__scs_entry_jumppad:
0x0: {  	(pc) =	sbr.rel $0x88, $3  }
0x1: {  	(tag) =	ssettag $0x0;
	lr =	simm.s32 $0x1  }
0x2: {  	[smem:$0x3F99] =	sst lr;
	_ =	strace $0xD0000000  }
0x3: {  	_ = 	snop  }
0x4: {  	_ = 	snop  }
0x5: {  	_ = 	snop  }
0x6: {  	_ = 	snop  }
0x7: {  	_ = 	snop  }
__scs_overlays_trampoline_lowered:
0x8: {  	[smem:$0x3FA8] =	sst s0  }
0x9: {  	[smem:$0x3FA9] =	sst s1  }
0xa: {  	[smem:$0x3FAA] =	sst s2  }
0xb: {  	[smem:$0x3FAB] =	sst s3  }
0xc: {  	[smem:$0x3FAC] =	sst s4  }
0xd: {  	[smem:$0x3FAD] =	sst s5  }
0xe: {  	[smem:$0x3FAE] =	sst s6  }
0xf: {  	[smem:$0x3FAF] =	sst s7  }
0x10: {  	[smem:$0x3FB0] =	sst s8  }
0x11: {  	[smem:$0x3FB1] =	sst s9;
	s0 =	simm.s32 @!p0 $0x0  }
0x12: {  	s1 =	sld [smem:$0x3F97];
	s0 =	simm.s32 @p0 $0x1  }
0x13: {  	[smem:$0x3FB2] =	sst s0;
	s0 =	simm.s32 @!p1 $0x0  }
0x14: {  	s2 =	sld [smem:$0x3F96];
	s0 =	simm.s32 @p1 $0x1  }
0x15: {  	[smem:$0x3FB3] =	sst s0;
	s0 =	simm.s32 @!p2 $0x0  }
0x16: {  	s3 =	sld [smem:$0x3FDB];
	s0 =	simm.s32 @p2 $0x1  }
0x17: {  	s4 =	simm.s32 $0x1BF5;
	[smem:$0x3FB5] =	sst s0  }
0x18: {  	s0 =	sld [smem:$0x3F98];
	_ =	swait.ge [sflag:s4], $0x0  }
0x19: {  	s7 =	sld [smem:$0x3F99]  }
0x1a: {  	s8 =	sadd.s32 $0xFFFFE003, lr  }
0x1b: {  	s9 =	sadd.s32 $0xFFFFFEF7, lr;
	s5 =	simm.s32 $0xFFFFFFFF;
	p2 =	slt.u32 s8, $0xFFFFF086  }
0x1c: {  	p1 =	slt.u32 s9, $0xF7A;
	s5 =	simm.s32 @!p2 $0x0  }
0x1d: {  	s5 =	simm.s32 @p1 $0x1;
	p0 =	seq.s32 s7, s2  }
0x1e: {  	s7 =	smul.u32 @!p0 $0xF7A, s2;
	p2 =	seq.s32 @!p0 s5, $0x0  }
0x1f: {  	s9 =	smul.u32 $0xF7A, s1;
	s8 =	simm.s32 @!p0 $0x1BF5;
	p2 =	por !p2, p0  }
0x20: {  	[sflag:s8] =	ssyncset.s32 @!p0 $0xFFFFF086;
	s6 =	sadd.s32 @!p0 s3, s7;
	s7 =	simm.s32 @!p0 $0x108  }
0x21: {  	s3 =	sadd.s32 s3, s9;
	s6 =	sadd.s32 @!p0 $0x88, s6;
	s7 =	simm.s32 @p2 $0x1082  }
0x22: {  	[simem:s7], [sflag:s8] =	dma.local @!p0 [hbm:s6], $0xF7A  }
0x23: {  	s9 =	sor.u32 $0xD0000000, s2;
	s6 =	simm.s32 $0x108;
	_ =	swait.ge @!p0 [sflag:s8], $0x0  }
0x24: {  	s3 =	sadd.s32 $0x88, s3;
	s6 =	simm.s32 @!p1 $0x1082;
	[sflag:s4] =	ssyncset.s32 $0xFFFFF086  }
0x25: {  	[simem:s6], [sflag:s4] =	dma.local [hbm:s3], $0xF7A  }
0x26: {  	[smem:$0x3F99] =	sst s1;
	(tag) =	ssettag s2;
	_ =	strace s9  }
0x27: {  	s1 =	sld [smem:$0x3FA9]  }
0x28: {  	s2 =	sld [smem:$0x3FAA]  }
0x29: {  	s4 =	sld [smem:$0x3FAC]  }
0x2a: {  	p0 =	seq.s32 s5, $0x0;
	s5 =	sld [smem:$0x3FAD]  }
0x2b: {  	s6 =	sld [smem:$0x3FAE]  }
0x2c: {  	s7 =	sld [smem:$0x3FAF]  }
0x2d: {  	s3 =	simm.s32 $0x108;
	s8 =	sld [smem:$0x3FB0]  }
0x2e: {  	s3 =	simm.s32 @!p0 $0x1082;
	s9 =	sld [smem:$0x3FB1]  }
0x2f: {  	lr =	sadd.s32 s0, s3;
	s0 =	sld [smem:$0x3FA8]  }
0x30: {  	s3 =	sld [smem:$0x3FAB]  }
0x31: {  	[smem:$0x3FB4] =	sst s10  }
0x32: {  	s10 =	sld [smem:$0x3FB2];
	_ =	sdelay $0x3  }
0x33: {  	p0 =	seq.s32 s10, $0x1;
	s10 =	sld [smem:$0x3FB4];
	_ =	sdelay $0x3  }
0x34: {  	[smem:$0x3FB4] =	sst s10  }
0x35: {  	s10 =	sld [smem:$0x3FB3];
	_ =	sdelay $0x3  }
0x36: {  	p1 =	seq.s32 s10, $0x1;
	s10 =	sld [smem:$0x3FB4];
	_ =	sdelay $0x3  }
0x37: {  	[smem:$0x3FB4] =	sst s10  }
0x38: {  	s10 =	sld [smem:$0x3FB5]  }
0x39: {  	_ = 	snop;
	(pc) =	sbr.ind lr, $3  }
0x3a: {  	_ = 	snop  }
0x3b: {  	_ = 	snop  }
0x3c: {  	p2 =	seq.s32 s10, $0x1;
	s10 =	sld [smem:$0x3FB4]  }
0x3d: {  	_ =	shalt  }
0x3e: {  	_ =	shalt  }
0x3f: {  	_ =	shalt  }
0x40: {  	_ =	shalt  }
0x41: {  	_ =	shalt  }
0x42: {  	_ =	shalt  }
0x43: {  	_ =	shalt  }
0x44: {  	_ =	shalt  }
0x45: {  	_ =	shalt  }
0x46: {  	_ =	shalt  }
0x47: {  	_ =	shalt  }
0x48: {  	_ =	shalt  }
0x49: {  	_ =	shalt  }
0x4a: {  	_ =	shalt  }
0x4b: {  	_ =	shalt  }
0x4c: {  	_ =	shalt  }
0x4d: {  	_ =	shalt  }
0x4e: {  	_ =	shalt  }
0x4f: {  	_ =	shalt  }
0x50: {  	_ =	shalt  }
0x51: {  	_ =	shalt  }
0x52: {  	_ =	shalt  }
0x53: {  	_ =	shalt  }
0x54: {  	_ =	shalt  }
0x55: {  	_ =	shalt  }
0x56: {  	_ =	shalt  }
0x57: {  	_ =	shalt  }
0x58: {  	_ =	shalt  }
0x59: {  	_ =	shalt  }
0x5a: {  	_ =	shalt  }
0x5b: {  	_ =	shalt  }
0x5c: {  	_ =	shalt  }
0x5d: {  	_ =	shalt  }
0x5e: {  	_ =	shalt  }
0x5f: {  	_ =	shalt  }
0x60: {  	_ =	shalt  }
0x61: {  	_ =	shalt  }
0x62: {  	_ =	shalt  }
0x63: {  	_ =	shalt  }
0x64: {  	_ =	shalt  }
0x65: {  	_ =	shalt  }
0x66: {  	_ =	shalt  }
0x67: {  	_ =	shalt  }
0x68: {  	_ =	shalt  }
0x69: {  	_ =	shalt  }
0x6a: {  	_ =	shalt  }
0x6b: {  	_ =	shalt  }
0x6c: {  	_ =	shalt  }
0x6d: {  	_ =	shalt  }
0x6e: {  	_ =	shalt  }
0x6f: {  	_ =	shalt  }
0x70: {  	_ =	shalt  }
0x71: {  	_ =	shalt  }
0x72: {  	_ =	shalt  }
0x73: {  	_ =	shalt  }
0x74: {  	_ =	shalt  }
0x75: {  	_ =	shalt  }
0x76: {  	_ =	shalt  }
0x77: {  	_ =	shalt  }
0x78: {  	_ =	shalt  }
0x79: {  	_ =	shalt  }
0x7a: {  	_ =	shalt  }
0x7b: {  	_ =	shalt  }
0x7c: {  	_ =	shalt  }
0x7d: {  	_ =	shalt  }
0x7e: {  	_ =	shalt  }
0x7f: {  	_ =	shalt  }
0x80: {  	_ =	shalt  }
0x81: {  	_ =	shalt  }
0x82: {  	_ =	shalt  }
0x83: {  	_ =	shalt  }
0x84: {  	_ =	shalt  }
0x85: {  	_ =	shalt  }
0x86: {  	_ =	shalt  }
0x87: {  	_ =	shalt  }
.Lfunc_end0:
.L_simem_size_0:
called_computation_lowered:
.L_overlay_start_0:
0x88: {  	s2 =	sld [smem:$0x3FD9]  }
0x89: {  	s3 =	sld [smem:$0x3FFE];
	_ =	sdelay $0x1  }
0x8a: {  	s1 =	srdreg.scid  }
0x8b: {  	s0 =	sand.u32 $0x1, s1  }
0x8c: {  	s17 =	sshll.u32 s0, $0xA;
	s2 =	sadd.s32 s3, s2  }
0x8d: {  	s2 =	sadd.s32 s2, s17  }
0x8e: {  	[smem:$0x3FC0] =	sst s2  }
0x8f: {  	_ = 	snop  }
0x90: {  	s2 =	sld [smem:$0x3FD0];
	(tm) =	ssettm $0x1  }
0x91: {  	s18 =	sld [smem:$0x3FFB];
	_ =	sdelay $0x3  }
0x92: {  	_ =	strace s18  }
0x93: {  	s3 =	sld [smem:$0x3FFC];
	_ =	sdelay $0x3  }
0x94: {  	_ =	strace s3  }
0x95: {  	s3 =	sld [smem:$0x3FFD];
	_ =	sdelay $0x3  }
0x96: {  	_ =	strace s3  }
0x97: {  	_ =	strace $0x8FFFFFFF  }
0x98: {  	s19 =	sld [smem:$0x3FDB];
	_ =	sdelay $0x1  }
0x99: {  	s4 =	simm.s32 $_scs_section_size  }
0x9a: {  	s5 =	simm.s32 $_size__tile_overlayer_lowered;
	s6 =	simm.s32 $_tile_overlayer_lowered  }
0x9b: {  	s22 =	simm.s32 $0x1BFF;
	s21 =	sshll.u32 s6, $0x1;
	s3 =	sadd.s32 s4, s19  }
0x9c: {  	s7 =	simm.s32 $0x0;
	s20 =	sshll.u32 s5, $0x1;
	s5 =	sadd.s32 s21, s3  }
0x9d: {  	[timem:s7], [sflag:s22] =	dma.local [hbm:s5], s20  }
0x9e: {  	_ =	swait.ge [sflag:s22], s20  }
0x9f: {  	s4 =	ssub.s32 $0x0, s20;
	[sflag:s22] =	ssyncset.done $0x0  }
0xa0: {  	[sflag:s22] =	ssyncadd.s32 s4;
	_ =	sdelay $0x1  }
0xa1: {  	s23 =	simm.s32 $0x1B8B  }
0xa2: {  	_ =	swait.ge [sflag:s23], $0x1  }
0xa3: {  	[sflag:s23] =	ssyncset.done $0x0  }
0xa4: {  	s25 =	simm.s32 $0x1B8E;
	s24 =	sld [smem:$0x3FFE];
	[sflag:s23] =	ssyncadd.s32 $0xFFFFFFFF  }
0xa5: {  	s26 =	simm.s32 $execute0_lowered;
	[smem:$0x3FD2] =	sst s25  }
0xa6: {  	s5 =	sshll.u32 s26, $0x1;
	_ =	strace $0x80000046;
	[dreg:$0x1] =	wrdreg $0xFFFFFFFF  }
0xa7: {  	s28 =	simm.s32 $_size_execute0_lowered;
	s3 =	sadd.s32 s3, s5;
	[dreg:$0x0] =	wrdreg $0x0  }
0xa8: {  	s5 =	sshll.u32 s28, $0x1;
	[dreg:$0x2] =	wrdreg s3  }
0xa9: {  	[dreg:$0x3] =	wrdreg s5  }
0xaa: {  	[dreg:$0x4] =	wrdreg $0xC0  }
0xab: {  	_ =	task [dreg:s7], $0x5FFFF  }
0xac: {  	[dreg:$0x1] =	wrdreg $0xFFFFFFFF  }
0xad: {  	[dreg:$0x0] =	wrdreg $0x60  }
0xae: {  	[dreg:$0x2] =	wrdreg s24  }
0xaf: {  	[dreg:$0x3] =	wrdreg s2  }
0xb0: {  	[dreg:$0x4] =	wrdreg $0x9  }
0xb1: {  	_ =	task.clear_ibuf [dreg:s7], $0x5FFFF;
	_ =	strace $0x90000046  }
0xb2: {  	s29 =	simm.s32 $0x9;
	_ =	strace $0x80000048  }
0xb3: {  	_ =	swait.ge [sflag:s29], $0x1  }
0xb4: {  	[sflag:s29] =	ssyncadd.s32 $0xFFFFFFFF  }
0xb5: {  	_ =	strace $0x90000048  }
0xb6: {  	_ =	sfence  }
0xb7: {  	s30 =	sld [smem:$0x0];
	_ =	sdelay $0x2  }
0xb8: {  	s31 =	sshll.u32 s1, $0xD;
	s1 =	sshrl.u32 s1, $0x2  }
0xb9: {  	s3 =	sand.u32 $0x4000, s31;
	s1 =	sadd.s32 s1, s30  }
0xba: {  	s0 =	sor.u32 s3, s0;
	s1 =	sshll.u32 s1, $0x11  }
0xbb: {  	s0 =	sor.u32 s1, s0  }
0xbc: {  	s0 =	sadd.s32 $0x8F2B, s0  }
0xbd: {  	[sflag:s0] =	ssyncadd.remote.s32 $0x1  }
0xbe: {  	_ =	sfence.sel $0xFFFF  }
0xbf: {  	[dreg:$0x0] =	wrdreg $0xFFFFFFFF;
	(pc) =	sbr.abs _section_cstart, $3  }
0xc0: {  	[dreg:$0x1] =	wrdreg $0xFFFFFFFF  }
0xc1: {  	_ =	task.clear_ibuf [dreg:s7], $0x2FFFF;
	_ =	strace $0x9FFFFFFF  }
0xc2: {  	(tm) =	ssettm $0x7FFFFFFF  }
0xc3: {  	_ =	shalt  }
tec
execute0_lowered:
.L_overlay_start_1:
0x0: {  	(tag) =	ssettag $0x1  }
0x1: {  	s3 =	rddreg [dreg:$0x0]  }
0x2: {  	s0 =	srdreg.scid;
	s5 =	rddreg [dreg:$0x1]  }
0x3: {  	s2 =	simm.s32 $0x0;
	s4 =	sand.u32 $0x1, s0;
	s0 =	rddreg [dreg:$0x2]  }
0x4: {  	s1 =	stileid.u32;
	[smem:$0x7FF] =	sst s2;
	s6 =	sshll.u32 s4, $0x4  }
0x5: {  	s8 =	sshll.u32 s1, $0x7;
	_ =	strace $0x80000047;
	s6 =	sor.u32 s1, s6  }
0x6: {  	s4 =	ssub.s32 $0x2, s4;
	s7 =	smul.u32 $0x2710, s6;
	s6 =	sshrl.u32 s6, $0x3  }
0x7: {  	s8 =	sand.u32 $0x380, s8;
	s9 =	sshrl.u32 s4, $0x1;
	s6 =	smul.u32 $0x13C00, s6  }
0x8: {  	s30 =	ssub.s32 s4, s9;
	s9 =	simm.s32 $0x400;
	s7 =	sshrl.u32 s7, $0x3  }
0x9: {  	s3 =	sadd.s32 s3, s7;
	s6 =	sor.u32 s8, s6;
	s7 =	simm.s32 $0x2780  }
0xa: {  	s8 =	simm.s32 $0x80;
	s3 =	sadd.s32 $0xCA40, s3;
	s31 =	sshrl.u32 s6, $0x3  }
0xb: {  	v0 =	vimm.f32 $0.0e+00;
	v1 =	vimm.f32 $1.000000000e+00;
	s6 =	simm.s32 $0x1;
	s4 =	sadd.s32 s5, s31;
	s5 =	smax.u32 s30, $0x1  }
.LBB2_1:
0xc: {  	s10 =	simm.s32 $0x40;
	s11 =	simm.s32 $0x0  }
.LBB2_2:
0xd: {  	p0 =	sne.s32 s10, $0x9C00;
	[tilespmem:s11+$0x2780] =	vst v0;
	s11 =	smov.u32 s10;
	s10 =	sadd.s32 $0x40, s10  }
.Ltmp0:
0xe: {  	(pc) =	sbr.rel @p0 .LBB2_2-.Ltmp0, $2  }
0xf: {  	_ =	sdelay $0x2  }
0x10: {  	s11 =	sshra.s32 s11, $0x2  }
0x11: {  	[tilespmem:s11+$0x2780] =	vst v0;
	s10 =	simm.s32 $0x0  }
0x12: {  	[tilespmem:s10], [sflag:$0x1] =	stream.linear.gather [hbm4b:s3+s10], $0x2710, $0x38;
	[tilespmem:$0x4F00] =	vst v63  }
0x13: {  	_ =	swait.ge [sflag:s6], $0x2710  }
0x14: {  	[sflag:s6] =	ssyncset.done $0x0  }
0x15: {  	s11 =	simm.s32 $0x0;
	s10 =	simm.s32 $0x40;
	[sflag:s6] =	ssyncadd.s32 $0xFFFFD8F0  }
.LBB2_4:
0x16: {  	p0 =	sne.s32 s10, $0x9C00;
	v2 =	vld [tilespmem:s11+$0x0];
	_ =	sdelay $0x3  }
.Ltmp1:
0x17: {  	(pc) =	sbr.rel @p0 .LBB2_4-.Ltmp1, $2  }
0x18: {  	_ =	sdelay $0x2  }
0x19: {  	s11 =	sshra.s32 s10, $0x2;
	s10 =	sadd.s32 $0x40, s10;
	[tilespmem:v2+s7+$0x0] =	vst.idx.add.f32.msk $0xffff, v1  }
0x1a: {  	v2 =	vld [tilespmem:s11+$0x0];
	_ =	sdelay $0x5  }
0x1b: {  	s2 =	sadd.s32 $0x1, s2  }
0x1c: {  	p0 =	sne.s32 s2, s5  }
.Ltmp2:
0x1d: {  	[tilespmem:v2+s7+$0x0] =	vst.idx.add.f32.msk $0xffff, v1;
	(pc) =	sbr.rel @p0 .LBB2_1-.Ltmp2, $4  }
0x1e: {  	[hbm4b:s4+s8] =	stream.strided.scatter [tilespmem:s7], [sflag:$0x1], $0x2780, s9, s8, $0x38;
	[tilespmem:$0x4F00] =	vst v63  }
0x1f: {  	_ =	swait.ge [sflag:s6], $0x2780  }
0x20: {  	[sflag:s6] =	ssyncset.done $0x0  }
0x21: {  	[sflag:s6] =	ssyncadd.s32 $0xFFFFD880  }
0x22: {  	_ =	sfence.sel $0x180000  }
0x23: {  	[bflag:$0x0] =	sbarrier.arrive $0xFFFF  }
0x24: {  	p0 =	sne.s32 s1, $0x0;
	_ =	strace $0x90000047  }
0x25: {  	s0 =	sadd.s32 @!p0 $0x100000, s0;
	[bflag:$0x2] =	sbarrier.arrive $0xFFFF  }
0x26: {  	[sflag:s0] =	ssyncadd.tile.s32 @!p0 $0x1;
	_ =	shalt  }
.Lfunc_end2:
_tile_overlayer_lowered:
.L_overlay_start_2:
0x27: {  	(tag) =	ssettag $0x2  }
0x28: {  	s0 =	rddreg [dreg:$0x0];
	s2 =	stileid.u32  }
0x29: {  	s1 =	rddreg [dreg:$0x1];
	p0 =	sne.s32 s2, $0x0  }
0x2a: {  	s3 =	rddreg [dreg:$0x2];
	[bflag:$0x3] =	sbarrier.arrive $0xFFFF;
	s2 =	simm.s32 @!p0 $0x1C01  }
0x2b: {  	[timem:s3], [sflag:s2] =	dma.local @!p0 [hbm:s0], s1  }
0x2c: {  	s0 =	simm.s32 @!p0 $0x1  }
0x2d: {  	_ =	swait.ge @!p0 [sflag:s0], s1  }
0x2e: {  	s1 =	ssub.s32 @!p0 $0x0, s1;
	[sflag:s0] =	ssyncset.done @!p0 $0x0  }
0x2f: {  	[sflag:s0] =	ssyncadd.s32 @!p0 s1  }
0x30: {  	[bflag:$0x3] =	sbarrier.arrive $0xFFFF  }
0x31: {  	_ =	shalt  }

</sc_bundles>
